<compile_context>
chip_gen: v7x
topology: tpu7x:2x2x1
jax: 0.10.2.dev20260603
libtpu: 0.0.44.dev20260713+nightly
codegen_flags: <defaults>
</compile_context>

<pallas_src>
import functools

import jax
import jax.numpy as jnp
from jax import lax
from jax.experimental import pallas as pl
from jax.experimental.pallas import tpu as pltpu
from jax.experimental.pallas import tpu_sc as plsc

VOCAB = 128256
D = 496
T_FAST = 8
T_SLOW = 2
T_ALL = T_FAST + T_SLOW

RT = D // 8
CT = VOCAB // 128

NC = 2
NS = 16
NW = NC * NS
G = 16


def _sc_gather_cols(ids, z, n):
    per = n // NW
    mesh = plsc.VectorSubcoreMesh(core_axis_name="c", subcore_axis_name="s")
    nslot = 4

    @functools.partial(
        pl.kernel,
        mesh=mesh,
        compiler_params=pltpu.CompilerParams(
            use_tc_tiling_on_sc=False, needs_layout_passes=False),
        out_type=jax.ShapeDtypeStruct((RT, n // 128, 8, 128), jnp.float32),
        scratch_types=[
            pltpu.VMEM((per,), jnp.int32),
            pltpu.VMEM((nslot, RT, 8, 8), jnp.float32),
            pltpu.VMEM((RT, 8, G), jnp.float32),
        ] + [pltpu.SemaphoreType.DMA] * nslot,
    )
    def k(ids_hbm, z_hbm, out_hbm, idx_v, bufn, slab, *sems):
        wid = lax.axis_index("s") * NC + lax.axis_index("c")
        base = wid * per
        pltpu.sync_copy(ids_hbm.at[pl.ds(base, per)], idx_v)
        iota = lax.iota(jnp.int32, G)

        def token_id(t):
            vec = idx_v[pl.ds((t // G) * G, G)]
            return jnp.sum(jnp.where(iota == t % G, vec, 0))

        def issue(t, buf, sem):
            v = token_id(t)
            c = v >> 7
            col8 = pl.multiple_of((v & 127) & ~7, 8)
            pltpu.async_copy(
                z_hbm.at[:, c, :, pl.ds(col8, 8)], buf, sem)

        def extract(t, buf, sem):
            pltpu.make_async_copy(z_hbm.at[:, 0, :, pl.ds(0, 8)], buf, sem
                                  ).wait()
            off = token_id(t) & 7
            offv = jnp.full((G,), 0, jnp.int32) + off
            jv = jnp.full((G,), 0, jnp.int32) + (t % G)
            for kk in range(RT * 8 // G):
                d = iota + kk * G
                a = d >> 3
                f = d & 7
                vals = plsc.load_gather(buf, [a, f, offv])
                plsc.store_scatter(slab, [a, f, jv], vals)

        def flush(t0):
            tok0 = base + (t0 // G) * G
            sub = pl.multiple_of(tok0 % 128, G)
            pltpu.sync_copy(
                slab, out_hbm.at[:, tok0 // 128, :, pl.ds(sub, G)]
            )

        for i in range(nslot):
            issue(i, bufn.at[i], sems[i])

        def body(q, carry):
            t = nslot * q
            for i in range(nslot):
                extract(t + i, bufn.at[i], sems[i])

                @pl.when(t + i + nslot < per)
                def _():
                    issue(t + i + nslot, bufn.at[i], sems[i])

            @pl.when((t + nslot) % G == 0)
            def _():
                flush(t)

            return carry

        lax.fori_loop(0, per // nslot, body, 0)

    return k(ids, z)


def _tc_expand_t(eT, W, fast_basis, slow_basis, drive_scale, slow_scale,
                 tile, n_total, blk0, prev=None):
    n = eT.shape[1]

    def body(w_ref, e_ref, fb_ref, sb_ref, ds_ref, ss_ref, *rest):
        out_ref = rest[-1]
        xT = lax.dot_general(
            w_ref[...], e_ref[...], (((1,), (0,)), ((), ())),
            preferred_element_type=jnp.float32,
        )
        cf = jax.nn.sigmoid(fb_ref[...]) * ds_ref[0]
        cs = jax.nn.sigmoid(sb_ref[...]) * ss_ref[0]
        coef = jnp.concatenate([cf, cs], axis=0)
        out_ref[...] = coef[:, :, None] * xT[None, :, :]

    in_specs = [
        pl.BlockSpec((D, D), lambda i: (0, 0)),
        pl.BlockSpec((D, tile), lambda i: (0, i)),
        pl.BlockSpec((T_FAST, D), lambda i: (0, 0)),
        pl.BlockSpec((T_SLOW, D), lambda i: (0, 0)),
        pl.BlockSpec(memory_space=pltpu.SMEM),
        pl.BlockSpec(memory_space=pltpu.SMEM),
    ]
    args = [W, eT, fast_basis, slow_basis,
            drive_scale.reshape(1), slow_scale.reshape(1)]
    aliases = {}
    if prev is not None:
        in_specs.append(pl.BlockSpec(memory_space=pl.ANY))
        args.append(prev)
        aliases = {6: 0}
    return pl.pallas_call(
        body,
        grid=(n // tile,),
        in_specs=in_specs,
        out_specs=pl.BlockSpec((T_ALL, D, tile),
                               lambda i: (0, 0, i + blk0)),
        out_shape=jax.ShapeDtypeStruct((T_ALL, D, n_total), jnp.float32),
        input_output_aliases=aliases,
    )(*args)


def kernel(token_ids, embed, W, drive_scale, fast_basis, slow_basis, slow_scale):
    n = token_ids.size
    ids = token_ids.reshape(-1).astype(jnp.int32)
    tT = jnp.swapaxes(embed, 0, 1)
    z = tT.reshape(RT, 8, CT, 128).transpose(0, 2, 1, 3)
    tile = 512
    n_chunk = 1
    nh = n // n_chunk
    outT = None
    for chunk in range(n_chunk):
        ids_h = lax.slice_in_dim(ids, chunk * nh, (chunk + 1) * nh)
        e4 = _sc_gather_cols(ids_h, z, nh)
        eT = e4.transpose(0, 2, 1, 3).reshape(D, nh)
        outT = _tc_expand_t(eT, W, fast_basis, slow_basis, drive_scale,
                            slow_scale, tile, n, chunk * (nh // tile),
                            prev=outT)
    return jnp.swapaxes(outT, 1, 2)

# --- scband reference (transcript-rebuilt; emitter-appended) ---
"""Pipeline reference for scband-temporal-spike-encoder-46926812676231 (READ-ONLY COPY).

The authoritative reference and input builder live on the scoring server;
editing this copy changes nothing except your own understanding.
"""

import jax, jax.numpy as jnp
import numpy as np

VOCAB = 128256
D = 496
T_FAST = 8
T_SLOW = 2
B = 16
S = 512

def setup_inputs(seed: int = 0) -> dict:
    key = jax.random.key(seed)
    k1, k2, k3, k4, k5 = jax.random.split(key, 5)
    token_ids = jax.random.randint(k1, (B, S), 0, VOCAB, dtype=jnp.int64 if jax.config.jax_enable_x64 else jnp.int32)
    # embedding table (kaiming-uniform-ish init)
    bound = 1.0 / np.sqrt(D)
    embed = jax.random.uniform(k2, (VOCAB, D), dtype=jnp.float32, minval=-bound, maxval=bound)
    # temporal_proj: Linear(D, D, bias=False), torch weight shape [out, in]
    W = jax.random.uniform(k3, (D, D), dtype=jnp.float32, minval=-bound, maxval=bound)
    fast_basis = jax.random.normal(k4, (T_FAST, D), dtype=jnp.float32) * 0.02
    slow_basis = jax.random.normal(k5, (T_SLOW, D), dtype=jnp.float32) * 0.02
    drive_scale = jnp.asarray(25.0, dtype=jnp.float32)
    slow_scale = jnp.asarray(8.0, dtype=jnp.float32)
    return {
        "token_ids": token_ids,
        "embed": embed,
        "W": W,
        "drive_scale": drive_scale,
        "fast_basis": fast_basis,
        "slow_basis": slow_basis,
        "slow_scale": slow_scale,
    }

def reference(token_ids, embed, W, drive_scale, fast_basis, slow_basis, slow_scale):
    b, s = token_ids.shape
    # embedding gather (SparseCore-mappable)
    e = jnp.take(embed, token_ids, axis=0)            # [B, S, D]
    x = jnp.einsum('bsd,od->bso', e, W)               # Linear no-bias: x @ W.T
    x = x.reshape(b * s, D)                           # [B*S, D]
    fast = jax.nn.sigmoid(fast_basis)[:, None, :] * x[None, :, :] * drive_scale  # [T, B*S, D]
    slow = jax.nn.sigmoid(slow_basis)[:, None, :] * x[None, :, :] * slow_scale   # [T_slow, B*S, D]
    return jnp.concatenate([fast, slow], axis=0)      # [T+T_slow, B*S, D]

if __name__ == "__main__":
    import jax
    _d = setup_inputs()
    print(jax.jit(kernel)(*tuple(_d.values())))

</pallas_src>

<mosaic_0001>
#map = affine_map<(d0, d1) -> (0)>
#map1 = affine_map<(d0, d1) -> (0, 0, 0, 0)>
module attributes {stable_mosaic.version = 14 : i64} {
  func.func @k(%arg0: i32, %arg1: i32, %arg2: memref<8192xi32, #tpu.memory_space<hbm>>, %arg3: memref<62x1002x8x128xf32, #tpu.memory_space<hbm>>, %arg4: memref<62x64x8x128xf32, #tpu.memory_space<hbm>>, %arg5: memref<256xi32, #tpu.memory_space<vmem>>, %arg6: memref<4x62x8x8xf32, #tpu.memory_space<vmem>>, %arg7: memref<62x8x16xf32, #tpu.memory_space<vmem>>, %arg8: memref<!tpu.dma_semaphore, #tpu.memory_space<semaphore_mem>>, %arg9: memref<!tpu.dma_semaphore, #tpu.memory_space<semaphore_mem>>, %arg10: memref<!tpu.dma_semaphore, #tpu.memory_space<semaphore_mem>>, %arg11: memref<!tpu.dma_semaphore, #tpu.memory_space<semaphore_mem>>) attributes {dimension_semantics = [#tpu.dimension_semantics<core_parallel>, #tpu.dimension_semantics<subcore_parallel>], iteration_bounds = array<i64: 2, 16>, scalar_prefetch = 0 : i64, scratch_operands = 7 : i64, tpu.core_type = #tpu.core_type<sc_vector_subcore>, window_params = [{transform_indices = #map}, {transform_indices = #map1}, {transform_indices = #map1}]} {
    %mul3A = arith.constant 2 : i32
    %mul3A_0 = arith.muli %arg1, %mul3A : i32
    %add3A = arith.addi %mul3A_0, %arg0 : i32
    %mul3A_1 = arith.constant 256 : i32
    %mul3A_2 = arith.muli %add3A, %mul3A_1 : i32
    "tpu.region"() ({
      %run_scoped3A = tpu.sem_alloc : memref<!tpu.dma_semaphore, #tpu.memory_space<semaphore_mem>>
      %dma_start3A_150 = tpu.memref_slice %arg2[%mul3A_2] : memref<8192xi32, #tpu.memory_space<hbm>> -> memref<256xi32, #tpu.memory_space<hbm>>
      %dma_start3A_151 = tpu.memref_slice %arg2[%mul3A_2] : memref<8192xi32, #tpu.memory_space<hbm>> -> memref<256xi32, #tpu.memory_space<hbm>>
      tpu.enqueue_dma source(%dma_start3A_151 : memref<256xi32, #tpu.memory_space<hbm>>) target(%arg5 : memref<256xi32, #tpu.memory_space<vmem>>) target_semaphore(%run_scoped3A : memref<!tpu.dma_semaphore, #tpu.memory_space<semaphore_mem>>)
      %dma_wait3A = tpu.memref_slice %arg2[%mul3A_2] : memref<8192xi32, #tpu.memory_space<hbm>> -> memref<256xi32, #tpu.memory_space<hbm>>
      %dma_wait3A_152 = tpu.memref_slice %arg2[%mul3A_2] : memref<8192xi32, #tpu.memory_space<hbm>> -> memref<256xi32, #tpu.memory_space<hbm>>
      tpu.wait_dma2 semaphore(%run_scoped3A : memref<!tpu.dma_semaphore, #tpu.memory_space<semaphore_mem>>) src(%dma_wait3A_152 : memref<256xi32, #tpu.memory_space<hbm>>) dst(%arg5 : memref<256xi32, #tpu.memory_space<vmem>>)
      tpu.yield
    }) : () -> ()
    %iota3A = tpu.iota {dimensions = array<i32: 0>} : vector<16xi32>
    %get3A = arith.constant 0 : index
    %get3A_3 = tpu.vector_load %arg5[%get3A] {strides = array<i32>} : memref<256xi32, #tpu.memory_space<vmem>>, vector<16xi32>,
    %eq3A = arith.constant 0 : i32
    %eq3A_4 = vector.broadcast %eq3A : i32 to vector<16xi32>
    %eq3A_5 = arith.cmpi eq, %iota3A, %eq3A_4 : vector<16xi32>
    %jit3A = arith.constant 0 : i32
    %broadcast_in_dim3A = vector.broadcast %jit3A : i32 to vector<16xi32>
    %select_n3A = arith.select %eq3A_5, %get3A_3, %broadcast_in_dim3A : vector<16xi1>, vector<16xi32>
    %reduce_sum3A = arith.constant true
    %reduce_sum3A_6 = vector.broadcast %reduce_sum3A : i1 to vector<16xi1>
    %reduce_sum3A_7 = tpu.scan <sum>, %select_n3A masked %reduce_sum3A_6 : vector<16xi32>, vector<16xi1> -> vector<16xi32>
    %reduce_sum3A_8 = vector.extract %reduce_sum3A_7[15] : i32 from vector<16xi32>
    %shift_right_arithmetic3A = arith.constant 7 : i32
    %shift_right_arithmetic3A_9 = arith.shrsi %reduce_sum3A_8, %shift_right_arithmetic3A : i32
    %and3A = arith.constant 127 : i32
    %and3A_10 = arith.andi %reduce_sum3A_8, %and3A : i32
    %and3A_11 = arith.constant -8 : i32
    %and3A_12 = arith.andi %and3A_10, %and3A_11 : i32
    %multiple_of3A = tpu.assume_multiple %and3A_12, 8 : i32
    %dma_start3A = arith.constant 0 : i32
    %dma_start3A_13 = arith.constant 0 : i32
    %dma_start3A_14 = arith.constant 0 : i32
    %dma_start3A_15 = arith.constant 0 : i32
    %dma_start3A_16 = tpu.memref_slice %arg6[%dma_start3A, %dma_start3A_13, %dma_start3A_14, %dma_start3A_15] : memref<4x62x8x8xf32, #tpu.memory_space<vmem>> -> memref<1x62x8x8xf32, #tpu.memory_space<vmem>>
    %dma_start3A_17 = tpu.memref_squeeze %dma_start3A_16 : memref<1x62x8x8xf32, #tpu.memory_space<vmem>> -> memref<62x8x8xf32, #tpu.memory_space<vmem>>
    %dma_start3A_18 = arith.constant 0 : i32
    %dma_start3A_19 = arith.constant 0 : i32
    %dma_start3A_20 = tpu.memref_slice %arg3[%dma_start3A_18, %shift_right_arithmetic3A_9, %dma_start3A_19, %multiple_of3A] : memref<62x1002x8x128xf32, #tpu.memory_space<hbm>> -> memref<62x1x8x8xf32, #tpu.memory_space<hbm>>
    %dma_start3A_21 = tpu.memref_squeeze %dma_start3A_20 : memref<62x1x8x8xf32, #tpu.memory_space<hbm>> -> memref<62x8x8xf32, #tpu.memory_space<hbm>>
    %dma_start3A_22 = arith.constant 0 : i32
    %dma_start3A_23 = arith.constant 0 : i32
    %dma_start3A_24 = arith.constant 0 : i32
    %dma_start3A_25 = tpu.memref_slice %arg6[%dma_start3A, %dma_start3A_22, %dma_start3A_23, %dma_start3A_24] : memref<4x62x8x8xf32, #tpu.memory_space<vmem>> -> memref<1x62x8x8xf32, #tpu.memory_space<vmem>>
    %dma_start3A_26 = tpu.memref_squeeze %dma_start3A_25 : memref<1x62x8x8xf32, #tpu.memory_space<vmem>> -> memref<62x8x8xf32, #tpu.memory_space<vmem>>
    %dma_start3A_27 = arith.constant 0 : i32
    %dma_start3A_28 = arith.constant 0 : i32
    %dma_start3A_29 = tpu.memref_slice %arg3[%dma_start3A_27, %shift_right_arithmetic3A_9, %dma_start3A_28, %multiple_of3A] : memref<62x1002x8x128xf32, #tpu.memory_space<hbm>> -> memref<62x1x8x8xf32, #tpu.memory_space<hbm>>
    %dma_start3A_30 = tpu.memref_squeeze %dma_start3A_29 : memref<62x1x8x8xf32, #tpu.memory_space<hbm>> -> memref<62x8x8xf32, #tpu.memory_space<hbm>>
    tpu.enqueue_dma source(%dma_start3A_30 : memref<62x8x8xf32, #tpu.memory_space<hbm>>) target(%dma_start3A_26 : memref<62x8x8xf32, #tpu.memory_space<vmem>>) target_semaphore(%arg8 : memref<!tpu.dma_semaphore, #tpu.memory_space<semaphore_mem>>)
    %get3A_31 = arith.constant 0 : index
    %get3A_32 = tpu.vector_load %arg5[%get3A_31] {strides = array<i32>} : memref<256xi32, #tpu.memory_space<vmem>>, vector<16xi32>,
    %eq3A_33 = arith.constant 1 : i32
    %eq3A_34 = vector.broadcast %eq3A_33 : i32 to vector<16xi32>
    %eq3A_35 = arith.cmpi eq, %iota3A, %eq3A_34 : vector<16xi32>
    %jit3A_36 = arith.constant 0 : i32
    %broadcast_in_dim3A_37 = vector.broadcast %jit3A_36 : i32 to vector<16xi32>
    %select_n3A_38 = arith.select %eq3A_35, %get3A_32, %broadcast_in_dim3A_37 : vector<16xi1>, vector<16xi32>
    %reduce_sum3A_39 = arith.constant true
    %reduce_sum3A_40 = vector.broadcast %reduce_sum3A_39 : i1 to vector<16xi1>
    %reduce_sum3A_41 = tpu.scan <sum>, %select_n3A_38 masked %reduce_sum3A_40 : vector<16xi32>, vector<16xi1> -> vector<16xi32>
    %reduce_sum3A_42 = vector.extract %reduce_sum3A_41[15] : i32 from vector<16xi32>
    %shift_right_arithmetic3A_43 = arith.constant 7 : i32
    %shift_right_arithmetic3A_44 = arith.shrsi %reduce_sum3A_42, %shift_right_arithmetic3A_43 : i32
    %and3A_45 = arith.constant 127 : i32
    %and3A_46 = arith.andi %reduce_sum3A_42, %and3A_45 : i32
    %and3A_47 = arith.constant -8 : i32
    %and3A_48 = arith.andi %and3A_46, %and3A_47 : i32
    %multiple_of3A_49 = tpu.assume_multiple %and3A_48, 8 : i32
    %dma_start3A_50 = arith.constant 1 : i32
    %dma_start3A_51 = arith.constant 0 : i32
    %dma_start3A_52 = arith.constant 0 : i32
    %dma_start3A_53 = arith.constant 0 : i32
    %dma_start3A_54 = tpu.memref_slice %arg6[%dma_start3A_50, %dma_start3A_51, %dma_start3A_52, %dma_start3A_53] : memref<4x62x8x8xf32, #tpu.memory_space<vmem>> -> memref<1x62x8x8xf32, #tpu.memory_space<vmem>>
    %dma_start3A_55 = tpu.memref_squeeze %dma_start3A_54 : memref<1x62x8x8xf32, #tpu.memory_space<vmem>> -> memref<62x8x8xf32, #tpu.memory_space<vmem>>
    %dma_start3A_56 = arith.constant 0 : i32
    %dma_start3A_57 = arith.constant 0 : i32
    %dma_start3A_58 = tpu.memref_slice %arg3[%dma_start3A_56, %shift_right_arithmetic3A_44, %dma_start3A_57, %multiple_of3A_49] : memref<62x1002x8x128xf32, #tpu.memory_space<hbm>> -> memref<62x1x8x8xf32, #tpu.memory_space<hbm>>
    %dma_start3A_59 = tpu.memref_squeeze %dma_start3A_58 : memref<62x1x8x8xf32, #tpu.memory_space<hbm>> -> memref<62x8x8xf32, #tpu.memory_space<hbm>>
    %dma_start3A_60 = arith.constant 0 : i32
    %dma_start3A_61 = arith.constant 0 : i32
    %dma_start3A_62 = arith.constant 0 : i32
    %dma_start3A_63 = tpu.memref_slice %arg6[%dma_start3A_50, %dma_start3A_60, %dma_start3A_61, %dma_start3A_62] : memref<4x62x8x8xf32, #tpu.memory_space<vmem>> -> memref<1x62x8x8xf32, #tpu.memory_space<vmem>>
    %dma_start3A_64 = tpu.memref_squeeze %dma_start3A_63 : memref<1x62x8x8xf32, #tpu.memory_space<vmem>> -> memref<62x8x8xf32, #tpu.memory_space<vmem>>
    %dma_start3A_65 = arith.constant 0 : i32
    %dma_start3A_66 = arith.constant 0 : i32
    %dma_start3A_67 = tpu.memref_slice %arg3[%dma_start3A_65, %shift_right_arithmetic3A_44, %dma_start3A_66, %multiple_of3A_49] : memref<62x1002x8x128xf32, #tpu.memory_space<hbm>> -> memref<62x1x8x8xf32, #tpu.memory_space<hbm>>
    %dma_start3A_68 = tpu.memref_squeeze %dma_start3A_67 : memref<62x1x8x8xf32, #tpu.memory_space<hbm>> -> memref<62x8x8xf32, #tpu.memory_space<hbm>>
    tpu.enqueue_dma source(%dma_start3A_68 : memref<62x8x8xf32, #tpu.memory_space<hbm>>) target(%dma_start3A_64 : memref<62x8x8xf32, #tpu.memory_space<vmem>>) target_semaphore(%arg9 : memref<!tpu.dma_semaphore, #tpu.memory_space<semaphore_mem>>)
    %get3A_69 = arith.constant 0 : index
    %get3A_70 = tpu.vector_load %arg5[%get3A_69] {strides = array<i32>} : memref<256xi32, #tpu.memory_space<vmem>>, vector<16xi32>,
    %eq3A_71 = arith.constant 2 : i32
    %eq3A_72 = vector.broadcast %eq3A_71 : i32 to vector<16xi32>
    %eq3A_73 = arith.cmpi eq, %iota3A, %eq3A_72 : vector<16xi32>
    %jit3A_74 = arith.constant 0 : i32
    %broadcast_in_dim3A_75 = vector.broadcast %jit3A_74 : i32 to vector<16xi32>
    %select_n3A_76 = arith.select %eq3A_73, %get3A_70, %broadcast_in_dim3A_75 : vector<16xi1>, vector<16xi32>
    %reduce_sum3A_77 = arith.constant true
    %reduce_sum3A_78 = vector.broadcast %reduce_sum3A_77 : i1 to vector<16xi1>
    %reduce_sum3A_79 = tpu.scan <sum>, %select_n3A_76 masked %reduce_sum3A_78 : vector<16xi32>, vector<16xi1> -> vector<16xi32>
    %reduce_sum3A_80 = vector.extract %reduce_sum3A_79[15] : i32 from vector<16xi32>
    %shift_right_arithmetic3A_81 = arith.constant 7 : i32
    %shift_right_arithmetic3A_82 = arith.shrsi %reduce_sum3A_80, %shift_right_arithmetic3A_81 : i32
    %and3A_83 = arith.constant 127 : i32
    %and3A_84 = arith.andi %reduce_sum3A_80, %and3A_83 : i32
    %and3A_85 = arith.constant -8 : i32
    %and3A_86 = arith.andi %and3A_84, %and3A_85 : i32
    %multiple_of3A_87 = tpu.assume_multiple %and3A_86, 8 : i32
    %dma_start3A_88 = arith.constant 2 : i32
    %dma_start3A_89 = arith.constant 0 : i32
    %dma_start3A_90 = arith.constant 0 : i32
    %dma_start3A_91 = arith.constant 0 : i32
    %dma_start3A_92 = tpu.memref_slice %arg6[%dma_start3A_88, %dma_start3A_89, %dma_start3A_90, %dma_start3A_91] : memref<4x62x8x8xf32, #tpu.memory_space<vmem>> -> memref<1x62x8x8xf32, #tpu.memory_space<vmem>>
    %dma_start3A_93 = tpu.memref_squeeze %dma_start3A_92 : memref<1x62x8x8xf32, #tpu.memory_space<vmem>> -> memref<62x8x8xf32, #tpu.memory_space<vmem>>
    %dma_start3A_94 = arith.constant 0 : i32
    %dma_start3A_95 = arith.constant 0 : i32
    %dma_start3A_96 = tpu.memref_slice %arg3[%dma_start3A_94, %shift_right_arithmetic3A_82, %dma_start3A_95, %multiple_of3A_87] : memref<62x1002x8x128xf32, #tpu.memory_space<hbm>> -> memref<62x1x8x8xf32, #tpu.memory_space<hbm>>
    %dma_start3A_97 = tpu.memref_squeeze %dma_start3A_96 : memref<62x1x8x8xf32, #tpu.memory_space<hbm>> -> memref<62x8x8xf32, #tpu.memory_space<hbm>>
    %dma_start3A_98 = arith.constant 0 : i32
    %dma_start3A_99 = arith.constant 0 : i32
    %dma_start3A_100 = arith.constant 0 : i32
    %dma_start3A_101 = tpu.memref_slice %arg6[%dma_start3A_88, %dma_start3A_98, %dma_start3A_99, %dma_start3A_100] : memref<4x62x8x8xf32, #tpu.memory_space<vmem>> -> memref<1x62x8x8xf32, #tpu.memory_space<vmem>>
    %dma_start3A_102 = tpu.memref_squeeze %dma_start3A_101 : memref<1x62x8x8xf32, #tpu.memory_space<vmem>> -> memref<62x8x8xf32, #tpu.memory_space<vmem>>
    %dma_start3A_103 = arith.constant 0 : i32
    %dma_start3A_104 = arith.constant 0 : i32
    %dma_start3A_105 = tpu.memref_slice %arg3[%dma_start3A_103, %shift_right_arithmetic3A_82, %dma_start3A_104, %multiple_of3A_87] : memref<62x1002x8x128xf32, #tpu.memory_space<hbm>> -> memref<62x1x8x8xf32, #tpu.memory_space<hbm>>
    %dma_start3A_106 = tpu.memref_squeeze %dma_start3A_105 : memref<62x1x8x8xf32, #tpu.memory_space<hbm>> -> memref<62x8x8xf32, #tpu.memory_space<hbm>>
    tpu.enqueue_dma source(%dma_start3A_106 : memref<62x8x8xf32, #tpu.memory_space<hbm>>) target(%dma_start3A_102 : memref<62x8x8xf32, #tpu.memory_space<vmem>>) target_semaphore(%arg10 : memref<!tpu.dma_semaphore, #tpu.memory_space<semaphore_mem>>)
    %get3A_107 = arith.constant 0 : index
    %get3A_108 = tpu.vector_load %arg5[%get3A_107] {strides = array<i32>} : memref<256xi32, #tpu.memory_space<vmem>>, vector<16xi32>,
    %eq3A_109 = arith.constant 3 : i32
    %eq3A_110 = vector.broadcast %eq3A_109 : i32 to vector<16xi32>
    %eq3A_111 = arith.cmpi eq, %iota3A, %eq3A_110 : vector<16xi32>
    %jit3A_112 = arith.constant 0 : i32
    %broadcast_in_dim3A_113 = vector.broadcast %jit3A_112 : i32 to vector<16xi32>
    %select_n3A_114 = arith.select %eq3A_111, %get3A_108, %broadcast_in_dim3A_113 : vector<16xi1>, vector<16xi32>
    %reduce_sum3A_115 = arith.constant true
    %reduce_sum3A_116 = vector.broadcast %reduce_sum3A_115 : i1 to vector<16xi1>
    %reduce_sum3A_117 = tpu.scan <sum>, %select_n3A_114 masked %reduce_sum3A_116 : vector<16xi32>, vector<16xi1> -> vector<16xi32>
    %reduce_sum3A_118 = vector.extract %reduce_sum3A_117[15] : i32 from vector<16xi32>
    %shift_right_arithmetic3A_119 = arith.constant 7 : i32
    %shift_right_arithmetic3A_120 = arith.shrsi %reduce_sum3A_118, %shift_right_arithmetic3A_119 : i32
    %and3A_121 = arith.constant 127 : i32
    %and3A_122 = arith.andi %reduce_sum3A_118, %and3A_121 : i32
    %and3A_123 = arith.constant -8 : i32
    %and3A_124 = arith.andi %and3A_122, %and3A_123 : i32
    %multiple_of3A_125 = tpu.assume_multiple %and3A_124, 8 : i32
    %dma_start3A_126 = arith.constant 3 : i32
    %dma_start3A_127 = arith.constant 0 : i32
    %dma_start3A_128 = arith.constant 0 : i32
    %dma_start3A_129 = arith.constant 0 : i32
    %dma_start3A_130 = tpu.memref_slice %arg6[%dma_start3A_126, %dma_start3A_127, %dma_start3A_128, %dma_start3A_129] : memref<4x62x8x8xf32, #tpu.memory_space<vmem>> -> memref<1x62x8x8xf32, #tpu.memory_space<vmem>>
    %dma_start3A_131 = tpu.memref_squeeze %dma_start3A_130 : memref<1x62x8x8xf32, #tpu.memory_space<vmem>> -> memref<62x8x8xf32, #tpu.memory_space<vmem>>
    %dma_start3A_132 = arith.constant 0 : i32
    %dma_start3A_133 = arith.constant 0 : i32
    %dma_start3A_134 = tpu.memref_slice %arg3[%dma_start3A_132, %shift_right_arithmetic3A_120, %dma_start3A_133, %multiple_of3A_125] : memref<62x1002x8x128xf32, #tpu.memory_space<hbm>> -> memref<62x1x8x8xf32, #tpu.memory_space<hbm>>
    %dma_start3A_135 = tpu.memref_squeeze %dma_start3A_134 : memref<62x1x8x8xf32, #tpu.memory_space<hbm>> -> memref<62x8x8xf32, #tpu.memory_space<hbm>>
    %dma_start3A_136 = arith.constant 0 : i32
    %dma_start3A_137 = arith.constant 0 : i32
    %dma_start3A_138 = arith.constant 0 : i32
    %dma_start3A_139 = tpu.memref_slice %arg6[%dma_start3A_126, %dma_start3A_136, %dma_start3A_137, %dma_start3A_138] : memref<4x62x8x8xf32, #tpu.memory_space<vmem>> -> memref<1x62x8x8xf32, #tpu.memory_space<vmem>>
    %dma_start3A_140 = tpu.memref_squeeze %dma_start3A_139 : memref<1x62x8x8xf32, #tpu.memory_space<vmem>> -> memref<62x8x8xf32, #tpu.memory_space<vmem>>
    %dma_start3A_141 = arith.constant 0 : i32
    %dma_start3A_142 = arith.constant 0 : i32
    %dma_start3A_143 = tpu.memref_slice %arg3[%dma_start3A_141, %shift_right_arithmetic3A_120, %dma_start3A_142, %multiple_of3A_125] : memref<62x1002x8x128xf32, #tpu.memory_space<hbm>> -> memref<62x1x8x8xf32, #tpu.memory_space<hbm>>
    %dma_start3A_144 = tpu.memref_squeeze %dma_start3A_143 : memref<62x1x8x8xf32, #tpu.memory_space<hbm>> -> memref<62x8x8xf32, #tpu.memory_space<hbm>>
    tpu.enqueue_dma source(%dma_start3A_144 : memref<62x8x8xf32, #tpu.memory_space<hbm>>) target(%dma_start3A_140 : memref<62x8x8xf32, #tpu.memory_space<vmem>>) target_semaphore(%arg11 : memref<!tpu.dma_semaphore, #tpu.memory_space<semaphore_mem>>)
    %scan3A = arith.constant 0 : i32
    %scan3A_145 = arith.constant 0 : i32
    %scan3A_146 = arith.constant 64 : i32
    %scan3A_147 = arith.addi %scan3A_145, %scan3A_146 : i32
    %scan3A_148 = arith.constant 1 : i32
    scf.for %scan3A_150 = %scan3A_145 to %scan3A_147 step %scan3A_148  : i32 {
      %mul3A_151 = arith.constant 4 : i32
      %mul3A_152 = arith.muli %mul3A_151, %scan3A_150 : i32
      %add3A_153 = arith.constant 0 : i32
      %add3A_154 = arith.addi %mul3A_152, %add3A_153 : i32
      %dma_wait3A = arith.constant 0 : i32
      %dma_wait3A_155 = arith.constant 0 : i32
      %dma_wait3A_156 = arith.constant 0 : i32
      %dma_wait3A_157 = arith.constant 0 : i32
      %dma_wait3A_158 = arith.constant 0 : i32
      %dma_wait3A_159 = tpu.memref_slice %arg6[%dma_wait3A_155, %dma_wait3A_156, %dma_wait3A_157, %dma_wait3A_158] : memref<4x62x8x8xf32, #tpu.memory_space<vmem>> -> memref<1x62x8x8xf32, #tpu.memory_space<vmem>>
      %dma_wait3A_160 = tpu.memref_squeeze %dma_wait3A_159 : memref<1x62x8x8xf32, #tpu.memory_space<vmem>> -> memref<62x8x8xf32, #tpu.memory_space<vmem>>
      %dma_wait3A_161 = arith.constant 0 : i32
      %dma_wait3A_162 = arith.constant 0 : i32
      %dma_wait3A_163 = arith.constant 0 : i32
      %dma_wait3A_164 = tpu.memref_slice %arg3[%dma_wait3A_161, %dma_wait3A, %dma_wait3A_162, %dma_wait3A_163] : memref<62x1002x8x128xf32, #tpu.memory_space<hbm>> -> memref<62x1x8x8xf32, #tpu.memory_space<hbm>>
      %dma_wait3A_165 = tpu.memref_squeeze %dma_wait3A_164 : memref<62x1x8x8xf32, #tpu.memory_space<hbm>> -> memref<62x8x8xf32, #tpu.memory_space<hbm>>
      %dma_wait3A_166 = arith.constant 0 : i32
      %dma_wait3A_167 = arith.constant 0 : i32
      %dma_wait3A_168 = arith.constant 0 : i32
      %dma_wait3A_169 = tpu.memref_slice %arg6[%dma_wait3A_155, %dma_wait3A_166, %dma_wait3A_167, %dma_wait3A_168] : memref<4x62x8x8xf32, #tpu.memory_space<vmem>> -> memref<1x62x8x8xf32, #tpu.memory_space<vmem>>
      %dma_wait3A_170 = tpu.memref_squeeze %dma_wait3A_169 : memref<1x62x8x8xf32, #tpu.memory_space<vmem>> -> memref<62x8x8xf32, #tpu.memory_space<vmem>>
      %dma_wait3A_171 = arith.constant 0 : i32
      %dma_wait3A_172 = arith.constant 0 : i32
      %dma_wait3A_173 = arith.constant 0 : i32
      %dma_wait3A_174 = tpu.memref_slice %arg3[%dma_wait3A_171, %dma_wait3A, %dma_wait3A_172, %dma_wait3A_173] : memref<62x1002x8x128xf32, #tpu.memory_space<hbm>> -> memref<62x1x8x8xf32, #tpu.memory_space<hbm>>
      %dma_wait3A_175 = tpu.memref_squeeze %dma_wait3A_174 : memref<62x1x8x8xf32, #tpu.memory_space<hbm>> -> memref<62x8x8xf32, #tpu.memory_space<hbm>>
      tpu.wait_dma2 semaphore(%arg8 : memref<!tpu.dma_semaphore, #tpu.memory_space<semaphore_mem>>) src(%dma_wait3A_175 : memref<62x8x8xf32, #tpu.memory_space<hbm>>) dst(%dma_wait3A_170 : memref<62x8x8xf32, #tpu.memory_space<vmem>>)
      %jit3A_176 = arith.constant 16 : i32
      %div3A = arith.divsi %add3A_154, %jit3A_176 : i32
      %sign3A = arith.constant 0 : i32
      %sign3A_177 = arith.cmpi sgt, %add3A_154, %sign3A : i32
      %sign3A_178 = arith.extui %sign3A_177 : i1 to i32
      %sign3A_179 = arith.constant 0 : i32
      %sign3A_180 = arith.cmpi slt, %add3A_154, %sign3A_179 : i32
      %sign3A_181 = arith.extui %sign3A_180 : i1 to i32
      %sign3A_182 = arith.subi %sign3A_178, %sign3A_181 : i32
      %sign3A_183 = arith.constant 0 : i32
      %sign3A_184 = arith.cmpi sgt, %jit3A_176, %sign3A_183 : i32
      %sign3A_185 = arith.extui %sign3A_184 : i1 to i32
      %sign3A_186 = arith.constant 0 : i32
      %sign3A_187 = arith.cmpi slt, %jit3A_176, %sign3A_186 : i32
      %sign3A_188 = arith.extui %sign3A_187 : i1 to i32
      %sign3A_189 = arith.subi %sign3A_185, %sign3A_188 : i32
      %ne3A = arith.cmpi ne, %sign3A_182, %sign3A_189 : i32
      %rem3A = arith.remsi %add3A_154, %jit3A_176 : i32
      %ne3A_190 = arith.constant 0 : i32
      %ne3A_191 = arith.cmpi ne, %rem3A, %ne3A_190 : i32
      %and3A_192 = arith.andi %ne3A, %ne3A_191 : i1
      %sub3A = arith.constant 1 : i32
      %sub3A_193 = arith.subi %div3A, %sub3A : i32
      %select_n3A_194 = arith.select %and3A_192, %sub3A_193, %div3A : i32
      %mul3A_195 = arith.constant 16 : i32
      %mul3A_196 = arith.muli %select_n3A_194, %mul3A_195 : i32
      %get3A_197 = arith.index_cast %mul3A_196 : i32 to index
      %get3A_198 = tpu.vector_load %arg5[%get3A_197] {strides = array<i32>} : memref<256xi32, #tpu.memory_space<vmem>>, vector<16xi32>,
      %jit3A_199 = arith.constant 16 : i32
      %eq3A_200 = arith.constant 0 : i32
      %eq3A_201 = arith.cmpi eq, %jit3A_199, %eq3A_200 : i32
      %jit3A_202 = arith.constant 1 : i32
      %select_n3A_203 = arith.select %eq3A_201, %jit3A_202, %jit3A_199 : i32
      %rem3A_204 = arith.remsi %add3A_154, %select_n3A_203 : i32
      %ne3A_205 = arith.constant 0 : i32
      %ne3A_206 = arith.cmpi ne, %rem3A_204, %ne3A_205 : i32
      %lt3A = arith.constant 0 : i32
      %lt3A_207 = arith.cmpi slt, %rem3A_204, %lt3A : i32
      %lt3A_208 = arith.constant 0 : i32
      %lt3A_209 = arith.cmpi slt, %select_n3A_203, %lt3A_208 : i32
      %ne3A_210 = arith.xori %lt3A_207, %lt3A_209 : i1
      %and3A_211 = arith.andi %ne3A_210, %ne3A_206 : i1
      %add3A_212 = arith.addi %rem3A_204, %select_n3A_203 : i32
      %select_n3A_213 = arith.select %and3A_211, %add3A_212, %rem3A_204 : i32
      %eq3A_214 = vector.broadcast %select_n3A_213 : i32 to vector<16xi32>
      %eq3A_215 = arith.cmpi eq, %iota3A, %eq3A_214 : vector<16xi32>
      %jit3A_216 = arith.constant 0 : i32
      %broadcast_in_dim3A_217 = vector.broadcast %jit3A_216 : i32 to vector<16xi32>
      %select_n3A_218 = arith.select %eq3A_215, %get3A_198, %broadcast_in_dim3A_217 : vector<16xi1>, vector<16xi32>
      %reduce_sum3A_219 = arith.constant true
      %reduce_sum3A_220 = vector.broadcast %reduce_sum3A_219 : i1 to vector<16xi1>
      %reduce_sum3A_221 = tpu.scan <sum>, %select_n3A_218 masked %reduce_sum3A_220 : vector<16xi32>, vector<16xi1> -> vector<16xi32>
      %reduce_sum3A_222 = vector.extract %reduce_sum3A_221[15] : i32 from vector<16xi32>
      %and3A_223 = arith.constant 7 : i32
      %and3A_224 = arith.andi %reduce_sum3A_222, %and3A_223 : i32
      %broadcast_in_dim3A_225 = arith.constant 0 : i32
      %broadcast_in_dim3A_226 = vector.broadcast %broadcast_in_dim3A_225 : i32 to vector<16xi32>
      %add3A_227 = vector.broadcast %and3A_224 : i32 to vector<16xi32>
      %add3A_228 = arith.addi %broadcast_in_dim3A_226, %add3A_227 : vector<16xi32>
      %broadcast_in_dim3A_229 = arith.constant 0 : i32
      %broadcast_in_dim3A_230 = vector.broadcast %broadcast_in_dim3A_229 : i32 to vector<16xi32>
      %jit3A_231 = arith.constant 16 : i32
      %eq3A_232 = arith.constant 0 : i32
      %eq3A_233 = arith.cmpi eq, %jit3A_231, %eq3A_232 : i32
      %jit3A_234 = arith.constant 1 : i32
      %select_n3A_235 = arith.select %eq3A_233, %jit3A_234, %jit3A_231 : i32
      %rem3A_236 = arith.remsi %add3A_154, %select_n3A_235 : i32
      %ne3A_237 = arith.constant 0 : i32
      %ne3A_238 = arith.cmpi ne, %rem3A_236, %ne3A_237 : i32
      %lt3A_239 = arith.constant 0 : i32
      %lt3A_240 = arith.cmpi slt, %rem3A_236, %lt3A_239 : i32
      %lt3A_241 = arith.constant 0 : i32
      %lt3A_242 = arith.cmpi slt, %select_n3A_235, %lt3A_241 : i32
      %ne3A_243 = arith.xori %lt3A_240, %lt3A_242 : i1
      %and3A_244 = arith.andi %ne3A_243, %ne3A_238 : i1
      %add3A_245 = arith.addi %rem3A_236, %select_n3A_235 : i32
      %select_n3A_246 = arith.select %and3A_244, %add3A_245, %rem3A_236 : i32
      %add3A_247 = vector.broadcast %select_n3A_246 : i32 to vector<16xi32>
      %add3A_248 = arith.addi %broadcast_in_dim3A_230, %add3A_247 : vector<16xi32>
      %add3A_249 = arith.constant 0 : i32
      %add3A_250 = vector.broadcast %add3A_249 : i32 to vector<16xi32>
      %add3A_251 = arith.addi %iota3A, %add3A_250 : vector<16xi32>
      %shift_right_arithmetic3A_252 = arith.constant 3 : i32
      %shift_right_arithmetic3A_253 = vector.broadcast %shift_right_arithmetic3A_252 : i32 to vector<16xi32>
      %shift_right_arithmetic3A_254 = arith.shrsi %add3A_251, %shift_right_arithmetic3A_253 : vector<16xi32>
      %and3A_255 = arith.constant 7 : i32
      %and3A_256 = vector.broadcast %and3A_255 : i32 to vector<16xi32>
      %and3A_257 = arith.andi %add3A_251, %and3A_256 : vector<16xi32>
      %gather3A = arith.constant 0 : i32
      %gather3A_258 = arith.constant 0 : i32
      %gather3A_259 = arith.constant 0 : i32
      %gather3A_260 = arith.constant 0 : i32
      %gather3A_261 = tpu.memref_slice %arg6[%gather3A, %gather3A_258, %gather3A_259, %gather3A_260] : memref<4x62x8x8xf32, #tpu.memory_space<vmem>> -> memref<1x62x8x8xf32, #tpu.memory_space<vmem>>
      %gather3A_262 = tpu.memref_squeeze %gather3A_261 : memref<1x62x8x8xf32, #tpu.memory_space<vmem>> -> memref<62x8x8xf32, #tpu.memory_space<vmem>>
      %gather3A_263 = tpu.vector_load_idx %gather3A_262[%shift_right_arithmetic3A_254, %and3A_257, %add3A_228] : memref<62x8x8xf32, #tpu.memory_space<vmem>>[vector<16xi32>, vector<16xi32>, vector<16xi32>], vector<16xf32>,
      tpu.vector_store_idx %arg7[%shift_right_arithmetic3A_254, %and3A_257, %add3A_248], %gather3A_263 : memref<62x8x16xf32, #tpu.memory_space<vmem>>[vector<16xi32>, vector<16xi32>, vector<16xi32>], vector<16xf32>,
      %add3A_264 = arith.constant 16 : i32
      %add3A_265 = vector.broadcast %add3A_264 : i32 to vector<16xi32>
      %add3A_266 = arith.addi %iota3A, %add3A_265 : vector<16xi32>
      %shift_right_arithmetic3A_267 = arith.constant 3 : i32
      %shift_right_arithmetic3A_268 = vector.broadcast %shift_right_arithmetic3A_267 : i32 to vector<16xi32>
      %shift_right_arithmetic3A_269 = arith.shrsi %add3A_266, %shift_right_arithmetic3A_268 : vector<16xi32>
      %and3A_270 = arith.constant 7 : i32
      %and3A_271 = vector.broadcast %and3A_270 : i32 to vector<16xi32>
      %and3A_272 = arith.andi %add3A_266, %and3A_271 : vector<16xi32>
      %gather3A_273 = arith.constant 0 : i32
      %gather3A_274 = arith.constant 0 : i32
      %gather3A_275 = arith.constant 0 : i32
      %gather3A_276 = arith.constant 0 : i32
      %gather3A_277 = tpu.memref_slice %arg6[%gather3A_273, %gather3A_274, %gather3A_275, %gather3A_276] : memref<4x62x8x8xf32, #tpu.memory_space<vmem>> -> memref<1x62x8x8xf32, #tpu.memory_space<vmem>>
      %gather3A_278 = tpu.memref_squeeze %gather3A_277 : memref<1x62x8x8xf32, #tpu.memory_space<vmem>> -> memref<62x8x8xf32, #tpu.memory_space<vmem>>
      %gather3A_279 = tpu.vector_load_idx %gather3A_278[%shift_right_arithmetic3A_269, %and3A_272, %add3A_228] : memref<62x8x8xf32, #tpu.memory_space<vmem>>[vector<16xi32>, vector<16xi32>, vector<16xi32>], vector<16xf32>,
      tpu.vector_store_idx %arg7[%shift_right_arithmetic3A_269, %and3A_272, %add3A_248], %gather3A_279 : memref<62x8x16xf32, #tpu.memory_space<vmem>>[vector<16xi32>, vector<16xi32>, vector<16xi32>], vector<16xf32>,
      %add3A_280 = arith.constant 32 : i32
      %add3A_281 = vector.broadcast %add3A_280 : i32 to vector<16xi32>
      %add3A_282 = arith.addi %iota3A, %add3A_281 : vector<16xi32>
      %shift_right_arithmetic3A_283 = arith.constant 3 : i32
      %shift_right_arithmetic3A_284 = vector.broadcast %shift_right_arithmetic3A_283 : i32 to vector<16xi32>
      %shift_right_arithmetic3A_285 = arith.shrsi %add3A_282, %shift_right_arithmetic3A_284 : vector<16xi32>
      %and3A_286 = arith.constant 7 : i32
      %and3A_287 = vector.broadcast %and3A_286 : i32 to vector<16xi32>
      %and3A_288 = arith.andi %add3A_282, %and3A_287 : vector<16xi32>
      %gather3A_289 = arith.constant 0 : i32
      %gather3A_290 = arith.constant 0 : i32
      %gather3A_291 = arith.constant 0 : i32
      %gather3A_292 = arith.constant 0 : i32
      %gather3A_293 = tpu.memref_slice %arg6[%gather3A_289, %gather3A_290, %gather3A_291, %gather3A_292] : memref<4x62x8x8xf32, #tpu.memory_space<vmem>> -> memref<1x62x8x8xf32, #tpu.memory_space<vmem>>
      %gather3A_294 = tpu.memref_squeeze %gather3A_293 : memref<1x62x8x8xf32, #tpu.memory_space<vmem>> -> memref<62x8x8xf32, #tpu.memory_space<vmem>>
      %gather3A_295 = tpu.vector_load_idx %gather3A_294[%shift_right_arithmetic3A_285, %and3A_288, %add3A_228] : memref<62x8x8xf32, #tpu.memory_space<vmem>>[vector<16xi32>, vector<16xi32>, vector<16xi32>], vector<16xf32>,
      tpu.vector_store_idx %arg7[%shift_right_arithmetic3A_285, %and3A_288, %add3A_248], %gather3A_295 : memref<62x8x16xf32, #tpu.memory_space<vmem>>[vector<16xi32>, vector<16xi32>, vector<16xi32>], vector<16xf32>,
      %add3A_296 = arith.constant 48 : i32
      %add3A_297 = vector.broadcast %add3A_296 : i32 to vector<16xi32>
      %add3A_298 = arith.addi %iota3A, %add3A_297 : vector<16xi32>
      %shift_right_arithmetic3A_299 = arith.constant 3 : i32
      %shift_right_arithmetic3A_300 = vector.broadcast %shift_right_arithmetic3A_299 : i32 to vector<16xi32>
      %shift_right_arithmetic3A_301 = arith.shrsi %add3A_298, %shift_right_arithmetic3A_300 : vector<16xi32>
      %and3A_302 = arith.constant 7 : i32
      %and3A_303 = vector.broadcast %and3A_302 : i32 to vector<16xi32>
      %and3A_304 = arith.andi %add3A_298, %and3A_303 : vector<16xi32>
      %gather3A_305 = arith.constant 0 : i32
      %gather3A_306 = arith.constant 0 : i32
      %gather3A_307 = arith.constant 0 : i32
      %gather3A_308 = arith.constant 0 : i32
      %gather3A_309 = tpu.memref_slice %arg6[%gather3A_305, %gather3A_306, %gather3A_307, %gather3A_308] : memref<4x62x8x8xf32, #tpu.memory_space<vmem>> -> memref<1x62x8x8xf32, #tpu.memory_space<vmem>>
      %gather3A_310 = tpu.memref_squeeze %gather3A_309 : memref<1x62x8x8xf32, #tpu.memory_space<vmem>> -> memref<62x8x8xf32, #tpu.memory_space<vmem>>
      %gather3A_311 = tpu.vector_load_idx %gather3A_310[%shift_right_arithmetic3A_301, %and3A_304, %add3A_228] : memref<62x8x8xf32, #tpu.memory_space<vmem>>[vector<16xi32>, vector<16xi32>, vector<16xi32>], vector<16xf32>,
      tpu.vector_store_idx %arg7[%shift_right_arithmetic3A_301, %and3A_304, %add3A_248], %gather3A_311 : memref<62x8x16xf32, #tpu.memory_space<vmem>>[vector<16xi32>, vector<16xi32>, vector<16xi32>], vector<16xf32>,
      %add3A_312 = arith.constant 64 : i32
      %add3A_313 = vector.broadcast %add3A_312 : i32 to vector<16xi32>
      %add3A_314 = arith.addi %iota3A, %add3A_313 : vector<16xi32>
      %shift_right_arithmetic3A_315 = arith.constant 3 : i32
      %shift_right_arithmetic3A_316 = vector.broadcast %shift_right_arithmetic3A_315 : i32 to vector<16xi32>
      %shift_right_arithmetic3A_317 = arith.shrsi %add3A_314, %shift_right_arithmetic3A_316 : vector<16xi32>
      %and3A_318 = arith.constant 7 : i32
      %and3A_319 = vector.broadcast %and3A_318 : i32 to vector<16xi32>
      %and3A_320 = arith.andi %add3A_314, %and3A_319 : vector<16xi32>
      %gather3A_321 = arith.constant 0 : i32
      %gather3A_322 = arith.constant 0 : i32
      %gather3A_323 = arith.constant 0 : i32
      %gather3A_324 = arith.constant 0 : i32
      %gather3A_325 = tpu.memref_slice %arg6[%gather3A_321, %gather3A_322, %gather3A_323, %gather3A_324] : memref<4x62x8x8xf32, #tpu.memory_space<vmem>> -> memref<1x62x8x8xf32, #tpu.memory_space<vmem>>
      %gather3A_326 = tpu.memref_squeeze %gather3A_325 : memref<1x62x8x8xf32, #tpu.memory_space<vmem>> -> memref<62x8x8xf32, #tpu.memory_space<vmem>>
      %gather3A_327 = tpu.vector_load_idx %gather3A_326[%shift_right_arithmetic3A_317, %and3A_320, %add3A_228] : memref<62x8x8xf32, #tpu.memory_space<vmem>>[vector<16xi32>, vector<16xi32>, vector<16xi32>], vector<16xf32>,
      tpu.vector_store_idx %arg7[%shift_right_arithmetic3A_317, %and3A_320, %add3A_248], %gather3A_327 : memref<62x8x16xf32, #tpu.memory_space<vmem>>[vector<16xi32>, vector<16xi32>, vector<16xi32>], vector<16xf32>,
      %add3A_328 = arith.constant 80 : i32
      %add3A_329 = vector.broadcast %add3A_328 : i32 to vector<16xi32>
      %add3A_330 = arith.addi %iota3A, %add3A_329 : vector<16xi32>
      %shift_right_arithmetic3A_331 = arith.constant 3 : i32
      %shift_right_arithmetic3A_332 = vector.broadcast %shift_right_arithmetic3A_331 : i32 to vector<16xi32>
      %shift_right_arithmetic3A_333 = arith.shrsi %add3A_330, %shift_right_arithmetic3A_332 : vector<16xi32>
      %and3A_334 = arith.constant 7 : i32
      %and3A_335 = vector.broadcast %and3A_334 : i32 to vector<16xi32>
      %and3A_336 = arith.andi %add3A_330, %and3A_335 : vector<16xi32>
      %gather3A_337 = arith.constant 0 : i32
      %gather3A_338 = arith.constant 0 : i32
      %gather3A_339 = arith.constant 0 : i32
      %gather3A_340 = arith.constant 0 : i32
      %gather3A_341 = tpu.memref_slice %arg6[%gather3A_337, %gather3A_338, %gather3A_339, %gather3A_340] : memref<4x62x8x8xf32, #tpu.memory_space<vmem>> -> memref<1x62x8x8xf32, #tpu.memory_space<vmem>>
      %gather3A_342 = tpu.memref_squeeze %gather3A_341 : memref<1x62x8x8xf32, #tpu.memory_space<vmem>> -> memref<62x8x8xf32, #tpu.memory_space<vmem>>
      %gather3A_343 = tpu.vector_load_idx %gather3A_342[%shift_right_arithmetic3A_333, %and3A_336, %add3A_228] : memref<62x8x8xf32, #tpu.memory_space<vmem>>[vector<16xi32>, vector<16xi32>, vector<16xi32>], vector<16xf32>,
      tpu.vector_store_idx %arg7[%shift_right_arithmetic3A_333, %and3A_336, %add3A_248], %gather3A_343 : memref<62x8x16xf32, #tpu.memory_space<vmem>>[vector<16xi32>, vector<16xi32>, vector<16xi32>], vector<16xf32>,
      %add3A_344 = arith.constant 96 : i32
      %add3A_345 = vector.broadcast %add3A_344 : i32 to vector<16xi32>
      %add3A_346 = arith.addi %iota3A, %add3A_345 : vector<16xi32>
      %shift_right_arithmetic3A_347 = arith.constant 3 : i32
      %shift_right_arithmetic3A_348 = vector.broadcast %shift_right_arithmetic3A_347 : i32 to vector<16xi32>
      %shift_right_arithmetic3A_349 = arith.shrsi %add3A_346, %shift_right_arithmetic3A_348 : vector<16xi32>
      %and3A_350 = arith.constant 7 : i32
      %and3A_351 = vector.broadcast %and3A_350 : i32 to vector<16xi32>
      %and3A_352 = arith.andi %add3A_346, %and3A_351 : vector<16xi32>
      %gather3A_353 = arith.constant 0 : i32
      %gather3A_354 = arith.constant 0 : i32
      %gather3A_355 = arith.constant 0 : i32
      %gather3A_356 = arith.constant 0 : i32
      %gather3A_357 = tpu.memref_slice %arg6[%gather3A_353, %gather3A_354, %gather3A_355, %gather3A_356] : memref<4x62x8x8xf32, #tpu.memory_space<vmem>> -> memref<1x62x8x8xf32, #tpu.memory_space<vmem>>
      %gather3A_358 = tpu.memref_squeeze %gather3A_357 : memref<1x62x8x8xf32, #tpu.memory_space<vmem>> -> memref<62x8x8xf32, #tpu.memory_space<vmem>>
      %gather3A_359 = tpu.vector_load_idx %gather3A_358[%shift_right_arithmetic3A_349, %and3A_352, %add3A_228] : memref<62x8x8xf32, #tpu.memory_space<vmem>>[vector<16xi32>, vector<16xi32>, vector<16xi32>], vector<16xf32>,
      tpu.vector_store_idx %arg7[%shift_right_arithmetic3A_349, %and3A_352, %add3A_248], %gather3A_359 : memref<62x8x16xf32, #tpu.memory_space<vmem>>[vector<16xi32>, vector<16xi32>, vector<16xi32>], vector<16xf32>,
      %add3A_360 = arith.constant 112 : i32
      %add3A_361 = vector.broadcast %add3A_360 : i32 to vector<16xi32>
      %add3A_362 = arith.addi %iota3A, %add3A_361 : vector<16xi32>
      %shift_right_arithmetic3A_363 = arith.constant 3 : i32
      %shift_right_arithmetic3A_364 = vector.broadcast %shift_right_arithmetic3A_363 : i32 to vector<16xi32>
      %shift_right_arithmetic3A_365 = arith.shrsi %add3A_362, %shift_right_arithmetic3A_364 : vector<16xi32>
      %and3A_366 = arith.constant 7 : i32
      %and3A_367 = vector.broadcast %and3A_366 : i32 to vector<16xi32>
      %and3A_368 = arith.andi %add3A_362, %and3A_367 : vector<16xi32>
      %gather3A_369 = arith.constant 0 : i32
      %gather3A_370 = arith.constant 0 : i32
      %gather3A_371 = arith.constant 0 : i32
      %gather3A_372 = arith.constant 0 : i32
      %gather3A_373 = tpu.memref_slice %arg6[%gather3A_369, %gather3A_370, %gather3A_371, %gather3A_372] : memref<4x62x8x8xf32, #tpu.memory_space<vmem>> -> memref<1x62x8x8xf32, #tpu.memory_space<vmem>>
      %gather3A_374 = tpu.memref_squeeze %gather3A_373 : memref<1x62x8x8xf32, #tpu.memory_space<vmem>> -> memref<62x8x8xf32, #tpu.memory_space<vmem>>
      %gather3A_375 = tpu.vector_load_idx %gather3A_374[%shift_right_arithmetic3A_365, %and3A_368, %add3A_228] : memref<62x8x8xf32, #tpu.memory_space<vmem>>[vector<16xi32>, vector<16xi32>, vector<16xi32>], vector<16xf32>,
      tpu.vector_store_idx %arg7[%shift_right_arithmetic3A_365, %and3A_368, %add3A_248], %gather3A_375 : memref<62x8x16xf32, #tpu.memory_space<vmem>>[vector<16xi32>, vector<16xi32>, vector<16xi32>], vector<16xf32>,
      %add3A_376 = arith.constant 128 : i32
      %add3A_377 = vector.broadcast %add3A_376 : i32 to vector<16xi32>
      %add3A_378 = arith.addi %iota3A, %add3A_377 : vector<16xi32>
      %shift_right_arithmetic3A_379 = arith.constant 3 : i32
      %shift_right_arithmetic3A_380 = vector.broadcast %shift_right_arithmetic3A_379 : i32 to vector<16xi32>
      %shift_right_arithmetic3A_381 = arith.shrsi %add3A_378, %shift_right_arithmetic3A_380 : vector<16xi32>
      %and3A_382 = arith.constant 7 : i32
      %and3A_383 = vector.broadcast %and3A_382 : i32 to vector<16xi32>
      %and3A_384 = arith.andi %add3A_378, %and3A_383 : vector<16xi32>
      %gather3A_385 = arith.constant 0 : i32
      %gather3A_386 = arith.constant 0 : i32
      %gather3A_387 = arith.constant 0 : i32
      %gather3A_388 = arith.constant 0 : i32
      %gather3A_389 = tpu.memref_slice %arg6[%gather3A_385, %gather3A_386, %gather3A_387, %gather3A_388] : memref<4x62x8x8xf32, #tpu.memory_space<vmem>> -> memref<1x62x8x8xf32, #tpu.memory_space<vmem>>
      %gather3A_390 = tpu.memref_squeeze %gather3A_389 : memref<1x62x8x8xf32, #tpu.memory_space<vmem>> -> memref<62x8x8xf32, #tpu.memory_space<vmem>>
      %gather3A_391 = tpu.vector_load_idx %gather3A_390[%shift_right_arithmetic3A_381, %and3A_384, %add3A_228] : memref<62x8x8xf32, #tpu.memory_space<vmem>>[vector<16xi32>, vector<16xi32>, vector<16xi32>], vector<16xf32>,
      tpu.vector_store_idx %arg7[%shift_right_arithmetic3A_381, %and3A_384, %add3A_248], %gather3A_391 : memref<62x8x16xf32, #tpu.memory_space<vmem>>[vector<16xi32>, vector<16xi32>, vector<16xi32>], vector<16xf32>,
      %add3A_392 = arith.constant 144 : i32
      %add3A_393 = vector.broadcast %add3A_392 : i32 to vector<16xi32>
      %add3A_394 = arith.addi %iota3A, %add3A_393 : vector<16xi32>
      %shift_right_arithmetic3A_395 = arith.constant 3 : i32
      %shift_right_arithmetic3A_396 = vector.broadcast %shift_right_arithmetic3A_395 : i32 to vector<16xi32>
      %shift_right_arithmetic3A_397 = arith.shrsi %add3A_394, %shift_right_arithmetic3A_396 : vector<16xi32>
      %and3A_398 = arith.constant 7 : i32
      %and3A_399 = vector.broadcast %and3A_398 : i32 to vector<16xi32>
      %and3A_400 = arith.andi %add3A_394, %and3A_399 : vector<16xi32>
      %gather3A_401 = arith.constant 0 : i32
      %gather3A_402 = arith.constant 0 : i32
      %gather3A_403 = arith.constant 0 : i32
      %gather3A_404 = arith.constant 0 : i32
      %gather3A_405 = tpu.memref_slice %arg6[%gather3A_401, %gather3A_402, %gather3A_403, %gather3A_404] : memref<4x62x8x8xf32, #tpu.memory_space<vmem>> -> memref<1x62x8x8xf32, #tpu.memory_space<vmem>>
      %gather3A_406 = tpu.memref_squeeze %gather3A_405 : memref<1x62x8x8xf32, #tpu.memory_space<vmem>> -> memref<62x8x8xf32, #tpu.memory_space<vmem>>
      %gather3A_407 = tpu.vector_load_idx %gather3A_406[%shift_right_arithmetic3A_397, %and3A_400, %add3A_228] : memref<62x8x8xf32, #tpu.memory_space<vmem>>[vector<16xi32>, vector<16xi32>, vector<16xi32>], vector<16xf32>,
      tpu.vector_store_idx %arg7[%shift_right_arithmetic3A_397, %and3A_400, %add3A_248], %gather3A_407 : memref<62x8x16xf32, #tpu.memory_space<vmem>>[vector<16xi32>, vector<16xi32>, vector<16xi32>], vector<16xf32>,
      %add3A_408 = arith.constant 160 : i32
      %add3A_409 = vector.broadcast %add3A_408 : i32 to vector<16xi32>
      %add3A_410 = arith.addi %iota3A, %add3A_409 : vector<16xi32>
      %shift_right_arithmetic3A_411 = arith.constant 3 : i32
      %shift_right_arithmetic3A_412 = vector.broadcast %shift_right_arithmetic3A_411 : i32 to vector<16xi32>
      %shift_right_arithmetic3A_413 = arith.shrsi %add3A_410, %shift_right_arithmetic3A_412 : vector<16xi32>
      %and3A_414 = arith.constant 7 : i32
      %and3A_415 = vector.broadcast %and3A_414 : i32 to vector<16xi32>
      %and3A_416 = arith.andi %add3A_410, %and3A_415 : vector<16xi32>
      %gather3A_417 = arith.constant 0 : i32
      %gather3A_418 = arith.constant 0 : i32
      %gather3A_419 = arith.constant 0 : i32
      %gather3A_420 = arith.constant 0 : i32
      %gather3A_421 = tpu.memref_slice %arg6[%gather3A_417, %gather3A_418, %gather3A_419, %gather3A_420] : memref<4x62x8x8xf32, #tpu.memory_space<vmem>> -> memref<1x62x8x8xf32, #tpu.memory_space<vmem>>
      %gather3A_422 = tpu.memref_squeeze %gather3A_421 : memref<1x62x8x8xf32, #tpu.memory_space<vmem>> -> memref<62x8x8xf32, #tpu.memory_space<vmem>>
      %gather3A_423 = tpu.vector_load_idx %gather3A_422[%shift_right_arithmetic3A_413, %and3A_416, %add3A_228] : memref<62x8x8xf32, #tpu.memory_space<vmem>>[vector<16xi32>, vector<16xi32>, vector<16xi32>], vector<16xf32>,
      tpu.vector_store_idx %arg7[%shift_right_arithmetic3A_413, %and3A_416, %add3A_248], %gather3A_423 : memref<62x8x16xf32, #tpu.memory_space<vmem>>[vector<16xi32>, vector<16xi32>, vector<16xi32>], vector<16xf32>,
      %add3A_424 = arith.constant 176 : i32
      %add3A_425 = vector.broadcast %add3A_424 : i32 to vector<16xi32>
      %add3A_426 = arith.addi %iota3A, %add3A_425 : vector<16xi32>
      %shift_right_arithmetic3A_427 = arith.constant 3 : i32
      %shift_right_arithmetic3A_428 = vector.broadcast %shift_right_arithmetic3A_427 : i32 to vector<16xi32>
      %shift_right_arithmetic3A_429 = arith.shrsi %add3A_426, %shift_right_arithmetic3A_428 : vector<16xi32>
      %and3A_430 = arith.constant 7 : i32
      %and3A_431 = vector.broadcast %and3A_430 : i32 to vector<16xi32>
      %and3A_432 = arith.andi %add3A_426, %and3A_431 : vector<16xi32>
      %gather3A_433 = arith.constant 0 : i32
      %gather3A_434 = arith.constant 0 : i32
      %gather3A_435 = arith.constant 0 : i32
      %gather3A_436 = arith.constant 0 : i32
      %gather3A_437 = tpu.memref_slice %arg6[%gather3A_433, %gather3A_434, %gather3A_435, %gather3A_436] : memref<4x62x8x8xf32, #tpu.memory_space<vmem>> -> memref<1x62x8x8xf32, #tpu.memory_space<vmem>>
      %gather3A_438 = tpu.memref_squeeze %gather3A_437 : memref<1x62x8x8xf32, #tpu.memory_space<vmem>> -> memref<62x8x8xf32, #tpu.memory_space<vmem>>
      %gather3A_439 = tpu.vector_load_idx %gather3A_438[%shift_right_arithmetic3A_429, %and3A_432, %add3A_228] : memref<62x8x8xf32, #tpu.memory_space<vmem>>[vector<16xi32>, vector<16xi32>, vector<16xi32>], vector<16xf32>,
      tpu.vector_store_idx %arg7[%shift_right_arithmetic3A_429, %and3A_432, %add3A_248], %gather3A_439 : memref<62x8x16xf32, #tpu.memory_space<vmem>>[vector<16xi32>, vector<16xi32>, vector<16xi32>], vector<16xf32>,
      %add3A_440 = arith.constant 192 : i32
      %add3A_441 = vector.broadcast %add3A_440 : i32 to vector<16xi32>
      %add3A_442 = arith.addi %iota3A, %add3A_441 : vector<16xi32>
      %shift_right_arithmetic3A_443 = arith.constant 3 : i32
      %shift_right_arithmetic3A_444 = vector.broadcast %shift_right_arithmetic3A_443 : i32 to vector<16xi32>
      %shift_right_arithmetic3A_445 = arith.shrsi %add3A_442, %shift_right_arithmetic3A_444 : vector<16xi32>
      %and3A_446 = arith.constant 7 : i32
      %and3A_447 = vector.broadcast %and3A_446 : i32 to vector<16xi32>
      %and3A_448 = arith.andi %add3A_442, %and3A_447 : vector<16xi32>
      %gather3A_449 = arith.constant 0 : i32
      %gather3A_450 = arith.constant 0 : i32
      %gather3A_451 = arith.constant 0 : i32
      %gather3A_452 = arith.constant 0 : i32
      %gather3A_453 = tpu.memref_slice %arg6[%gather3A_449, %gather3A_450, %gather3A_451, %gather3A_452] : memref<4x62x8x8xf32, #tpu.memory_space<vmem>> -> memref<1x62x8x8xf32, #tpu.memory_space<vmem>>
      %gather3A_454 = tpu.memref_squeeze %gather3A_453 : memref<1x62x8x8xf32, #tpu.memory_space<vmem>> -> memref<62x8x8xf32, #tpu.memory_space<vmem>>
      %gather3A_455 = tpu.vector_load_idx %gather3A_454[%shift_right_arithmetic3A_445, %and3A_448, %add3A_228] : memref<62x8x8xf32, #tpu.memory_space<vmem>>[vector<16xi32>, vector<16xi32>, vector<16xi32>], vector<16xf32>,
      tpu.vector_store_idx %arg7[%shift_right_arithmetic3A_445, %and3A_448, %add3A_248], %gather3A_455 : memref<62x8x16xf32, #tpu.memory_space<vmem>>[vector<16xi32>, vector<16xi32>, vector<16xi32>], vector<16xf32>,
      %add3A_456 = arith.constant 208 : i32
      %add3A_457 = vector.broadcast %add3A_456 : i32 to vector<16xi32>
      %add3A_458 = arith.addi %iota3A, %add3A_457 : vector<16xi32>
      %shift_right_arithmetic3A_459 = arith.constant 3 : i32
      %shift_right_arithmetic3A_460 = vector.broadcast %shift_right_arithmetic3A_459 : i32 to vector<16xi32>
      %shift_right_arithmetic3A_461 = arith.shrsi %add3A_458, %shift_right_arithmetic3A_460 : vector<16xi32>
      %and3A_462 = arith.constant 7 : i32
      %and3A_463 = vector.broadcast %and3A_462 : i32 to vector<16xi32>
      %and3A_464 = arith.andi %add3A_458, %and3A_463 : vector<16xi32>
      %gather3A_465 = arith.constant 0 : i32
      %gather3A_466 = arith.constant 0 : i32
      %gather3A_467 = arith.constant 0 : i32
      %gather3A_468 = arith.constant 0 : i32
      %gather3A_469 = tpu.memref_slice %arg6[%gather3A_465, %gather3A_466, %gather3A_467, %gather3A_468] : memref<4x62x8x8xf32, #tpu.memory_space<vmem>> -> memref<1x62x8x8xf32, #tpu.memory_space<vmem>>
      %gather3A_470 = tpu.memref_squeeze %gather3A_469 : memref<1x62x8x8xf32, #tpu.memory_space<vmem>> -> memref<62x8x8xf32, #tpu.memory_space<vmem>>
      %gather3A_471 = tpu.vector_load_idx %gather3A_470[%shift_right_arithmetic3A_461, %and3A_464, %add3A_228] : memref<62x8x8xf32, #tpu.memory_space<vmem>>[vector<16xi32>, vector<16xi32>, vector<16xi32>], vector<16xf32>,
      tpu.vector_store_idx %arg7[%shift_right_arithmetic3A_461, %and3A_464, %add3A_248], %gather3A_471 : memref<62x8x16xf32, #tpu.memory_space<vmem>>[vector<16xi32>, vector<16xi32>, vector<16xi32>], vector<16xf32>,
      %add3A_472 = arith.constant 224 : i32
      %add3A_473 = vector.broadcast %add3A_472 : i32 to vector<16xi32>
      %add3A_474 = arith.addi %iota3A, %add3A_473 : vector<16xi32>
      %shift_right_arithmetic3A_475 = arith.constant 3 : i32
      %shift_right_arithmetic3A_476 = vector.broadcast %shift_right_arithmetic3A_475 : i32 to vector<16xi32>
      %shift_right_arithmetic3A_477 = arith.shrsi %add3A_474, %shift_right_arithmetic3A_476 : vector<16xi32>
      %and3A_478 = arith.constant 7 : i32
      %and3A_479 = vector.broadcast %and3A_478 : i32 to vector<16xi32>
      %and3A_480 = arith.andi %add3A_474, %and3A_479 : vector<16xi32>
      %gather3A_481 = arith.constant 0 : i32
      %gather3A_482 = arith.constant 0 : i32
      %gather3A_483 = arith.constant 0 : i32
      %gather3A_484 = arith.constant 0 : i32
      %gather3A_485 = tpu.memref_slice %arg6[%gather3A_481, %gather3A_482, %gather3A_483, %gather3A_484] : memref<4x62x8x8xf32, #tpu.memory_space<vmem>> -> memref<1x62x8x8xf32, #tpu.memory_space<vmem>>
      %gather3A_486 = tpu.memref_squeeze %gather3A_485 : memref<1x62x8x8xf32, #tpu.memory_space<vmem>> -> memref<62x8x8xf32, #tpu.memory_space<vmem>>
      %gather3A_487 = tpu.vector_load_idx %gather3A_486[%shift_right_arithmetic3A_477, %and3A_480, %add3A_228] : memref<62x8x8xf32, #tpu.memory_space<vmem>>[vector<16xi32>, vector<16xi32>, vector<16xi32>], vector<16xf32>,
      tpu.vector_store_idx %arg7[%shift_right_arithmetic3A_477, %and3A_480, %add3A_248], %gather3A_487 : memref<62x8x16xf32, #tpu.memory_space<vmem>>[vector<16xi32>, vector<16xi32>, vector<16xi32>], vector<16xf32>,
      %add3A_488 = arith.constant 240 : i32
      %add3A_489 = vector.broadcast %add3A_488 : i32 to vector<16xi32>
      %add3A_490 = arith.addi %iota3A, %add3A_489 : vector<16xi32>
      %shift_right_arithmetic3A_491 = arith.constant 3 : i32
      %shift_right_arithmetic3A_492 = vector.broadcast %shift_right_arithmetic3A_491 : i32 to vector<16xi32>
      %shift_right_arithmetic3A_493 = arith.shrsi %add3A_490, %shift_right_arithmetic3A_492 : vector<16xi32>
      %and3A_494 = arith.constant 7 : i32
      %and3A_495 = vector.broadcast %and3A_494 : i32 to vector<16xi32>
      %and3A_496 = arith.andi %add3A_490, %and3A_495 : vector<16xi32>
      %gather3A_497 = arith.constant 0 : i32
      %gather3A_498 = arith.constant 0 : i32
      %gather3A_499 = arith.constant 0 : i32
      %gather3A_500 = arith.constant 0 : i32
      %gather3A_501 = tpu.memref_slice %arg6[%gather3A_497, %gather3A_498, %gather3A_499, %gather3A_500] : memref<4x62x8x8xf32, #tpu.memory_space<vmem>> -> memref<1x62x8x8xf32, #tpu.memory_space<vmem>>
      %gather3A_502 = tpu.memref_squeeze %gather3A_501 : memref<1x62x8x8xf32, #tpu.memory_space<vmem>> -> memref<62x8x8xf32, #tpu.memory_space<vmem>>
      %gather3A_503 = tpu.vector_load_idx %gather3A_502[%shift_right_arithmetic3A_493, %and3A_496, %add3A_228] : memref<62x8x8xf32, #tpu.memory_space<vmem>>[vector<16xi32>, vector<16xi32>, vector<16xi32>], vector<16xf32>,
      tpu.vector_store_idx %arg7[%shift_right_arithmetic3A_493, %and3A_496, %add3A_248], %gather3A_503 : memref<62x8x16xf32, #tpu.memory_space<vmem>>[vector<16xi32>, vector<16xi32>, vector<16xi32>], vector<16xf32>,
      %add3A_504 = arith.constant 256 : i32
      %add3A_505 = vector.broadcast %add3A_504 : i32 to vector<16xi32>
      %add3A_506 = arith.addi %iota3A, %add3A_505 : vector<16xi32>
      %shift_right_arithmetic3A_507 = arith.constant 3 : i32
      %shift_right_arithmetic3A_508 = vector.broadcast %shift_right_arithmetic3A_507 : i32 to vector<16xi32>
      %shift_right_arithmetic3A_509 = arith.shrsi %add3A_506, %shift_right_arithmetic3A_508 : vector<16xi32>
      %and3A_510 = arith.constant 7 : i32
      %and3A_511 = vector.broadcast %and3A_510 : i32 to vector<16xi32>
      %and3A_512 = arith.andi %add3A_506, %and3A_511 : vector<16xi32>
      %gather3A_513 = arith.constant 0 : i32
      %gather3A_514 = arith.constant 0 : i32
      %gather3A_515 = arith.constant 0 : i32
      %gather3A_516 = arith.constant 0 : i32
      %gather3A_517 = tpu.memref_slice %arg6[%gather3A_513, %gather3A_514, %gather3A_515, %gather3A_516] : memref<4x62x8x8xf32, #tpu.memory_space<vmem>> -> memref<1x62x8x8xf32, #tpu.memory_space<vmem>>
      %gather3A_518 = tpu.memref_squeeze %gather3A_517 : memref<1x62x8x8xf32, #tpu.memory_space<vmem>> -> memref<62x8x8xf32, #tpu.memory_space<vmem>>
      %gather3A_519 = tpu.vector_load_idx %gather3A_518[%shift_right_arithmetic3A_509, %and3A_512, %add3A_228] : memref<62x8x8xf32, #tpu.memory_space<vmem>>[vector<16xi32>, vector<16xi32>, vector<16xi32>], vector<16xf32>,
      tpu.vector_store_idx %arg7[%shift_right_arithmetic3A_509, %and3A_512, %add3A_248], %gather3A_519 : memref<62x8x16xf32, #tpu.memory_space<vmem>>[vector<16xi32>, vector<16xi32>, vector<16xi32>], vector<16xf32>,
      %add3A_520 = arith.constant 272 : i32
      %add3A_521 = vector.broadcast %add3A_520 : i32 to vector<16xi32>
      %add3A_522 = arith.addi %iota3A, %add3A_521 : vector<16xi32>
      %shift_right_arithmetic3A_523 = arith.constant 3 : i32
      %shift_right_arithmetic3A_524 = vector.broadcast %shift_right_arithmetic3A_523 : i32 to vector<16xi32>
      %shift_right_arithmetic3A_525 = arith.shrsi %add3A_522, %shift_right_arithmetic3A_524 : vector<16xi32>
      %and3A_526 = arith.constant 7 : i32
      %and3A_527 = vector.broadcast %and3A_526 : i32 to vector<16xi32>
      %and3A_528 = arith.andi %add3A_522, %and3A_527 : vector<16xi32>
      %gather3A_529 = arith.constant 0 : i32
      %gather3A_530 = arith.constant 0 : i32
      %gather3A_531 = arith.constant 0 : i32
      %gather3A_532 = arith.constant 0 : i32
      %gather3A_533 = tpu.memref_slice %arg6[%gather3A_529, %gather3A_530, %gather3A_531, %gather3A_532] : memref<4x62x8x8xf32, #tpu.memory_space<vmem>> -> memref<1x62x8x8xf32, #tpu.memory_space<vmem>>
      %gather3A_534 = tpu.memref_squeeze %gather3A_533 : memref<1x62x8x8xf32, #tpu.memory_space<vmem>> -> memref<62x8x8xf32, #tpu.memory_space<vmem>>
      %gather3A_535 = tpu.vector_load_idx %gather3A_534[%shift_right_arithmetic3A_525, %and3A_528, %add3A_228] : memref<62x8x8xf32, #tpu.memory_space<vmem>>[vector<16xi32>, vector<16xi32>, vector<16xi32>], vector<16xf32>,
      tpu.vector_store_idx %arg7[%shift_right_arithmetic3A_525, %and3A_528, %add3A_248], %gather3A_535 : memref<62x8x16xf32, #tpu.memory_space<vmem>>[vector<16xi32>, vector<16xi32>, vector<16xi32>], vector<16xf32>,
      %add3A_536 = arith.constant 288 : i32
      %add3A_537 = vector.broadcast %add3A_536 : i32 to vector<16xi32>
      %add3A_538 = arith.addi %iota3A, %add3A_537 : vector<16xi32>
      %shift_right_arithmetic3A_539 = arith.constant 3 : i32
      %shift_right_arithmetic3A_540 = vector.broadcast %shift_right_arithmetic3A_539 : i32 to vector<16xi32>
      %shift_right_arithmetic3A_541 = arith.shrsi %add3A_538, %shift_right_arithmetic3A_540 : vector<16xi32>
      %and3A_542 = arith.constant 7 : i32
      %and3A_543 = vector.broadcast %and3A_542 : i32 to vector<16xi32>
      %and3A_544 = arith.andi %add3A_538, %and3A_543 : vector<16xi32>
      %gather3A_545 = arith.constant 0 : i32
      %gather3A_546 = arith.constant 0 : i32
      %gather3A_547 = arith.constant 0 : i32
      %gather3A_548 = arith.constant 0 : i32
      %gather3A_549 = tpu.memref_slice %arg6[%gather3A_545, %gather3A_546, %gather3A_547, %gather3A_548] : memref<4x62x8x8xf32, #tpu.memory_space<vmem>> -> memref<1x62x8x8xf32, #tpu.memory_space<vmem>>
      %gather3A_550 = tpu.memref_squeeze %gather3A_549 : memref<1x62x8x8xf32, #tpu.memory_space<vmem>> -> memref<62x8x8xf32, #tpu.memory_space<vmem>>
      %gather3A_551 = tpu.vector_load_idx %gather3A_550[%shift_right_arithmetic3A_541, %and3A_544, %add3A_228] : memref<62x8x8xf32, #tpu.memory_space<vmem>>[vector<16xi32>, vector<16xi32>, vector<16xi32>], vector<16xf32>,
      tpu.vector_store_idx %arg7[%shift_right_arithmetic3A_541, %and3A_544, %add3A_248], %gather3A_551 : memref<62x8x16xf32, #tpu.memory_space<vmem>>[vector<16xi32>, vector<16xi32>, vector<16xi32>], vector<16xf32>,
      %add3A_552 = arith.constant 304 : i32
      %add3A_553 = vector.broadcast %add3A_552 : i32 to vector<16xi32>
      %add3A_554 = arith.addi %iota3A, %add3A_553 : vector<16xi32>
      %shift_right_arithmetic3A_555 = arith.constant 3 : i32
      %shift_right_arithmetic3A_556 = vector.broadcast %shift_right_arithmetic3A_555 : i32 to vector<16xi32>
      %shift_right_arithmetic3A_557 = arith.shrsi %add3A_554, %shift_right_arithmetic3A_556 : vector<16xi32>
      %and3A_558 = arith.constant 7 : i32
      %and3A_559 = vector.broadcast %and3A_558 : i32 to vector<16xi32>
      %and3A_560 = arith.andi %add3A_554, %and3A_559 : vector<16xi32>
      %gather3A_561 = arith.constant 0 : i32
      %gather3A_562 = arith.constant 0 : i32
      %gather3A_563 = arith.constant 0 : i32
      %gather3A_564 = arith.constant 0 : i32
      %gather3A_565 = tpu.memref_slice %arg6[%gather3A_561, %gather3A_562, %gather3A_563, %gather3A_564] : memref<4x62x8x8xf32, #tpu.memory_space<vmem>> -> memref<1x62x8x8xf32, #tpu.memory_space<vmem>>
      %gather3A_566 = tpu.memref_squeeze %gather3A_565 : memref<1x62x8x8xf32, #tpu.memory_space<vmem>> -> memref<62x8x8xf32, #tpu.memory_space<vmem>>
      %gather3A_567 = tpu.vector_load_idx %gather3A_566[%shift_right_arithmetic3A_557, %and3A_560, %add3A_228] : memref<62x8x8xf32, #tpu.memory_space<vmem>>[vector<16xi32>, vector<16xi32>, vector<16xi32>], vector<16xf32>,
      tpu.vector_store_idx %arg7[%shift_right_arithmetic3A_557, %and3A_560, %add3A_248], %gather3A_567 : memref<62x8x16xf32, #tpu.memory_space<vmem>>[vector<16xi32>, vector<16xi32>, vector<16xi32>], vector<16xf32>,
      %add3A_568 = arith.constant 320 : i32
      %add3A_569 = vector.broadcast %add3A_568 : i32 to vector<16xi32>
      %add3A_570 = arith.addi %iota3A, %add3A_569 : vector<16xi32>
      %shift_right_arithmetic3A_571 = arith.constant 3 : i32
      %shift_right_arithmetic3A_572 = vector.broadcast %shift_right_arithmetic3A_571 : i32 to vector<16xi32>
      %shift_right_arithmetic3A_573 = arith.shrsi %add3A_570, %shift_right_arithmetic3A_572 : vector<16xi32>
      %and3A_574 = arith.constant 7 : i32
      %and3A_575 = vector.broadcast %and3A_574 : i32 to vector<16xi32>
      %and3A_576 = arith.andi %add3A_570, %and3A_575 : vector<16xi32>
      %gather3A_577 = arith.constant 0 : i32
      %gather3A_578 = arith.constant 0 : i32
      %gather3A_579 = arith.constant 0 : i32
      %gather3A_580 = arith.constant 0 : i32
      %gather3A_581 = tpu.memref_slice %arg6[%gather3A_577, %gather3A_578, %gather3A_579, %gather3A_580] : memref<4x62x8x8xf32, #tpu.memory_space<vmem>> -> memref<1x62x8x8xf32, #tpu.memory_space<vmem>>
      %gather3A_582 = tpu.memref_squeeze %gather3A_581 : memref<1x62x8x8xf32, #tpu.memory_space<vmem>> -> memref<62x8x8xf32, #tpu.memory_space<vmem>>
      %gather3A_583 = tpu.vector_load_idx %gather3A_582[%shift_right_arithmetic3A_573, %and3A_576, %add3A_228] : memref<62x8x8xf32, #tpu.memory_space<vmem>>[vector<16xi32>, vector<16xi32>, vector<16xi32>], vector<16xf32>,
      tpu.vector_store_idx %arg7[%shift_right_arithmetic3A_573, %and3A_576, %add3A_248], %gather3A_583 : memref<62x8x16xf32, #tpu.memory_space<vmem>>[vector<16xi32>, vector<16xi32>, vector<16xi32>], vector<16xf32>,
      %add3A_584 = arith.constant 336 : i32
      %add3A_585 = vector.broadcast %add3A_584 : i32 to vector<16xi32>
      %add3A_586 = arith.addi %iota3A, %add3A_585 : vector<16xi32>
      %shift_right_arithmetic3A_587 = arith.constant 3 : i32
      %shift_right_arithmetic3A_588 = vector.broadcast %shift_right_arithmetic3A_587 : i32 to vector<16xi32>
      %shift_right_arithmetic3A_589 = arith.shrsi %add3A_586, %shift_right_arithmetic3A_588 : vector<16xi32>
      %and3A_590 = arith.constant 7 : i32
      %and3A_591 = vector.broadcast %and3A_590 : i32 to vector<16xi32>
      %and3A_592 = arith.andi %add3A_586, %and3A_591 : vector<16xi32>
      %gather3A_593 = arith.constant 0 : i32
      %gather3A_594 = arith.constant 0 : i32
      %gather3A_595 = arith.constant 0 : i32
      %gather3A_596 = arith.constant 0 : i32
      %gather3A_597 = tpu.memref_slice %arg6[%gather3A_593, %gather3A_594, %gather3A_595, %gather3A_596] : memref<4x62x8x8xf32, #tpu.memory_space<vmem>> -> memref<1x62x8x8xf32, #tpu.memory_space<vmem>>
      %gather3A_598 = tpu.memref_squeeze %gather3A_597 : memref<1x62x8x8xf32, #tpu.memory_space<vmem>> -> memref<62x8x8xf32, #tpu.memory_space<vmem>>
      %gather3A_599 = tpu.vector_load_idx %gather3A_598[%shift_right_arithmetic3A_589, %and3A_592, %add3A_228] : memref<62x8x8xf32, #tpu.memory_space<vmem>>[vector<16xi32>, vector<16xi32>, vector<16xi32>], vector<16xf32>,
      tpu.vector_store_idx %arg7[%shift_right_arithmetic3A_589, %and3A_592, %add3A_248], %gather3A_599 : memref<62x8x16xf32, #tpu.memory_space<vmem>>[vector<16xi32>, vector<16xi32>, vector<16xi32>], vector<16xf32>,
      %add3A_600 = arith.constant 352 : i32
      %add3A_601 = vector.broadcast %add3A_600 : i32 to vector<16xi32>
      %add3A_602 = arith.addi %iota3A, %add3A_601 : vector<16xi32>
      %shift_right_arithmetic3A_603 = arith.constant 3 : i32
      %shift_right_arithmetic3A_604 = vector.broadcast %shift_right_arithmetic3A_603 : i32 to vector<16xi32>
      %shift_right_arithmetic3A_605 = arith.shrsi %add3A_602, %shift_right_arithmetic3A_604 : vector<16xi32>
      %and3A_606 = arith.constant 7 : i32
      %and3A_607 = vector.broadcast %and3A_606 : i32 to vector<16xi32>
      %and3A_608 = arith.andi %add3A_602, %and3A_607 : vector<16xi32>
      %gather3A_609 = arith.constant 0 : i32
      %gather3A_610 = arith.constant 0 : i32
      %gather3A_611 = arith.constant 0 : i32
      %gather3A_612 = arith.constant 0 : i32
      %gather3A_613 = tpu.memref_slice %arg6[%gather3A_609, %gather3A_610, %gather3A_611, %gather3A_612] : memref<4x62x8x8xf32, #tpu.memory_space<vmem>> -> memref<1x62x8x8xf32, #tpu.memory_space<vmem>>
      %gather3A_614 = tpu.memref_squeeze %gather3A_613 : memref<1x62x8x8xf32, #tpu.memory_space<vmem>> -> memref<62x8x8xf32, #tpu.memory_space<vmem>>
      %gather3A_615 = tpu.vector_load_idx %gather3A_614[%shift_right_arithmetic3A_605, %and3A_608, %add3A_228] : memref<62x8x8xf32, #tpu.memory_space<vmem>>[vector<16xi32>, vector<16xi32>, vector<16xi32>], vector<16xf32>,
      tpu.vector_store_idx %arg7[%shift_right_arithmetic3A_605, %and3A_608, %add3A_248], %gather3A_615 : memref<62x8x16xf32, #tpu.memory_space<vmem>>[vector<16xi32>, vector<16xi32>, vector<16xi32>], vector<16xf32>,
      %add3A_616 = arith.constant 368 : i32
      %add3A_617 = vector.broadcast %add3A_616 : i32 to vector<16xi32>
      %add3A_618 = arith.addi %iota3A, %add3A_617 : vector<16xi32>
      %shift_right_arithmetic3A_619 = arith.constant 3 : i32
      %shift_right_arithmetic3A_620 = vector.broadcast %shift_right_arithmetic3A_619 : i32 to vector<16xi32>
      %shift_right_arithmetic3A_621 = arith.shrsi %add3A_618, %shift_right_arithmetic3A_620 : vector<16xi32>
      %and3A_622 = arith.constant 7 : i32
      %and3A_623 = vector.broadcast %and3A_622 : i32 to vector<16xi32>
      %and3A_624 = arith.andi %add3A_618, %and3A_623 : vector<16xi32>
      %gather3A_625 = arith.constant 0 : i32
      %gather3A_626 = arith.constant 0 : i32
      %gather3A_627 = arith.constant 0 : i32
      %gather3A_628 = arith.constant 0 : i32
      %gather3A_629 = tpu.memref_slice %arg6[%gather3A_625, %gather3A_626, %gather3A_627, %gather3A_628] : memref<4x62x8x8xf32, #tpu.memory_space<vmem>> -> memref<1x62x8x8xf32, #tpu.memory_space<vmem>>
      %gather3A_630 = tpu.memref_squeeze %gather3A_629 : memref<1x62x8x8xf32, #tpu.memory_space<vmem>> -> memref<62x8x8xf32, #tpu.memory_space<vmem>>
      %gather3A_631 = tpu.vector_load_idx %gather3A_630[%shift_right_arithmetic3A_621, %and3A_624, %add3A_228] : memref<62x8x8xf32, #tpu.memory_space<vmem>>[vector<16xi32>, vector<16xi32>, vector<16xi32>], vector<16xf32>,
      tpu.vector_store_idx %arg7[%shift_right_arithmetic3A_621, %and3A_624, %add3A_248], %gather3A_631 : memref<62x8x16xf32, #tpu.memory_space<vmem>>[vector<16xi32>, vector<16xi32>, vector<16xi32>], vector<16xf32>,
      %add3A_632 = arith.constant 384 : i32
      %add3A_633 = vector.broadcast %add3A_632 : i32 to vector<16xi32>
      %add3A_634 = arith.addi %iota3A, %add3A_633 : vector<16xi32>
      %shift_right_arithmetic3A_635 = arith.constant 3 : i32
      %shift_right_arithmetic3A_636 = vector.broadcast %shift_right_arithmetic3A_635 : i32 to vector<16xi32>
      %shift_right_arithmetic3A_637 = arith.shrsi %add3A_634, %shift_right_arithmetic3A_636 : vector<16xi32>
      %and3A_638 = arith.constant 7 : i32
      %and3A_639 = vector.broadcast %and3A_638 : i32 to vector<16xi32>
      %and3A_640 = arith.andi %add3A_634, %and3A_639 : vector<16xi32>
      %gather3A_641 = arith.constant 0 : i32
      %gather3A_642 = arith.constant 0 : i32
      %gather3A_643 = arith.constant 0 : i32
      %gather3A_644 = arith.constant 0 : i32
      %gather3A_645 = tpu.memref_slice %arg6[%gather3A_641, %gather3A_642, %gather3A_643, %gather3A_644] : memref<4x62x8x8xf32, #tpu.memory_space<vmem>> -> memref<1x62x8x8xf32, #tpu.memory_space<vmem>>
      %gather3A_646 = tpu.memref_squeeze %gather3A_645 : memref<1x62x8x8xf32, #tpu.memory_space<vmem>> -> memref<62x8x8xf32, #tpu.memory_space<vmem>>
      %gather3A_647 = tpu.vector_load_idx %gather3A_646[%shift_right_arithmetic3A_637, %and3A_640, %add3A_228] : memref<62x8x8xf32, #tpu.memory_space<vmem>>[vector<16xi32>, vector<16xi32>, vector<16xi32>], vector<16xf32>,
      tpu.vector_store_idx %arg7[%shift_right_arithmetic3A_637, %and3A_640, %add3A_248], %gather3A_647 : memref<62x8x16xf32, #tpu.memory_space<vmem>>[vector<16xi32>, vector<16xi32>, vector<16xi32>], vector<16xf32>,
      %add3A_648 = arith.constant 400 : i32
      %add3A_649 = vector.broadcast %add3A_648 : i32 to vector<16xi32>
      %add3A_650 = arith.addi %iota3A, %add3A_649 : vector<16xi32>
      %shift_right_arithmetic3A_651 = arith.constant 3 : i32
      %shift_right_arithmetic3A_652 = vector.broadcast %shift_right_arithmetic3A_651 : i32 to vector<16xi32>
      %shift_right_arithmetic3A_653 = arith.shrsi %add3A_650, %shift_right_arithmetic3A_652 : vector<16xi32>
      %and3A_654 = arith.constant 7 : i32
      %and3A_655 = vector.broadcast %and3A_654 : i32 to vector<16xi32>
      %and3A_656 = arith.andi %add3A_650, %and3A_655 : vector<16xi32>
      %gather3A_657 = arith.constant 0 : i32
      %gather3A_658 = arith.constant 0 : i32
      %gather3A_659 = arith.constant 0 : i32
      %gather3A_660 = arith.constant 0 : i32
      %gather3A_661 = tpu.memref_slice %arg6[%gather3A_657, %gather3A_658, %gather3A_659, %gather3A_660] : memref<4x62x8x8xf32, #tpu.memory_space<vmem>> -> memref<1x62x8x8xf32, #tpu.memory_space<vmem>>
      %gather3A_662 = tpu.memref_squeeze %gather3A_661 : memref<1x62x8x8xf32, #tpu.memory_space<vmem>> -> memref<62x8x8xf32, #tpu.memory_space<vmem>>
      %gather3A_663 = tpu.vector_load_idx %gather3A_662[%shift_right_arithmetic3A_653, %and3A_656, %add3A_228] : memref<62x8x8xf32, #tpu.memory_space<vmem>>[vector<16xi32>, vector<16xi32>, vector<16xi32>], vector<16xf32>,
      tpu.vector_store_idx %arg7[%shift_right_arithmetic3A_653, %and3A_656, %add3A_248], %gather3A_663 : memref<62x8x16xf32, #tpu.memory_space<vmem>>[vector<16xi32>, vector<16xi32>, vector<16xi32>], vector<16xf32>,
      %add3A_664 = arith.constant 416 : i32
      %add3A_665 = vector.broadcast %add3A_664 : i32 to vector<16xi32>
      %add3A_666 = arith.addi %iota3A, %add3A_665 : vector<16xi32>
      %shift_right_arithmetic3A_667 = arith.constant 3 : i32
      %shift_right_arithmetic3A_668 = vector.broadcast %shift_right_arithmetic3A_667 : i32 to vector<16xi32>
      %shift_right_arithmetic3A_669 = arith.shrsi %add3A_666, %shift_right_arithmetic3A_668 : vector<16xi32>
      %and3A_670 = arith.constant 7 : i32
      %and3A_671 = vector.broadcast %and3A_670 : i32 to vector<16xi32>
      %and3A_672 = arith.andi %add3A_666, %and3A_671 : vector<16xi32>
      %gather3A_673 = arith.constant 0 : i32
      %gather3A_674 = arith.constant 0 : i32
      %gather3A_675 = arith.constant 0 : i32
      %gather3A_676 = arith.constant 0 : i32
      %gather3A_677 = tpu.memref_slice %arg6[%gather3A_673, %gather3A_674, %gather3A_675, %gather3A_676] : memref<4x62x8x8xf32, #tpu.memory_space<vmem>> -> memref<1x62x8x8xf32, #tpu.memory_space<vmem>>
      %gather3A_678 = tpu.memref_squeeze %gather3A_677 : memref<1x62x8x8xf32, #tpu.memory_space<vmem>> -> memref<62x8x8xf32, #tpu.memory_space<vmem>>
      %gather3A_679 = tpu.vector_load_idx %gather3A_678[%shift_right_arithmetic3A_669, %and3A_672, %add3A_228] : memref<62x8x8xf32, #tpu.memory_space<vmem>>[vector<16xi32>, vector<16xi32>, vector<16xi32>], vector<16xf32>,
      tpu.vector_store_idx %arg7[%shift_right_arithmetic3A_669, %and3A_672, %add3A_248], %gather3A_679 : memref<62x8x16xf32, #tpu.memory_space<vmem>>[vector<16xi32>, vector<16xi32>, vector<16xi32>], vector<16xf32>,
      %add3A_680 = arith.constant 432 : i32
      %add3A_681 = vector.broadcast %add3A_680 : i32 to vector<16xi32>
      %add3A_682 = arith.addi %iota3A, %add3A_681 : vector<16xi32>
      %shift_right_arithmetic3A_683 = arith.constant 3 : i32
      %shift_right_arithmetic3A_684 = vector.broadcast %shift_right_arithmetic3A_683 : i32 to vector<16xi32>
      %shift_right_arithmetic3A_685 = arith.shrsi %add3A_682, %shift_right_arithmetic3A_684 : vector<16xi32>
      %and3A_686 = arith.constant 7 : i32
      %and3A_687 = vector.broadcast %and3A_686 : i32 to vector<16xi32>
      %and3A_688 = arith.andi %add3A_682, %and3A_687 : vector<16xi32>
      %gather3A_689 = arith.constant 0 : i32
      %gather3A_690 = arith.constant 0 : i32
      %gather3A_691 = arith.constant 0 : i32
      %gather3A_692 = arith.constant 0 : i32
      %gather3A_693 = tpu.memref_slice %arg6[%gather3A_689, %gather3A_690, %gather3A_691, %gather3A_692] : memref<4x62x8x8xf32, #tpu.memory_space<vmem>> -> memref<1x62x8x8xf32, #tpu.memory_space<vmem>>
      %gather3A_694 = tpu.memref_squeeze %gather3A_693 : memref<1x62x8x8xf32, #tpu.memory_space<vmem>> -> memref<62x8x8xf32, #tpu.memory_space<vmem>>
      %gather3A_695 = tpu.vector_load_idx %gather3A_694[%shift_right_arithmetic3A_685, %and3A_688, %add3A_228] : memref<62x8x8xf32, #tpu.memory_space<vmem>>[vector<16xi32>, vector<16xi32>, vector<16xi32>], vector<16xf32>,
      tpu.vector_store_idx %arg7[%shift_right_arithmetic3A_685, %and3A_688, %add3A_248], %gather3A_695 : memref<62x8x16xf32, #tpu.memory_space<vmem>>[vector<16xi32>, vector<16xi32>, vector<16xi32>], vector<16xf32>,
      %add3A_696 = arith.constant 448 : i32
      %add3A_697 = vector.broadcast %add3A_696 : i32 to vector<16xi32>
      %add3A_698 = arith.addi %iota3A, %add3A_697 : vector<16xi32>
      %shift_right_arithmetic3A_699 = arith.constant 3 : i32
      %shift_right_arithmetic3A_700 = vector.broadcast %shift_right_arithmetic3A_699 : i32 to vector<16xi32>
      %shift_right_arithmetic3A_701 = arith.shrsi %add3A_698, %shift_right_arithmetic3A_700 : vector<16xi32>
      %and3A_702 = arith.constant 7 : i32
      %and3A_703 = vector.broadcast %and3A_702 : i32 to vector<16xi32>
      %and3A_704 = arith.andi %add3A_698, %and3A_703 : vector<16xi32>
      %gather3A_705 = arith.constant 0 : i32
      %gather3A_706 = arith.constant 0 : i32
      %gather3A_707 = arith.constant 0 : i32
      %gather3A_708 = arith.constant 0 : i32
      %gather3A_709 = tpu.memref_slice %arg6[%gather3A_705, %gather3A_706, %gather3A_707, %gather3A_708] : memref<4x62x8x8xf32, #tpu.memory_space<vmem>> -> memref<1x62x8x8xf32, #tpu.memory_space<vmem>>
      %gather3A_710 = tpu.memref_squeeze %gather3A_709 : memref<1x62x8x8xf32, #tpu.memory_space<vmem>> -> memref<62x8x8xf32, #tpu.memory_space<vmem>>
      %gather3A_711 = tpu.vector_load_idx %gather3A_710[%shift_right_arithmetic3A_701, %and3A_704, %add3A_228] : memref<62x8x8xf32, #tpu.memory_space<vmem>>[vector<16xi32>, vector<16xi32>, vector<16xi32>], vector<16xf32>,
      tpu.vector_store_idx %arg7[%shift_right_arithmetic3A_701, %and3A_704, %add3A_248], %gather3A_711 : memref<62x8x16xf32, #tpu.memory_space<vmem>>[vector<16xi32>, vector<16xi32>, vector<16xi32>], vector<16xf32>,
      %add3A_712 = arith.constant 464 : i32
      %add3A_713 = vector.broadcast %add3A_712 : i32 to vector<16xi32>
      %add3A_714 = arith.addi %iota3A, %add3A_713 : vector<16xi32>
      %shift_right_arithmetic3A_715 = arith.constant 3 : i32
      %shift_right_arithmetic3A_716 = vector.broadcast %shift_right_arithmetic3A_715 : i32 to vector<16xi32>
      %shift_right_arithmetic3A_717 = arith.shrsi %add3A_714, %shift_right_arithmetic3A_716 : vector<16xi32>
      %and3A_718 = arith.constant 7 : i32
      %and3A_719 = vector.broadcast %and3A_718 : i32 to vector<16xi32>
      %and3A_720 = arith.andi %add3A_714, %and3A_719 : vector<16xi32>
      %gather3A_721 = arith.constant 0 : i32
      %gather3A_722 = arith.constant 0 : i32
      %gather3A_723 = arith.constant 0 : i32
      %gather3A_724 = arith.constant 0 : i32
      %gather3A_725 = tpu.memref_slice %arg6[%gather3A_721, %gather3A_722, %gather3A_723, %gather3A_724] : memref<4x62x8x8xf32, #tpu.memory_space<vmem>> -> memref<1x62x8x8xf32, #tpu.memory_space<vmem>>
      %gather3A_726 = tpu.memref_squeeze %gather3A_725 : memref<1x62x8x8xf32, #tpu.memory_space<vmem>> -> memref<62x8x8xf32, #tpu.memory_space<vmem>>
      %gather3A_727 = tpu.vector_load_idx %gather3A_726[%shift_right_arithmetic3A_717, %and3A_720, %add3A_228] : memref<62x8x8xf32, #tpu.memory_space<vmem>>[vector<16xi32>, vector<16xi32>, vector<16xi32>], vector<16xf32>,
      tpu.vector_store_idx %arg7[%shift_right_arithmetic3A_717, %and3A_720, %add3A_248], %gather3A_727 : memref<62x8x16xf32, #tpu.memory_space<vmem>>[vector<16xi32>, vector<16xi32>, vector<16xi32>], vector<16xf32>,
      %add3A_728 = arith.constant 480 : i32
      %add3A_729 = vector.broadcast %add3A_728 : i32 to vector<16xi32>
      %add3A_730 = arith.addi %iota3A, %add3A_729 : vector<16xi32>
      %shift_right_arithmetic3A_731 = arith.constant 3 : i32
      %shift_right_arithmetic3A_732 = vector.broadcast %shift_right_arithmetic3A_731 : i32 to vector<16xi32>
      %shift_right_arithmetic3A_733 = arith.shrsi %add3A_730, %shift_right_arithmetic3A_732 : vector<16xi32>
      %and3A_734 = arith.constant 7 : i32
      %and3A_735 = vector.broadcast %and3A_734 : i32 to vector<16xi32>
      %and3A_736 = arith.andi %add3A_730, %and3A_735 : vector<16xi32>
      %gather3A_737 = arith.constant 0 : i32
      %gather3A_738 = arith.constant 0 : i32
      %gather3A_739 = arith.constant 0 : i32
      %gather3A_740 = arith.constant 0 : i32
      %gather3A_741 = tpu.memref_slice %arg6[%gather3A_737, %gather3A_738, %gather3A_739, %gather3A_740] : memref<4x62x8x8xf32, #tpu.memory_space<vmem>> -> memref<1x62x8x8xf32, #tpu.memory_space<vmem>>
      %gather3A_742 = tpu.memref_squeeze %gather3A_741 : memref<1x62x8x8xf32, #tpu.memory_space<vmem>> -> memref<62x8x8xf32, #tpu.memory_space<vmem>>
      %gather3A_743 = tpu.vector_load_idx %gather3A_742[%shift_right_arithmetic3A_733, %and3A_736, %add3A_228] : memref<62x8x8xf32, #tpu.memory_space<vmem>>[vector<16xi32>, vector<16xi32>, vector<16xi32>], vector<16xf32>,
      tpu.vector_store_idx %arg7[%shift_right_arithmetic3A_733, %and3A_736, %add3A_248], %gather3A_743 : memref<62x8x16xf32, #tpu.memory_space<vmem>>[vector<16xi32>, vector<16xi32>, vector<16xi32>], vector<16xf32>,
      %add3A_744 = arith.constant 0 : i32
      %add3A_745 = arith.addi %mul3A_152, %add3A_744 : i32
      %add3A_746 = arith.constant 4 : i32
      %add3A_747 = arith.addi %add3A_745, %add3A_746 : i32
      %lt3A_748 = arith.constant 256 : i32
      %lt3A_749 = arith.cmpi slt, %add3A_747, %lt3A_748 : i32
      %convert_element_type3A = arith.extui %lt3A_749 : i1 to i32
      %cond3A = arith.constant 0 : i32
      %cond3A_750 = arith.cmpi ne, %convert_element_type3A, %cond3A : i32
      scf.if %cond3A_750 {
        %add3A_2598 = arith.constant 0 : i32
        %add3A_2599 = arith.addi %mul3A_152, %add3A_2598 : i32
        %add3A_2600 = arith.constant 4 : i32
        %add3A_2601 = arith.addi %add3A_2599, %add3A_2600 : i32
        %jit3A_2602 = arith.constant 16 : i32
        %div3A_2603 = arith.divsi %add3A_2601, %jit3A_2602 : i32
        %sign3A_2604 = arith.constant 0 : i32
        %sign3A_2605 = arith.cmpi sgt, %add3A_2601, %sign3A_2604 : i32
        %sign3A_2606 = arith.extui %sign3A_2605 : i1 to i32
        %sign3A_2607 = arith.constant 0 : i32
        %sign3A_2608 = arith.cmpi slt, %add3A_2601, %sign3A_2607 : i32
        %sign3A_2609 = arith.extui %sign3A_2608 : i1 to i32
        %sign3A_2610 = arith.subi %sign3A_2606, %sign3A_2609 : i32
        %sign3A_2611 = arith.constant 0 : i32
        %sign3A_2612 = arith.cmpi sgt, %jit3A_2602, %sign3A_2611 : i32
        %sign3A_2613 = arith.extui %sign3A_2612 : i1 to i32
        %sign3A_2614 = arith.constant 0 : i32
        %sign3A_2615 = arith.cmpi slt, %jit3A_2602, %sign3A_2614 : i32
        %sign3A_2616 = arith.extui %sign3A_2615 : i1 to i32
        %sign3A_2617 = arith.subi %sign3A_2613, %sign3A_2616 : i32
        %ne3A_2618 = arith.cmpi ne, %sign3A_2610, %sign3A_2617 : i32
        %rem3A_2619 = arith.remsi %add3A_2601, %jit3A_2602 : i32
        %ne3A_2620 = arith.constant 0 : i32
        %ne3A_2621 = arith.cmpi ne, %rem3A_2619, %ne3A_2620 : i32
        %and3A_2622 = arith.andi %ne3A_2618, %ne3A_2621 : i1
        %sub3A_2623 = arith.constant 1 : i32
        %sub3A_2624 = arith.subi %div3A_2603, %sub3A_2623 : i32
        %select_n3A_2625 = arith.select %and3A_2622, %sub3A_2624, %div3A_2603 : i32
        %mul3A_2626 = arith.constant 16 : i32
        %mul3A_2627 = arith.muli %select_n3A_2625, %mul3A_2626 : i32
        %get3A_2628 = arith.index_cast %mul3A_2627 : i32 to index
        %get3A_2629 = tpu.vector_load %arg5[%get3A_2628] {strides = array<i32>} : memref<256xi32, #tpu.memory_space<vmem>>, vector<16xi32>,
        %jit3A_2630 = arith.constant 16 : i32
        %eq3A_2631 = arith.constant 0 : i32
        %eq3A_2632 = arith.cmpi eq, %jit3A_2630, %eq3A_2631 : i32
        %jit3A_2633 = arith.constant 1 : i32
        %select_n3A_2634 = arith.select %eq3A_2632, %jit3A_2633, %jit3A_2630 : i32
        %rem3A_2635 = arith.remsi %add3A_2601, %select_n3A_2634 : i32
        %ne3A_2636 = arith.constant 0 : i32
        %ne3A_2637 = arith.cmpi ne, %rem3A_2635, %ne3A_2636 : i32
        %lt3A_2638 = arith.constant 0 : i32
        %lt3A_2639 = arith.cmpi slt, %rem3A_2635, %lt3A_2638 : i32
        %lt3A_2640 = arith.constant 0 : i32
        %lt3A_2641 = arith.cmpi slt, %select_n3A_2634, %lt3A_2640 : i32
        %ne3A_2642 = arith.xori %lt3A_2639, %lt3A_2641 : i1
        %and3A_2643 = arith.andi %ne3A_2642, %ne3A_2637 : i1
        %add3A_2644 = arith.addi %rem3A_2635, %select_n3A_2634 : i32
        %select_n3A_2645 = arith.select %and3A_2643, %add3A_2644, %rem3A_2635 : i32
        %eq3A_2646 = vector.broadcast %select_n3A_2645 : i32 to vector<16xi32>
        %eq3A_2647 = arith.cmpi eq, %iota3A, %eq3A_2646 : vector<16xi32>
        %jit3A_2648 = arith.constant 0 : i32
        %broadcast_in_dim3A_2649 = vector.broadcast %jit3A_2648 : i32 to vector<16xi32>
        %select_n3A_2650 = arith.select %eq3A_2647, %get3A_2629, %broadcast_in_dim3A_2649 : vector<16xi1>, vector<16xi32>
        %reduce_sum3A_2651 = arith.constant true
        %reduce_sum3A_2652 = vector.broadcast %reduce_sum3A_2651 : i1 to vector<16xi1>
        %reduce_sum3A_2653 = tpu.scan <sum>, %select_n3A_2650 masked %reduce_sum3A_2652 : vector<16xi32>, vector<16xi1> -> vector<16xi32>
        %reduce_sum3A_2654 = vector.extract %reduce_sum3A_2653[15] : i32 from vector<16xi32>
        %shift_right_arithmetic3A_2655 = arith.constant 7 : i32
        %shift_right_arithmetic3A_2656 = arith.shrsi %reduce_sum3A_2654, %shift_right_arithmetic3A_2655 : i32
        %and3A_2657 = arith.constant 127 : i32
        %and3A_2658 = arith.andi %reduce_sum3A_2654, %and3A_2657 : i32
        %and3A_2659 = arith.constant -8 : i32
        %and3A_2660 = arith.andi %and3A_2658, %and3A_2659 : i32
        %multiple_of3A_2661 = tpu.assume_multiple %and3A_2660, 8 : i32
        %dma_start3A_2662 = arith.constant 0 : i32
        %dma_start3A_2663 = arith.constant 0 : i32
        %dma_start3A_2664 = arith.constant 0 : i32
        %dma_start3A_2665 = arith.constant 0 : i32
        %dma_start3A_2666 = tpu.memref_slice %arg6[%dma_start3A_2662, %dma_start3A_2663, %dma_start3A_2664, %dma_start3A_2665] : memref<4x62x8x8xf32, #tpu.memory_space<vmem>> -> memref<1x62x8x8xf32, #tpu.memory_space<vmem>>
        %dma_start3A_2667 = tpu.memref_squeeze %dma_start3A_2666 : memref<1x62x8x8xf32, #tpu.memory_space<vmem>> -> memref<62x8x8xf32, #tpu.memory_space<vmem>>
        %dma_start3A_2668 = arith.constant 0 : i32
        %dma_start3A_2669 = arith.constant 0 : i32
        %dma_start3A_2670 = tpu.memref_slice %arg3[%dma_start3A_2668, %shift_right_arithmetic3A_2656, %dma_start3A_2669, %multiple_of3A_2661] : memref<62x1002x8x128xf32, #tpu.memory_space<hbm>> -> memref<62x1x8x8xf32, #tpu.memory_space<hbm>>
        %dma_start3A_2671 = tpu.memref_squeeze %dma_start3A_2670 : memref<62x1x8x8xf32, #tpu.memory_space<hbm>> -> memref<62x8x8xf32, #tpu.memory_space<hbm>>
        %dma_start3A_2672 = arith.constant 0 : i32
        %dma_start3A_2673 = arith.constant 0 : i32
        %dma_start3A_2674 = arith.constant 0 : i32
        %dma_start3A_2675 = tpu.memref_slice %arg6[%dma_start3A_2662, %dma_start3A_2672, %dma_start3A_2673, %dma_start3A_2674] : memref<4x62x8x8xf32, #tpu.memory_space<vmem>> -> memref<1x62x8x8xf32, #tpu.memory_space<vmem>>
        %dma_start3A_2676 = tpu.memref_squeeze %dma_start3A_2675 : memref<1x62x8x8xf32, #tpu.memory_space<vmem>> -> memref<62x8x8xf32, #tpu.memory_space<vmem>>
        %dma_start3A_2677 = arith.constant 0 : i32
        %dma_start3A_2678 = arith.constant 0 : i32
        %dma_start3A_2679 = tpu.memref_slice %arg3[%dma_start3A_2677, %shift_right_arithmetic3A_2656, %dma_start3A_2678, %multiple_of3A_2661] : memref<62x1002x8x128xf32, #tpu.memory_space<hbm>> -> memref<62x1x8x8xf32, #tpu.memory_space<hbm>>
        %dma_start3A_2680 = tpu.memref_squeeze %dma_start3A_2679 : memref<62x1x8x8xf32, #tpu.memory_space<hbm>> -> memref<62x8x8xf32, #tpu.memory_space<hbm>>
        tpu.enqueue_dma source(%dma_start3A_2680 : memref<62x8x8xf32, #tpu.memory_space<hbm>>) target(%dma_start3A_2676 : memref<62x8x8xf32, #tpu.memory_space<vmem>>) target_semaphore(%arg8 : memref<!tpu.dma_semaphore, #tpu.memory_space<semaphore_mem>>)
      } else {
      }
      %add3A_751 = arith.constant 1 : i32
      %add3A_752 = arith.addi %mul3A_152, %add3A_751 : i32
      %dma_wait3A_753 = arith.constant 0 : i32
      %dma_wait3A_754 = arith.constant 1 : i32
      %dma_wait3A_755 = arith.constant 0 : i32
      %dma_wait3A_756 = arith.constant 0 : i32
      %dma_wait3A_757 = arith.constant 0 : i32
      %dma_wait3A_758 = tpu.memref_slice %arg6[%dma_wait3A_754, %dma_wait3A_755, %dma_wait3A_756, %dma_wait3A_757] : memref<4x62x8x8xf32, #tpu.memory_space<vmem>> -> memref<1x62x8x8xf32, #tpu.memory_space<vmem>>
      %dma_wait3A_759 = tpu.memref_squeeze %dma_wait3A_758 : memref<1x62x8x8xf32, #tpu.memory_space<vmem>> -> memref<62x8x8xf32, #tpu.memory_space<vmem>>
      %dma_wait3A_760 = arith.constant 0 : i32
      %dma_wait3A_761 = arith.constant 0 : i32
      %dma_wait3A_762 = arith.constant 0 : i32
      %dma_wait3A_763 = tpu.memref_slice %arg3[%dma_wait3A_760, %dma_wait3A_753, %dma_wait3A_761, %dma_wait3A_762] : memref<62x1002x8x128xf32, #tpu.memory_space<hbm>> -> memref<62x1x8x8xf32, #tpu.memory_space<hbm>>
      %dma_wait3A_764 = tpu.memref_squeeze %dma_wait3A_763 : memref<62x1x8x8xf32, #tpu.memory_space<hbm>> -> memref<62x8x8xf32, #tpu.memory_space<hbm>>
      %dma_wait3A_765 = arith.constant 0 : i32
      %dma_wait3A_766 = arith.constant 0 : i32
      %dma_wait3A_767 = arith.constant 0 : i32
      %dma_wait3A_768 = tpu.memref_slice %arg6[%dma_wait3A_754, %dma_wait3A_765, %dma_wait3A_766, %dma_wait3A_767] : memref<4x62x8x8xf32, #tpu.memory_space<vmem>> -> memref<1x62x8x8xf32, #tpu.memory_space<vmem>>
      %dma_wait3A_769 = tpu.memref_squeeze %dma_wait3A_768 : memref<1x62x8x8xf32, #tpu.memory_space<vmem>> -> memref<62x8x8xf32, #tpu.memory_space<vmem>>
      %dma_wait3A_770 = arith.constant 0 : i32
      %dma_wait3A_771 = arith.constant 0 : i32
      %dma_wait3A_772 = arith.constant 0 : i32
      %dma_wait3A_773 = tpu.memref_slice %arg3[%dma_wait3A_770, %dma_wait3A_753, %dma_wait3A_771, %dma_wait3A_772] : memref<62x1002x8x128xf32, #tpu.memory_space<hbm>> -> memref<62x1x8x8xf32, #tpu.memory_space<hbm>>
      %dma_wait3A_774 = tpu.memref_squeeze %dma_wait3A_773 : memref<62x1x8x8xf32, #tpu.memory_space<hbm>> -> memref<62x8x8xf32, #tpu.memory_space<hbm>>
      tpu.wait_dma2 semaphore(%arg9 : memref<!tpu.dma_semaphore, #tpu.memory_space<semaphore_mem>>) src(%dma_wait3A_774 : memref<62x8x8xf32, #tpu.memory_space<hbm>>) dst(%dma_wait3A_769 : memref<62x8x8xf32, #tpu.memory_space<vmem>>)
      %jit3A_775 = arith.constant 16 : i32
      %div3A_776 = arith.divsi %add3A_752, %jit3A_775 : i32
      %sign3A_777 = arith.constant 0 : i32
      %sign3A_778 = arith.cmpi sgt, %add3A_752, %sign3A_777 : i32
      %sign3A_779 = arith.extui %sign3A_778 : i1 to i32
      %sign3A_780 = arith.constant 0 : i32
      %sign3A_781 = arith.cmpi slt, %add3A_752, %sign3A_780 : i32
      %sign3A_782 = arith.extui %sign3A_781 : i1 to i32
      %sign3A_783 = arith.subi %sign3A_779, %sign3A_782 : i32
      %sign3A_784 = arith.constant 0 : i32
      %sign3A_785 = arith.cmpi sgt, %jit3A_775, %sign3A_784 : i32
      %sign3A_786 = arith.extui %sign3A_785 : i1 to i32
      %sign3A_787 = arith.constant 0 : i32
      %sign3A_788 = arith.cmpi slt, %jit3A_775, %sign3A_787 : i32
      %sign3A_789 = arith.extui %sign3A_788 : i1 to i32
      %sign3A_790 = arith.subi %sign3A_786, %sign3A_789 : i32
      %ne3A_791 = arith.cmpi ne, %sign3A_783, %sign3A_790 : i32
      %rem3A_792 = arith.remsi %add3A_752, %jit3A_775 : i32
      %ne3A_793 = arith.constant 0 : i32
      %ne3A_794 = arith.cmpi ne, %rem3A_792, %ne3A_793 : i32
      %and3A_795 = arith.andi %ne3A_791, %ne3A_794 : i1
      %sub3A_796 = arith.constant 1 : i32
      %sub3A_797 = arith.subi %div3A_776, %sub3A_796 : i32
      %select_n3A_798 = arith.select %and3A_795, %sub3A_797, %div3A_776 : i32
      %mul3A_799 = arith.constant 16 : i32
      %mul3A_800 = arith.muli %select_n3A_798, %mul3A_799 : i32
      %get3A_801 = arith.index_cast %mul3A_800 : i32 to index
      %get3A_802 = tpu.vector_load %arg5[%get3A_801] {strides = array<i32>} : memref<256xi32, #tpu.memory_space<vmem>>, vector<16xi32>,
      %jit3A_803 = arith.constant 16 : i32
      %eq3A_804 = arith.constant 0 : i32
      %eq3A_805 = arith.cmpi eq, %jit3A_803, %eq3A_804 : i32
      %jit3A_806 = arith.constant 1 : i32
      %select_n3A_807 = arith.select %eq3A_805, %jit3A_806, %jit3A_803 : i32
      %rem3A_808 = arith.remsi %add3A_752, %select_n3A_807 : i32
      %ne3A_809 = arith.constant 0 : i32
      %ne3A_810 = arith.cmpi ne, %rem3A_808, %ne3A_809 : i32
      %lt3A_811 = arith.constant 0 : i32
      %lt3A_812 = arith.cmpi slt, %rem3A_808, %lt3A_811 : i32
      %lt3A_813 = arith.constant 0 : i32
      %lt3A_814 = arith.cmpi slt, %select_n3A_807, %lt3A_813 : i32
      %ne3A_815 = arith.xori %lt3A_812, %lt3A_814 : i1
      %and3A_816 = arith.andi %ne3A_815, %ne3A_810 : i1
      %add3A_817 = arith.addi %rem3A_808, %select_n3A_807 : i32
      %select_n3A_818 = arith.select %and3A_816, %add3A_817, %rem3A_808 : i32
      %eq3A_819 = vector.broadcast %select_n3A_818 : i32 to vector<16xi32>
      %eq3A_820 = arith.cmpi eq, %iota3A, %eq3A_819 : vector<16xi32>
      %jit3A_821 = arith.constant 0 : i32
      %broadcast_in_dim3A_822 = vector.broadcast %jit3A_821 : i32 to vector<16xi32>
      %select_n3A_823 = arith.select %eq3A_820, %get3A_802, %broadcast_in_dim3A_822 : vector<16xi1>, vector<16xi32>
      %reduce_sum3A_824 = arith.constant true
      %reduce_sum3A_825 = vector.broadcast %reduce_sum3A_824 : i1 to vector<16xi1>
      %reduce_sum3A_826 = tpu.scan <sum>, %select_n3A_823 masked %reduce_sum3A_825 : vector<16xi32>, vector<16xi1> -> vector<16xi32>
      %reduce_sum3A_827 = vector.extract %reduce_sum3A_826[15] : i32 from vector<16xi32>
      %and3A_828 = arith.constant 7 : i32
      %and3A_829 = arith.andi %reduce_sum3A_827, %and3A_828 : i32
      %broadcast_in_dim3A_830 = arith.constant 0 : i32
      %broadcast_in_dim3A_831 = vector.broadcast %broadcast_in_dim3A_830 : i32 to vector<16xi32>
      %add3A_832 = vector.broadcast %and3A_829 : i32 to vector<16xi32>
      %add3A_833 = arith.addi %broadcast_in_dim3A_831, %add3A_832 : vector<16xi32>
      %broadcast_in_dim3A_834 = arith.constant 0 : i32
      %broadcast_in_dim3A_835 = vector.broadcast %broadcast_in_dim3A_834 : i32 to vector<16xi32>
      %jit3A_836 = arith.constant 16 : i32
      %eq3A_837 = arith.constant 0 : i32
      %eq3A_838 = arith.cmpi eq, %jit3A_836, %eq3A_837 : i32
      %jit3A_839 = arith.constant 1 : i32
      %select_n3A_840 = arith.select %eq3A_838, %jit3A_839, %jit3A_836 : i32
      %rem3A_841 = arith.remsi %add3A_752, %select_n3A_840 : i32
      %ne3A_842 = arith.constant 0 : i32
      %ne3A_843 = arith.cmpi ne, %rem3A_841, %ne3A_842 : i32
      %lt3A_844 = arith.constant 0 : i32
      %lt3A_845 = arith.cmpi slt, %rem3A_841, %lt3A_844 : i32
      %lt3A_846 = arith.constant 0 : i32
      %lt3A_847 = arith.cmpi slt, %select_n3A_840, %lt3A_846 : i32
      %ne3A_848 = arith.xori %lt3A_845, %lt3A_847 : i1
      %and3A_849 = arith.andi %ne3A_848, %ne3A_843 : i1
      %add3A_850 = arith.addi %rem3A_841, %select_n3A_840 : i32
      %select_n3A_851 = arith.select %and3A_849, %add3A_850, %rem3A_841 : i32
      %add3A_852 = vector.broadcast %select_n3A_851 : i32 to vector<16xi32>
      %add3A_853 = arith.addi %broadcast_in_dim3A_835, %add3A_852 : vector<16xi32>
      %add3A_854 = arith.constant 0 : i32
      %add3A_855 = vector.broadcast %add3A_854 : i32 to vector<16xi32>
      %add3A_856 = arith.addi %iota3A, %add3A_855 : vector<16xi32>
      %shift_right_arithmetic3A_857 = arith.constant 3 : i32
      %shift_right_arithmetic3A_858 = vector.broadcast %shift_right_arithmetic3A_857 : i32 to vector<16xi32>
      %shift_right_arithmetic3A_859 = arith.shrsi %add3A_856, %shift_right_arithmetic3A_858 : vector<16xi32>
      %and3A_860 = arith.constant 7 : i32
      %and3A_861 = vector.broadcast %and3A_860 : i32 to vector<16xi32>
      %and3A_862 = arith.andi %add3A_856, %and3A_861 : vector<16xi32>
      %gather3A_863 = arith.constant 1 : i32
      %gather3A_864 = arith.constant 0 : i32
      %gather3A_865 = arith.constant 0 : i32
      %gather3A_866 = arith.constant 0 : i32
      %gather3A_867 = tpu.memref_slice %arg6[%gather3A_863, %gather3A_864, %gather3A_865, %gather3A_866] : memref<4x62x8x8xf32, #tpu.memory_space<vmem>> -> memref<1x62x8x8xf32, #tpu.memory_space<vmem>>
      %gather3A_868 = tpu.memref_squeeze %gather3A_867 : memref<1x62x8x8xf32, #tpu.memory_space<vmem>> -> memref<62x8x8xf32, #tpu.memory_space<vmem>>
      %gather3A_869 = tpu.vector_load_idx %gather3A_868[%shift_right_arithmetic3A_859, %and3A_862, %add3A_833] : memref<62x8x8xf32, #tpu.memory_space<vmem>>[vector<16xi32>, vector<16xi32>, vector<16xi32>], vector<16xf32>,
      tpu.vector_store_idx %arg7[%shift_right_arithmetic3A_859, %and3A_862, %add3A_853], %gather3A_869 : memref<62x8x16xf32, #tpu.memory_space<vmem>>[vector<16xi32>, vector<16xi32>, vector<16xi32>], vector<16xf32>,
      %add3A_870 = arith.constant 16 : i32
      %add3A_871 = vector.broadcast %add3A_870 : i32 to vector<16xi32>
      %add3A_872 = arith.addi %iota3A, %add3A_871 : vector<16xi32>
      %shift_right_arithmetic3A_873 = arith.constant 3 : i32
      %shift_right_arithmetic3A_874 = vector.broadcast %shift_right_arithmetic3A_873 : i32 to vector<16xi32>
      %shift_right_arithmetic3A_875 = arith.shrsi %add3A_872, %shift_right_arithmetic3A_874 : vector<16xi32>
      %and3A_876 = arith.constant 7 : i32
      %and3A_877 = vector.broadcast %and3A_876 : i32 to vector<16xi32>
      %and3A_878 = arith.andi %add3A_872, %and3A_877 : vector<16xi32>
      %gather3A_879 = arith.constant 1 : i32
      %gather3A_880 = arith.constant 0 : i32
      %gather3A_881 = arith.constant 0 : i32
      %gather3A_882 = arith.constant 0 : i32
      %gather3A_883 = tpu.memref_slice %arg6[%gather3A_879, %gather3A_880, %gather3A_881, %gather3A_882] : memref<4x62x8x8xf32, #tpu.memory_space<vmem>> -> memref<1x62x8x8xf32, #tpu.memory_space<vmem>>
      %gather3A_884 = tpu.memref_squeeze %gather3A_883 : memref<1x62x8x8xf32, #tpu.memory_space<vmem>> -> memref<62x8x8xf32, #tpu.memory_space<vmem>>
      %gather3A_885 = tpu.vector_load_idx %gather3A_884[%shift_right_arithmetic3A_875, %and3A_878, %add3A_833] : memref<62x8x8xf32, #tpu.memory_space<vmem>>[vector<16xi32>, vector<16xi32>, vector<16xi32>], vector<16xf32>,
      tpu.vector_store_idx %arg7[%shift_right_arithmetic3A_875, %and3A_878, %add3A_853], %gather3A_885 : memref<62x8x16xf32, #tpu.memory_space<vmem>>[vector<16xi32>, vector<16xi32>, vector<16xi32>], vector<16xf32>,
      %add3A_886 = arith.constant 32 : i32
      %add3A_887 = vector.broadcast %add3A_886 : i32 to vector<16xi32>
      %add3A_888 = arith.addi %iota3A, %add3A_887 : vector<16xi32>
      %shift_right_arithmetic3A_889 = arith.constant 3 : i32
      %shift_right_arithmetic3A_890 = vector.broadcast %shift_right_arithmetic3A_889 : i32 to vector<16xi32>
      %shift_right_arithmetic3A_891 = arith.shrsi %add3A_888, %shift_right_arithmetic3A_890 : vector<16xi32>
      %and3A_892 = arith.constant 7 : i32
      %and3A_893 = vector.broadcast %and3A_892 : i32 to vector<16xi32>
      %and3A_894 = arith.andi %add3A_888, %and3A_893 : vector<16xi32>
      %gather3A_895 = arith.constant 1 : i32
      %gather3A_896 = arith.constant 0 : i32
      %gather3A_897 = arith.constant 0 : i32
      %gather3A_898 = arith.constant 0 : i32
      %gather3A_899 = tpu.memref_slice %arg6[%gather3A_895, %gather3A_896, %gather3A_897, %gather3A_898] : memref<4x62x8x8xf32, #tpu.memory_space<vmem>> -> memref<1x62x8x8xf32, #tpu.memory_space<vmem>>
      %gather3A_900 = tpu.memref_squeeze %gather3A_899 : memref<1x62x8x8xf32, #tpu.memory_space<vmem>> -> memref<62x8x8xf32, #tpu.memory_space<vmem>>
      %gather3A_901 = tpu.vector_load_idx %gather3A_900[%shift_right_arithmetic3A_891, %and3A_894, %add3A_833] : memref<62x8x8xf32, #tpu.memory_space<vmem>>[vector<16xi32>, vector<16xi32>, vector<16xi32>], vector<16xf32>,
      tpu.vector_store_idx %arg7[%shift_right_arithmetic3A_891, %and3A_894, %add3A_853], %gather3A_901 : memref<62x8x16xf32, #tpu.memory_space<vmem>>[vector<16xi32>, vector<16xi32>, vector<16xi32>], vector<16xf32>,
      %add3A_902 = arith.constant 48 : i32
      %add3A_903 = vector.broadcast %add3A_902 : i32 to vector<16xi32>
      %add3A_904 = arith.addi %iota3A, %add3A_903 : vector<16xi32>
      %shift_right_arithmetic3A_905 = arith.constant 3 : i32
      %shift_right_arithmetic3A_906 = vector.broadcast %shift_right_arithmetic3A_905 : i32 to vector<16xi32>
      %shift_right_arithmetic3A_907 = arith.shrsi %add3A_904, %shift_right_arithmetic3A_906 : vector<16xi32>
      %and3A_908 = arith.constant 7 : i32
      %and3A_909 = vector.broadcast %and3A_908 : i32 to vector<16xi32>
      %and3A_910 = arith.andi %add3A_904, %and3A_909 : vector<16xi32>
      %gather3A_911 = arith.constant 1 : i32
      %gather3A_912 = arith.constant 0 : i32
      %gather3A_913 = arith.constant 0 : i32
      %gather3A_914 = arith.constant 0 : i32
      %gather3A_915 = tpu.memref_slice %arg6[%gather3A_911, %gather3A_912, %gather3A_913, %gather3A_914] : memref<4x62x8x8xf32, #tpu.memory_space<vmem>> -> memref<1x62x8x8xf32, #tpu.memory_space<vmem>>
      %gather3A_916 = tpu.memref_squeeze %gather3A_915 : memref<1x62x8x8xf32, #tpu.memory_space<vmem>> -> memref<62x8x8xf32, #tpu.memory_space<vmem>>
      %gather3A_917 = tpu.vector_load_idx %gather3A_916[%shift_right_arithmetic3A_907, %and3A_910, %add3A_833] : memref<62x8x8xf32, #tpu.memory_space<vmem>>[vector<16xi32>, vector<16xi32>, vector<16xi32>], vector<16xf32>,
      tpu.vector_store_idx %arg7[%shift_right_arithmetic3A_907, %and3A_910, %add3A_853], %gather3A_917 : memref<62x8x16xf32, #tpu.memory_space<vmem>>[vector<16xi32>, vector<16xi32>, vector<16xi32>], vector<16xf32>,
      %add3A_918 = arith.constant 64 : i32
      %add3A_919 = vector.broadcast %add3A_918 : i32 to vector<16xi32>
      %add3A_920 = arith.addi %iota3A, %add3A_919 : vector<16xi32>
      %shift_right_arithmetic3A_921 = arith.constant 3 : i32
      %shift_right_arithmetic3A_922 = vector.broadcast %shift_right_arithmetic3A_921 : i32 to vector<16xi32>
      %shift_right_arithmetic3A_923 = arith.shrsi %add3A_920, %shift_right_arithmetic3A_922 : vector<16xi32>
      %and3A_924 = arith.constant 7 : i32
      %and3A_925 = vector.broadcast %and3A_924 : i32 to vector<16xi32>
      %and3A_926 = arith.andi %add3A_920, %and3A_925 : vector<16xi32>
      %gather3A_927 = arith.constant 1 : i32
      %gather3A_928 = arith.constant 0 : i32
      %gather3A_929 = arith.constant 0 : i32
      %gather3A_930 = arith.constant 0 : i32
      %gather3A_931 = tpu.memref_slice %arg6[%gather3A_927, %gather3A_928, %gather3A_929, %gather3A_930] : memref<4x62x8x8xf32, #tpu.memory_space<vmem>> -> memref<1x62x8x8xf32, #tpu.memory_space<vmem>>
      %gather3A_932 = tpu.memref_squeeze %gather3A_931 : memref<1x62x8x8xf32, #tpu.memory_space<vmem>> -> memref<62x8x8xf32, #tpu.memory_space<vmem>>
      %gather3A_933 = tpu.vector_load_idx %gather3A_932[%shift_right_arithmetic3A_923, %and3A_926, %add3A_833] : memref<62x8x8xf32, #tpu.memory_space<vmem>>[vector<16xi32>, vector<16xi32>, vector<16xi32>], vector<16xf32>,
      tpu.vector_store_idx %arg7[%shift_right_arithmetic3A_923, %and3A_926, %add3A_853], %gather3A_933 : memref<62x8x16xf32, #tpu.memory_space<vmem>>[vector<16xi32>, vector<16xi32>, vector<16xi32>], vector<16xf32>,
      %add3A_934 = arith.constant 80 : i32
      %add3A_935 = vector.broadcast %add3A_934 : i32 to vector<16xi32>
      %add3A_936 = arith.addi %iota3A, %add3A_935 : vector<16xi32>
      %shift_right_arithmetic3A_937 = arith.constant 3 : i32
      %shift_right_arithmetic3A_938 = vector.broadcast %shift_right_arithmetic3A_937 : i32 to vector<16xi32>
      %shift_right_arithmetic3A_939 = arith.shrsi %add3A_936, %shift_right_arithmetic3A_938 : vector<16xi32>
      %and3A_940 = arith.constant 7 : i32
      %and3A_941 = vector.broadcast %and3A_940 : i32 to vector<16xi32>
      %and3A_942 = arith.andi %add3A_936, %and3A_941 : vector<16xi32>
      %gather3A_943 = arith.constant 1 : i32
      %gather3A_944 = arith.constant 0 : i32
      %gather3A_945 = arith.constant 0 : i32
      %gather3A_946 = arith.constant 0 : i32
      %gather3A_947 = tpu.memref_slice %arg6[%gather3A_943, %gather3A_944, %gather3A_945, %gather3A_946] : memref<4x62x8x8xf32, #tpu.memory_space<vmem>> -> memref<1x62x8x8xf32, #tpu.memory_space<vmem>>
      %gather3A_948 = tpu.memref_squeeze %gather3A_947 : memref<1x62x8x8xf32, #tpu.memory_space<vmem>> -> memref<62x8x8xf32, #tpu.memory_space<vmem>>
      %gather3A_949 = tpu.vector_load_idx %gather3A_948[%shift_right_arithmetic3A_939, %and3A_942, %add3A_833] : memref<62x8x8xf32, #tpu.memory_space<vmem>>[vector<16xi32>, vector<16xi32>, vector<16xi32>], vector<16xf32>,
      tpu.vector_store_idx %arg7[%shift_right_arithmetic3A_939, %and3A_942, %add3A_853], %gather3A_949 : memref<62x8x16xf32, #tpu.memory_space<vmem>>[vector<16xi32>, vector<16xi32>, vector<16xi32>], vector<16xf32>,
      %add3A_950 = arith.constant 96 : i32
      %add3A_951 = vector.broadcast %add3A_950 : i32 to vector<16xi32>
      %add3A_952 = arith.addi %iota3A, %add3A_951 : vector<16xi32>
      %shift_right_arithmetic3A_953 = arith.constant 3 : i32
      %shift_right_arithmetic3A_954 = vector.broadcast %shift_right_arithmetic3A_953 : i32 to vector<16xi32>
      %shift_right_arithmetic3A_955 = arith.shrsi %add3A_952, %shift_right_arithmetic3A_954 : vector<16xi32>
      %and3A_956 = arith.constant 7 : i32
      %and3A_957 = vector.broadcast %and3A_956 : i32 to vector<16xi32>
      %and3A_958 = arith.andi %add3A_952, %and3A_957 : vector<16xi32>
      %gather3A_959 = arith.constant 1 : i32
      %gather3A_960 = arith.constant 0 : i32
      %gather3A_961 = arith.constant 0 : i32
      %gather3A_962 = arith.constant 0 : i32
      %gather3A_963 = tpu.memref_slice %arg6[%gather3A_959, %gather3A_960, %gather3A_961, %gather3A_962] : memref<4x62x8x8xf32, #tpu.memory_space<vmem>> -> memref<1x62x8x8xf32, #tpu.memory_space<vmem>>
      %gather3A_964 = tpu.memref_squeeze %gather3A_963 : memref<1x62x8x8xf32, #tpu.memory_space<vmem>> -> memref<62x8x8xf32, #tpu.memory_space<vmem>>
      %gather3A_965 = tpu.vector_load_idx %gather3A_964[%shift_right_arithmetic3A_955, %and3A_958, %add3A_833] : memref<62x8x8xf32, #tpu.memory_space<vmem>>[vector<16xi32>, vector<16xi32>, vector<16xi32>], vector<16xf32>,
      tpu.vector_store_idx %arg7[%shift_right_arithmetic3A_955, %and3A_958, %add3A_853], %gather3A_965 : memref<62x8x16xf32, #tpu.memory_space<vmem>>[vector<16xi32>, vector<16xi32>, vector<16xi32>], vector<16xf32>,
      %add3A_966 = arith.constant 112 : i32
      %add3A_967 = vector.broadcast %add3A_966 : i32 to vector<16xi32>
      %add3A_968 = arith.addi %iota3A, %add3A_967 : vector<16xi32>
      %shift_right_arithmetic3A_969 = arith.constant 3 : i32
      %shift_right_arithmetic3A_970 = vector.broadcast %shift_right_arithmetic3A_969 : i32 to vector<16xi32>
      %shift_right_arithmetic3A_971 = arith.shrsi %add3A_968, %shift_right_arithmetic3A_970 : vector<16xi32>
      %and3A_972 = arith.constant 7 : i32
      %and3A_973 = vector.broadcast %and3A_972 : i32 to vector<16xi32>
      %and3A_974 = arith.andi %add3A_968, %and3A_973 : vector<16xi32>
      %gather3A_975 = arith.constant 1 : i32
      %gather3A_976 = arith.constant 0 : i32
      %gather3A_977 = arith.constant 0 : i32
      %gather3A_978 = arith.constant 0 : i32
      %gather3A_979 = tpu.memref_slice %arg6[%gather3A_975, %gather3A_976, %gather3A_977, %gather3A_978] : memref<4x62x8x8xf32, #tpu.memory_space<vmem>> -> memref<1x62x8x8xf32, #tpu.memory_space<vmem>>
      %gather3A_980 = tpu.memref_squeeze %gather3A_979 : memref<1x62x8x8xf32, #tpu.memory_space<vmem>> -> memref<62x8x8xf32, #tpu.memory_space<vmem>>
      %gather3A_981 = tpu.vector_load_idx %gather3A_980[%shift_right_arithmetic3A_971, %and3A_974, %add3A_833] : memref<62x8x8xf32, #tpu.memory_space<vmem>>[vector<16xi32>, vector<16xi32>, vector<16xi32>], vector<16xf32>,
      tpu.vector_store_idx %arg7[%shift_right_arithmetic3A_971, %and3A_974, %add3A_853], %gather3A_981 : memref<62x8x16xf32, #tpu.memory_space<vmem>>[vector<16xi32>, vector<16xi32>, vector<16xi32>], vector<16xf32>,
      %add3A_982 = arith.constant 128 : i32
      %add3A_983 = vector.broadcast %add3A_982 : i32 to vector<16xi32>
      %add3A_984 = arith.addi %iota3A, %add3A_983 : vector<16xi32>
      %shift_right_arithmetic3A_985 = arith.constant 3 : i32
      %shift_right_arithmetic3A_986 = vector.broadcast %shift_right_arithmetic3A_985 : i32 to vector<16xi32>
      %shift_right_arithmetic3A_987 = arith.shrsi %add3A_984, %shift_right_arithmetic3A_986 : vector<16xi32>
      %and3A_988 = arith.constant 7 : i32
      %and3A_989 = vector.broadcast %and3A_988 : i32 to vector<16xi32>
      %and3A_990 = arith.andi %add3A_984, %and3A_989 : vector<16xi32>
      %gather3A_991 = arith.constant 1 : i32
      %gather3A_992 = arith.constant 0 : i32
      %gather3A_993 = arith.constant 0 : i32
      %gather3A_994 = arith.constant 0 : i32
      %gather3A_995 = tpu.memref_slice %arg6[%gather3A_991, %gather3A_992, %gather3A_993, %gather3A_994] : memref<4x62x8x8xf32, #tpu.memory_space<vmem>> -> memref<1x62x8x8xf32, #tpu.memory_space<vmem>>
      %gather3A_996 = tpu.memref_squeeze %gather3A_995 : memref<1x62x8x8xf32, #tpu.memory_space<vmem>> -> memref<62x8x8xf32, #tpu.memory_space<vmem>>
      %gather3A_997 = tpu.vector_load_idx %gather3A_996[%shift_right_arithmetic3A_987, %and3A_990, %add3A_833] : memref<62x8x8xf32, #tpu.memory_space<vmem>>[vector<16xi32>, vector<16xi32>, vector<16xi32>], vector<16xf32>,
      tpu.vector_store_idx %arg7[%shift_right_arithmetic3A_987, %and3A_990, %add3A_853], %gather3A_997 : memref<62x8x16xf32, #tpu.memory_space<vmem>>[vector<16xi32>, vector<16xi32>, vector<16xi32>], vector<16xf32>,
      %add3A_998 = arith.constant 144 : i32
      %add3A_999 = vector.broadcast %add3A_998 : i32 to vector<16xi32>
      %add3A_1000 = arith.addi %iota3A, %add3A_999 : vector<16xi32>
      %shift_right_arithmetic3A_1001 = arith.constant 3 : i32
      %shift_right_arithmetic3A_1002 = vector.broadcast %shift_right_arithmetic3A_1001 : i32 to vector<16xi32>
      %shift_right_arithmetic3A_1003 = arith.shrsi %add3A_1000, %shift_right_arithmetic3A_1002 : vector<16xi32>
      %and3A_1004 = arith.constant 7 : i32
      %and3A_1005 = vector.broadcast %and3A_1004 : i32 to vector<16xi32>
      %and3A_1006 = arith.andi %add3A_1000, %and3A_1005 : vector<16xi32>
      %gather3A_1007 = arith.constant 1 : i32
      %gather3A_1008 = arith.constant 0 : i32
      %gather3A_1009 = arith.constant 0 : i32
      %gather3A_1010 = arith.constant 0 : i32
      %gather3A_1011 = tpu.memref_slice %arg6[%gather3A_1007, %gather3A_1008, %gather3A_1009, %gather3A_1010] : memref<4x62x8x8xf32, #tpu.memory_space<vmem>> -> memref<1x62x8x8xf32, #tpu.memory_space<vmem>>
      %gather3A_1012 = tpu.memref_squeeze %gather3A_1011 : memref<1x62x8x8xf32, #tpu.memory_space<vmem>> -> memref<62x8x8xf32, #tpu.memory_space<vmem>>
      %gather3A_1013 = tpu.vector_load_idx %gather3A_1012[%shift_right_arithmetic3A_1003, %and3A_1006, %add3A_833] : memref<62x8x8xf32, #tpu.memory_space<vmem>>[vector<16xi32>, vector<16xi32>, vector<16xi32>], vector<16xf32>,
      tpu.vector_store_idx %arg7[%shift_right_arithmetic3A_1003, %and3A_1006, %add3A_853], %gather3A_1013 : memref<62x8x16xf32, #tpu.memory_space<vmem>>[vector<16xi32>, vector<16xi32>, vector<16xi32>], vector<16xf32>,
      %add3A_1014 = arith.constant 160 : i32
      %add3A_1015 = vector.broadcast %add3A_1014 : i32 to vector<16xi32>
      %add3A_1016 = arith.addi %iota3A, %add3A_1015 : vector<16xi32>
      %shift_right_arithmetic3A_1017 = arith.constant 3 : i32
      %shift_right_arithmetic3A_1018 = vector.broadcast %shift_right_arithmetic3A_1017 : i32 to vector<16xi32>
      %shift_right_arithmetic3A_1019 = arith.shrsi %add3A_1016, %shift_right_arithmetic3A_1018 : vector<16xi32>
      %and3A_1020 = arith.constant 7 : i32
      %and3A_1021 = vector.broadcast %and3A_1020 : i32 to vector<16xi32>
      %and3A_1022 = arith.andi %add3A_1016, %and3A_1021 : vector<16xi32>
      %gather3A_1023 = arith.constant 1 : i32
      %gather3A_1024 = arith.constant 0 : i32
      %gather3A_1025 = arith.constant 0 : i32
      %gather3A_1026 = arith.constant 0 : i32
      %gather3A_1027 = tpu.memref_slice %arg6[%gather3A_1023, %gather3A_1024, %gather3A_1025, %gather3A_1026] : memref<4x62x8x8xf32, #tpu.memory_space<vmem>> -> memref<1x62x8x8xf32, #tpu.memory_space<vmem>>
      %gather3A_1028 = tpu.memref_squeeze %gather3A_1027 : memref<1x62x8x8xf32, #tpu.memory_space<vmem>> -> memref<62x8x8xf32, #tpu.memory_space<vmem>>
      %gather3A_1029 = tpu.vector_load_idx %gather3A_1028[%shift_right_arithmetic3A_1019, %and3A_1022, %add3A_833] : memref<62x8x8xf32, #tpu.memory_space<vmem>>[vector<16xi32>, vector<16xi32>, vector<16xi32>], vector<16xf32>,
      tpu.vector_store_idx %arg7[%shift_right_arithmetic3A_1019, %and3A_1022, %add3A_853], %gather3A_1029 : memref<62x8x16xf32, #tpu.memory_space<vmem>>[vector<16xi32>, vector<16xi32>, vector<16xi32>], vector<16xf32>,
      %add3A_1030 = arith.constant 176 : i32
      %add3A_1031 = vector.broadcast %add3A_1030 : i32 to vector<16xi32>
      %add3A_1032 = arith.addi %iota3A, %add3A_1031 : vector<16xi32>
      %shift_right_arithmetic3A_1033 = arith.constant 3 : i32
      %shift_right_arithmetic3A_1034 = vector.broadcast %shift_right_arithmetic3A_1033 : i32 to vector<16xi32>
      %shift_right_arithmetic3A_1035 = arith.shrsi %add3A_1032, %shift_right_arithmetic3A_1034 : vector<16xi32>
      %and3A_1036 = arith.constant 7 : i32
      %and3A_1037 = vector.broadcast %and3A_1036 : i32 to vector<16xi32>
      %and3A_1038 = arith.andi %add3A_1032, %and3A_1037 : vector<16xi32>
      %gather3A_1039 = arith.constant 1 : i32
      %gather3A_1040 = arith.constant 0 : i32
      %gather3A_1041 = arith.constant 0 : i32
      %gather3A_1042 = arith.constant 0 : i32
      %gather3A_1043 = tpu.memref_slice %arg6[%gather3A_1039, %gather3A_1040, %gather3A_1041, %gather3A_1042] : memref<4x62x8x8xf32, #tpu.memory_space<vmem>> -> memref<1x62x8x8xf32, #tpu.memory_space<vmem>>
      %gather3A_1044 = tpu.memref_squeeze %gather3A_1043 : memref<1x62x8x8xf32, #tpu.memory_space<vmem>> -> memref<62x8x8xf32, #tpu.memory_space<vmem>>
      %gather3A_1045 = tpu.vector_load_idx %gather3A_1044[%shift_right_arithmetic3A_1035, %and3A_1038, %add3A_833] : memref<62x8x8xf32, #tpu.memory_space<vmem>>[vector<16xi32>, vector<16xi32>, vector<16xi32>], vector<16xf32>,
      tpu.vector_store_idx %arg7[%shift_right_arithmetic3A_1035, %and3A_1038, %add3A_853], %gather3A_1045 : memref<62x8x16xf32, #tpu.memory_space<vmem>>[vector<16xi32>, vector<16xi32>, vector<16xi32>], vector<16xf32>,
      %add3A_1046 = arith.constant 192 : i32
      %add3A_1047 = vector.broadcast %add3A_1046 : i32 to vector<16xi32>
      %add3A_1048 = arith.addi %iota3A, %add3A_1047 : vector<16xi32>
      %shift_right_arithmetic3A_1049 = arith.constant 3 : i32
      %shift_right_arithmetic3A_1050 = vector.broadcast %shift_right_arithmetic3A_1049 : i32 to vector<16xi32>
      %shift_right_arithmetic3A_1051 = arith.shrsi %add3A_1048, %shift_right_arithmetic3A_1050 : vector<16xi32>
      %and3A_1052 = arith.constant 7 : i32
      %and3A_1053 = vector.broadcast %and3A_1052 : i32 to vector<16xi32>
      %and3A_1054 = arith.andi %add3A_1048, %and3A_1053 : vector<16xi32>
      %gather3A_1055 = arith.constant 1 : i32
      %gather3A_1056 = arith.constant 0 : i32
      %gather3A_1057 = arith.constant 0 : i32
      %gather3A_1058 = arith.constant 0 : i32
      %gather3A_1059 = tpu.memref_slice %arg6[%gather3A_1055, %gather3A_1056, %gather3A_1057, %gather3A_1058] : memref<4x62x8x8xf32, #tpu.memory_space<vmem>> -> memref<1x62x8x8xf32, #tpu.memory_space<vmem>>
      %gather3A_1060 = tpu.memref_squeeze %gather3A_1059 : memref<1x62x8x8xf32, #tpu.memory_space<vmem>> -> memref<62x8x8xf32, #tpu.memory_space<vmem>>
      %gather3A_1061 = tpu.vector_load_idx %gather3A_1060[%shift_right_arithmetic3A_1051, %and3A_1054, %add3A_833] : memref<62x8x8xf32, #tpu.memory_space<vmem>>[vector<16xi32>, vector<16xi32>, vector<16xi32>], vector<16xf32>,
      tpu.vector_store_idx %arg7[%shift_right_arithmetic3A_1051, %and3A_1054, %add3A_853], %gather3A_1061 : memref<62x8x16xf32, #tpu.memory_space<vmem>>[vector<16xi32>, vector<16xi32>, vector<16xi32>], vector<16xf32>,
      %add3A_1062 = arith.constant 208 : i32
      %add3A_1063 = vector.broadcast %add3A_1062 : i32 to vector<16xi32>
      %add3A_1064 = arith.addi %iota3A, %add3A_1063 : vector<16xi32>
      %shift_right_arithmetic3A_1065 = arith.constant 3 : i32
      %shift_right_arithmetic3A_1066 = vector.broadcast %shift_right_arithmetic3A_1065 : i32 to vector<16xi32>
      %shift_right_arithmetic3A_1067 = arith.shrsi %add3A_1064, %shift_right_arithmetic3A_1066 : vector<16xi32>
      %and3A_1068 = arith.constant 7 : i32
      %and3A_1069 = vector.broadcast %and3A_1068 : i32 to vector<16xi32>
      %and3A_1070 = arith.andi %add3A_1064, %and3A_1069 : vector<16xi32>
      %gather3A_1071 = arith.constant 1 : i32
      %gather3A_1072 = arith.constant 0 : i32
      %gather3A_1073 = arith.constant 0 : i32
      %gather3A_1074 = arith.constant 0 : i32
      %gather3A_1075 = tpu.memref_slice %arg6[%gather3A_1071, %gather3A_1072, %gather3A_1073, %gather3A_1074] : memref<4x62x8x8xf32, #tpu.memory_space<vmem>> -> memref<1x62x8x8xf32, #tpu.memory_space<vmem>>
      %gather3A_1076 = tpu.memref_squeeze %gather3A_1075 : memref<1x62x8x8xf32, #tpu.memory_space<vmem>> -> memref<62x8x8xf32, #tpu.memory_space<vmem>>
      %gather3A_1077 = tpu.vector_load_idx %gather3A_1076[%shift_right_arithmetic3A_1067, %and3A_1070, %add3A_833] : memref<62x8x8xf32, #tpu.memory_space<vmem>>[vector<16xi32>, vector<16xi32>, vector<16xi32>], vector<16xf32>,
      tpu.vector_store_idx %arg7[%shift_right_arithmetic3A_1067, %and3A_1070, %add3A_853], %gather3A_1077 : memref<62x8x16xf32, #tpu.memory_space<vmem>>[vector<16xi32>, vector<16xi32>, vector<16xi32>], vector<16xf32>,
      %add3A_1078 = arith.constant 224 : i32
      %add3A_1079 = vector.broadcast %add3A_1078 : i32 to vector<16xi32>
      %add3A_1080 = arith.addi %iota3A, %add3A_1079 : vector<16xi32>
      %shift_right_arithmetic3A_1081 = arith.constant 3 : i32
      %shift_right_arithmetic3A_1082 = vector.broadcast %shift_right_arithmetic3A_1081 : i32 to vector<16xi32>
      %shift_right_arithmetic3A_1083 = arith.shrsi %add3A_1080, %shift_right_arithmetic3A_1082 : vector<16xi32>
      %and3A_1084 = arith.constant 7 : i32
      %and3A_1085 = vector.broadcast %and3A_1084 : i32 to vector<16xi32>
      %and3A_1086 = arith.andi %add3A_1080, %and3A_1085 : vector<16xi32>
      %gather3A_1087 = arith.constant 1 : i32
      %gather3A_1088 = arith.constant 0 : i32
      %gather3A_1089 = arith.constant 0 : i32
      %gather3A_1090 = arith.constant 0 : i32
      %gather3A_1091 = tpu.memref_slice %arg6[%gather3A_1087, %gather3A_1088, %gather3A_1089, %gather3A_1090] : memref<4x62x8x8xf32, #tpu.memory_space<vmem>> -> memref<1x62x8x8xf32, #tpu.memory_space<vmem>>
      %gather3A_1092 = tpu.memref_squeeze %gather3A_1091 : memref<1x62x8x8xf32, #tpu.memory_space<vmem>> -> memref<62x8x8xf32, #tpu.memory_space<vmem>>
      %gather3A_1093 = tpu.vector_load_idx %gather3A_1092[%shift_right_arithmetic3A_1083, %and3A_1086, %add3A_833] : memref<62x8x8xf32, #tpu.memory_space<vmem>>[vector<16xi32>, vector<16xi32>, vector<16xi32>], vector<16xf32>,
      tpu.vector_store_idx %arg7[%shift_right_arithmetic3A_1083, %and3A_1086, %add3A_853], %gather3A_1093 : memref<62x8x16xf32, #tpu.memory_space<vmem>>[vector<16xi32>, vector<16xi32>, vector<16xi32>], vector<16xf32>,
      %add3A_1094 = arith.constant 240 : i32
      %add3A_1095 = vector.broadcast %add3A_1094 : i32 to vector<16xi32>
      %add3A_1096 = arith.addi %iota3A, %add3A_1095 : vector<16xi32>
      %shift_right_arithmetic3A_1097 = arith.constant 3 : i32
      %shift_right_arithmetic3A_1098 = vector.broadcast %shift_right_arithmetic3A_1097 : i32 to vector<16xi32>
      %shift_right_arithmetic3A_1099 = arith.shrsi %add3A_1096, %shift_right_arithmetic3A_1098 : vector<16xi32>
      %and3A_1100 = arith.constant 7 : i32
      %and3A_1101 = vector.broadcast %and3A_1100 : i32 to vector<16xi32>
      %and3A_1102 = arith.andi %add3A_1096, %and3A_1101 : vector<16xi32>
      %gather3A_1103 = arith.constant 1 : i32
      %gather3A_1104 = arith.constant 0 : i32
      %gather3A_1105 = arith.constant 0 : i32
      %gather3A_1106 = arith.constant 0 : i32
      %gather3A_1107 = tpu.memref_slice %arg6[%gather3A_1103, %gather3A_1104, %gather3A_1105, %gather3A_1106] : memref<4x62x8x8xf32, #tpu.memory_space<vmem>> -> memref<1x62x8x8xf32, #tpu.memory_space<vmem>>
      %gather3A_1108 = tpu.memref_squeeze %gather3A_1107 : memref<1x62x8x8xf32, #tpu.memory_space<vmem>> -> memref<62x8x8xf32, #tpu.memory_space<vmem>>
      %gather3A_1109 = tpu.vector_load_idx %gather3A_1108[%shift_right_arithmetic3A_1099, %and3A_1102, %add3A_833] : memref<62x8x8xf32, #tpu.memory_space<vmem>>[vector<16xi32>, vector<16xi32>, vector<16xi32>], vector<16xf32>,
      tpu.vector_store_idx %arg7[%shift_right_arithmetic3A_1099, %and3A_1102, %add3A_853], %gather3A_1109 : memref<62x8x16xf32, #tpu.memory_space<vmem>>[vector<16xi32>, vector<16xi32>, vector<16xi32>], vector<16xf32>,
      %add3A_1110 = arith.constant 256 : i32
      %add3A_1111 = vector.broadcast %add3A_1110 : i32 to vector<16xi32>
      %add3A_1112 = arith.addi %iota3A, %add3A_1111 : vector<16xi32>
      %shift_right_arithmetic3A_1113 = arith.constant 3 : i32
      %shift_right_arithmetic3A_1114 = vector.broadcast %shift_right_arithmetic3A_1113 : i32 to vector<16xi32>
      %shift_right_arithmetic3A_1115 = arith.shrsi %add3A_1112, %shift_right_arithmetic3A_1114 : vector<16xi32>
      %and3A_1116 = arith.constant 7 : i32
      %and3A_1117 = vector.broadcast %and3A_1116 : i32 to vector<16xi32>
      %and3A_1118 = arith.andi %add3A_1112, %and3A_1117 : vector<16xi32>
      %gather3A_1119 = arith.constant 1 : i32
      %gather3A_1120 = arith.constant 0 : i32
      %gather3A_1121 = arith.constant 0 : i32
      %gather3A_1122 = arith.constant 0 : i32
      %gather3A_1123 = tpu.memref_slice %arg6[%gather3A_1119, %gather3A_1120, %gather3A_1121, %gather3A_1122] : memref<4x62x8x8xf32, #tpu.memory_space<vmem>> -> memref<1x62x8x8xf32, #tpu.memory_space<vmem>>
      %gather3A_1124 = tpu.memref_squeeze %gather3A_1123 : memref<1x62x8x8xf32, #tpu.memory_space<vmem>> -> memref<62x8x8xf32, #tpu.memory_space<vmem>>
      %gather3A_1125 = tpu.vector_load_idx %gather3A_1124[%shift_right_arithmetic3A_1115, %and3A_1118, %add3A_833] : memref<62x8x8xf32, #tpu.memory_space<vmem>>[vector<16xi32>, vector<16xi32>, vector<16xi32>], vector<16xf32>,
      tpu.vector_store_idx %arg7[%shift_right_arithmetic3A_1115, %and3A_1118, %add3A_853], %gather3A_1125 : memref<62x8x16xf32, #tpu.memory_space<vmem>>[vector<16xi32>, vector<16xi32>, vector<16xi32>], vector<16xf32>,
      %add3A_1126 = arith.constant 272 : i32
      %add3A_1127 = vector.broadcast %add3A_1126 : i32 to vector<16xi32>
      %add3A_1128 = arith.addi %iota3A, %add3A_1127 : vector<16xi32>
      %shift_right_arithmetic3A_1129 = arith.constant 3 : i32
      %shift_right_arithmetic3A_1130 = vector.broadcast %shift_right_arithmetic3A_1129 : i32 to vector<16xi32>
      %shift_right_arithmetic3A_1131 = arith.shrsi %add3A_1128, %shift_right_arithmetic3A_1130 : vector<16xi32>
      %and3A_1132 = arith.constant 7 : i32
      %and3A_1133 = vector.broadcast %and3A_1132 : i32 to vector<16xi32>
      %and3A_1134 = arith.andi %add3A_1128, %and3A_1133 : vector<16xi32>
      %gather3A_1135 = arith.constant 1 : i32
      %gather3A_1136 = arith.constant 0 : i32
      %gather3A_1137 = arith.constant 0 : i32
      %gather3A_1138 = arith.constant 0 : i32
      %gather3A_1139 = tpu.memref_slice %arg6[%gather3A_1135, %gather3A_1136, %gather3A_1137, %gather3A_1138] : memref<4x62x8x8xf32, #tpu.memory_space<vmem>> -> memref<1x62x8x8xf32, #tpu.memory_space<vmem>>
      %gather3A_1140 = tpu.memref_squeeze %gather3A_1139 : memref<1x62x8x8xf32, #tpu.memory_space<vmem>> -> memref<62x8x8xf32, #tpu.memory_space<vmem>>
      %gather3A_1141 = tpu.vector_load_idx %gather3A_1140[%shift_right_arithmetic3A_1131, %and3A_1134, %add3A_833] : memref<62x8x8xf32, #tpu.memory_space<vmem>>[vector<16xi32>, vector<16xi32>, vector<16xi32>], vector<16xf32>,
      tpu.vector_store_idx %arg7[%shift_right_arithmetic3A_1131, %and3A_1134, %add3A_853], %gather3A_1141 : memref<62x8x16xf32, #tpu.memory_space<vmem>>[vector<16xi32>, vector<16xi32>, vector<16xi32>], vector<16xf32>,
      %add3A_1142 = arith.constant 288 : i32
      %add3A_1143 = vector.broadcast %add3A_1142 : i32 to vector<16xi32>
      %add3A_1144 = arith.addi %iota3A, %add3A_1143 : vector<16xi32>
      %shift_right_arithmetic3A_1145 = arith.constant 3 : i32
      %shift_right_arithmetic3A_1146 = vector.broadcast %shift_right_arithmetic3A_1145 : i32 to vector<16xi32>
      %shift_right_arithmetic3A_1147 = arith.shrsi %add3A_1144, %shift_right_arithmetic3A_1146 : vector<16xi32>
      %and3A_1148 = arith.constant 7 : i32
      %and3A_1149 = vector.broadcast %and3A_1148 : i32 to vector<16xi32>
      %and3A_1150 = arith.andi %add3A_1144, %and3A_1149 : vector<16xi32>
      %gather3A_1151 = arith.constant 1 : i32
      %gather3A_1152 = arith.constant 0 : i32
      %gather3A_1153 = arith.constant 0 : i32
      %gather3A_1154 = arith.constant 0 : i32
      %gather3A_1155 = tpu.memref_slice %arg6[%gather3A_1151, %gather3A_1152, %gather3A_1153, %gather3A_1154] : memref<4x62x8x8xf32, #tpu.memory_space<vmem>> -> memref<1x62x8x8xf32, #tpu.memory_space<vmem>>
      %gather3A_1156 = tpu.memref_squeeze %gather3A_1155 : memref<1x62x8x8xf32, #tpu.memory_space<vmem>> -> memref<62x8x8xf32, #tpu.memory_space<vmem>>
      %gather3A_1157 = tpu.vector_load_idx %gather3A_1156[%shift_right_arithmetic3A_1147, %and3A_1150, %add3A_833] : memref<62x8x8xf32, #tpu.memory_space<vmem>>[vector<16xi32>, vector<16xi32>, vector<16xi32>], vector<16xf32>,
      tpu.vector_store_idx %arg7[%shift_right_arithmetic3A_1147, %and3A_1150, %add3A_853], %gather3A_1157 : memref<62x8x16xf32, #tpu.memory_space<vmem>>[vector<16xi32>, vector<16xi32>, vector<16xi32>], vector<16xf32>,
      %add3A_1158 = arith.constant 304 : i32
      %add3A_1159 = vector.broadcast %add3A_1158 : i32 to vector<16xi32>
      %add3A_1160 = arith.addi %iota3A, %add3A_1159 : vector<16xi32>
      %shift_right_arithmetic3A_1161 = arith.constant 3 : i32
      %shift_right_arithmetic3A_1162 = vector.broadcast %shift_right_arithmetic3A_1161 : i32 to vector<16xi32>
      %shift_right_arithmetic3A_1163 = arith.shrsi %add3A_1160, %shift_right_arithmetic3A_1162 : vector<16xi32>
      %and3A_1164 = arith.constant 7 : i32
      %and3A_1165 = vector.broadcast %and3A_1164 : i32 to vector<16xi32>
      %and3A_1166 = arith.andi %add3A_1160, %and3A_1165 : vector<16xi32>
      %gather3A_1167 = arith.constant 1 : i32
      %gather3A_1168 = arith.constant 0 : i32
      %gather3A_1169 = arith.constant 0 : i32
      %gather3A_1170 = arith.constant 0 : i32
      %gather3A_1171 = tpu.memref_slice %arg6[%gather3A_1167, %gather3A_1168, %gather3A_1169, %gather3A_1170] : memref<4x62x8x8xf32, #tpu.memory_space<vmem>> -> memref<1x62x8x8xf32, #tpu.memory_space<vmem>>
      %gather3A_1172 = tpu.memref_squeeze %gather3A_1171 : memref<1x62x8x8xf32, #tpu.memory_space<vmem>> -> memref<62x8x8xf32, #tpu.memory_space<vmem>>
      %gather3A_1173 = tpu.vector_load_idx %gather3A_1172[%shift_right_arithmetic3A_1163, %and3A_1166, %add3A_833] : memref<62x8x8xf32, #tpu.memory_space<vmem>>[vector<16xi32>, vector<16xi32>, vector<16xi32>], vector<16xf32>,
      tpu.vector_store_idx %arg7[%shift_right_arithmetic3A_1163, %and3A_1166, %add3A_853], %gather3A_1173 : memref<62x8x16xf32, #tpu.memory_space<vmem>>[vector<16xi32>, vector<16xi32>, vector<16xi32>], vector<16xf32>,
      %add3A_1174 = arith.constant 320 : i32
      %add3A_1175 = vector.broadcast %add3A_1174 : i32 to vector<16xi32>
      %add3A_1176 = arith.addi %iota3A, %add3A_1175 : vector<16xi32>
      %shift_right_arithmetic3A_1177 = arith.constant 3 : i32
      %shift_right_arithmetic3A_1178 = vector.broadcast %shift_right_arithmetic3A_1177 : i32 to vector<16xi32>
      %shift_right_arithmetic3A_1179 = arith.shrsi %add3A_1176, %shift_right_arithmetic3A_1178 : vector<16xi32>
      %and3A_1180 = arith.constant 7 : i32
      %and3A_1181 = vector.broadcast %and3A_1180 : i32 to vector<16xi32>
      %and3A_1182 = arith.andi %add3A_1176, %and3A_1181 : vector<16xi32>
      %gather3A_1183 = arith.constant 1 : i32
      %gather3A_1184 = arith.constant 0 : i32
      %gather3A_1185 = arith.constant 0 : i32
      %gather3A_1186 = arith.constant 0 : i32
      %gather3A_1187 = tpu.memref_slice %arg6[%gather3A_1183, %gather3A_1184, %gather3A_1185, %gather3A_1186] : memref<4x62x8x8xf32, #tpu.memory_space<vmem>> -> memref<1x62x8x8xf32, #tpu.memory_space<vmem>>
      %gather3A_1188 = tpu.memref_squeeze %gather3A_1187 : memref<1x62x8x8xf32, #tpu.memory_space<vmem>> -> memref<62x8x8xf32, #tpu.memory_space<vmem>>
      %gather3A_1189 = tpu.vector_load_idx %gather3A_1188[%shift_right_arithmetic3A_1179, %and3A_1182, %add3A_833] : memref<62x8x8xf32, #tpu.memory_space<vmem>>[vector<16xi32>, vector<16xi32>, vector<16xi32>], vector<16xf32>,
      tpu.vector_store_idx %arg7[%shift_right_arithmetic3A_1179, %and3A_1182, %add3A_853], %gather3A_1189 : memref<62x8x16xf32, #tpu.memory_space<vmem>>[vector<16xi32>, vector<16xi32>, vector<16xi32>], vector<16xf32>,
      %add3A_1190 = arith.constant 336 : i32
      %add3A_1191 = vector.broadcast %add3A_1190 : i32 to vector<16xi32>
      %add3A_1192 = arith.addi %iota3A, %add3A_1191 : vector<16xi32>
      %shift_right_arithmetic3A_1193 = arith.constant 3 : i32
      %shift_right_arithmetic3A_1194 = vector.broadcast %shift_right_arithmetic3A_1193 : i32 to vector<16xi32>
      %shift_right_arithmetic3A_1195 = arith.shrsi %add3A_1192, %shift_right_arithmetic3A_1194 : vector<16xi32>
      %and3A_1196 = arith.constant 7 : i32
      %and3A_1197 = vector.broadcast %and3A_1196 : i32 to vector<16xi32>
      %and3A_1198 = arith.andi %add3A_1192, %and3A_1197 : vector<16xi32>
      %gather3A_1199 = arith.constant 1 : i32
      %gather3A_1200 = arith.constant 0 : i32
      %gather3A_1201 = arith.constant 0 : i32
      %gather3A_1202 = arith.constant 0 : i32
      %gather3A_1203 = tpu.memref_slice %arg6[%gather3A_1199, %gather3A_1200, %gather3A_1201, %gather3A_1202] : memref<4x62x8x8xf32, #tpu.memory_space<vmem>> -> memref<1x62x8x8xf32, #tpu.memory_space<vmem>>
      %gather3A_1204 = tpu.memref_squeeze %gather3A_1203 : memref<1x62x8x8xf32, #tpu.memory_space<vmem>> -> memref<62x8x8xf32, #tpu.memory_space<vmem>>
      %gather3A_1205 = tpu.vector_load_idx %gather3A_1204[%shift_right_arithmetic3A_1195, %and3A_1198, %add3A_833] : memref<62x8x8xf32, #tpu.memory_space<vmem>>[vector<16xi32>, vector<16xi32>, vector<16xi32>], vector<16xf32>,
      tpu.vector_store_idx %arg7[%shift_right_arithmetic3A_1195, %and3A_1198, %add3A_853], %gather3A_1205 : memref<62x8x16xf32, #tpu.memory_space<vmem>>[vector<16xi32>, vector<16xi32>, vector<16xi32>], vector<16xf32>,
      %add3A_1206 = arith.constant 352 : i32
      %add3A_1207 = vector.broadcast %add3A_1206 : i32 to vector<16xi32>
      %add3A_1208 = arith.addi %iota3A, %add3A_1207 : vector<16xi32>
      %shift_right_arithmetic3A_1209 = arith.constant 3 : i32
      %shift_right_arithmetic3A_1210 = vector.broadcast %shift_right_arithmetic3A_1209 : i32 to vector<16xi32>
      %shift_right_arithmetic3A_1211 = arith.shrsi %add3A_1208, %shift_right_arithmetic3A_1210 : vector<16xi32>
      %and3A_1212 = arith.constant 7 : i32
      %and3A_1213 = vector.broadcast %and3A_1212 : i32 to vector<16xi32>
      %and3A_1214 = arith.andi %add3A_1208, %and3A_1213 : vector<16xi32>
      %gather3A_1215 = arith.constant 1 : i32
      %gather3A_1216 = arith.constant 0 : i32
      %gather3A_1217 = arith.constant 0 : i32
      %gather3A_1218 = arith.constant 0 : i32
      %gather3A_1219 = tpu.memref_slice %arg6[%gather3A_1215, %gather3A_1216, %gather3A_1217, %gather3A_1218] : memref<4x62x8x8xf32, #tpu.memory_space<vmem>> -> memref<1x62x8x8xf32, #tpu.memory_space<vmem>>
      %gather3A_1220 = tpu.memref_squeeze %gather3A_1219 : memref<1x62x8x8xf32, #tpu.memory_space<vmem>> -> memref<62x8x8xf32, #tpu.memory_space<vmem>>
      %gather3A_1221 = tpu.vector_load_idx %gather3A_1220[%shift_right_arithmetic3A_1211, %and3A_1214, %add3A_833] : memref<62x8x8xf32, #tpu.memory_space<vmem>>[vector<16xi32>, vector<16xi32>, vector<16xi32>], vector<16xf32>,
      tpu.vector_store_idx %arg7[%shift_right_arithmetic3A_1211, %and3A_1214, %add3A_853], %gather3A_1221 : memref<62x8x16xf32, #tpu.memory_space<vmem>>[vector<16xi32>, vector<16xi32>, vector<16xi32>], vector<16xf32>,
      %add3A_1222 = arith.constant 368 : i32
      %add3A_1223 = vector.broadcast %add3A_1222 : i32 to vector<16xi32>
      %add3A_1224 = arith.addi %iota3A, %add3A_1223 : vector<16xi32>
      %shift_right_arithmetic3A_1225 = arith.constant 3 : i32
      %shift_right_arithmetic3A_1226 = vector.broadcast %shift_right_arithmetic3A_1225 : i32 to vector<16xi32>
      %shift_right_arithmetic3A_1227 = arith.shrsi %add3A_1224, %shift_right_arithmetic3A_1226 : vector<16xi32>
      %and3A_1228 = arith.constant 7 : i32
      %and3A_1229 = vector.broadcast %and3A_1228 : i32 to vector<16xi32>
      %and3A_1230 = arith.andi %add3A_1224, %and3A_1229 : vector<16xi32>
      %gather3A_1231 = arith.constant 1 : i32
      %gather3A_1232 = arith.constant 0 : i32
      %gather3A_1233 = arith.constant 0 : i32
      %gather3A_1234 = arith.constant 0 : i32
      %gather3A_1235 = tpu.memref_slice %arg6[%gather3A_1231, %gather3A_1232, %gather3A_1233, %gather3A_1234] : memref<4x62x8x8xf32, #tpu.memory_space<vmem>> -> memref<1x62x8x8xf32, #tpu.memory_space<vmem>>
      %gather3A_1236 = tpu.memref_squeeze %gather3A_1235 : memref<1x62x8x8xf32, #tpu.memory_space<vmem>> -> memref<62x8x8xf32, #tpu.memory_space<vmem>>
      %gather3A_1237 = tpu.vector_load_idx %gather3A_1236[%shift_right_arithmetic3A_1227, %and3A_1230, %add3A_833] : memref<62x8x8xf32, #tpu.memory_space<vmem>>[vector<16xi32>, vector<16xi32>, vector<16xi32>], vector<16xf32>,
      tpu.vector_store_idx %arg7[%shift_right_arithmetic3A_1227, %and3A_1230, %add3A_853], %gather3A_1237 : memref<62x8x16xf32, #tpu.memory_space<vmem>>[vector<16xi32>, vector<16xi32>, vector<16xi32>], vector<16xf32>,
      %add3A_1238 = arith.constant 384 : i32
      %add3A_1239 = vector.broadcast %add3A_1238 : i32 to vector<16xi32>
      %add3A_1240 = arith.addi %iota3A, %add3A_1239 : vector<16xi32>
      %shift_right_arithmetic3A_1241 = arith.constant 3 : i32
      %shift_right_arithmetic3A_1242 = vector.broadcast %shift_right_arithmetic3A_1241 : i32 to vector<16xi32>
      %shift_right_arithmetic3A_1243 = arith.shrsi %add3A_1240, %shift_right_arithmetic3A_1242 : vector<16xi32>
      %and3A_1244 = arith.constant 7 : i32
      %and3A_1245 = vector.broadcast %and3A_1244 : i32 to vector<16xi32>
      %and3A_1246 = arith.andi %add3A_1240, %and3A_1245 : vector<16xi32>
      %gather3A_1247 = arith.constant 1 : i32
      %gather3A_1248 = arith.constant 0 : i32
      %gather3A_1249 = arith.constant 0 : i32
      %gather3A_1250 = arith.constant 0 : i32
      %gather3A_1251 = tpu.memref_slice %arg6[%gather3A_1247, %gather3A_1248, %gather3A_1249, %gather3A_1250] : memref<4x62x8x8xf32, #tpu.memory_space<vmem>> -> memref<1x62x8x8xf32, #tpu.memory_space<vmem>>
      %gather3A_1252 = tpu.memref_squeeze %gather3A_1251 : memref<1x62x8x8xf32, #tpu.memory_space<vmem>> -> memref<62x8x8xf32, #tpu.memory_space<vmem>>
      %gather3A_1253 = tpu.vector_load_idx %gather3A_1252[%shift_right_arithmetic3A_1243, %and3A_1246, %add3A_833] : memref<62x8x8xf32, #tpu.memory_space<vmem>>[vector<16xi32>, vector<16xi32>, vector<16xi32>], vector<16xf32>,
      tpu.vector_store_idx %arg7[%shift_right_arithmetic3A_1243, %and3A_1246, %add3A_853], %gather3A_1253 : memref<62x8x16xf32, #tpu.memory_space<vmem>>[vector<16xi32>, vector<16xi32>, vector<16xi32>], vector<16xf32>,
      %add3A_1254 = arith.constant 400 : i32
      %add3A_1255 = vector.broadcast %add3A_1254 : i32 to vector<16xi32>
      %add3A_1256 = arith.addi %iota3A, %add3A_1255 : vector<16xi32>
      %shift_right_arithmetic3A_1257 = arith.constant 3 : i32
      %shift_right_arithmetic3A_1258 = vector.broadcast %shift_right_arithmetic3A_1257 : i32 to vector<16xi32>
      %shift_right_arithmetic3A_1259 = arith.shrsi %add3A_1256, %shift_right_arithmetic3A_1258 : vector<16xi32>
      %and3A_1260 = arith.constant 7 : i32
      %and3A_1261 = vector.broadcast %and3A_1260 : i32 to vector<16xi32>
      %and3A_1262 = arith.andi %add3A_1256, %and3A_1261 : vector<16xi32>
      %gather3A_1263 = arith.constant 1 : i32
      %gather3A_1264 = arith.constant 0 : i32
      %gather3A_1265 = arith.constant 0 : i32
      %gather3A_1266 = arith.constant 0 : i32
      %gather3A_1267 = tpu.memref_slice %arg6[%gather3A_1263, %gather3A_1264, %gather3A_1265, %gather3A_1266] : memref<4x62x8x8xf32, #tpu.memory_space<vmem>> -> memref<1x62x8x8xf32, #tpu.memory_space<vmem>>
      %gather3A_1268 = tpu.memref_squeeze %gather3A_1267 : memref<1x62x8x8xf32, #tpu.memory_space<vmem>> -> memref<62x8x8xf32, #tpu.memory_space<vmem>>
      %gather3A_1269 = tpu.vector_load_idx %gather3A_1268[%shift_right_arithmetic3A_1259, %and3A_1262, %add3A_833] : memref<62x8x8xf32, #tpu.memory_space<vmem>>[vector<16xi32>, vector<16xi32>, vector<16xi32>], vector<16xf32>,
      tpu.vector_store_idx %arg7[%shift_right_arithmetic3A_1259, %and3A_1262, %add3A_853], %gather3A_1269 : memref<62x8x16xf32, #tpu.memory_space<vmem>>[vector<16xi32>, vector<16xi32>, vector<16xi32>], vector<16xf32>,
      %add3A_1270 = arith.constant 416 : i32
      %add3A_1271 = vector.broadcast %add3A_1270 : i32 to vector<16xi32>
      %add3A_1272 = arith.addi %iota3A, %add3A_1271 : vector<16xi32>
      %shift_right_arithmetic3A_1273 = arith.constant 3 : i32
      %shift_right_arithmetic3A_1274 = vector.broadcast %shift_right_arithmetic3A_1273 : i32 to vector<16xi32>
      %shift_right_arithmetic3A_1275 = arith.shrsi %add3A_1272, %shift_right_arithmetic3A_1274 : vector<16xi32>
      %and3A_1276 = arith.constant 7 : i32
      %and3A_1277 = vector.broadcast %and3A_1276 : i32 to vector<16xi32>
      %and3A_1278 = arith.andi %add3A_1272, %and3A_1277 : vector<16xi32>
      %gather3A_1279 = arith.constant 1 : i32
      %gather3A_1280 = arith.constant 0 : i32
      %gather3A_1281 = arith.constant 0 : i32
      %gather3A_1282 = arith.constant 0 : i32
      %gather3A_1283 = tpu.memref_slice %arg6[%gather3A_1279, %gather3A_1280, %gather3A_1281, %gather3A_1282] : memref<4x62x8x8xf32, #tpu.memory_space<vmem>> -> memref<1x62x8x8xf32, #tpu.memory_space<vmem>>
      %gather3A_1284 = tpu.memref_squeeze %gather3A_1283 : memref<1x62x8x8xf32, #tpu.memory_space<vmem>> -> memref<62x8x8xf32, #tpu.memory_space<vmem>>
      %gather3A_1285 = tpu.vector_load_idx %gather3A_1284[%shift_right_arithmetic3A_1275, %and3A_1278, %add3A_833] : memref<62x8x8xf32, #tpu.memory_space<vmem>>[vector<16xi32>, vector<16xi32>, vector<16xi32>], vector<16xf32>,
      tpu.vector_store_idx %arg7[%shift_right_arithmetic3A_1275, %and3A_1278, %add3A_853], %gather3A_1285 : memref<62x8x16xf32, #tpu.memory_space<vmem>>[vector<16xi32>, vector<16xi32>, vector<16xi32>], vector<16xf32>,
      %add3A_1286 = arith.constant 432 : i32
      %add3A_1287 = vector.broadcast %add3A_1286 : i32 to vector<16xi32>
      %add3A_1288 = arith.addi %iota3A, %add3A_1287 : vector<16xi32>
      %shift_right_arithmetic3A_1289 = arith.constant 3 : i32
      %shift_right_arithmetic3A_1290 = vector.broadcast %shift_right_arithmetic3A_1289 : i32 to vector<16xi32>
      %shift_right_arithmetic3A_1291 = arith.shrsi %add3A_1288, %shift_right_arithmetic3A_1290 : vector<16xi32>
      %and3A_1292 = arith.constant 7 : i32
      %and3A_1293 = vector.broadcast %and3A_1292 : i32 to vector<16xi32>
      %and3A_1294 = arith.andi %add3A_1288, %and3A_1293 : vector<16xi32>
      %gather3A_1295 = arith.constant 1 : i32
      %gather3A_1296 = arith.constant 0 : i32
      %gather3A_1297 = arith.constant 0 : i32
      %gather3A_1298 = arith.constant 0 : i32
      %gather3A_1299 = tpu.memref_slice %arg6[%gather3A_1295, %gather3A_1296, %gather3A_1297, %gather3A_1298] : memref<4x62x8x8xf32, #tpu.memory_space<vmem>> -> memref<1x62x8x8xf32, #tpu.memory_space<vmem>>
      %gather3A_1300 = tpu.memref_squeeze %gather3A_1299 : memref<1x62x8x8xf32, #tpu.memory_space<vmem>> -> memref<62x8x8xf32, #tpu.memory_space<vmem>>
      %gather3A_1301 = tpu.vector_load_idx %gather3A_1300[%shift_right_arithmetic3A_1291, %and3A_1294, %add3A_833] : memref<62x8x8xf32, #tpu.memory_space<vmem>>[vector<16xi32>, vector<16xi32>, vector<16xi32>], vector<16xf32>,
      tpu.vector_store_idx %arg7[%shift_right_arithmetic3A_1291, %and3A_1294, %add3A_853], %gather3A_1301 : memref<62x8x16xf32, #tpu.memory_space<vmem>>[vector<16xi32>, vector<16xi32>, vector<16xi32>], vector<16xf32>,
      %add3A_1302 = arith.constant 448 : i32
      %add3A_1303 = vector.broadcast %add3A_1302 : i32 to vector<16xi32>
      %add3A_1304 = arith.addi %iota3A, %add3A_1303 : vector<16xi32>
      %shift_right_arithmetic3A_1305 = arith.constant 3 : i32
      %shift_right_arithmetic3A_1306 = vector.broadcast %shift_right_arithmetic3A_1305 : i32 to vector<16xi32>
      %shift_right_arithmetic3A_1307 = arith.shrsi %add3A_1304, %shift_right_arithmetic3A_1306 : vector<16xi32>
      %and3A_1308 = arith.constant 7 : i32
      %and3A_1309 = vector.broadcast %and3A_1308 : i32 to vector<16xi32>
      %and3A_1310 = arith.andi %add3A_1304, %and3A_1309 : vector<16xi32>
      %gather3A_1311 = arith.constant 1 : i32
      %gather3A_1312 = arith.constant 0 : i32
      %gather3A_1313 = arith.constant 0 : i32
      %gather3A_1314 = arith.constant 0 : i32
      %gather3A_1315 = tpu.memref_slice %arg6[%gather3A_1311, %gather3A_1312, %gather3A_1313, %gather3A_1314] : memref<4x62x8x8xf32, #tpu.memory_space<vmem>> -> memref<1x62x8x8xf32, #tpu.memory_space<vmem>>
      %gather3A_1316 = tpu.memref_squeeze %gather3A_1315 : memref<1x62x8x8xf32, #tpu.memory_space<vmem>> -> memref<62x8x8xf32, #tpu.memory_space<vmem>>
      %gather3A_1317 = tpu.vector_load_idx %gather3A_1316[%shift_right_arithmetic3A_1307, %and3A_1310, %add3A_833] : memref<62x8x8xf32, #tpu.memory_space<vmem>>[vector<16xi32>, vector<16xi32>, vector<16xi32>], vector<16xf32>,
      tpu.vector_store_idx %arg7[%shift_right_arithmetic3A_1307, %and3A_1310, %add3A_853], %gather3A_1317 : memref<62x8x16xf32, #tpu.memory_space<vmem>>[vector<16xi32>, vector<16xi32>, vector<16xi32>], vector<16xf32>,
      %add3A_1318 = arith.constant 464 : i32
      %add3A_1319 = vector.broadcast %add3A_1318 : i32 to vector<16xi32>
      %add3A_1320 = arith.addi %iota3A, %add3A_1319 : vector<16xi32>
      %shift_right_arithmetic3A_1321 = arith.constant 3 : i32
      %shift_right_arithmetic3A_1322 = vector.broadcast %shift_right_arithmetic3A_1321 : i32 to vector<16xi32>
      %shift_right_arithmetic3A_1323 = arith.shrsi %add3A_1320, %shift_right_arithmetic3A_1322 : vector<16xi32>
      %and3A_1324 = arith.constant 7 : i32
      %and3A_1325 = vector.broadcast %and3A_1324 : i32 to vector<16xi32>
      %and3A_1326 = arith.andi %add3A_1320, %and3A_1325 : vector<16xi32>
      %gather3A_1327 = arith.constant 1 : i32
      %gather3A_1328 = arith.constant 0 : i32
      %gather3A_1329 = arith.constant 0 : i32
      %gather3A_1330 = arith.constant 0 : i32
      %gather3A_1331 = tpu.memref_slice %arg6[%gather3A_1327, %gather3A_1328, %gather3A_1329, %gather3A_1330] : memref<4x62x8x8xf32, #tpu.memory_space<vmem>> -> memref<1x62x8x8xf32, #tpu.memory_space<vmem>>
      %gather3A_1332 = tpu.memref_squeeze %gather3A_1331 : memref<1x62x8x8xf32, #tpu.memory_space<vmem>> -> memref<62x8x8xf32, #tpu.memory_space<vmem>>
      %gather3A_1333 = tpu.vector_load_idx %gather3A_1332[%shift_right_arithmetic3A_1323, %and3A_1326, %add3A_833] : memref<62x8x8xf32, #tpu.memory_space<vmem>>[vector<16xi32>, vector<16xi32>, vector<16xi32>], vector<16xf32>,
      tpu.vector_store_idx %arg7[%shift_right_arithmetic3A_1323, %and3A_1326, %add3A_853], %gather3A_1333 : memref<62x8x16xf32, #tpu.memory_space<vmem>>[vector<16xi32>, vector<16xi32>, vector<16xi32>], vector<16xf32>,
      %add3A_1334 = arith.constant 480 : i32
      %add3A_1335 = vector.broadcast %add3A_1334 : i32 to vector<16xi32>
      %add3A_1336 = arith.addi %iota3A, %add3A_1335 : vector<16xi32>
      %shift_right_arithmetic3A_1337 = arith.constant 3 : i32
      %shift_right_arithmetic3A_1338 = vector.broadcast %shift_right_arithmetic3A_1337 : i32 to vector<16xi32>
      %shift_right_arithmetic3A_1339 = arith.shrsi %add3A_1336, %shift_right_arithmetic3A_1338 : vector<16xi32>
      %and3A_1340 = arith.constant 7 : i32
      %and3A_1341 = vector.broadcast %and3A_1340 : i32 to vector<16xi32>
      %and3A_1342 = arith.andi %add3A_1336, %and3A_1341 : vector<16xi32>
      %gather3A_1343 = arith.constant 1 : i32
      %gather3A_1344 = arith.constant 0 : i32
      %gather3A_1345 = arith.constant 0 : i32
      %gather3A_1346 = arith.constant 0 : i32
      %gather3A_1347 = tpu.memref_slice %arg6[%gather3A_1343, %gather3A_1344, %gather3A_1345, %gather3A_1346] : memref<4x62x8x8xf32, #tpu.memory_space<vmem>> -> memref<1x62x8x8xf32, #tpu.memory_space<vmem>>
      %gather3A_1348 = tpu.memref_squeeze %gather3A_1347 : memref<1x62x8x8xf32, #tpu.memory_space<vmem>> -> memref<62x8x8xf32, #tpu.memory_space<vmem>>
      %gather3A_1349 = tpu.vector_load_idx %gather3A_1348[%shift_right_arithmetic3A_1339, %and3A_1342, %add3A_833] : memref<62x8x8xf32, #tpu.memory_space<vmem>>[vector<16xi32>, vector<16xi32>, vector<16xi32>], vector<16xf32>,
      tpu.vector_store_idx %arg7[%shift_right_arithmetic3A_1339, %and3A_1342, %add3A_853], %gather3A_1349 : memref<62x8x16xf32, #tpu.memory_space<vmem>>[vector<16xi32>, vector<16xi32>, vector<16xi32>], vector<16xf32>,
      %add3A_1350 = arith.constant 1 : i32
      %add3A_1351 = arith.addi %mul3A_152, %add3A_1350 : i32
      %add3A_1352 = arith.constant 4 : i32
      %add3A_1353 = arith.addi %add3A_1351, %add3A_1352 : i32
      %lt3A_1354 = arith.constant 256 : i32
      %lt3A_1355 = arith.cmpi slt, %add3A_1353, %lt3A_1354 : i32
      %convert_element_type3A_1356 = arith.extui %lt3A_1355 : i1 to i32
      %cond3A_1357 = arith.constant 0 : i32
      %cond3A_1358 = arith.cmpi ne, %convert_element_type3A_1356, %cond3A_1357 : i32
      scf.if %cond3A_1358 {
        %add3A_2598 = arith.constant 1 : i32
        %add3A_2599 = arith.addi %mul3A_152, %add3A_2598 : i32
        %add3A_2600 = arith.constant 4 : i32
        %add3A_2601 = arith.addi %add3A_2599, %add3A_2600 : i32
        %jit3A_2602 = arith.constant 16 : i32
        %div3A_2603 = arith.divsi %add3A_2601, %jit3A_2602 : i32
        %sign3A_2604 = arith.constant 0 : i32
        %sign3A_2605 = arith.cmpi sgt, %add3A_2601, %sign3A_2604 : i32
        %sign3A_2606 = arith.extui %sign3A_2605 : i1 to i32
        %sign3A_2607 = arith.constant 0 : i32
        %sign3A_2608 = arith.cmpi slt, %add3A_2601, %sign3A_2607 : i32
        %sign3A_2609 = arith.extui %sign3A_2608 : i1 to i32
        %sign3A_2610 = arith.subi %sign3A_2606, %sign3A_2609 : i32
        %sign3A_2611 = arith.constant 0 : i32
        %sign3A_2612 = arith.cmpi sgt, %jit3A_2602, %sign3A_2611 : i32
        %sign3A_2613 = arith.extui %sign3A_2612 : i1 to i32
        %sign3A_2614 = arith.constant 0 : i32
        %sign3A_2615 = arith.cmpi slt, %jit3A_2602, %sign3A_2614 : i32
        %sign3A_2616 = arith.extui %sign3A_2615 : i1 to i32
        %sign3A_2617 = arith.subi %sign3A_2613, %sign3A_2616 : i32
        %ne3A_2618 = arith.cmpi ne, %sign3A_2610, %sign3A_2617 : i32
        %rem3A_2619 = arith.remsi %add3A_2601, %jit3A_2602 : i32
        %ne3A_2620 = arith.constant 0 : i32
        %ne3A_2621 = arith.cmpi ne, %rem3A_2619, %ne3A_2620 : i32
        %and3A_2622 = arith.andi %ne3A_2618, %ne3A_2621 : i1
        %sub3A_2623 = arith.constant 1 : i32
        %sub3A_2624 = arith.subi %div3A_2603, %sub3A_2623 : i32
        %select_n3A_2625 = arith.select %and3A_2622, %sub3A_2624, %div3A_2603 : i32
        %mul3A_2626 = arith.constant 16 : i32
        %mul3A_2627 = arith.muli %select_n3A_2625, %mul3A_2626 : i32
        %get3A_2628 = arith.index_cast %mul3A_2627 : i32 to index
        %get3A_2629 = tpu.vector_load %arg5[%get3A_2628] {strides = array<i32>} : memref<256xi32, #tpu.memory_space<vmem>>, vector<16xi32>,
        %jit3A_2630 = arith.constant 16 : i32
        %eq3A_2631 = arith.constant 0 : i32
        %eq3A_2632 = arith.cmpi eq, %jit3A_2630, %eq3A_2631 : i32
        %jit3A_2633 = arith.constant 1 : i32
        %select_n3A_2634 = arith.select %eq3A_2632, %jit3A_2633, %jit3A_2630 : i32
        %rem3A_2635 = arith.remsi %add3A_2601, %select_n3A_2634 : i32
        %ne3A_2636 = arith.constant 0 : i32
        %ne3A_2637 = arith.cmpi ne, %rem3A_2635, %ne3A_2636 : i32
        %lt3A_2638 = arith.constant 0 : i32
        %lt3A_2639 = arith.cmpi slt, %rem3A_2635, %lt3A_2638 : i32
        %lt3A_2640 = arith.constant 0 : i32
        %lt3A_2641 = arith.cmpi slt, %select_n3A_2634, %lt3A_2640 : i32
        %ne3A_2642 = arith.xori %lt3A_2639, %lt3A_2641 : i1
        %and3A_2643 = arith.andi %ne3A_2642, %ne3A_2637 : i1
        %add3A_2644 = arith.addi %rem3A_2635, %select_n3A_2634 : i32
        %select_n3A_2645 = arith.select %and3A_2643, %add3A_2644, %rem3A_2635 : i32
        %eq3A_2646 = vector.broadcast %select_n3A_2645 : i32 to vector<16xi32>
        %eq3A_2647 = arith.cmpi eq, %iota3A, %eq3A_2646 : vector<16xi32>
        %jit3A_2648 = arith.constant 0 : i32
        %broadcast_in_dim3A_2649 = vector.broadcast %jit3A_2648 : i32 to vector<16xi32>
        %select_n3A_2650 = arith.select %eq3A_2647, %get3A_2629, %broadcast_in_dim3A_2649 : vector<16xi1>, vector<16xi32>
        %reduce_sum3A_2651 = arith.constant true
        %reduce_sum3A_2652 = vector.broadcast %reduce_sum3A_2651 : i1 to vector<16xi1>
        %reduce_sum3A_2653 = tpu.scan <sum>, %select_n3A_2650 masked %reduce_sum3A_2652 : vector<16xi32>, vector<16xi1> -> vector<16xi32>
        %reduce_sum3A_2654 = vector.extract %reduce_sum3A_2653[15] : i32 from vector<16xi32>
        %shift_right_arithmetic3A_2655 = arith.constant 7 : i32
        %shift_right_arithmetic3A_2656 = arith.shrsi %reduce_sum3A_2654, %shift_right_arithmetic3A_2655 : i32
        %and3A_2657 = arith.constant 127 : i32
        %and3A_2658 = arith.andi %reduce_sum3A_2654, %and3A_2657 : i32
        %and3A_2659 = arith.constant -8 : i32
        %and3A_2660 = arith.andi %and3A_2658, %and3A_2659 : i32
        %multiple_of3A_2661 = tpu.assume_multiple %and3A_2660, 8 : i32
        %dma_start3A_2662 = arith.constant 1 : i32
        %dma_start3A_2663 = arith.constant 0 : i32
        %dma_start3A_2664 = arith.constant 0 : i32
        %dma_start3A_2665 = arith.constant 0 : i32
        %dma_start3A_2666 = tpu.memref_slice %arg6[%dma_start3A_2662, %dma_start3A_2663, %dma_start3A_2664, %dma_start3A_2665] : memref<4x62x8x8xf32, #tpu.memory_space<vmem>> -> memref<1x62x8x8xf32, #tpu.memory_space<vmem>>
        %dma_start3A_2667 = tpu.memref_squeeze %dma_start3A_2666 : memref<1x62x8x8xf32, #tpu.memory_space<vmem>> -> memref<62x8x8xf32, #tpu.memory_space<vmem>>
        %dma_start3A_2668 = arith.constant 0 : i32
        %dma_start3A_2669 = arith.constant 0 : i32
        %dma_start3A_2670 = tpu.memref_slice %arg3[%dma_start3A_2668, %shift_right_arithmetic3A_2656, %dma_start3A_2669, %multiple_of3A_2661] : memref<62x1002x8x128xf32, #tpu.memory_space<hbm>> -> memref<62x1x8x8xf32, #tpu.memory_space<hbm>>
        %dma_start3A_2671 = tpu.memref_squeeze %dma_start3A_2670 : memref<62x1x8x8xf32, #tpu.memory_space<hbm>> -> memref<62x8x8xf32, #tpu.memory_space<hbm>>
        %dma_start3A_2672 = arith.constant 0 : i32
        %dma_start3A_2673 = arith.constant 0 : i32
        %dma_start3A_2674 = arith.constant 0 : i32
        %dma_start3A_2675 = tpu.memref_slice %arg6[%dma_start3A_2662, %dma_start3A_2672, %dma_start3A_2673, %dma_start3A_2674] : memref<4x62x8x8xf32, #tpu.memory_space<vmem>> -> memref<1x62x8x8xf32, #tpu.memory_space<vmem>>
        %dma_start3A_2676 = tpu.memref_squeeze %dma_start3A_2675 : memref<1x62x8x8xf32, #tpu.memory_space<vmem>> -> memref<62x8x8xf32, #tpu.memory_space<vmem>>
        %dma_start3A_2677 = arith.constant 0 : i32
        %dma_start3A_2678 = arith.constant 0 : i32
        %dma_start3A_2679 = tpu.memref_slice %arg3[%dma_start3A_2677, %shift_right_arithmetic3A_2656, %dma_start3A_2678, %multiple_of3A_2661] : memref<62x1002x8x128xf32, #tpu.memory_space<hbm>> -> memref<62x1x8x8xf32, #tpu.memory_space<hbm>>
        %dma_start3A_2680 = tpu.memref_squeeze %dma_start3A_2679 : memref<62x1x8x8xf32, #tpu.memory_space<hbm>> -> memref<62x8x8xf32, #tpu.memory_space<hbm>>
        tpu.enqueue_dma source(%dma_start3A_2680 : memref<62x8x8xf32, #tpu.memory_space<hbm>>) target(%dma_start3A_2676 : memref<62x8x8xf32, #tpu.memory_space<vmem>>) target_semaphore(%arg9 : memref<!tpu.dma_semaphore, #tpu.memory_space<semaphore_mem>>)
      } else {
      }
      %add3A_1359 = arith.constant 2 : i32
      %add3A_1360 = arith.addi %mul3A_152, %add3A_1359 : i32
      %dma_wait3A_1361 = arith.constant 0 : i32
      %dma_wait3A_1362 = arith.constant 2 : i32
      %dma_wait3A_1363 = arith.constant 0 : i32
      %dma_wait3A_1364 = arith.constant 0 : i32
      %dma_wait3A_1365 = arith.constant 0 : i32
      %dma_wait3A_1366 = tpu.memref_slice %arg6[%dma_wait3A_1362, %dma_wait3A_1363, %dma_wait3A_1364, %dma_wait3A_1365] : memref<4x62x8x8xf32, #tpu.memory_space<vmem>> -> memref<1x62x8x8xf32, #tpu.memory_space<vmem>>
      %dma_wait3A_1367 = tpu.memref_squeeze %dma_wait3A_1366 : memref<1x62x8x8xf32, #tpu.memory_space<vmem>> -> memref<62x8x8xf32, #tpu.memory_space<vmem>>
      %dma_wait3A_1368 = arith.constant 0 : i32
      %dma_wait3A_1369 = arith.constant 0 : i32
      %dma_wait3A_1370 = arith.constant 0 : i32
      %dma_wait3A_1371 = tpu.memref_slice %arg3[%dma_wait3A_1368, %dma_wait3A_1361, %dma_wait3A_1369, %dma_wait3A_1370] : memref<62x1002x8x128xf32, #tpu.memory_space<hbm>> -> memref<62x1x8x8xf32, #tpu.memory_space<hbm>>
      %dma_wait3A_1372 = tpu.memref_squeeze %dma_wait3A_1371 : memref<62x1x8x8xf32, #tpu.memory_space<hbm>> -> memref<62x8x8xf32, #tpu.memory_space<hbm>>
      %dma_wait3A_1373 = arith.constant 0 : i32
      %dma_wait3A_1374 = arith.constant 0 : i32
      %dma_wait3A_1375 = arith.constant 0 : i32
      %dma_wait3A_1376 = tpu.memref_slice %arg6[%dma_wait3A_1362, %dma_wait3A_1373, %dma_wait3A_1374, %dma_wait3A_1375] : memref<4x62x8x8xf32, #tpu.memory_space<vmem>> -> memref<1x62x8x8xf32, #tpu.memory_space<vmem>>
      %dma_wait3A_1377 = tpu.memref_squeeze %dma_wait3A_1376 : memref<1x62x8x8xf32, #tpu.memory_space<vmem>> -> memref<62x8x8xf32, #tpu.memory_space<vmem>>
      %dma_wait3A_1378 = arith.constant 0 : i32
      %dma_wait3A_1379 = arith.constant 0 : i32
      %dma_wait3A_1380 = arith.constant 0 : i32
      %dma_wait3A_1381 = tpu.memref_slice %arg3[%dma_wait3A_1378, %dma_wait3A_1361, %dma_wait3A_1379, %dma_wait3A_1380] : memref<62x1002x8x128xf32, #tpu.memory_space<hbm>> -> memref<62x1x8x8xf32, #tpu.memory_space<hbm>>
      %dma_wait3A_1382 = tpu.memref_squeeze %dma_wait3A_1381 : memref<62x1x8x8xf32, #tpu.memory_space<hbm>> -> memref<62x8x8xf32, #tpu.memory_space<hbm>>
      tpu.wait_dma2 semaphore(%arg10 : memref<!tpu.dma_semaphore, #tpu.memory_space<semaphore_mem>>) src(%dma_wait3A_1382 : memref<62x8x8xf32, #tpu.memory_space<hbm>>) dst(%dma_wait3A_1377 : memref<62x8x8xf32, #tpu.memory_space<vmem>>)
      %jit3A_1383 = arith.constant 16 : i32
      %div3A_1384 = arith.divsi %add3A_1360, %jit3A_1383 : i32
      %sign3A_1385 = arith.constant 0 : i32
      %sign3A_1386 = arith.cmpi sgt, %add3A_1360, %sign3A_1385 : i32
      %sign3A_1387 = arith.extui %sign3A_1386 : i1 to i32
      %sign3A_1388 = arith.constant 0 : i32
      %sign3A_1389 = arith.cmpi slt, %add3A_1360, %sign3A_1388 : i32
      %sign3A_1390 = arith.extui %sign3A_1389 : i1 to i32
      %sign3A_1391 = arith.subi %sign3A_1387, %sign3A_1390 : i32
      %sign3A_1392 = arith.constant 0 : i32
      %sign3A_1393 = arith.cmpi sgt, %jit3A_1383, %sign3A_1392 : i32
      %sign3A_1394 = arith.extui %sign3A_1393 : i1 to i32
      %sign3A_1395 = arith.constant 0 : i32
      %sign3A_1396 = arith.cmpi slt, %jit3A_1383, %sign3A_1395 : i32
      %sign3A_1397 = arith.extui %sign3A_1396 : i1 to i32
      %sign3A_1398 = arith.subi %sign3A_1394, %sign3A_1397 : i32
      %ne3A_1399 = arith.cmpi ne, %sign3A_1391, %sign3A_1398 : i32
      %rem3A_1400 = arith.remsi %add3A_1360, %jit3A_1383 : i32
      %ne3A_1401 = arith.constant 0 : i32
      %ne3A_1402 = arith.cmpi ne, %rem3A_1400, %ne3A_1401 : i32
      %and3A_1403 = arith.andi %ne3A_1399, %ne3A_1402 : i1
      %sub3A_1404 = arith.constant 1 : i32
      %sub3A_1405 = arith.subi %div3A_1384, %sub3A_1404 : i32
      %select_n3A_1406 = arith.select %and3A_1403, %sub3A_1405, %div3A_1384 : i32
      %mul3A_1407 = arith.constant 16 : i32
      %mul3A_1408 = arith.muli %select_n3A_1406, %mul3A_1407 : i32
      %get3A_1409 = arith.index_cast %mul3A_1408 : i32 to index
      %get3A_1410 = tpu.vector_load %arg5[%get3A_1409] {strides = array<i32>} : memref<256xi32, #tpu.memory_space<vmem>>, vector<16xi32>,
      %jit3A_1411 = arith.constant 16 : i32
      %eq3A_1412 = arith.constant 0 : i32
      %eq3A_1413 = arith.cmpi eq, %jit3A_1411, %eq3A_1412 : i32
      %jit3A_1414 = arith.constant 1 : i32
      %select_n3A_1415 = arith.select %eq3A_1413, %jit3A_1414, %jit3A_1411 : i32
      %rem3A_1416 = arith.remsi %add3A_1360, %select_n3A_1415 : i32
      %ne3A_1417 = arith.constant 0 : i32
      %ne3A_1418 = arith.cmpi ne, %rem3A_1416, %ne3A_1417 : i32
      %lt3A_1419 = arith.constant 0 : i32
      %lt3A_1420 = arith.cmpi slt, %rem3A_1416, %lt3A_1419 : i32
      %lt3A_1421 = arith.constant 0 : i32
      %lt3A_1422 = arith.cmpi slt, %select_n3A_1415, %lt3A_1421 : i32
      %ne3A_1423 = arith.xori %lt3A_1420, %lt3A_1422 : i1
      %and3A_1424 = arith.andi %ne3A_1423, %ne3A_1418 : i1
      %add3A_1425 = arith.addi %rem3A_1416, %select_n3A_1415 : i32
      %select_n3A_1426 = arith.select %and3A_1424, %add3A_1425, %rem3A_1416 : i32
      %eq3A_1427 = vector.broadcast %select_n3A_1426 : i32 to vector<16xi32>
      %eq3A_1428 = arith.cmpi eq, %iota3A, %eq3A_1427 : vector<16xi32>
      %jit3A_1429 = arith.constant 0 : i32
      %broadcast_in_dim3A_1430 = vector.broadcast %jit3A_1429 : i32 to vector<16xi32>
      %select_n3A_1431 = arith.select %eq3A_1428, %get3A_1410, %broadcast_in_dim3A_1430 : vector<16xi1>, vector<16xi32>
      %reduce_sum3A_1432 = arith.constant true
      %reduce_sum3A_1433 = vector.broadcast %reduce_sum3A_1432 : i1 to vector<16xi1>
      %reduce_sum3A_1434 = tpu.scan <sum>, %select_n3A_1431 masked %reduce_sum3A_1433 : vector<16xi32>, vector<16xi1> -> vector<16xi32>
      %reduce_sum3A_1435 = vector.extract %reduce_sum3A_1434[15] : i32 from vector<16xi32>
      %and3A_1436 = arith.constant 7 : i32
      %and3A_1437 = arith.andi %reduce_sum3A_1435, %and3A_1436 : i32
      %broadcast_in_dim3A_1438 = arith.constant 0 : i32
      %broadcast_in_dim3A_1439 = vector.broadcast %broadcast_in_dim3A_1438 : i32 to vector<16xi32>
      %add3A_1440 = vector.broadcast %and3A_1437 : i32 to vector<16xi32>
      %add3A_1441 = arith.addi %broadcast_in_dim3A_1439, %add3A_1440 : vector<16xi32>
      %broadcast_in_dim3A_1442 = arith.constant 0 : i32
      %broadcast_in_dim3A_1443 = vector.broadcast %broadcast_in_dim3A_1442 : i32 to vector<16xi32>
      %jit3A_1444 = arith.constant 16 : i32
      %eq3A_1445 = arith.constant 0 : i32
      %eq3A_1446 = arith.cmpi eq, %jit3A_1444, %eq3A_1445 : i32
      %jit3A_1447 = arith.constant 1 : i32
      %select_n3A_1448 = arith.select %eq3A_1446, %jit3A_1447, %jit3A_1444 : i32
      %rem3A_1449 = arith.remsi %add3A_1360, %select_n3A_1448 : i32
      %ne3A_1450 = arith.constant 0 : i32
      %ne3A_1451 = arith.cmpi ne, %rem3A_1449, %ne3A_1450 : i32
      %lt3A_1452 = arith.constant 0 : i32
      %lt3A_1453 = arith.cmpi slt, %rem3A_1449, %lt3A_1452 : i32
      %lt3A_1454 = arith.constant 0 : i32
      %lt3A_1455 = arith.cmpi slt, %select_n3A_1448, %lt3A_1454 : i32
      %ne3A_1456 = arith.xori %lt3A_1453, %lt3A_1455 : i1
      %and3A_1457 = arith.andi %ne3A_1456, %ne3A_1451 : i1
      %add3A_1458 = arith.addi %rem3A_1449, %select_n3A_1448 : i32
      %select_n3A_1459 = arith.select %and3A_1457, %add3A_1458, %rem3A_1449 : i32
      %add3A_1460 = vector.broadcast %select_n3A_1459 : i32 to vector<16xi32>
      %add3A_1461 = arith.addi %broadcast_in_dim3A_1443, %add3A_1460 : vector<16xi32>
      %add3A_1462 = arith.constant 0 : i32
      %add3A_1463 = vector.broadcast %add3A_1462 : i32 to vector<16xi32>
      %add3A_1464 = arith.addi %iota3A, %add3A_1463 : vector<16xi32>
      %shift_right_arithmetic3A_1465 = arith.constant 3 : i32
      %shift_right_arithmetic3A_1466 = vector.broadcast %shift_right_arithmetic3A_1465 : i32 to vector<16xi32>
      %shift_right_arithmetic3A_1467 = arith.shrsi %add3A_1464, %shift_right_arithmetic3A_1466 : vector<16xi32>
      %and3A_1468 = arith.constant 7 : i32
      %and3A_1469 = vector.broadcast %and3A_1468 : i32 to vector<16xi32>
      %and3A_1470 = arith.andi %add3A_1464, %and3A_1469 : vector<16xi32>
      %gather3A_1471 = arith.constant 2 : i32
      %gather3A_1472 = arith.constant 0 : i32
      %gather3A_1473 = arith.constant 0 : i32
      %gather3A_1474 = arith.constant 0 : i32
      %gather3A_1475 = tpu.memref_slice %arg6[%gather3A_1471, %gather3A_1472, %gather3A_1473, %gather3A_1474] : memref<4x62x8x8xf32, #tpu.memory_space<vmem>> -> memref<1x62x8x8xf32, #tpu.memory_space<vmem>>
      %gather3A_1476 = tpu.memref_squeeze %gather3A_1475 : memref<1x62x8x8xf32, #tpu.memory_space<vmem>> -> memref<62x8x8xf32, #tpu.memory_space<vmem>>
      %gather3A_1477 = tpu.vector_load_idx %gather3A_1476[%shift_right_arithmetic3A_1467, %and3A_1470, %add3A_1441] : memref<62x8x8xf32, #tpu.memory_space<vmem>>[vector<16xi32>, vector<16xi32>, vector<16xi32>], vector<16xf32>,
      tpu.vector_store_idx %arg7[%shift_right_arithmetic3A_1467, %and3A_1470, %add3A_1461], %gather3A_1477 : memref<62x8x16xf32, #tpu.memory_space<vmem>>[vector<16xi32>, vector<16xi32>, vector<16xi32>], vector<16xf32>,
      %add3A_1478 = arith.constant 16 : i32
      %add3A_1479 = vector.broadcast %add3A_1478 : i32 to vector<16xi32>
      %add3A_1480 = arith.addi %iota3A, %add3A_1479 : vector<16xi32>
      %shift_right_arithmetic3A_1481 = arith.constant 3 : i32
      %shift_right_arithmetic3A_1482 = vector.broadcast %shift_right_arithmetic3A_1481 : i32 to vector<16xi32>
      %shift_right_arithmetic3A_1483 = arith.shrsi %add3A_1480, %shift_right_arithmetic3A_1482 : vector<16xi32>
      %and3A_1484 = arith.constant 7 : i32
      %and3A_1485 = vector.broadcast %and3A_1484 : i32 to vector<16xi32>
      %and3A_1486 = arith.andi %add3A_1480, %and3A_1485 : vector<16xi32>
      %gather3A_1487 = arith.constant 2 : i32
      %gather3A_1488 = arith.constant 0 : i32
      %gather3A_1489 = arith.constant 0 : i32
      %gather3A_1490 = arith.constant 0 : i32
      %gather3A_1491 = tpu.memref_slice %arg6[%gather3A_1487, %gather3A_1488, %gather3A_1489, %gather3A_1490] : memref<4x62x8x8xf32, #tpu.memory_space<vmem>> -> memref<1x62x8x8xf32, #tpu.memory_space<vmem>>
      %gather3A_1492 = tpu.memref_squeeze %gather3A_1491 : memref<1x62x8x8xf32, #tpu.memory_space<vmem>> -> memref<62x8x8xf32, #tpu.memory_space<vmem>>
      %gather3A_1493 = tpu.vector_load_idx %gather3A_1492[%shift_right_arithmetic3A_1483, %and3A_1486, %add3A_1441] : memref<62x8x8xf32, #tpu.memory_space<vmem>>[vector<16xi32>, vector<16xi32>, vector<16xi32>], vector<16xf32>,
      tpu.vector_store_idx %arg7[%shift_right_arithmetic3A_1483, %and3A_1486, %add3A_1461], %gather3A_1493 : memref<62x8x16xf32, #tpu.memory_space<vmem>>[vector<16xi32>, vector<16xi32>, vector<16xi32>], vector<16xf32>,
      %add3A_1494 = arith.constant 32 : i32
      %add3A_1495 = vector.broadcast %add3A_1494 : i32 to vector<16xi32>
      %add3A_1496 = arith.addi %iota3A, %add3A_1495 : vector<16xi32>
      %shift_right_arithmetic3A_1497 = arith.constant 3 : i32
      %shift_right_arithmetic3A_1498 = vector.broadcast %shift_right_arithmetic3A_1497 : i32 to vector<16xi32>
      %shift_right_arithmetic3A_1499 = arith.shrsi %add3A_1496, %shift_right_arithmetic3A_1498 : vector<16xi32>
      %and3A_1500 = arith.constant 7 : i32
      %and3A_1501 = vector.broadcast %and3A_1500 : i32 to vector<16xi32>
      %and3A_1502 = arith.andi %add3A_1496, %and3A_1501 : vector<16xi32>
      %gather3A_1503 = arith.constant 2 : i32
      %gather3A_1504 = arith.constant 0 : i32
      %gather3A_1505 = arith.constant 0 : i32
      %gather3A_1506 = arith.constant 0 : i32
      %gather3A_1507 = tpu.memref_slice %arg6[%gather3A_1503, %gather3A_1504, %gather3A_1505, %gather3A_1506] : memref<4x62x8x8xf32, #tpu.memory_space<vmem>> -> memref<1x62x8x8xf32, #tpu.memory_space<vmem>>
      %gather3A_1508 = tpu.memref_squeeze %gather3A_1507 : memref<1x62x8x8xf32, #tpu.memory_space<vmem>> -> memref<62x8x8xf32, #tpu.memory_space<vmem>>
      %gather3A_1509 = tpu.vector_load_idx %gather3A_1508[%shift_right_arithmetic3A_1499, %and3A_1502, %add3A_1441] : memref<62x8x8xf32, #tpu.memory_space<vmem>>[vector<16xi32>, vector<16xi32>, vector<16xi32>], vector<16xf32>,
      tpu.vector_store_idx %arg7[%shift_right_arithmetic3A_1499, %and3A_1502, %add3A_1461], %gather3A_1509 : memref<62x8x16xf32, #tpu.memory_space<vmem>>[vector<16xi32>, vector<16xi32>, vector<16xi32>], vector<16xf32>,
      %add3A_1510 = arith.constant 48 : i32
      %add3A_1511 = vector.broadcast %add3A_1510 : i32 to vector<16xi32>
      %add3A_1512 = arith.addi %iota3A, %add3A_1511 : vector<16xi32>
      %shift_right_arithmetic3A_1513 = arith.constant 3 : i32
      %shift_right_arithmetic3A_1514 = vector.broadcast %shift_right_arithmetic3A_1513 : i32 to vector<16xi32>
      %shift_right_arithmetic3A_1515 = arith.shrsi %add3A_1512, %shift_right_arithmetic3A_1514 : vector<16xi32>
      %and3A_1516 = arith.constant 7 : i32
      %and3A_1517 = vector.broadcast %and3A_1516 : i32 to vector<16xi32>
      %and3A_1518 = arith.andi %add3A_1512, %and3A_1517 : vector<16xi32>
      %gather3A_1519 = arith.constant 2 : i32
      %gather3A_1520 = arith.constant 0 : i32
      %gather3A_1521 = arith.constant 0 : i32
      %gather3A_1522 = arith.constant 0 : i32
      %gather3A_1523 = tpu.memref_slice %arg6[%gather3A_1519, %gather3A_1520, %gather3A_1521, %gather3A_1522] : memref<4x62x8x8xf32, #tpu.memory_space<vmem>> -> memref<1x62x8x8xf32, #tpu.memory_space<vmem>>
      %gather3A_1524 = tpu.memref_squeeze %gather3A_1523 : memref<1x62x8x8xf32, #tpu.memory_space<vmem>> -> memref<62x8x8xf32, #tpu.memory_space<vmem>>
      %gather3A_1525 = tpu.vector_load_idx %gather3A_1524[%shift_right_arithmetic3A_1515, %and3A_1518, %add3A_1441] : memref<62x8x8xf32, #tpu.memory_space<vmem>>[vector<16xi32>, vector<16xi32>, vector<16xi32>], vector<16xf32>,
      tpu.vector_store_idx %arg7[%shift_right_arithmetic3A_1515, %and3A_1518, %add3A_1461], %gather3A_1525 : memref<62x8x16xf32, #tpu.memory_space<vmem>>[vector<16xi32>, vector<16xi32>, vector<16xi32>], vector<16xf32>,
      %add3A_1526 = arith.constant 64 : i32
      %add3A_1527 = vector.broadcast %add3A_1526 : i32 to vector<16xi32>
      %add3A_1528 = arith.addi %iota3A, %add3A_1527 : vector<16xi32>
      %shift_right_arithmetic3A_1529 = arith.constant 3 : i32
      %shift_right_arithmetic3A_1530 = vector.broadcast %shift_right_arithmetic3A_1529 : i32 to vector<16xi32>
      %shift_right_arithmetic3A_1531 = arith.shrsi %add3A_1528, %shift_right_arithmetic3A_1530 : vector<16xi32>
      %and3A_1532 = arith.constant 7 : i32
      %and3A_1533 = vector.broadcast %and3A_1532 : i32 to vector<16xi32>
      %and3A_1534 = arith.andi %add3A_1528, %and3A_1533 : vector<16xi32>
      %gather3A_1535 = arith.constant 2 : i32
      %gather3A_1536 = arith.constant 0 : i32
      %gather3A_1537 = arith.constant 0 : i32
      %gather3A_1538 = arith.constant 0 : i32
      %gather3A_1539 = tpu.memref_slice %arg6[%gather3A_1535, %gather3A_1536, %gather3A_1537, %gather3A_1538] : memref<4x62x8x8xf32, #tpu.memory_space<vmem>> -> memref<1x62x8x8xf32, #tpu.memory_space<vmem>>
      %gather3A_1540 = tpu.memref_squeeze %gather3A_1539 : memref<1x62x8x8xf32, #tpu.memory_space<vmem>> -> memref<62x8x8xf32, #tpu.memory_space<vmem>>
      %gather3A_1541 = tpu.vector_load_idx %gather3A_1540[%shift_right_arithmetic3A_1531, %and3A_1534, %add3A_1441] : memref<62x8x8xf32, #tpu.memory_space<vmem>>[vector<16xi32>, vector<16xi32>, vector<16xi32>], vector<16xf32>,
      tpu.vector_store_idx %arg7[%shift_right_arithmetic3A_1531, %and3A_1534, %add3A_1461], %gather3A_1541 : memref<62x8x16xf32, #tpu.memory_space<vmem>>[vector<16xi32>, vector<16xi32>, vector<16xi32>], vector<16xf32>,
      %add3A_1542 = arith.constant 80 : i32
      %add3A_1543 = vector.broadcast %add3A_1542 : i32 to vector<16xi32>
      %add3A_1544 = arith.addi %iota3A, %add3A_1543 : vector<16xi32>
      %shift_right_arithmetic3A_1545 = arith.constant 3 : i32
      %shift_right_arithmetic3A_1546 = vector.broadcast %shift_right_arithmetic3A_1545 : i32 to vector<16xi32>
      %shift_right_arithmetic3A_1547 = arith.shrsi %add3A_1544, %shift_right_arithmetic3A_1546 : vector<16xi32>
      %and3A_1548 = arith.constant 7 : i32
      %and3A_1549 = vector.broadcast %and3A_1548 : i32 to vector<16xi32>
      %and3A_1550 = arith.andi %add3A_1544, %and3A_1549 : vector<16xi32>
      %gather3A_1551 = arith.constant 2 : i32
      %gather3A_1552 = arith.constant 0 : i32
      %gather3A_1553 = arith.constant 0 : i32
      %gather3A_1554 = arith.constant 0 : i32
      %gather3A_1555 = tpu.memref_slice %arg6[%gather3A_1551, %gather3A_1552, %gather3A_1553, %gather3A_1554] : memref<4x62x8x8xf32, #tpu.memory_space<vmem>> -> memref<1x62x8x8xf32, #tpu.memory_space<vmem>>
      %gather3A_1556 = tpu.memref_squeeze %gather3A_1555 : memref<1x62x8x8xf32, #tpu.memory_space<vmem>> -> memref<62x8x8xf32, #tpu.memory_space<vmem>>
      %gather3A_1557 = tpu.vector_load_idx %gather3A_1556[%shift_right_arithmetic3A_1547, %and3A_1550, %add3A_1441] : memref<62x8x8xf32, #tpu.memory_space<vmem>>[vector<16xi32>, vector<16xi32>, vector<16xi32>], vector<16xf32>,
      tpu.vector_store_idx %arg7[%shift_right_arithmetic3A_1547, %and3A_1550, %add3A_1461], %gather3A_1557 : memref<62x8x16xf32, #tpu.memory_space<vmem>>[vector<16xi32>, vector<16xi32>, vector<16xi32>], vector<16xf32>,
      %add3A_1558 = arith.constant 96 : i32
      %add3A_1559 = vector.broadcast %add3A_1558 : i32 to vector<16xi32>
      %add3A_1560 = arith.addi %iota3A, %add3A_1559 : vector<16xi32>
      %shift_right_arithmetic3A_1561 = arith.constant 3 : i32
      %shift_right_arithmetic3A_1562 = vector.broadcast %shift_right_arithmetic3A_1561 : i32 to vector<16xi32>
      %shift_right_arithmetic3A_1563 = arith.shrsi %add3A_1560, %shift_right_arithmetic3A_1562 : vector<16xi32>
      %and3A_1564 = arith.constant 7 : i32
      %and3A_1565 = vector.broadcast %and3A_1564 : i32 to vector<16xi32>
      %and3A_1566 = arith.andi %add3A_1560, %and3A_1565 : vector<16xi32>
      %gather3A_1567 = arith.constant 2 : i32
      %gather3A_1568 = arith.constant 0 : i32
      %gather3A_1569 = arith.constant 0 : i32
      %gather3A_1570 = arith.constant 0 : i32
      %gather3A_1571 = tpu.memref_slice %arg6[%gather3A_1567, %gather3A_1568, %gather3A_1569, %gather3A_1570] : memref<4x62x8x8xf32, #tpu.memory_space<vmem>> -> memref<1x62x8x8xf32, #tpu.memory_space<vmem>>
      %gather3A_1572 = tpu.memref_squeeze %gather3A_1571 : memref<1x62x8x8xf32, #tpu.memory_space<vmem>> -> memref<62x8x8xf32, #tpu.memory_space<vmem>>
      %gather3A_1573 = tpu.vector_load_idx %gather3A_1572[%shift_right_arithmetic3A_1563, %and3A_1566, %add3A_1441] : memref<62x8x8xf32, #tpu.memory_space<vmem>>[vector<16xi32>, vector<16xi32>, vector<16xi32>], vector<16xf32>,
      tpu.vector_store_idx %arg7[%shift_right_arithmetic3A_1563, %and3A_1566, %add3A_1461], %gather3A_1573 : memref<62x8x16xf32, #tpu.memory_space<vmem>>[vector<16xi32>, vector<16xi32>, vector<16xi32>], vector<16xf32>,
      %add3A_1574 = arith.constant 112 : i32
      %add3A_1575 = vector.broadcast %add3A_1574 : i32 to vector<16xi32>
      %add3A_1576 = arith.addi %iota3A, %add3A_1575 : vector<16xi32>
      %shift_right_arithmetic3A_1577 = arith.constant 3 : i32
      %shift_right_arithmetic3A_1578 = vector.broadcast %shift_right_arithmetic3A_1577 : i32 to vector<16xi32>
      %shift_right_arithmetic3A_1579 = arith.shrsi %add3A_1576, %shift_right_arithmetic3A_1578 : vector<16xi32>
      %and3A_1580 = arith.constant 7 : i32
      %and3A_1581 = vector.broadcast %and3A_1580 : i32 to vector<16xi32>
      %and3A_1582 = arith.andi %add3A_1576, %and3A_1581 : vector<16xi32>
      %gather3A_1583 = arith.constant 2 : i32
      %gather3A_1584 = arith.constant 0 : i32
      %gather3A_1585 = arith.constant 0 : i32
      %gather3A_1586 = arith.constant 0 : i32
      %gather3A_1587 = tpu.memref_slice %arg6[%gather3A_1583, %gather3A_1584, %gather3A_1585, %gather3A_1586] : memref<4x62x8x8xf32, #tpu.memory_space<vmem>> -> memref<1x62x8x8xf32, #tpu.memory_space<vmem>>
      %gather3A_1588 = tpu.memref_squeeze %gather3A_1587 : memref<1x62x8x8xf32, #tpu.memory_space<vmem>> -> memref<62x8x8xf32, #tpu.memory_space<vmem>>
      %gather3A_1589 = tpu.vector_load_idx %gather3A_1588[%shift_right_arithmetic3A_1579, %and3A_1582, %add3A_1441] : memref<62x8x8xf32, #tpu.memory_space<vmem>>[vector<16xi32>, vector<16xi32>, vector<16xi32>], vector<16xf32>,
      tpu.vector_store_idx %arg7[%shift_right_arithmetic3A_1579, %and3A_1582, %add3A_1461], %gather3A_1589 : memref<62x8x16xf32, #tpu.memory_space<vmem>>[vector<16xi32>, vector<16xi32>, vector<16xi32>], vector<16xf32>,
      %add3A_1590 = arith.constant 128 : i32
      %add3A_1591 = vector.broadcast %add3A_1590 : i32 to vector<16xi32>
      %add3A_1592 = arith.addi %iota3A, %add3A_1591 : vector<16xi32>
      %shift_right_arithmetic3A_1593 = arith.constant 3 : i32
      %shift_right_arithmetic3A_1594 = vector.broadcast %shift_right_arithmetic3A_1593 : i32 to vector<16xi32>
      %shift_right_arithmetic3A_1595 = arith.shrsi %add3A_1592, %shift_right_arithmetic3A_1594 : vector<16xi32>
      %and3A_1596 = arith.constant 7 : i32
      %and3A_1597 = vector.broadcast %and3A_1596 : i32 to vector<16xi32>
      %and3A_1598 = arith.andi %add3A_1592, %and3A_1597 : vector<16xi32>
      %gather3A_1599 = arith.constant 2 : i32
      %gather3A_1600 = arith.constant 0 : i32
      %gather3A_1601 = arith.constant 0 : i32
      %gather3A_1602 = arith.constant 0 : i32
      %gather3A_1603 = tpu.memref_slice %arg6[%gather3A_1599, %gather3A_1600, %gather3A_1601, %gather3A_1602] : memref<4x62x8x8xf32, #tpu.memory_space<vmem>> -> memref<1x62x8x8xf32, #tpu.memory_space<vmem>>
      %gather3A_1604 = tpu.memref_squeeze %gather3A_1603 : memref<1x62x8x8xf32, #tpu.memory_space<vmem>> -> memref<62x8x8xf32, #tpu.memory_space<vmem>>
      %gather3A_1605 = tpu.vector_load_idx %gather3A_1604[%shift_right_arithmetic3A_1595, %and3A_1598, %add3A_1441] : memref<62x8x8xf32, #tpu.memory_space<vmem>>[vector<16xi32>, vector<16xi32>, vector<16xi32>], vector<16xf32>,
      tpu.vector_store_idx %arg7[%shift_right_arithmetic3A_1595, %and3A_1598, %add3A_1461], %gather3A_1605 : memref<62x8x16xf32, #tpu.memory_space<vmem>>[vector<16xi32>, vector<16xi32>, vector<16xi32>], vector<16xf32>,
      %add3A_1606 = arith.constant 144 : i32
      %add3A_1607 = vector.broadcast %add3A_1606 : i32 to vector<16xi32>
      %add3A_1608 = arith.addi %iota3A, %add3A_1607 : vector<16xi32>
      %shift_right_arithmetic3A_1609 = arith.constant 3 : i32
      %shift_right_arithmetic3A_1610 = vector.broadcast %shift_right_arithmetic3A_1609 : i32 to vector<16xi32>
      %shift_right_arithmetic3A_1611 = arith.shrsi %add3A_1608, %shift_right_arithmetic3A_1610 : vector<16xi32>
      %and3A_1612 = arith.constant 7 : i32
      %and3A_1613 = vector.broadcast %and3A_1612 : i32 to vector<16xi32>
      %and3A_1614 = arith.andi %add3A_1608, %and3A_1613 : vector<16xi32>
      %gather3A_1615 = arith.constant 2 : i32
      %gather3A_1616 = arith.constant 0 : i32
      %gather3A_1617 = arith.constant 0 : i32
      %gather3A_1618 = arith.constant 0 : i32
      %gather3A_1619 = tpu.memref_slice %arg6[%gather3A_1615, %gather3A_1616, %gather3A_1617, %gather3A_1618] : memref<4x62x8x8xf32, #tpu.memory_space<vmem>> -> memref<1x62x8x8xf32, #tpu.memory_space<vmem>>
      %gather3A_1620 = tpu.memref_squeeze %gather3A_1619 : memref<1x62x8x8xf32, #tpu.memory_space<vmem>> -> memref<62x8x8xf32, #tpu.memory_space<vmem>>
      %gather3A_1621 = tpu.vector_load_idx %gather3A_1620[%shift_right_arithmetic3A_1611, %and3A_1614, %add3A_1441] : memref<62x8x8xf32, #tpu.memory_space<vmem>>[vector<16xi32>, vector<16xi32>, vector<16xi32>], vector<16xf32>,
      tpu.vector_store_idx %arg7[%shift_right_arithmetic3A_1611, %and3A_1614, %add3A_1461], %gather3A_1621 : memref<62x8x16xf32, #tpu.memory_space<vmem>>[vector<16xi32>, vector<16xi32>, vector<16xi32>], vector<16xf32>,
      %add3A_1622 = arith.constant 160 : i32
      %add3A_1623 = vector.broadcast %add3A_1622 : i32 to vector<16xi32>
      %add3A_1624 = arith.addi %iota3A, %add3A_1623 : vector<16xi32>
      %shift_right_arithmetic3A_1625 = arith.constant 3 : i32
      %shift_right_arithmetic3A_1626 = vector.broadcast %shift_right_arithmetic3A_1625 : i32 to vector<16xi32>
      %shift_right_arithmetic3A_1627 = arith.shrsi %add3A_1624, %shift_right_arithmetic3A_1626 : vector<16xi32>
      %and3A_1628 = arith.constant 7 : i32
      %and3A_1629 = vector.broadcast %and3A_1628 : i32 to vector<16xi32>
      %and3A_1630 = arith.andi %add3A_1624, %and3A_1629 : vector<16xi32>
      %gather3A_1631 = arith.constant 2 : i32
      %gather3A_1632 = arith.constant 0 : i32
      %gather3A_1633 = arith.constant 0 : i32
      %gather3A_1634 = arith.constant 0 : i32
      %gather3A_1635 = tpu.memref_slice %arg6[%gather3A_1631, %gather3A_1632, %gather3A_1633, %gather3A_1634] : memref<4x62x8x8xf32, #tpu.memory_space<vmem>> -> memref<1x62x8x8xf32, #tpu.memory_space<vmem>>
      %gather3A_1636 = tpu.memref_squeeze %gather3A_1635 : memref<1x62x8x8xf32, #tpu.memory_space<vmem>> -> memref<62x8x8xf32, #tpu.memory_space<vmem>>
      %gather3A_1637 = tpu.vector_load_idx %gather3A_1636[%shift_right_arithmetic3A_1627, %and3A_1630, %add3A_1441] : memref<62x8x8xf32, #tpu.memory_space<vmem>>[vector<16xi32>, vector<16xi32>, vector<16xi32>], vector<16xf32>,
      tpu.vector_store_idx %arg7[%shift_right_arithmetic3A_1627, %and3A_1630, %add3A_1461], %gather3A_1637 : memref<62x8x16xf32, #tpu.memory_space<vmem>>[vector<16xi32>, vector<16xi32>, vector<16xi32>], vector<16xf32>,
      %add3A_1638 = arith.constant 176 : i32
      %add3A_1639 = vector.broadcast %add3A_1638 : i32 to vector<16xi32>
      %add3A_1640 = arith.addi %iota3A, %add3A_1639 : vector<16xi32>
      %shift_right_arithmetic3A_1641 = arith.constant 3 : i32
      %shift_right_arithmetic3A_1642 = vector.broadcast %shift_right_arithmetic3A_1641 : i32 to vector<16xi32>
      %shift_right_arithmetic3A_1643 = arith.shrsi %add3A_1640, %shift_right_arithmetic3A_1642 : vector<16xi32>
      %and3A_1644 = arith.constant 7 : i32
      %and3A_1645 = vector.broadcast %and3A_1644 : i32 to vector<16xi32>
      %and3A_1646 = arith.andi %add3A_1640, %and3A_1645 : vector<16xi32>
      %gather3A_1647 = arith.constant 2 : i32
      %gather3A_1648 = arith.constant 0 : i32
      %gather3A_1649 = arith.constant 0 : i32
      %gather3A_1650 = arith.constant 0 : i32
      %gather3A_1651 = tpu.memref_slice %arg6[%gather3A_1647, %gather3A_1648, %gather3A_1649, %gather3A_1650] : memref<4x62x8x8xf32, #tpu.memory_space<vmem>> -> memref<1x62x8x8xf32, #tpu.memory_space<vmem>>
      %gather3A_1652 = tpu.memref_squeeze %gather3A_1651 : memref<1x62x8x8xf32, #tpu.memory_space<vmem>> -> memref<62x8x8xf32, #tpu.memory_space<vmem>>
      %gather3A_1653 = tpu.vector_load_idx %gather3A_1652[%shift_right_arithmetic3A_1643, %and3A_1646, %add3A_1441] : memref<62x8x8xf32, #tpu.memory_space<vmem>>[vector<16xi32>, vector<16xi32>, vector<16xi32>], vector<16xf32>,
      tpu.vector_store_idx %arg7[%shift_right_arithmetic3A_1643, %and3A_1646, %add3A_1461], %gather3A_1653 : memref<62x8x16xf32, #tpu.memory_space<vmem>>[vector<16xi32>, vector<16xi32>, vector<16xi32>], vector<16xf32>,
      %add3A_1654 = arith.constant 192 : i32
      %add3A_1655 = vector.broadcast %add3A_1654 : i32 to vector<16xi32>
      %add3A_1656 = arith.addi %iota3A, %add3A_1655 : vector<16xi32>
      %shift_right_arithmetic3A_1657 = arith.constant 3 : i32
      %shift_right_arithmetic3A_1658 = vector.broadcast %shift_right_arithmetic3A_1657 : i32 to vector<16xi32>
      %shift_right_arithmetic3A_1659 = arith.shrsi %add3A_1656, %shift_right_arithmetic3A_1658 : vector<16xi32>
      %and3A_1660 = arith.constant 7 : i32
      %and3A_1661 = vector.broadcast %and3A_1660 : i32 to vector<16xi32>
      %and3A_1662 = arith.andi %add3A_1656, %and3A_1661 : vector<16xi32>
      %gather3A_1663 = arith.constant 2 : i32
      %gather3A_1664 = arith.constant 0 : i32
      %gather3A_1665 = arith.constant 0 : i32
      %gather3A_1666 = arith.constant 0 : i32
      %gather3A_1667 = tpu.memref_slice %arg6[%gather3A_1663, %gather3A_1664, %gather3A_1665, %gather3A_1666] : memref<4x62x8x8xf32, #tpu.memory_space<vmem>> -> memref<1x62x8x8xf32, #tpu.memory_space<vmem>>
      %gather3A_1668 = tpu.memref_squeeze %gather3A_1667 : memref<1x62x8x8xf32, #tpu.memory_space<vmem>> -> memref<62x8x8xf32, #tpu.memory_space<vmem>>
      %gather3A_1669 = tpu.vector_load_idx %gather3A_1668[%shift_right_arithmetic3A_1659, %and3A_1662, %add3A_1441] : memref<62x8x8xf32, #tpu.memory_space<vmem>>[vector<16xi32>, vector<16xi32>, vector<16xi32>], vector<16xf32>,
      tpu.vector_store_idx %arg7[%shift_right_arithmetic3A_1659, %and3A_1662, %add3A_1461], %gather3A_1669 : memref<62x8x16xf32, #tpu.memory_space<vmem>>[vector<16xi32>, vector<16xi32>, vector<16xi32>], vector<16xf32>,
      %add3A_1670 = arith.constant 208 : i32
      %add3A_1671 = vector.broadcast %add3A_1670 : i32 to vector<16xi32>
      %add3A_1672 = arith.addi %iota3A, %add3A_1671 : vector<16xi32>
      %shift_right_arithmetic3A_1673 = arith.constant 3 : i32
      %shift_right_arithmetic3A_1674 = vector.broadcast %shift_right_arithmetic3A_1673 : i32 to vector<16xi32>
      %shift_right_arithmetic3A_1675 = arith.shrsi %add3A_1672, %shift_right_arithmetic3A_1674 : vector<16xi32>
      %and3A_1676 = arith.constant 7 : i32
      %and3A_1677 = vector.broadcast %and3A_1676 : i32 to vector<16xi32>
      %and3A_1678 = arith.andi %add3A_1672, %and3A_1677 : vector<16xi32>
      %gather3A_1679 = arith.constant 2 : i32
      %gather3A_1680 = arith.constant 0 : i32
      %gather3A_1681 = arith.constant 0 : i32
      %gather3A_1682 = arith.constant 0 : i32
      %gather3A_1683 = tpu.memref_slice %arg6[%gather3A_1679, %gather3A_1680, %gather3A_1681, %gather3A_1682] : memref<4x62x8x8xf32, #tpu.memory_space<vmem>> -> memref<1x62x8x8xf32, #tpu.memory_space<vmem>>
      %gather3A_1684 = tpu.memref_squeeze %gather3A_1683 : memref<1x62x8x8xf32, #tpu.memory_space<vmem>> -> memref<62x8x8xf32, #tpu.memory_space<vmem>>
      %gather3A_1685 = tpu.vector_load_idx %gather3A_1684[%shift_right_arithmetic3A_1675, %and3A_1678, %add3A_1441] : memref<62x8x8xf32, #tpu.memory_space<vmem>>[vector<16xi32>, vector<16xi32>, vector<16xi32>], vector<16xf32>,
      tpu.vector_store_idx %arg7[%shift_right_arithmetic3A_1675, %and3A_1678, %add3A_1461], %gather3A_1685 : memref<62x8x16xf32, #tpu.memory_space<vmem>>[vector<16xi32>, vector<16xi32>, vector<16xi32>], vector<16xf32>,
      %add3A_1686 = arith.constant 224 : i32
      %add3A_1687 = vector.broadcast %add3A_1686 : i32 to vector<16xi32>
      %add3A_1688 = arith.addi %iota3A, %add3A_1687 : vector<16xi32>
      %shift_right_arithmetic3A_1689 = arith.constant 3 : i32
      %shift_right_arithmetic3A_1690 = vector.broadcast %shift_right_arithmetic3A_1689 : i32 to vector<16xi32>
      %shift_right_arithmetic3A_1691 = arith.shrsi %add3A_1688, %shift_right_arithmetic3A_1690 : vector<16xi32>
      %and3A_1692 = arith.constant 7 : i32
      %and3A_1693 = vector.broadcast %and3A_1692 : i32 to vector<16xi32>
      %and3A_1694 = arith.andi %add3A_1688, %and3A_1693 : vector<16xi32>
      %gather3A_1695 = arith.constant 2 : i32
      %gather3A_1696 = arith.constant 0 : i32
      %gather3A_1697 = arith.constant 0 : i32
      %gather3A_1698 = arith.constant 0 : i32
      %gather3A_1699 = tpu.memref_slice %arg6[%gather3A_1695, %gather3A_1696, %gather3A_1697, %gather3A_1698] : memref<4x62x8x8xf32, #tpu.memory_space<vmem>> -> memref<1x62x8x8xf32, #tpu.memory_space<vmem>>
      %gather3A_1700 = tpu.memref_squeeze %gather3A_1699 : memref<1x62x8x8xf32, #tpu.memory_space<vmem>> -> memref<62x8x8xf32, #tpu.memory_space<vmem>>
      %gather3A_1701 = tpu.vector_load_idx %gather3A_1700[%shift_right_arithmetic3A_1691, %and3A_1694, %add3A_1441] : memref<62x8x8xf32, #tpu.memory_space<vmem>>[vector<16xi32>, vector<16xi32>, vector<16xi32>], vector<16xf32>,
      tpu.vector_store_idx %arg7[%shift_right_arithmetic3A_1691, %and3A_1694, %add3A_1461], %gather3A_1701 : memref<62x8x16xf32, #tpu.memory_space<vmem>>[vector<16xi32>, vector<16xi32>, vector<16xi32>], vector<16xf32>,
      %add3A_1702 = arith.constant 240 : i32
      %add3A_1703 = vector.broadcast %add3A_1702 : i32 to vector<16xi32>
      %add3A_1704 = arith.addi %iota3A, %add3A_1703 : vector<16xi32>
      %shift_right_arithmetic3A_1705 = arith.constant 3 : i32
      %shift_right_arithmetic3A_1706 = vector.broadcast %shift_right_arithmetic3A_1705 : i32 to vector<16xi32>
      %shift_right_arithmetic3A_1707 = arith.shrsi %add3A_1704, %shift_right_arithmetic3A_1706 : vector<16xi32>
      %and3A_1708 = arith.constant 7 : i32
      %and3A_1709 = vector.broadcast %and3A_1708 : i32 to vector<16xi32>
      %and3A_1710 = arith.andi %add3A_1704, %and3A_1709 : vector<16xi32>
      %gather3A_1711 = arith.constant 2 : i32
      %gather3A_1712 = arith.constant 0 : i32
      %gather3A_1713 = arith.constant 0 : i32
      %gather3A_1714 = arith.constant 0 : i32
      %gather3A_1715 = tpu.memref_slice %arg6[%gather3A_1711, %gather3A_1712, %gather3A_1713, %gather3A_1714] : memref<4x62x8x8xf32, #tpu.memory_space<vmem>> -> memref<1x62x8x8xf32, #tpu.memory_space<vmem>>
      %gather3A_1716 = tpu.memref_squeeze %gather3A_1715 : memref<1x62x8x8xf32, #tpu.memory_space<vmem>> -> memref<62x8x8xf32, #tpu.memory_space<vmem>>
      %gather3A_1717 = tpu.vector_load_idx %gather3A_1716[%shift_right_arithmetic3A_1707, %and3A_1710, %add3A_1441] : memref<62x8x8xf32, #tpu.memory_space<vmem>>[vector<16xi32>, vector<16xi32>, vector<16xi32>], vector<16xf32>,
      tpu.vector_store_idx %arg7[%shift_right_arithmetic3A_1707, %and3A_1710, %add3A_1461], %gather3A_1717 : memref<62x8x16xf32, #tpu.memory_space<vmem>>[vector<16xi32>, vector<16xi32>, vector<16xi32>], vector<16xf32>,
      %add3A_1718 = arith.constant 256 : i32
      %add3A_1719 = vector.broadcast %add3A_1718 : i32 to vector<16xi32>
      %add3A_1720 = arith.addi %iota3A, %add3A_1719 : vector<16xi32>
      %shift_right_arithmetic3A_1721 = arith.constant 3 : i32
      %shift_right_arithmetic3A_1722 = vector.broadcast %shift_right_arithmetic3A_1721 : i32 to vector<16xi32>
      %shift_right_arithmetic3A_1723 = arith.shrsi %add3A_1720, %shift_right_arithmetic3A_1722 : vector<16xi32>
      %and3A_1724 = arith.constant 7 : i32
      %and3A_1725 = vector.broadcast %and3A_1724 : i32 to vector<16xi32>
      %and3A_1726 = arith.andi %add3A_1720, %and3A_1725 : vector<16xi32>
      %gather3A_1727 = arith.constant 2 : i32
      %gather3A_1728 = arith.constant 0 : i32
      %gather3A_1729 = arith.constant 0 : i32
      %gather3A_1730 = arith.constant 0 : i32
      %gather3A_1731 = tpu.memref_slice %arg6[%gather3A_1727, %gather3A_1728, %gather3A_1729, %gather3A_1730] : memref<4x62x8x8xf32, #tpu.memory_space<vmem>> -> memref<1x62x8x8xf32, #tpu.memory_space<vmem>>
      %gather3A_1732 = tpu.memref_squeeze %gather3A_1731 : memref<1x62x8x8xf32, #tpu.memory_space<vmem>> -> memref<62x8x8xf32, #tpu.memory_space<vmem>>
      %gather3A_1733 = tpu.vector_load_idx %gather3A_1732[%shift_right_arithmetic3A_1723, %and3A_1726, %add3A_1441] : memref<62x8x8xf32, #tpu.memory_space<vmem>>[vector<16xi32>, vector<16xi32>, vector<16xi32>], vector<16xf32>,
      tpu.vector_store_idx %arg7[%shift_right_arithmetic3A_1723, %and3A_1726, %add3A_1461], %gather3A_1733 : memref<62x8x16xf32, #tpu.memory_space<vmem>>[vector<16xi32>, vector<16xi32>, vector<16xi32>], vector<16xf32>,
      %add3A_1734 = arith.constant 272 : i32
      %add3A_1735 = vector.broadcast %add3A_1734 : i32 to vector<16xi32>
      %add3A_1736 = arith.addi %iota3A, %add3A_1735 : vector<16xi32>
      %shift_right_arithmetic3A_1737 = arith.constant 3 : i32
      %shift_right_arithmetic3A_1738 = vector.broadcast %shift_right_arithmetic3A_1737 : i32 to vector<16xi32>
      %shift_right_arithmetic3A_1739 = arith.shrsi %add3A_1736, %shift_right_arithmetic3A_1738 : vector<16xi32>
      %and3A_1740 = arith.constant 7 : i32
      %and3A_1741 = vector.broadcast %and3A_1740 : i32 to vector<16xi32>
      %and3A_1742 = arith.andi %add3A_1736, %and3A_1741 : vector<16xi32>
      %gather3A_1743 = arith.constant 2 : i32
      %gather3A_1744 = arith.constant 0 : i32
      %gather3A_1745 = arith.constant 0 : i32
      %gather3A_1746 = arith.constant 0 : i32
      %gather3A_1747 = tpu.memref_slice %arg6[%gather3A_1743, %gather3A_1744, %gather3A_1745, %gather3A_1746] : memref<4x62x8x8xf32, #tpu.memory_space<vmem>> -> memref<1x62x8x8xf32, #tpu.memory_space<vmem>>
      %gather3A_1748 = tpu.memref_squeeze %gather3A_1747 : memref<1x62x8x8xf32, #tpu.memory_space<vmem>> -> memref<62x8x8xf32, #tpu.memory_space<vmem>>
      %gather3A_1749 = tpu.vector_load_idx %gather3A_1748[%shift_right_arithmetic3A_1739, %and3A_1742, %add3A_1441] : memref<62x8x8xf32, #tpu.memory_space<vmem>>[vector<16xi32>, vector<16xi32>, vector<16xi32>], vector<16xf32>,
      tpu.vector_store_idx %arg7[%shift_right_arithmetic3A_1739, %and3A_1742, %add3A_1461], %gather3A_1749 : memref<62x8x16xf32, #tpu.memory_space<vmem>>[vector<16xi32>, vector<16xi32>, vector<16xi32>], vector<16xf32>,
      %add3A_1750 = arith.constant 288 : i32
      %add3A_1751 = vector.broadcast %add3A_1750 : i32 to vector<16xi32>
      %add3A_1752 = arith.addi %iota3A, %add3A_1751 : vector<16xi32>
      %shift_right_arithmetic3A_1753 = arith.constant 3 : i32
      %shift_right_arithmetic3A_1754 = vector.broadcast %shift_right_arithmetic3A_1753 : i32 to vector<16xi32>
      %shift_right_arithmetic3A_1755 = arith.shrsi %add3A_1752, %shift_right_arithmetic3A_1754 : vector<16xi32>
      %and3A_1756 = arith.constant 7 : i32
      %and3A_1757 = vector.broadcast %and3A_1756 : i32 to vector<16xi32>
      %and3A_1758 = arith.andi %add3A_1752, %and3A_1757 : vector<16xi32>
      %gather3A_1759 = arith.constant 2 : i32
      %gather3A_1760 = arith.constant 0 : i32
      %gather3A_1761 = arith.constant 0 : i32
      %gather3A_1762 = arith.constant 0 : i32
      %gather3A_1763 = tpu.memref_slice %arg6[%gather3A_1759, %gather3A_1760, %gather3A_1761, %gather3A_1762] : memref<4x62x8x8xf32, #tpu.memory_space<vmem>> -> memref<1x62x8x8xf32, #tpu.memory_space<vmem>>
      %gather3A_1764 = tpu.memref_squeeze %gather3A_1763 : memref<1x62x8x8xf32, #tpu.memory_space<vmem>> -> memref<62x8x8xf32, #tpu.memory_space<vmem>>
      %gather3A_1765 = tpu.vector_load_idx %gather3A_1764[%shift_right_arithmetic3A_1755, %and3A_1758, %add3A_1441] : memref<62x8x8xf32, #tpu.memory_space<vmem>>[vector<16xi32>, vector<16xi32>, vector<16xi32>], vector<16xf32>,
      tpu.vector_store_idx %arg7[%shift_right_arithmetic3A_1755, %and3A_1758, %add3A_1461], %gather3A_1765 : memref<62x8x16xf32, #tpu.memory_space<vmem>>[vector<16xi32>, vector<16xi32>, vector<16xi32>], vector<16xf32>,
      %add3A_1766 = arith.constant 304 : i32
      %add3A_1767 = vector.broadcast %add3A_1766 : i32 to vector<16xi32>
      %add3A_1768 = arith.addi %iota3A, %add3A_1767 : vector<16xi32>
      %shift_right_arithmetic3A_1769 = arith.constant 3 : i32
      %shift_right_arithmetic3A_1770 = vector.broadcast %shift_right_arithmetic3A_1769 : i32 to vector<16xi32>
      %shift_right_arithmetic3A_1771 = arith.shrsi %add3A_1768, %shift_right_arithmetic3A_1770 : vector<16xi32>
      %and3A_1772 = arith.constant 7 : i32
      %and3A_1773 = vector.broadcast %and3A_1772 : i32 to vector<16xi32>
      %and3A_1774 = arith.andi %add3A_1768, %and3A_1773 : vector<16xi32>
      %gather3A_1775 = arith.constant 2 : i32
      %gather3A_1776 = arith.constant 0 : i32
      %gather3A_1777 = arith.constant 0 : i32
      %gather3A_1778 = arith.constant 0 : i32
      %gather3A_1779 = tpu.memref_slice %arg6[%gather3A_1775, %gather3A_1776, %gather3A_1777, %gather3A_1778] : memref<4x62x8x8xf32, #tpu.memory_space<vmem>> -> memref<1x62x8x8xf32, #tpu.memory_space<vmem>>
      %gather3A_1780 = tpu.memref_squeeze %gather3A_1779 : memref<1x62x8x8xf32, #tpu.memory_space<vmem>> -> memref<62x8x8xf32, #tpu.memory_space<vmem>>
      %gather3A_1781 = tpu.vector_load_idx %gather3A_1780[%shift_right_arithmetic3A_1771, %and3A_1774, %add3A_1441] : memref<62x8x8xf32, #tpu.memory_space<vmem>>[vector<16xi32>, vector<16xi32>, vector<16xi32>], vector<16xf32>,
      tpu.vector_store_idx %arg7[%shift_right_arithmetic3A_1771, %and3A_1774, %add3A_1461], %gather3A_1781 : memref<62x8x16xf32, #tpu.memory_space<vmem>>[vector<16xi32>, vector<16xi32>, vector<16xi32>], vector<16xf32>,
      %add3A_1782 = arith.constant 320 : i32
      %add3A_1783 = vector.broadcast %add3A_1782 : i32 to vector<16xi32>
      %add3A_1784 = arith.addi %iota3A, %add3A_1783 : vector<16xi32>
      %shift_right_arithmetic3A_1785 = arith.constant 3 : i32
      %shift_right_arithmetic3A_1786 = vector.broadcast %shift_right_arithmetic3A_1785 : i32 to vector<16xi32>
      %shift_right_arithmetic3A_1787 = arith.shrsi %add3A_1784, %shift_right_arithmetic3A_1786 : vector<16xi32>
      %and3A_1788 = arith.constant 7 : i32
      %and3A_1789 = vector.broadcast %and3A_1788 : i32 to vector<16xi32>
      %and3A_1790 = arith.andi %add3A_1784, %and3A_1789 : vector<16xi32>
      %gather3A_1791 = arith.constant 2 : i32
      %gather3A_1792 = arith.constant 0 : i32
      %gather3A_1793 = arith.constant 0 : i32
      %gather3A_1794 = arith.constant 0 : i32
      %gather3A_1795 = tpu.memref_slice %arg6[%gather3A_1791, %gather3A_1792, %gather3A_1793, %gather3A_1794] : memref<4x62x8x8xf32, #tpu.memory_space<vmem>> -> memref<1x62x8x8xf32, #tpu.memory_space<vmem>>
      %gather3A_1796 = tpu.memref_squeeze %gather3A_1795 : memref<1x62x8x8xf32, #tpu.memory_space<vmem>> -> memref<62x8x8xf32, #tpu.memory_space<vmem>>
      %gather3A_1797 = tpu.vector_load_idx %gather3A_1796[%shift_right_arithmetic3A_1787, %and3A_1790, %add3A_1441] : memref<62x8x8xf32, #tpu.memory_space<vmem>>[vector<16xi32>, vector<16xi32>, vector<16xi32>], vector<16xf32>,
      tpu.vector_store_idx %arg7[%shift_right_arithmetic3A_1787, %and3A_1790, %add3A_1461], %gather3A_1797 : memref<62x8x16xf32, #tpu.memory_space<vmem>>[vector<16xi32>, vector<16xi32>, vector<16xi32>], vector<16xf32>,
      %add3A_1798 = arith.constant 336 : i32
      %add3A_1799 = vector.broadcast %add3A_1798 : i32 to vector<16xi32>
      %add3A_1800 = arith.addi %iota3A, %add3A_1799 : vector<16xi32>
      %shift_right_arithmetic3A_1801 = arith.constant 3 : i32
      %shift_right_arithmetic3A_1802 = vector.broadcast %shift_right_arithmetic3A_1801 : i32 to vector<16xi32>
      %shift_right_arithmetic3A_1803 = arith.shrsi %add3A_1800, %shift_right_arithmetic3A_1802 : vector<16xi32>
      %and3A_1804 = arith.constant 7 : i32
      %and3A_1805 = vector.broadcast %and3A_1804 : i32 to vector<16xi32>
      %and3A_1806 = arith.andi %add3A_1800, %and3A_1805 : vector<16xi32>
      %gather3A_1807 = arith.constant 2 : i32
      %gather3A_1808 = arith.constant 0 : i32
      %gather3A_1809 = arith.constant 0 : i32
      %gather3A_1810 = arith.constant 0 : i32
      %gather3A_1811 = tpu.memref_slice %arg6[%gather3A_1807, %gather3A_1808, %gather3A_1809, %gather3A_1810] : memref<4x62x8x8xf32, #tpu.memory_space<vmem>> -> memref<1x62x8x8xf32, #tpu.memory_space<vmem>>
      %gather3A_1812 = tpu.memref_squeeze %gather3A_1811 : memref<1x62x8x8xf32, #tpu.memory_space<vmem>> -> memref<62x8x8xf32, #tpu.memory_space<vmem>>
      %gather3A_1813 = tpu.vector_load_idx %gather3A_1812[%shift_right_arithmetic3A_1803, %and3A_1806, %add3A_1441] : memref<62x8x8xf32, #tpu.memory_space<vmem>>[vector<16xi32>, vector<16xi32>, vector<16xi32>], vector<16xf32>,
      tpu.vector_store_idx %arg7[%shift_right_arithmetic3A_1803, %and3A_1806, %add3A_1461], %gather3A_1813 : memref<62x8x16xf32, #tpu.memory_space<vmem>>[vector<16xi32>, vector<16xi32>, vector<16xi32>], vector<16xf32>,
      %add3A_1814 = arith.constant 352 : i32
      %add3A_1815 = vector.broadcast %add3A_1814 : i32 to vector<16xi32>
      %add3A_1816 = arith.addi %iota3A, %add3A_1815 : vector<16xi32>
      %shift_right_arithmetic3A_1817 = arith.constant 3 : i32
      %shift_right_arithmetic3A_1818 = vector.broadcast %shift_right_arithmetic3A_1817 : i32 to vector<16xi32>
      %shift_right_arithmetic3A_1819 = arith.shrsi %add3A_1816, %shift_right_arithmetic3A_1818 : vector<16xi32>
      %and3A_1820 = arith.constant 7 : i32
      %and3A_1821 = vector.broadcast %and3A_1820 : i32 to vector<16xi32>
      %and3A_1822 = arith.andi %add3A_1816, %and3A_1821 : vector<16xi32>
      %gather3A_1823 = arith.constant 2 : i32
      %gather3A_1824 = arith.constant 0 : i32
      %gather3A_1825 = arith.constant 0 : i32
      %gather3A_1826 = arith.constant 0 : i32
      %gather3A_1827 = tpu.memref_slice %arg6[%gather3A_1823, %gather3A_1824, %gather3A_1825, %gather3A_1826] : memref<4x62x8x8xf32, #tpu.memory_space<vmem>> -> memref<1x62x8x8xf32, #tpu.memory_space<vmem>>
      %gather3A_1828 = tpu.memref_squeeze %gather3A_1827 : memref<1x62x8x8xf32, #tpu.memory_space<vmem>> -> memref<62x8x8xf32, #tpu.memory_space<vmem>>
      %gather3A_1829 = tpu.vector_load_idx %gather3A_1828[%shift_right_arithmetic3A_1819, %and3A_1822, %add3A_1441] : memref<62x8x8xf32, #tpu.memory_space<vmem>>[vector<16xi32>, vector<16xi32>, vector<16xi32>], vector<16xf32>,
      tpu.vector_store_idx %arg7[%shift_right_arithmetic3A_1819, %and3A_1822, %add3A_1461], %gather3A_1829 : memref<62x8x16xf32, #tpu.memory_space<vmem>>[vector<16xi32>, vector<16xi32>, vector<16xi32>], vector<16xf32>,
      %add3A_1830 = arith.constant 368 : i32
      %add3A_1831 = vector.broadcast %add3A_1830 : i32 to vector<16xi32>
      %add3A_1832 = arith.addi %iota3A, %add3A_1831 : vector<16xi32>
      %shift_right_arithmetic3A_1833 = arith.constant 3 : i32
      %shift_right_arithmetic3A_1834 = vector.broadcast %shift_right_arithmetic3A_1833 : i32 to vector<16xi32>
      %shift_right_arithmetic3A_1835 = arith.shrsi %add3A_1832, %shift_right_arithmetic3A_1834 : vector<16xi32>
      %and3A_1836 = arith.constant 7 : i32
      %and3A_1837 = vector.broadcast %and3A_1836 : i32 to vector<16xi32>
      %and3A_1838 = arith.andi %add3A_1832, %and3A_1837 : vector<16xi32>
      %gather3A_1839 = arith.constant 2 : i32
      %gather3A_1840 = arith.constant 0 : i32
      %gather3A_1841 = arith.constant 0 : i32
      %gather3A_1842 = arith.constant 0 : i32
      %gather3A_1843 = tpu.memref_slice %arg6[%gather3A_1839, %gather3A_1840, %gather3A_1841, %gather3A_1842] : memref<4x62x8x8xf32, #tpu.memory_space<vmem>> -> memref<1x62x8x8xf32, #tpu.memory_space<vmem>>
      %gather3A_1844 = tpu.memref_squeeze %gather3A_1843 : memref<1x62x8x8xf32, #tpu.memory_space<vmem>> -> memref<62x8x8xf32, #tpu.memory_space<vmem>>
      %gather3A_1845 = tpu.vector_load_idx %gather3A_1844[%shift_right_arithmetic3A_1835, %and3A_1838, %add3A_1441] : memref<62x8x8xf32, #tpu.memory_space<vmem>>[vector<16xi32>, vector<16xi32>, vector<16xi32>], vector<16xf32>,
      tpu.vector_store_idx %arg7[%shift_right_arithmetic3A_1835, %and3A_1838, %add3A_1461], %gather3A_1845 : memref<62x8x16xf32, #tpu.memory_space<vmem>>[vector<16xi32>, vector<16xi32>, vector<16xi32>], vector<16xf32>,
      %add3A_1846 = arith.constant 384 : i32
      %add3A_1847 = vector.broadcast %add3A_1846 : i32 to vector<16xi32>
      %add3A_1848 = arith.addi %iota3A, %add3A_1847 : vector<16xi32>
      %shift_right_arithmetic3A_1849 = arith.constant 3 : i32
      %shift_right_arithmetic3A_1850 = vector.broadcast %shift_right_arithmetic3A_1849 : i32 to vector<16xi32>
      %shift_right_arithmetic3A_1851 = arith.shrsi %add3A_1848, %shift_right_arithmetic3A_1850 : vector<16xi32>
      %and3A_1852 = arith.constant 7 : i32
      %and3A_1853 = vector.broadcast %and3A_1852 : i32 to vector<16xi32>
      %and3A_1854 = arith.andi %add3A_1848, %and3A_1853 : vector<16xi32>
      %gather3A_1855 = arith.constant 2 : i32
      %gather3A_1856 = arith.constant 0 : i32
      %gather3A_1857 = arith.constant 0 : i32
      %gather3A_1858 = arith.constant 0 : i32
      %gather3A_1859 = tpu.memref_slice %arg6[%gather3A_1855, %gather3A_1856, %gather3A_1857, %gather3A_1858] : memref<4x62x8x8xf32, #tpu.memory_space<vmem>> -> memref<1x62x8x8xf32, #tpu.memory_space<vmem>>
      %gather3A_1860 = tpu.memref_squeeze %gather3A_1859 : memref<1x62x8x8xf32, #tpu.memory_space<vmem>> -> memref<62x8x8xf32, #tpu.memory_space<vmem>>
      %gather3A_1861 = tpu.vector_load_idx %gather3A_1860[%shift_right_arithmetic3A_1851, %and3A_1854, %add3A_1441] : memref<62x8x8xf32, #tpu.memory_space<vmem>>[vector<16xi32>, vector<16xi32>, vector<16xi32>], vector<16xf32>,
      tpu.vector_store_idx %arg7[%shift_right_arithmetic3A_1851, %and3A_1854, %add3A_1461], %gather3A_1861 : memref<62x8x16xf32, #tpu.memory_space<vmem>>[vector<16xi32>, vector<16xi32>, vector<16xi32>], vector<16xf32>,
      %add3A_1862 = arith.constant 400 : i32
      %add3A_1863 = vector.broadcast %add3A_1862 : i32 to vector<16xi32>
      %add3A_1864 = arith.addi %iota3A, %add3A_1863 : vector<16xi32>
      %shift_right_arithmetic3A_1865 = arith.constant 3 : i32
      %shift_right_arithmetic3A_1866 = vector.broadcast %shift_right_arithmetic3A_1865 : i32 to vector<16xi32>
      %shift_right_arithmetic3A_1867 = arith.shrsi %add3A_1864, %shift_right_arithmetic3A_1866 : vector<16xi32>
      %and3A_1868 = arith.constant 7 : i32
      %and3A_1869 = vector.broadcast %and3A_1868 : i32 to vector<16xi32>
      %and3A_1870 = arith.andi %add3A_1864, %and3A_1869 : vector<16xi32>
      %gather3A_1871 = arith.constant 2 : i32
      %gather3A_1872 = arith.constant 0 : i32
      %gather3A_1873 = arith.constant 0 : i32
      %gather3A_1874 = arith.constant 0 : i32
      %gather3A_1875 = tpu.memref_slice %arg6[%gather3A_1871, %gather3A_1872, %gather3A_1873, %gather3A_1874] : memref<4x62x8x8xf32, #tpu.memory_space<vmem>> -> memref<1x62x8x8xf32, #tpu.memory_space<vmem>>
      %gather3A_1876 = tpu.memref_squeeze %gather3A_1875 : memref<1x62x8x8xf32, #tpu.memory_space<vmem>> -> memref<62x8x8xf32, #tpu.memory_space<vmem>>
      %gather3A_1877 = tpu.vector_load_idx %gather3A_1876[%shift_right_arithmetic3A_1867, %and3A_1870, %add3A_1441] : memref<62x8x8xf32, #tpu.memory_space<vmem>>[vector<16xi32>, vector<16xi32>, vector<16xi32>], vector<16xf32>,
      tpu.vector_store_idx %arg7[%shift_right_arithmetic3A_1867, %and3A_1870, %add3A_1461], %gather3A_1877 : memref<62x8x16xf32, #tpu.memory_space<vmem>>[vector<16xi32>, vector<16xi32>, vector<16xi32>], vector<16xf32>,
      %add3A_1878 = arith.constant 416 : i32
      %add3A_1879 = vector.broadcast %add3A_1878 : i32 to vector<16xi32>
      %add3A_1880 = arith.addi %iota3A, %add3A_1879 : vector<16xi32>
      %shift_right_arithmetic3A_1881 = arith.constant 3 : i32
      %shift_right_arithmetic3A_1882 = vector.broadcast %shift_right_arithmetic3A_1881 : i32 to vector<16xi32>
      %shift_right_arithmetic3A_1883 = arith.shrsi %add3A_1880, %shift_right_arithmetic3A_1882 : vector<16xi32>
      %and3A_1884 = arith.constant 7 : i32
      %and3A_1885 = vector.broadcast %and3A_1884 : i32 to vector<16xi32>
      %and3A_1886 = arith.andi %add3A_1880, %and3A_1885 : vector<16xi32>
      %gather3A_1887 = arith.constant 2 : i32
      %gather3A_1888 = arith.constant 0 : i32
      %gather3A_1889 = arith.constant 0 : i32
      %gather3A_1890 = arith.constant 0 : i32
      %gather3A_1891 = tpu.memref_slice %arg6[%gather3A_1887, %gather3A_1888, %gather3A_1889, %gather3A_1890] : memref<4x62x8x8xf32, #tpu.memory_space<vmem>> -> memref<1x62x8x8xf32, #tpu.memory_space<vmem>>
      %gather3A_1892 = tpu.memref_squeeze %gather3A_1891 : memref<1x62x8x8xf32, #tpu.memory_space<vmem>> -> memref<62x8x8xf32, #tpu.memory_space<vmem>>
      %gather3A_1893 = tpu.vector_load_idx %gather3A_1892[%shift_right_arithmetic3A_1883, %and3A_1886, %add3A_1441] : memref<62x8x8xf32, #tpu.memory_space<vmem>>[vector<16xi32>, vector<16xi32>, vector<16xi32>], vector<16xf32>,
      tpu.vector_store_idx %arg7[%shift_right_arithmetic3A_1883, %and3A_1886, %add3A_1461], %gather3A_1893 : memref<62x8x16xf32, #tpu.memory_space<vmem>>[vector<16xi32>, vector<16xi32>, vector<16xi32>], vector<16xf32>,
      %add3A_1894 = arith.constant 432 : i32
      %add3A_1895 = vector.broadcast %add3A_1894 : i32 to vector<16xi32>
      %add3A_1896 = arith.addi %iota3A, %add3A_1895 : vector<16xi32>
      %shift_right_arithmetic3A_1897 = arith.constant 3 : i32
      %shift_right_arithmetic3A_1898 = vector.broadcast %shift_right_arithmetic3A_1897 : i32 to vector<16xi32>
      %shift_right_arithmetic3A_1899 = arith.shrsi %add3A_1896, %shift_right_arithmetic3A_1898 : vector<16xi32>
      %and3A_1900 = arith.constant 7 : i32
      %and3A_1901 = vector.broadcast %and3A_1900 : i32 to vector<16xi32>
      %and3A_1902 = arith.andi %add3A_1896, %and3A_1901 : vector<16xi32>
      %gather3A_1903 = arith.constant 2 : i32
      %gather3A_1904 = arith.constant 0 : i32
      %gather3A_1905 = arith.constant 0 : i32
      %gather3A_1906 = arith.constant 0 : i32
      %gather3A_1907 = tpu.memref_slice %arg6[%gather3A_1903, %gather3A_1904, %gather3A_1905, %gather3A_1906] : memref<4x62x8x8xf32, #tpu.memory_space<vmem>> -> memref<1x62x8x8xf32, #tpu.memory_space<vmem>>
      %gather3A_1908 = tpu.memref_squeeze %gather3A_1907 : memref<1x62x8x8xf32, #tpu.memory_space<vmem>> -> memref<62x8x8xf32, #tpu.memory_space<vmem>>
      %gather3A_1909 = tpu.vector_load_idx %gather3A_1908[%shift_right_arithmetic3A_1899, %and3A_1902, %add3A_1441] : memref<62x8x8xf32, #tpu.memory_space<vmem>>[vector<16xi32>, vector<16xi32>, vector<16xi32>], vector<16xf32>,
      tpu.vector_store_idx %arg7[%shift_right_arithmetic3A_1899, %and3A_1902, %add3A_1461], %gather3A_1909 : memref<62x8x16xf32, #tpu.memory_space<vmem>>[vector<16xi32>, vector<16xi32>, vector<16xi32>], vector<16xf32>,
      %add3A_1910 = arith.constant 448 : i32
      %add3A_1911 = vector.broadcast %add3A_1910 : i32 to vector<16xi32>
      %add3A_1912 = arith.addi %iota3A, %add3A_1911 : vector<16xi32>
      %shift_right_arithmetic3A_1913 = arith.constant 3 : i32
      %shift_right_arithmetic3A_1914 = vector.broadcast %shift_right_arithmetic3A_1913 : i32 to vector<16xi32>
      %shift_right_arithmetic3A_1915 = arith.shrsi %add3A_1912, %shift_right_arithmetic3A_1914 : vector<16xi32>
      %and3A_1916 = arith.constant 7 : i32
      %and3A_1917 = vector.broadcast %and3A_1916 : i32 to vector<16xi32>
      %and3A_1918 = arith.andi %add3A_1912, %and3A_1917 : vector<16xi32>
      %gather3A_1919 = arith.constant 2 : i32
      %gather3A_1920 = arith.constant 0 : i32
      %gather3A_1921 = arith.constant 0 : i32
      %gather3A_1922 = arith.constant 0 : i32
      %gather3A_1923 = tpu.memref_slice %arg6[%gather3A_1919, %gather3A_1920, %gather3A_1921, %gather3A_1922] : memref<4x62x8x8xf32, #tpu.memory_space<vmem>> -> memref<1x62x8x8xf32, #tpu.memory_space<vmem>>
      %gather3A_1924 = tpu.memref_squeeze %gather3A_1923 : memref<1x62x8x8xf32, #tpu.memory_space<vmem>> -> memref<62x8x8xf32, #tpu.memory_space<vmem>>
      %gather3A_1925 = tpu.vector_load_idx %gather3A_1924[%shift_right_arithmetic3A_1915, %and3A_1918, %add3A_1441] : memref<62x8x8xf32, #tpu.memory_space<vmem>>[vector<16xi32>, vector<16xi32>, vector<16xi32>], vector<16xf32>,
      tpu.vector_store_idx %arg7[%shift_right_arithmetic3A_1915, %and3A_1918, %add3A_1461], %gather3A_1925 : memref<62x8x16xf32, #tpu.memory_space<vmem>>[vector<16xi32>, vector<16xi32>, vector<16xi32>], vector<16xf32>,
      %add3A_1926 = arith.constant 464 : i32
      %add3A_1927 = vector.broadcast %add3A_1926 : i32 to vector<16xi32>
      %add3A_1928 = arith.addi %iota3A, %add3A_1927 : vector<16xi32>
      %shift_right_arithmetic3A_1929 = arith.constant 3 : i32
      %shift_right_arithmetic3A_1930 = vector.broadcast %shift_right_arithmetic3A_1929 : i32 to vector<16xi32>
      %shift_right_arithmetic3A_1931 = arith.shrsi %add3A_1928, %shift_right_arithmetic3A_1930 : vector<16xi32>
      %and3A_1932 = arith.constant 7 : i32
      %and3A_1933 = vector.broadcast %and3A_1932 : i32 to vector<16xi32>
      %and3A_1934 = arith.andi %add3A_1928, %and3A_1933 : vector<16xi32>
      %gather3A_1935 = arith.constant 2 : i32
      %gather3A_1936 = arith.constant 0 : i32
      %gather3A_1937 = arith.constant 0 : i32
      %gather3A_1938 = arith.constant 0 : i32
      %gather3A_1939 = tpu.memref_slice %arg6[%gather3A_1935, %gather3A_1936, %gather3A_1937, %gather3A_1938] : memref<4x62x8x8xf32, #tpu.memory_space<vmem>> -> memref<1x62x8x8xf32, #tpu.memory_space<vmem>>
      %gather3A_1940 = tpu.memref_squeeze %gather3A_1939 : memref<1x62x8x8xf32, #tpu.memory_space<vmem>> -> memref<62x8x8xf32, #tpu.memory_space<vmem>>
      %gather3A_1941 = tpu.vector_load_idx %gather3A_1940[%shift_right_arithmetic3A_1931, %and3A_1934, %add3A_1441] : memref<62x8x8xf32, #tpu.memory_space<vmem>>[vector<16xi32>, vector<16xi32>, vector<16xi32>], vector<16xf32>,
      tpu.vector_store_idx %arg7[%shift_right_arithmetic3A_1931, %and3A_1934, %add3A_1461], %gather3A_1941 : memref<62x8x16xf32, #tpu.memory_space<vmem>>[vector<16xi32>, vector<16xi32>, vector<16xi32>], vector<16xf32>,
      %add3A_1942 = arith.constant 480 : i32
      %add3A_1943 = vector.broadcast %add3A_1942 : i32 to vector<16xi32>
      %add3A_1944 = arith.addi %iota3A, %add3A_1943 : vector<16xi32>
      %shift_right_arithmetic3A_1945 = arith.constant 3 : i32
      %shift_right_arithmetic3A_1946 = vector.broadcast %shift_right_arithmetic3A_1945 : i32 to vector<16xi32>
      %shift_right_arithmetic3A_1947 = arith.shrsi %add3A_1944, %shift_right_arithmetic3A_1946 : vector<16xi32>
      %and3A_1948 = arith.constant 7 : i32
      %and3A_1949 = vector.broadcast %and3A_1948 : i32 to vector<16xi32>
      %and3A_1950 = arith.andi %add3A_1944, %and3A_1949 : vector<16xi32>
      %gather3A_1951 = arith.constant 2 : i32
      %gather3A_1952 = arith.constant 0 : i32
      %gather3A_1953 = arith.constant 0 : i32
      %gather3A_1954 = arith.constant 0 : i32
      %gather3A_1955 = tpu.memref_slice %arg6[%gather3A_1951, %gather3A_1952, %gather3A_1953, %gather3A_1954] : memref<4x62x8x8xf32, #tpu.memory_space<vmem>> -> memref<1x62x8x8xf32, #tpu.memory_space<vmem>>
      %gather3A_1956 = tpu.memref_squeeze %gather3A_1955 : memref<1x62x8x8xf32, #tpu.memory_space<vmem>> -> memref<62x8x8xf32, #tpu.memory_space<vmem>>
      %gather3A_1957 = tpu.vector_load_idx %gather3A_1956[%shift_right_arithmetic3A_1947, %and3A_1950, %add3A_1441] : memref<62x8x8xf32, #tpu.memory_space<vmem>>[vector<16xi32>, vector<16xi32>, vector<16xi32>], vector<16xf32>,
      tpu.vector_store_idx %arg7[%shift_right_arithmetic3A_1947, %and3A_1950, %add3A_1461], %gather3A_1957 : memref<62x8x16xf32, #tpu.memory_space<vmem>>[vector<16xi32>, vector<16xi32>, vector<16xi32>], vector<16xf32>,
      %add3A_1958 = arith.constant 2 : i32
      %add3A_1959 = arith.addi %mul3A_152, %add3A_1958 : i32
      %add3A_1960 = arith.constant 4 : i32
      %add3A_1961 = arith.addi %add3A_1959, %add3A_1960 : i32
      %lt3A_1962 = arith.constant 256 : i32
      %lt3A_1963 = arith.cmpi slt, %add3A_1961, %lt3A_1962 : i32
      %convert_element_type3A_1964 = arith.extui %lt3A_1963 : i1 to i32
      %cond3A_1965 = arith.constant 0 : i32
      %cond3A_1966 = arith.cmpi ne, %convert_element_type3A_1964, %cond3A_1965 : i32
      scf.if %cond3A_1966 {
        %add3A_2598 = arith.constant 2 : i32
        %add3A_2599 = arith.addi %mul3A_152, %add3A_2598 : i32
        %add3A_2600 = arith.constant 4 : i32
        %add3A_2601 = arith.addi %add3A_2599, %add3A_2600 : i32
        %jit3A_2602 = arith.constant 16 : i32
        %div3A_2603 = arith.divsi %add3A_2601, %jit3A_2602 : i32
        %sign3A_2604 = arith.constant 0 : i32
        %sign3A_2605 = arith.cmpi sgt, %add3A_2601, %sign3A_2604 : i32
        %sign3A_2606 = arith.extui %sign3A_2605 : i1 to i32
        %sign3A_2607 = arith.constant 0 : i32
        %sign3A_2608 = arith.cmpi slt, %add3A_2601, %sign3A_2607 : i32
        %sign3A_2609 = arith.extui %sign3A_2608 : i1 to i32
        %sign3A_2610 = arith.subi %sign3A_2606, %sign3A_2609 : i32
        %sign3A_2611 = arith.constant 0 : i32
        %sign3A_2612 = arith.cmpi sgt, %jit3A_2602, %sign3A_2611 : i32
        %sign3A_2613 = arith.extui %sign3A_2612 : i1 to i32
        %sign3A_2614 = arith.constant 0 : i32
        %sign3A_2615 = arith.cmpi slt, %jit3A_2602, %sign3A_2614 : i32
        %sign3A_2616 = arith.extui %sign3A_2615 : i1 to i32
        %sign3A_2617 = arith.subi %sign3A_2613, %sign3A_2616 : i32
        %ne3A_2618 = arith.cmpi ne, %sign3A_2610, %sign3A_2617 : i32
        %rem3A_2619 = arith.remsi %add3A_2601, %jit3A_2602 : i32
        %ne3A_2620 = arith.constant 0 : i32
        %ne3A_2621 = arith.cmpi ne, %rem3A_2619, %ne3A_2620 : i32
        %and3A_2622 = arith.andi %ne3A_2618, %ne3A_2621 : i1
        %sub3A_2623 = arith.constant 1 : i32
        %sub3A_2624 = arith.subi %div3A_2603, %sub3A_2623 : i32
        %select_n3A_2625 = arith.select %and3A_2622, %sub3A_2624, %div3A_2603 : i32
        %mul3A_2626 = arith.constant 16 : i32
        %mul3A_2627 = arith.muli %select_n3A_2625, %mul3A_2626 : i32
        %get3A_2628 = arith.index_cast %mul3A_2627 : i32 to index
        %get3A_2629 = tpu.vector_load %arg5[%get3A_2628] {strides = array<i32>} : memref<256xi32, #tpu.memory_space<vmem>>, vector<16xi32>,
        %jit3A_2630 = arith.constant 16 : i32
        %eq3A_2631 = arith.constant 0 : i32
        %eq3A_2632 = arith.cmpi eq, %jit3A_2630, %eq3A_2631 : i32
        %jit3A_2633 = arith.constant 1 : i32
        %select_n3A_2634 = arith.select %eq3A_2632, %jit3A_2633, %jit3A_2630 : i32
        %rem3A_2635 = arith.remsi %add3A_2601, %select_n3A_2634 : i32
        %ne3A_2636 = arith.constant 0 : i32
        %ne3A_2637 = arith.cmpi ne, %rem3A_2635, %ne3A_2636 : i32
        %lt3A_2638 = arith.constant 0 : i32
        %lt3A_2639 = arith.cmpi slt, %rem3A_2635, %lt3A_2638 : i32
        %lt3A_2640 = arith.constant 0 : i32
        %lt3A_2641 = arith.cmpi slt, %select_n3A_2634, %lt3A_2640 : i32
        %ne3A_2642 = arith.xori %lt3A_2639, %lt3A_2641 : i1
        %and3A_2643 = arith.andi %ne3A_2642, %ne3A_2637 : i1
        %add3A_2644 = arith.addi %rem3A_2635, %select_n3A_2634 : i32
        %select_n3A_2645 = arith.select %and3A_2643, %add3A_2644, %rem3A_2635 : i32
        %eq3A_2646 = vector.broadcast %select_n3A_2645 : i32 to vector<16xi32>
        %eq3A_2647 = arith.cmpi eq, %iota3A, %eq3A_2646 : vector<16xi32>
        %jit3A_2648 = arith.constant 0 : i32
        %broadcast_in_dim3A_2649 = vector.broadcast %jit3A_2648 : i32 to vector<16xi32>
        %select_n3A_2650 = arith.select %eq3A_2647, %get3A_2629, %broadcast_in_dim3A_2649 : vector<16xi1>, vector<16xi32>
        %reduce_sum3A_2651 = arith.constant true
        %reduce_sum3A_2652 = vector.broadcast %reduce_sum3A_2651 : i1 to vector<16xi1>
        %reduce_sum3A_2653 = tpu.scan <sum>, %select_n3A_2650 masked %reduce_sum3A_2652 : vector<16xi32>, vector<16xi1> -> vector<16xi32>
        %reduce_sum3A_2654 = vector.extract %reduce_sum3A_2653[15] : i32 from vector<16xi32>
        %shift_right_arithmetic3A_2655 = arith.constant 7 : i32
        %shift_right_arithmetic3A_2656 = arith.shrsi %reduce_sum3A_2654, %shift_right_arithmetic3A_2655 : i32
        %and3A_2657 = arith.constant 127 : i32
        %and3A_2658 = arith.andi %reduce_sum3A_2654, %and3A_2657 : i32
        %and3A_2659 = arith.constant -8 : i32
        %and3A_2660 = arith.andi %and3A_2658, %and3A_2659 : i32
        %multiple_of3A_2661 = tpu.assume_multiple %and3A_2660, 8 : i32
        %dma_start3A_2662 = arith.constant 2 : i32
        %dma_start3A_2663 = arith.constant 0 : i32
        %dma_start3A_2664 = arith.constant 0 : i32
        %dma_start3A_2665 = arith.constant 0 : i32
        %dma_start3A_2666 = tpu.memref_slice %arg6[%dma_start3A_2662, %dma_start3A_2663, %dma_start3A_2664, %dma_start3A_2665] : memref<4x62x8x8xf32, #tpu.memory_space<vmem>> -> memref<1x62x8x8xf32, #tpu.memory_space<vmem>>
        %dma_start3A_2667 = tpu.memref_squeeze %dma_start3A_2666 : memref<1x62x8x8xf32, #tpu.memory_space<vmem>> -> memref<62x8x8xf32, #tpu.memory_space<vmem>>
        %dma_start3A_2668 = arith.constant 0 : i32
        %dma_start3A_2669 = arith.constant 0 : i32
        %dma_start3A_2670 = tpu.memref_slice %arg3[%dma_start3A_2668, %shift_right_arithmetic3A_2656, %dma_start3A_2669, %multiple_of3A_2661] : memref<62x1002x8x128xf32, #tpu.memory_space<hbm>> -> memref<62x1x8x8xf32, #tpu.memory_space<hbm>>
        %dma_start3A_2671 = tpu.memref_squeeze %dma_start3A_2670 : memref<62x1x8x8xf32, #tpu.memory_space<hbm>> -> memref<62x8x8xf32, #tpu.memory_space<hbm>>
        %dma_start3A_2672 = arith.constant 0 : i32
        %dma_start3A_2673 = arith.constant 0 : i32
        %dma_start3A_2674 = arith.constant 0 : i32
        %dma_start3A_2675 = tpu.memref_slice %arg6[%dma_start3A_2662, %dma_start3A_2672, %dma_start3A_2673, %dma_start3A_2674] : memref<4x62x8x8xf32, #tpu.memory_space<vmem>> -> memref<1x62x8x8xf32, #tpu.memory_space<vmem>>
        %dma_start3A_2676 = tpu.memref_squeeze %dma_start3A_2675 : memref<1x62x8x8xf32, #tpu.memory_space<vmem>> -> memref<62x8x8xf32, #tpu.memory_space<vmem>>
        %dma_start3A_2677 = arith.constant 0 : i32
        %dma_start3A_2678 = arith.constant 0 : i32
        %dma_start3A_2679 = tpu.memref_slice %arg3[%dma_start3A_2677, %shift_right_arithmetic3A_2656, %dma_start3A_2678, %multiple_of3A_2661] : memref<62x1002x8x128xf32, #tpu.memory_space<hbm>> -> memref<62x1x8x8xf32, #tpu.memory_space<hbm>>
        %dma_start3A_2680 = tpu.memref_squeeze %dma_start3A_2679 : memref<62x1x8x8xf32, #tpu.memory_space<hbm>> -> memref<62x8x8xf32, #tpu.memory_space<hbm>>
        tpu.enqueue_dma source(%dma_start3A_2680 : memref<62x8x8xf32, #tpu.memory_space<hbm>>) target(%dma_start3A_2676 : memref<62x8x8xf32, #tpu.memory_space<vmem>>) target_semaphore(%arg10 : memref<!tpu.dma_semaphore, #tpu.memory_space<semaphore_mem>>)
      } else {
      }
      %add3A_1967 = arith.constant 3 : i32
      %add3A_1968 = arith.addi %mul3A_152, %add3A_1967 : i32
      %dma_wait3A_1969 = arith.constant 0 : i32
      %dma_wait3A_1970 = arith.constant 3 : i32
      %dma_wait3A_1971 = arith.constant 0 : i32
      %dma_wait3A_1972 = arith.constant 0 : i32
      %dma_wait3A_1973 = arith.constant 0 : i32
      %dma_wait3A_1974 = tpu.memref_slice %arg6[%dma_wait3A_1970, %dma_wait3A_1971, %dma_wait3A_1972, %dma_wait3A_1973] : memref<4x62x8x8xf32, #tpu.memory_space<vmem>> -> memref<1x62x8x8xf32, #tpu.memory_space<vmem>>
      %dma_wait3A_1975 = tpu.memref_squeeze %dma_wait3A_1974 : memref<1x62x8x8xf32, #tpu.memory_space<vmem>> -> memref<62x8x8xf32, #tpu.memory_space<vmem>>
      %dma_wait3A_1976 = arith.constant 0 : i32
      %dma_wait3A_1977 = arith.constant 0 : i32
      %dma_wait3A_1978 = arith.constant 0 : i32
      %dma_wait3A_1979 = tpu.memref_slice %arg3[%dma_wait3A_1976, %dma_wait3A_1969, %dma_wait3A_1977, %dma_wait3A_1978] : memref<62x1002x8x128xf32, #tpu.memory_space<hbm>> -> memref<62x1x8x8xf32, #tpu.memory_space<hbm>>
      %dma_wait3A_1980 = tpu.memref_squeeze %dma_wait3A_1979 : memref<62x1x8x8xf32, #tpu.memory_space<hbm>> -> memref<62x8x8xf32, #tpu.memory_space<hbm>>
      %dma_wait3A_1981 = arith.constant 0 : i32
      %dma_wait3A_1982 = arith.constant 0 : i32
      %dma_wait3A_1983 = arith.constant 0 : i32
      %dma_wait3A_1984 = tpu.memref_slice %arg6[%dma_wait3A_1970, %dma_wait3A_1981, %dma_wait3A_1982, %dma_wait3A_1983] : memref<4x62x8x8xf32, #tpu.memory_space<vmem>> -> memref<1x62x8x8xf32, #tpu.memory_space<vmem>>
      %dma_wait3A_1985 = tpu.memref_squeeze %dma_wait3A_1984 : memref<1x62x8x8xf32, #tpu.memory_space<vmem>> -> memref<62x8x8xf32, #tpu.memory_space<vmem>>
      %dma_wait3A_1986 = arith.constant 0 : i32
      %dma_wait3A_1987 = arith.constant 0 : i32
      %dma_wait3A_1988 = arith.constant 0 : i32
      %dma_wait3A_1989 = tpu.memref_slice %arg3[%dma_wait3A_1986, %dma_wait3A_1969, %dma_wait3A_1987, %dma_wait3A_1988] : memref<62x1002x8x128xf32, #tpu.memory_space<hbm>> -> memref<62x1x8x8xf32, #tpu.memory_space<hbm>>
      %dma_wait3A_1990 = tpu.memref_squeeze %dma_wait3A_1989 : memref<62x1x8x8xf32, #tpu.memory_space<hbm>> -> memref<62x8x8xf32, #tpu.memory_space<hbm>>
      tpu.wait_dma2 semaphore(%arg11 : memref<!tpu.dma_semaphore, #tpu.memory_space<semaphore_mem>>) src(%dma_wait3A_1990 : memref<62x8x8xf32, #tpu.memory_space<hbm>>) dst(%dma_wait3A_1985 : memref<62x8x8xf32, #tpu.memory_space<vmem>>)
      %jit3A_1991 = arith.constant 16 : i32
      %div3A_1992 = arith.divsi %add3A_1968, %jit3A_1991 : i32
      %sign3A_1993 = arith.constant 0 : i32
      %sign3A_1994 = arith.cmpi sgt, %add3A_1968, %sign3A_1993 : i32
      %sign3A_1995 = arith.extui %sign3A_1994 : i1 to i32
      %sign3A_1996 = arith.constant 0 : i32
      %sign3A_1997 = arith.cmpi slt, %add3A_1968, %sign3A_1996 : i32
      %sign3A_1998 = arith.extui %sign3A_1997 : i1 to i32
      %sign3A_1999 = arith.subi %sign3A_1995, %sign3A_1998 : i32
      %sign3A_2000 = arith.constant 0 : i32
      %sign3A_2001 = arith.cmpi sgt, %jit3A_1991, %sign3A_2000 : i32
      %sign3A_2002 = arith.extui %sign3A_2001 : i1 to i32
      %sign3A_2003 = arith.constant 0 : i32
      %sign3A_2004 = arith.cmpi slt, %jit3A_1991, %sign3A_2003 : i32
      %sign3A_2005 = arith.extui %sign3A_2004 : i1 to i32
      %sign3A_2006 = arith.subi %sign3A_2002, %sign3A_2005 : i32
      %ne3A_2007 = arith.cmpi ne, %sign3A_1999, %sign3A_2006 : i32
      %rem3A_2008 = arith.remsi %add3A_1968, %jit3A_1991 : i32
      %ne3A_2009 = arith.constant 0 : i32
      %ne3A_2010 = arith.cmpi ne, %rem3A_2008, %ne3A_2009 : i32
      %and3A_2011 = arith.andi %ne3A_2007, %ne3A_2010 : i1
      %sub3A_2012 = arith.constant 1 : i32
      %sub3A_2013 = arith.subi %div3A_1992, %sub3A_2012 : i32
      %select_n3A_2014 = arith.select %and3A_2011, %sub3A_2013, %div3A_1992 : i32
      %mul3A_2015 = arith.constant 16 : i32
      %mul3A_2016 = arith.muli %select_n3A_2014, %mul3A_2015 : i32
      %get3A_2017 = arith.index_cast %mul3A_2016 : i32 to index
      %get3A_2018 = tpu.vector_load %arg5[%get3A_2017] {strides = array<i32>} : memref<256xi32, #tpu.memory_space<vmem>>, vector<16xi32>,
      %jit3A_2019 = arith.constant 16 : i32
      %eq3A_2020 = arith.constant 0 : i32
      %eq3A_2021 = arith.cmpi eq, %jit3A_2019, %eq3A_2020 : i32
      %jit3A_2022 = arith.constant 1 : i32
      %select_n3A_2023 = arith.select %eq3A_2021, %jit3A_2022, %jit3A_2019 : i32
      %rem3A_2024 = arith.remsi %add3A_1968, %select_n3A_2023 : i32
      %ne3A_2025 = arith.constant 0 : i32
      %ne3A_2026 = arith.cmpi ne, %rem3A_2024, %ne3A_2025 : i32
      %lt3A_2027 = arith.constant 0 : i32
      %lt3A_2028 = arith.cmpi slt, %rem3A_2024, %lt3A_2027 : i32
      %lt3A_2029 = arith.constant 0 : i32
      %lt3A_2030 = arith.cmpi slt, %select_n3A_2023, %lt3A_2029 : i32
      %ne3A_2031 = arith.xori %lt3A_2028, %lt3A_2030 : i1
      %and3A_2032 = arith.andi %ne3A_2031, %ne3A_2026 : i1
      %add3A_2033 = arith.addi %rem3A_2024, %select_n3A_2023 : i32
      %select_n3A_2034 = arith.select %and3A_2032, %add3A_2033, %rem3A_2024 : i32
      %eq3A_2035 = vector.broadcast %select_n3A_2034 : i32 to vector<16xi32>
      %eq3A_2036 = arith.cmpi eq, %iota3A, %eq3A_2035 : vector<16xi32>
      %jit3A_2037 = arith.constant 0 : i32
      %broadcast_in_dim3A_2038 = vector.broadcast %jit3A_2037 : i32 to vector<16xi32>
      %select_n3A_2039 = arith.select %eq3A_2036, %get3A_2018, %broadcast_in_dim3A_2038 : vector<16xi1>, vector<16xi32>
      %reduce_sum3A_2040 = arith.constant true
      %reduce_sum3A_2041 = vector.broadcast %reduce_sum3A_2040 : i1 to vector<16xi1>
      %reduce_sum3A_2042 = tpu.scan <sum>, %select_n3A_2039 masked %reduce_sum3A_2041 : vector<16xi32>, vector<16xi1> -> vector<16xi32>
      %reduce_sum3A_2043 = vector.extract %reduce_sum3A_2042[15] : i32 from vector<16xi32>
      %and3A_2044 = arith.constant 7 : i32
      %and3A_2045 = arith.andi %reduce_sum3A_2043, %and3A_2044 : i32
      %broadcast_in_dim3A_2046 = arith.constant 0 : i32
      %broadcast_in_dim3A_2047 = vector.broadcast %broadcast_in_dim3A_2046 : i32 to vector<16xi32>
      %add3A_2048 = vector.broadcast %and3A_2045 : i32 to vector<16xi32>
      %add3A_2049 = arith.addi %broadcast_in_dim3A_2047, %add3A_2048 : vector<16xi32>
      %broadcast_in_dim3A_2050 = arith.constant 0 : i32
      %broadcast_in_dim3A_2051 = vector.broadcast %broadcast_in_dim3A_2050 : i32 to vector<16xi32>
      %jit3A_2052 = arith.constant 16 : i32
      %eq3A_2053 = arith.constant 0 : i32
      %eq3A_2054 = arith.cmpi eq, %jit3A_2052, %eq3A_2053 : i32
      %jit3A_2055 = arith.constant 1 : i32
      %select_n3A_2056 = arith.select %eq3A_2054, %jit3A_2055, %jit3A_2052 : i32
      %rem3A_2057 = arith.remsi %add3A_1968, %select_n3A_2056 : i32
      %ne3A_2058 = arith.constant 0 : i32
      %ne3A_2059 = arith.cmpi ne, %rem3A_2057, %ne3A_2058 : i32
      %lt3A_2060 = arith.constant 0 : i32
      %lt3A_2061 = arith.cmpi slt, %rem3A_2057, %lt3A_2060 : i32
      %lt3A_2062 = arith.constant 0 : i32
      %lt3A_2063 = arith.cmpi slt, %select_n3A_2056, %lt3A_2062 : i32
      %ne3A_2064 = arith.xori %lt3A_2061, %lt3A_2063 : i1
      %and3A_2065 = arith.andi %ne3A_2064, %ne3A_2059 : i1
      %add3A_2066 = arith.addi %rem3A_2057, %select_n3A_2056 : i32
      %select_n3A_2067 = arith.select %and3A_2065, %add3A_2066, %rem3A_2057 : i32
      %add3A_2068 = vector.broadcast %select_n3A_2067 : i32 to vector<16xi32>
      %add3A_2069 = arith.addi %broadcast_in_dim3A_2051, %add3A_2068 : vector<16xi32>
      %add3A_2070 = arith.constant 0 : i32
      %add3A_2071 = vector.broadcast %add3A_2070 : i32 to vector<16xi32>
      %add3A_2072 = arith.addi %iota3A, %add3A_2071 : vector<16xi32>
      %shift_right_arithmetic3A_2073 = arith.constant 3 : i32
      %shift_right_arithmetic3A_2074 = vector.broadcast %shift_right_arithmetic3A_2073 : i32 to vector<16xi32>
      %shift_right_arithmetic3A_2075 = arith.shrsi %add3A_2072, %shift_right_arithmetic3A_2074 : vector<16xi32>
      %and3A_2076 = arith.constant 7 : i32
      %and3A_2077 = vector.broadcast %and3A_2076 : i32 to vector<16xi32>
      %and3A_2078 = arith.andi %add3A_2072, %and3A_2077 : vector<16xi32>
      %gather3A_2079 = arith.constant 3 : i32
      %gather3A_2080 = arith.constant 0 : i32
      %gather3A_2081 = arith.constant 0 : i32
      %gather3A_2082 = arith.constant 0 : i32
      %gather3A_2083 = tpu.memref_slice %arg6[%gather3A_2079, %gather3A_2080, %gather3A_2081, %gather3A_2082] : memref<4x62x8x8xf32, #tpu.memory_space<vmem>> -> memref<1x62x8x8xf32, #tpu.memory_space<vmem>>
      %gather3A_2084 = tpu.memref_squeeze %gather3A_2083 : memref<1x62x8x8xf32, #tpu.memory_space<vmem>> -> memref<62x8x8xf32, #tpu.memory_space<vmem>>
      %gather3A_2085 = tpu.vector_load_idx %gather3A_2084[%shift_right_arithmetic3A_2075, %and3A_2078, %add3A_2049] : memref<62x8x8xf32, #tpu.memory_space<vmem>>[vector<16xi32>, vector<16xi32>, vector<16xi32>], vector<16xf32>,
      tpu.vector_store_idx %arg7[%shift_right_arithmetic3A_2075, %and3A_2078, %add3A_2069], %gather3A_2085 : memref<62x8x16xf32, #tpu.memory_space<vmem>>[vector<16xi32>, vector<16xi32>, vector<16xi32>], vector<16xf32>,
      %add3A_2086 = arith.constant 16 : i32
      %add3A_2087 = vector.broadcast %add3A_2086 : i32 to vector<16xi32>
      %add3A_2088 = arith.addi %iota3A, %add3A_2087 : vector<16xi32>
      %shift_right_arithmetic3A_2089 = arith.constant 3 : i32
      %shift_right_arithmetic3A_2090 = vector.broadcast %shift_right_arithmetic3A_2089 : i32 to vector<16xi32>
      %shift_right_arithmetic3A_2091 = arith.shrsi %add3A_2088, %shift_right_arithmetic3A_2090 : vector<16xi32>
      %and3A_2092 = arith.constant 7 : i32
      %and3A_2093 = vector.broadcast %and3A_2092 : i32 to vector<16xi32>
      %and3A_2094 = arith.andi %add3A_2088, %and3A_2093 : vector<16xi32>
      %gather3A_2095 = arith.constant 3 : i32
      %gather3A_2096 = arith.constant 0 : i32
      %gather3A_2097 = arith.constant 0 : i32
      %gather3A_2098 = arith.constant 0 : i32
      %gather3A_2099 = tpu.memref_slice %arg6[%gather3A_2095, %gather3A_2096, %gather3A_2097, %gather3A_2098] : memref<4x62x8x8xf32, #tpu.memory_space<vmem>> -> memref<1x62x8x8xf32, #tpu.memory_space<vmem>>
      %gather3A_2100 = tpu.memref_squeeze %gather3A_2099 : memref<1x62x8x8xf32, #tpu.memory_space<vmem>> -> memref<62x8x8xf32, #tpu.memory_space<vmem>>
      %gather3A_2101 = tpu.vector_load_idx %gather3A_2100[%shift_right_arithmetic3A_2091, %and3A_2094, %add3A_2049] : memref<62x8x8xf32, #tpu.memory_space<vmem>>[vector<16xi32>, vector<16xi32>, vector<16xi32>], vector<16xf32>,
      tpu.vector_store_idx %arg7[%shift_right_arithmetic3A_2091, %and3A_2094, %add3A_2069], %gather3A_2101 : memref<62x8x16xf32, #tpu.memory_space<vmem>>[vector<16xi32>, vector<16xi32>, vector<16xi32>], vector<16xf32>,
      %add3A_2102 = arith.constant 32 : i32
      %add3A_2103 = vector.broadcast %add3A_2102 : i32 to vector<16xi32>
      %add3A_2104 = arith.addi %iota3A, %add3A_2103 : vector<16xi32>
      %shift_right_arithmetic3A_2105 = arith.constant 3 : i32
      %shift_right_arithmetic3A_2106 = vector.broadcast %shift_right_arithmetic3A_2105 : i32 to vector<16xi32>
      %shift_right_arithmetic3A_2107 = arith.shrsi %add3A_2104, %shift_right_arithmetic3A_2106 : vector<16xi32>
      %and3A_2108 = arith.constant 7 : i32
      %and3A_2109 = vector.broadcast %and3A_2108 : i32 to vector<16xi32>
      %and3A_2110 = arith.andi %add3A_2104, %and3A_2109 : vector<16xi32>
      %gather3A_2111 = arith.constant 3 : i32
      %gather3A_2112 = arith.constant 0 : i32
      %gather3A_2113 = arith.constant 0 : i32
      %gather3A_2114 = arith.constant 0 : i32
      %gather3A_2115 = tpu.memref_slice %arg6[%gather3A_2111, %gather3A_2112, %gather3A_2113, %gather3A_2114] : memref<4x62x8x8xf32, #tpu.memory_space<vmem>> -> memref<1x62x8x8xf32, #tpu.memory_space<vmem>>
      %gather3A_2116 = tpu.memref_squeeze %gather3A_2115 : memref<1x62x8x8xf32, #tpu.memory_space<vmem>> -> memref<62x8x8xf32, #tpu.memory_space<vmem>>
      %gather3A_2117 = tpu.vector_load_idx %gather3A_2116[%shift_right_arithmetic3A_2107, %and3A_2110, %add3A_2049] : memref<62x8x8xf32, #tpu.memory_space<vmem>>[vector<16xi32>, vector<16xi32>, vector<16xi32>], vector<16xf32>,
      tpu.vector_store_idx %arg7[%shift_right_arithmetic3A_2107, %and3A_2110, %add3A_2069], %gather3A_2117 : memref<62x8x16xf32, #tpu.memory_space<vmem>>[vector<16xi32>, vector<16xi32>, vector<16xi32>], vector<16xf32>,
      %add3A_2118 = arith.constant 48 : i32
      %add3A_2119 = vector.broadcast %add3A_2118 : i32 to vector<16xi32>
      %add3A_2120 = arith.addi %iota3A, %add3A_2119 : vector<16xi32>
      %shift_right_arithmetic3A_2121 = arith.constant 3 : i32
      %shift_right_arithmetic3A_2122 = vector.broadcast %shift_right_arithmetic3A_2121 : i32 to vector<16xi32>
      %shift_right_arithmetic3A_2123 = arith.shrsi %add3A_2120, %shift_right_arithmetic3A_2122 : vector<16xi32>
      %and3A_2124 = arith.constant 7 : i32
      %and3A_2125 = vector.broadcast %and3A_2124 : i32 to vector<16xi32>
      %and3A_2126 = arith.andi %add3A_2120, %and3A_2125 : vector<16xi32>
      %gather3A_2127 = arith.constant 3 : i32
      %gather3A_2128 = arith.constant 0 : i32
      %gather3A_2129 = arith.constant 0 : i32
      %gather3A_2130 = arith.constant 0 : i32
      %gather3A_2131 = tpu.memref_slice %arg6[%gather3A_2127, %gather3A_2128, %gather3A_2129, %gather3A_2130] : memref<4x62x8x8xf32, #tpu.memory_space<vmem>> -> memref<1x62x8x8xf32, #tpu.memory_space<vmem>>
      %gather3A_2132 = tpu.memref_squeeze %gather3A_2131 : memref<1x62x8x8xf32, #tpu.memory_space<vmem>> -> memref<62x8x8xf32, #tpu.memory_space<vmem>>
      %gather3A_2133 = tpu.vector_load_idx %gather3A_2132[%shift_right_arithmetic3A_2123, %and3A_2126, %add3A_2049] : memref<62x8x8xf32, #tpu.memory_space<vmem>>[vector<16xi32>, vector<16xi32>, vector<16xi32>], vector<16xf32>,
      tpu.vector_store_idx %arg7[%shift_right_arithmetic3A_2123, %and3A_2126, %add3A_2069], %gather3A_2133 : memref<62x8x16xf32, #tpu.memory_space<vmem>>[vector<16xi32>, vector<16xi32>, vector<16xi32>], vector<16xf32>,
      %add3A_2134 = arith.constant 64 : i32
      %add3A_2135 = vector.broadcast %add3A_2134 : i32 to vector<16xi32>
      %add3A_2136 = arith.addi %iota3A, %add3A_2135 : vector<16xi32>
      %shift_right_arithmetic3A_2137 = arith.constant 3 : i32
      %shift_right_arithmetic3A_2138 = vector.broadcast %shift_right_arithmetic3A_2137 : i32 to vector<16xi32>
      %shift_right_arithmetic3A_2139 = arith.shrsi %add3A_2136, %shift_right_arithmetic3A_2138 : vector<16xi32>
      %and3A_2140 = arith.constant 7 : i32
      %and3A_2141 = vector.broadcast %and3A_2140 : i32 to vector<16xi32>
      %and3A_2142 = arith.andi %add3A_2136, %and3A_2141 : vector<16xi32>
      %gather3A_2143 = arith.constant 3 : i32
      %gather3A_2144 = arith.constant 0 : i32
      %gather3A_2145 = arith.constant 0 : i32
      %gather3A_2146 = arith.constant 0 : i32
      %gather3A_2147 = tpu.memref_slice %arg6[%gather3A_2143, %gather3A_2144, %gather3A_2145, %gather3A_2146] : memref<4x62x8x8xf32, #tpu.memory_space<vmem>> -> memref<1x62x8x8xf32, #tpu.memory_space<vmem>>
      %gather3A_2148 = tpu.memref_squeeze %gather3A_2147 : memref<1x62x8x8xf32, #tpu.memory_space<vmem>> -> memref<62x8x8xf32, #tpu.memory_space<vmem>>
      %gather3A_2149 = tpu.vector_load_idx %gather3A_2148[%shift_right_arithmetic3A_2139, %and3A_2142, %add3A_2049] : memref<62x8x8xf32, #tpu.memory_space<vmem>>[vector<16xi32>, vector<16xi32>, vector<16xi32>], vector<16xf32>,
      tpu.vector_store_idx %arg7[%shift_right_arithmetic3A_2139, %and3A_2142, %add3A_2069], %gather3A_2149 : memref<62x8x16xf32, #tpu.memory_space<vmem>>[vector<16xi32>, vector<16xi32>, vector<16xi32>], vector<16xf32>,
      %add3A_2150 = arith.constant 80 : i32
      %add3A_2151 = vector.broadcast %add3A_2150 : i32 to vector<16xi32>
      %add3A_2152 = arith.addi %iota3A, %add3A_2151 : vector<16xi32>
      %shift_right_arithmetic3A_2153 = arith.constant 3 : i32
      %shift_right_arithmetic3A_2154 = vector.broadcast %shift_right_arithmetic3A_2153 : i32 to vector<16xi32>
      %shift_right_arithmetic3A_2155 = arith.shrsi %add3A_2152, %shift_right_arithmetic3A_2154 : vector<16xi32>
      %and3A_2156 = arith.constant 7 : i32
      %and3A_2157 = vector.broadcast %and3A_2156 : i32 to vector<16xi32>
      %and3A_2158 = arith.andi %add3A_2152, %and3A_2157 : vector<16xi32>
      %gather3A_2159 = arith.constant 3 : i32
      %gather3A_2160 = arith.constant 0 : i32
      %gather3A_2161 = arith.constant 0 : i32
      %gather3A_2162 = arith.constant 0 : i32
      %gather3A_2163 = tpu.memref_slice %arg6[%gather3A_2159, %gather3A_2160, %gather3A_2161, %gather3A_2162] : memref<4x62x8x8xf32, #tpu.memory_space<vmem>> -> memref<1x62x8x8xf32, #tpu.memory_space<vmem>>
      %gather3A_2164 = tpu.memref_squeeze %gather3A_2163 : memref<1x62x8x8xf32, #tpu.memory_space<vmem>> -> memref<62x8x8xf32, #tpu.memory_space<vmem>>
      %gather3A_2165 = tpu.vector_load_idx %gather3A_2164[%shift_right_arithmetic3A_2155, %and3A_2158, %add3A_2049] : memref<62x8x8xf32, #tpu.memory_space<vmem>>[vector<16xi32>, vector<16xi32>, vector<16xi32>], vector<16xf32>,
      tpu.vector_store_idx %arg7[%shift_right_arithmetic3A_2155, %and3A_2158, %add3A_2069], %gather3A_2165 : memref<62x8x16xf32, #tpu.memory_space<vmem>>[vector<16xi32>, vector<16xi32>, vector<16xi32>], vector<16xf32>,
      %add3A_2166 = arith.constant 96 : i32
      %add3A_2167 = vector.broadcast %add3A_2166 : i32 to vector<16xi32>
      %add3A_2168 = arith.addi %iota3A, %add3A_2167 : vector<16xi32>
      %shift_right_arithmetic3A_2169 = arith.constant 3 : i32
      %shift_right_arithmetic3A_2170 = vector.broadcast %shift_right_arithmetic3A_2169 : i32 to vector<16xi32>
      %shift_right_arithmetic3A_2171 = arith.shrsi %add3A_2168, %shift_right_arithmetic3A_2170 : vector<16xi32>
      %and3A_2172 = arith.constant 7 : i32
      %and3A_2173 = vector.broadcast %and3A_2172 : i32 to vector<16xi32>
      %and3A_2174 = arith.andi %add3A_2168, %and3A_2173 : vector<16xi32>
      %gather3A_2175 = arith.constant 3 : i32
      %gather3A_2176 = arith.constant 0 : i32
      %gather3A_2177 = arith.constant 0 : i32
      %gather3A_2178 = arith.constant 0 : i32
      %gather3A_2179 = tpu.memref_slice %arg6[%gather3A_2175, %gather3A_2176, %gather3A_2177, %gather3A_2178] : memref<4x62x8x8xf32, #tpu.memory_space<vmem>> -> memref<1x62x8x8xf32, #tpu.memory_space<vmem>>
      %gather3A_2180 = tpu.memref_squeeze %gather3A_2179 : memref<1x62x8x8xf32, #tpu.memory_space<vmem>> -> memref<62x8x8xf32, #tpu.memory_space<vmem>>
      %gather3A_2181 = tpu.vector_load_idx %gather3A_2180[%shift_right_arithmetic3A_2171, %and3A_2174, %add3A_2049] : memref<62x8x8xf32, #tpu.memory_space<vmem>>[vector<16xi32>, vector<16xi32>, vector<16xi32>], vector<16xf32>,
      tpu.vector_store_idx %arg7[%shift_right_arithmetic3A_2171, %and3A_2174, %add3A_2069], %gather3A_2181 : memref<62x8x16xf32, #tpu.memory_space<vmem>>[vector<16xi32>, vector<16xi32>, vector<16xi32>], vector<16xf32>,
      %add3A_2182 = arith.constant 112 : i32
      %add3A_2183 = vector.broadcast %add3A_2182 : i32 to vector<16xi32>
      %add3A_2184 = arith.addi %iota3A, %add3A_2183 : vector<16xi32>
      %shift_right_arithmetic3A_2185 = arith.constant 3 : i32
      %shift_right_arithmetic3A_2186 = vector.broadcast %shift_right_arithmetic3A_2185 : i32 to vector<16xi32>
      %shift_right_arithmetic3A_2187 = arith.shrsi %add3A_2184, %shift_right_arithmetic3A_2186 : vector<16xi32>
      %and3A_2188 = arith.constant 7 : i32
      %and3A_2189 = vector.broadcast %and3A_2188 : i32 to vector<16xi32>
      %and3A_2190 = arith.andi %add3A_2184, %and3A_2189 : vector<16xi32>
      %gather3A_2191 = arith.constant 3 : i32
      %gather3A_2192 = arith.constant 0 : i32
      %gather3A_2193 = arith.constant 0 : i32
      %gather3A_2194 = arith.constant 0 : i32
      %gather3A_2195 = tpu.memref_slice %arg6[%gather3A_2191, %gather3A_2192, %gather3A_2193, %gather3A_2194] : memref<4x62x8x8xf32, #tpu.memory_space<vmem>> -> memref<1x62x8x8xf32, #tpu.memory_space<vmem>>
      %gather3A_2196 = tpu.memref_squeeze %gather3A_2195 : memref<1x62x8x8xf32, #tpu.memory_space<vmem>> -> memref<62x8x8xf32, #tpu.memory_space<vmem>>
      %gather3A_2197 = tpu.vector_load_idx %gather3A_2196[%shift_right_arithmetic3A_2187, %and3A_2190, %add3A_2049] : memref<62x8x8xf32, #tpu.memory_space<vmem>>[vector<16xi32>, vector<16xi32>, vector<16xi32>], vector<16xf32>,
      tpu.vector_store_idx %arg7[%shift_right_arithmetic3A_2187, %and3A_2190, %add3A_2069], %gather3A_2197 : memref<62x8x16xf32, #tpu.memory_space<vmem>>[vector<16xi32>, vector<16xi32>, vector<16xi32>], vector<16xf32>,
      %add3A_2198 = arith.constant 128 : i32
      %add3A_2199 = vector.broadcast %add3A_2198 : i32 to vector<16xi32>
      %add3A_2200 = arith.addi %iota3A, %add3A_2199 : vector<16xi32>
      %shift_right_arithmetic3A_2201 = arith.constant 3 : i32
      %shift_right_arithmetic3A_2202 = vector.broadcast %shift_right_arithmetic3A_2201 : i32 to vector<16xi32>
      %shift_right_arithmetic3A_2203 = arith.shrsi %add3A_2200, %shift_right_arithmetic3A_2202 : vector<16xi32>
      %and3A_2204 = arith.constant 7 : i32
      %and3A_2205 = vector.broadcast %and3A_2204 : i32 to vector<16xi32>
      %and3A_2206 = arith.andi %add3A_2200, %and3A_2205 : vector<16xi32>
      %gather3A_2207 = arith.constant 3 : i32
      %gather3A_2208 = arith.constant 0 : i32
      %gather3A_2209 = arith.constant 0 : i32
      %gather3A_2210 = arith.constant 0 : i32
      %gather3A_2211 = tpu.memref_slice %arg6[%gather3A_2207, %gather3A_2208, %gather3A_2209, %gather3A_2210] : memref<4x62x8x8xf32, #tpu.memory_space<vmem>> -> memref<1x62x8x8xf32, #tpu.memory_space<vmem>>
      %gather3A_2212 = tpu.memref_squeeze %gather3A_2211 : memref<1x62x8x8xf32, #tpu.memory_space<vmem>> -> memref<62x8x8xf32, #tpu.memory_space<vmem>>
      %gather3A_2213 = tpu.vector_load_idx %gather3A_2212[%shift_right_arithmetic3A_2203, %and3A_2206, %add3A_2049] : memref<62x8x8xf32, #tpu.memory_space<vmem>>[vector<16xi32>, vector<16xi32>, vector<16xi32>], vector<16xf32>,
      tpu.vector_store_idx %arg7[%shift_right_arithmetic3A_2203, %and3A_2206, %add3A_2069], %gather3A_2213 : memref<62x8x16xf32, #tpu.memory_space<vmem>>[vector<16xi32>, vector<16xi32>, vector<16xi32>], vector<16xf32>,
      %add3A_2214 = arith.constant 144 : i32
      %add3A_2215 = vector.broadcast %add3A_2214 : i32 to vector<16xi32>
      %add3A_2216 = arith.addi %iota3A, %add3A_2215 : vector<16xi32>
      %shift_right_arithmetic3A_2217 = arith.constant 3 : i32
      %shift_right_arithmetic3A_2218 = vector.broadcast %shift_right_arithmetic3A_2217 : i32 to vector<16xi32>
      %shift_right_arithmetic3A_2219 = arith.shrsi %add3A_2216, %shift_right_arithmetic3A_2218 : vector<16xi32>
      %and3A_2220 = arith.constant 7 : i32
      %and3A_2221 = vector.broadcast %and3A_2220 : i32 to vector<16xi32>
      %and3A_2222 = arith.andi %add3A_2216, %and3A_2221 : vector<16xi32>
      %gather3A_2223 = arith.constant 3 : i32
      %gather3A_2224 = arith.constant 0 : i32
      %gather3A_2225 = arith.constant 0 : i32
      %gather3A_2226 = arith.constant 0 : i32
      %gather3A_2227 = tpu.memref_slice %arg6[%gather3A_2223, %gather3A_2224, %gather3A_2225, %gather3A_2226] : memref<4x62x8x8xf32, #tpu.memory_space<vmem>> -> memref<1x62x8x8xf32, #tpu.memory_space<vmem>>
      %gather3A_2228 = tpu.memref_squeeze %gather3A_2227 : memref<1x62x8x8xf32, #tpu.memory_space<vmem>> -> memref<62x8x8xf32, #tpu.memory_space<vmem>>
      %gather3A_2229 = tpu.vector_load_idx %gather3A_2228[%shift_right_arithmetic3A_2219, %and3A_2222, %add3A_2049] : memref<62x8x8xf32, #tpu.memory_space<vmem>>[vector<16xi32>, vector<16xi32>, vector<16xi32>], vector<16xf32>,
      tpu.vector_store_idx %arg7[%shift_right_arithmetic3A_2219, %and3A_2222, %add3A_2069], %gather3A_2229 : memref<62x8x16xf32, #tpu.memory_space<vmem>>[vector<16xi32>, vector<16xi32>, vector<16xi32>], vector<16xf32>,
      %add3A_2230 = arith.constant 160 : i32
      %add3A_2231 = vector.broadcast %add3A_2230 : i32 to vector<16xi32>
      %add3A_2232 = arith.addi %iota3A, %add3A_2231 : vector<16xi32>
      %shift_right_arithmetic3A_2233 = arith.constant 3 : i32
      %shift_right_arithmetic3A_2234 = vector.broadcast %shift_right_arithmetic3A_2233 : i32 to vector<16xi32>
      %shift_right_arithmetic3A_2235 = arith.shrsi %add3A_2232, %shift_right_arithmetic3A_2234 : vector<16xi32>
      %and3A_2236 = arith.constant 7 : i32
      %and3A_2237 = vector.broadcast %and3A_2236 : i32 to vector<16xi32>
      %and3A_2238 = arith.andi %add3A_2232, %and3A_2237 : vector<16xi32>
      %gather3A_2239 = arith.constant 3 : i32
      %gather3A_2240 = arith.constant 0 : i32
      %gather3A_2241 = arith.constant 0 : i32
      %gather3A_2242 = arith.constant 0 : i32
      %gather3A_2243 = tpu.memref_slice %arg6[%gather3A_2239, %gather3A_2240, %gather3A_2241, %gather3A_2242] : memref<4x62x8x8xf32, #tpu.memory_space<vmem>> -> memref<1x62x8x8xf32, #tpu.memory_space<vmem>>
      %gather3A_2244 = tpu.memref_squeeze %gather3A_2243 : memref<1x62x8x8xf32, #tpu.memory_space<vmem>> -> memref<62x8x8xf32, #tpu.memory_space<vmem>>
      %gather3A_2245 = tpu.vector_load_idx %gather3A_2244[%shift_right_arithmetic3A_2235, %and3A_2238, %add3A_2049] : memref<62x8x8xf32, #tpu.memory_space<vmem>>[vector<16xi32>, vector<16xi32>, vector<16xi32>], vector<16xf32>,
      tpu.vector_store_idx %arg7[%shift_right_arithmetic3A_2235, %and3A_2238, %add3A_2069], %gather3A_2245 : memref<62x8x16xf32, #tpu.memory_space<vmem>>[vector<16xi32>, vector<16xi32>, vector<16xi32>], vector<16xf32>,
      %add3A_2246 = arith.constant 176 : i32
      %add3A_2247 = vector.broadcast %add3A_2246 : i32 to vector<16xi32>
      %add3A_2248 = arith.addi %iota3A, %add3A_2247 : vector<16xi32>
      %shift_right_arithmetic3A_2249 = arith.constant 3 : i32
      %shift_right_arithmetic3A_2250 = vector.broadcast %shift_right_arithmetic3A_2249 : i32 to vector<16xi32>
      %shift_right_arithmetic3A_2251 = arith.shrsi %add3A_2248, %shift_right_arithmetic3A_2250 : vector<16xi32>
      %and3A_2252 = arith.constant 7 : i32
      %and3A_2253 = vector.broadcast %and3A_2252 : i32 to vector<16xi32>
      %and3A_2254 = arith.andi %add3A_2248, %and3A_2253 : vector<16xi32>
      %gather3A_2255 = arith.constant 3 : i32
      %gather3A_2256 = arith.constant 0 : i32
      %gather3A_2257 = arith.constant 0 : i32
      %gather3A_2258 = arith.constant 0 : i32
      %gather3A_2259 = tpu.memref_slice %arg6[%gather3A_2255, %gather3A_2256, %gather3A_2257, %gather3A_2258] : memref<4x62x8x8xf32, #tpu.memory_space<vmem>> -> memref<1x62x8x8xf32, #tpu.memory_space<vmem>>
      %gather3A_2260 = tpu.memref_squeeze %gather3A_2259 : memref<1x62x8x8xf32, #tpu.memory_space<vmem>> -> memref<62x8x8xf32, #tpu.memory_space<vmem>>
      %gather3A_2261 = tpu.vector_load_idx %gather3A_2260[%shift_right_arithmetic3A_2251, %and3A_2254, %add3A_2049] : memref<62x8x8xf32, #tpu.memory_space<vmem>>[vector<16xi32>, vector<16xi32>, vector<16xi32>], vector<16xf32>,
      tpu.vector_store_idx %arg7[%shift_right_arithmetic3A_2251, %and3A_2254, %add3A_2069], %gather3A_2261 : memref<62x8x16xf32, #tpu.memory_space<vmem>>[vector<16xi32>, vector<16xi32>, vector<16xi32>], vector<16xf32>,
      %add3A_2262 = arith.constant 192 : i32
      %add3A_2263 = vector.broadcast %add3A_2262 : i32 to vector<16xi32>
      %add3A_2264 = arith.addi %iota3A, %add3A_2263 : vector<16xi32>
      %shift_right_arithmetic3A_2265 = arith.constant 3 : i32
      %shift_right_arithmetic3A_2266 = vector.broadcast %shift_right_arithmetic3A_2265 : i32 to vector<16xi32>
      %shift_right_arithmetic3A_2267 = arith.shrsi %add3A_2264, %shift_right_arithmetic3A_2266 : vector<16xi32>
      %and3A_2268 = arith.constant 7 : i32
      %and3A_2269 = vector.broadcast %and3A_2268 : i32 to vector<16xi32>
      %and3A_2270 = arith.andi %add3A_2264, %and3A_2269 : vector<16xi32>
      %gather3A_2271 = arith.constant 3 : i32
      %gather3A_2272 = arith.constant 0 : i32
      %gather3A_2273 = arith.constant 0 : i32
      %gather3A_2274 = arith.constant 0 : i32
      %gather3A_2275 = tpu.memref_slice %arg6[%gather3A_2271, %gather3A_2272, %gather3A_2273, %gather3A_2274] : memref<4x62x8x8xf32, #tpu.memory_space<vmem>> -> memref<1x62x8x8xf32, #tpu.memory_space<vmem>>
      %gather3A_2276 = tpu.memref_squeeze %gather3A_2275 : memref<1x62x8x8xf32, #tpu.memory_space<vmem>> -> memref<62x8x8xf32, #tpu.memory_space<vmem>>
      %gather3A_2277 = tpu.vector_load_idx %gather3A_2276[%shift_right_arithmetic3A_2267, %and3A_2270, %add3A_2049] : memref<62x8x8xf32, #tpu.memory_space<vmem>>[vector<16xi32>, vector<16xi32>, vector<16xi32>], vector<16xf32>,
      tpu.vector_store_idx %arg7[%shift_right_arithmetic3A_2267, %and3A_2270, %add3A_2069], %gather3A_2277 : memref<62x8x16xf32, #tpu.memory_space<vmem>>[vector<16xi32>, vector<16xi32>, vector<16xi32>], vector<16xf32>,
      %add3A_2278 = arith.constant 208 : i32
      %add3A_2279 = vector.broadcast %add3A_2278 : i32 to vector<16xi32>
      %add3A_2280 = arith.addi %iota3A, %add3A_2279 : vector<16xi32>
      %shift_right_arithmetic3A_2281 = arith.constant 3 : i32
      %shift_right_arithmetic3A_2282 = vector.broadcast %shift_right_arithmetic3A_2281 : i32 to vector<16xi32>
      %shift_right_arithmetic3A_2283 = arith.shrsi %add3A_2280, %shift_right_arithmetic3A_2282 : vector<16xi32>
      %and3A_2284 = arith.constant 7 : i32
      %and3A_2285 = vector.broadcast %and3A_2284 : i32 to vector<16xi32>
      %and3A_2286 = arith.andi %add3A_2280, %and3A_2285 : vector<16xi32>
      %gather3A_2287 = arith.constant 3 : i32
      %gather3A_2288 = arith.constant 0 : i32
      %gather3A_2289 = arith.constant 0 : i32
      %gather3A_2290 = arith.constant 0 : i32
      %gather3A_2291 = tpu.memref_slice %arg6[%gather3A_2287, %gather3A_2288, %gather3A_2289, %gather3A_2290] : memref<4x62x8x8xf32, #tpu.memory_space<vmem>> -> memref<1x62x8x8xf32, #tpu.memory_space<vmem>>
      %gather3A_2292 = tpu.memref_squeeze %gather3A_2291 : memref<1x62x8x8xf32, #tpu.memory_space<vmem>> -> memref<62x8x8xf32, #tpu.memory_space<vmem>>
      %gather3A_2293 = tpu.vector_load_idx %gather3A_2292[%shift_right_arithmetic3A_2283, %and3A_2286, %add3A_2049] : memref<62x8x8xf32, #tpu.memory_space<vmem>>[vector<16xi32>, vector<16xi32>, vector<16xi32>], vector<16xf32>,
      tpu.vector_store_idx %arg7[%shift_right_arithmetic3A_2283, %and3A_2286, %add3A_2069], %gather3A_2293 : memref<62x8x16xf32, #tpu.memory_space<vmem>>[vector<16xi32>, vector<16xi32>, vector<16xi32>], vector<16xf32>,
      %add3A_2294 = arith.constant 224 : i32
      %add3A_2295 = vector.broadcast %add3A_2294 : i32 to vector<16xi32>
      %add3A_2296 = arith.addi %iota3A, %add3A_2295 : vector<16xi32>
      %shift_right_arithmetic3A_2297 = arith.constant 3 : i32
      %shift_right_arithmetic3A_2298 = vector.broadcast %shift_right_arithmetic3A_2297 : i32 to vector<16xi32>
      %shift_right_arithmetic3A_2299 = arith.shrsi %add3A_2296, %shift_right_arithmetic3A_2298 : vector<16xi32>
      %and3A_2300 = arith.constant 7 : i32
      %and3A_2301 = vector.broadcast %and3A_2300 : i32 to vector<16xi32>
      %and3A_2302 = arith.andi %add3A_2296, %and3A_2301 : vector<16xi32>
      %gather3A_2303 = arith.constant 3 : i32
      %gather3A_2304 = arith.constant 0 : i32
      %gather3A_2305 = arith.constant 0 : i32
      %gather3A_2306 = arith.constant 0 : i32
      %gather3A_2307 = tpu.memref_slice %arg6[%gather3A_2303, %gather3A_2304, %gather3A_2305, %gather3A_2306] : memref<4x62x8x8xf32, #tpu.memory_space<vmem>> -> memref<1x62x8x8xf32, #tpu.memory_space<vmem>>
      %gather3A_2308 = tpu.memref_squeeze %gather3A_2307 : memref<1x62x8x8xf32, #tpu.memory_space<vmem>> -> memref<62x8x8xf32, #tpu.memory_space<vmem>>
      %gather3A_2309 = tpu.vector_load_idx %gather3A_2308[%shift_right_arithmetic3A_2299, %and3A_2302, %add3A_2049] : memref<62x8x8xf32, #tpu.memory_space<vmem>>[vector<16xi32>, vector<16xi32>, vector<16xi32>], vector<16xf32>,
      tpu.vector_store_idx %arg7[%shift_right_arithmetic3A_2299, %and3A_2302, %add3A_2069], %gather3A_2309 : memref<62x8x16xf32, #tpu.memory_space<vmem>>[vector<16xi32>, vector<16xi32>, vector<16xi32>], vector<16xf32>,
      %add3A_2310 = arith.constant 240 : i32
      %add3A_2311 = vector.broadcast %add3A_2310 : i32 to vector<16xi32>
      %add3A_2312 = arith.addi %iota3A, %add3A_2311 : vector<16xi32>
      %shift_right_arithmetic3A_2313 = arith.constant 3 : i32
      %shift_right_arithmetic3A_2314 = vector.broadcast %shift_right_arithmetic3A_2313 : i32 to vector<16xi32>
      %shift_right_arithmetic3A_2315 = arith.shrsi %add3A_2312, %shift_right_arithmetic3A_2314 : vector<16xi32>
      %and3A_2316 = arith.constant 7 : i32
      %and3A_2317 = vector.broadcast %and3A_2316 : i32 to vector<16xi32>
      %and3A_2318 = arith.andi %add3A_2312, %and3A_2317 : vector<16xi32>
      %gather3A_2319 = arith.constant 3 : i32
      %gather3A_2320 = arith.constant 0 : i32
      %gather3A_2321 = arith.constant 0 : i32
      %gather3A_2322 = arith.constant 0 : i32
      %gather3A_2323 = tpu.memref_slice %arg6[%gather3A_2319, %gather3A_2320, %gather3A_2321, %gather3A_2322] : memref<4x62x8x8xf32, #tpu.memory_space<vmem>> -> memref<1x62x8x8xf32, #tpu.memory_space<vmem>>
      %gather3A_2324 = tpu.memref_squeeze %gather3A_2323 : memref<1x62x8x8xf32, #tpu.memory_space<vmem>> -> memref<62x8x8xf32, #tpu.memory_space<vmem>>
      %gather3A_2325 = tpu.vector_load_idx %gather3A_2324[%shift_right_arithmetic3A_2315, %and3A_2318, %add3A_2049] : memref<62x8x8xf32, #tpu.memory_space<vmem>>[vector<16xi32>, vector<16xi32>, vector<16xi32>], vector<16xf32>,
      tpu.vector_store_idx %arg7[%shift_right_arithmetic3A_2315, %and3A_2318, %add3A_2069], %gather3A_2325 : memref<62x8x16xf32, #tpu.memory_space<vmem>>[vector<16xi32>, vector<16xi32>, vector<16xi32>], vector<16xf32>,
      %add3A_2326 = arith.constant 256 : i32
      %add3A_2327 = vector.broadcast %add3A_2326 : i32 to vector<16xi32>
      %add3A_2328 = arith.addi %iota3A, %add3A_2327 : vector<16xi32>
      %shift_right_arithmetic3A_2329 = arith.constant 3 : i32
      %shift_right_arithmetic3A_2330 = vector.broadcast %shift_right_arithmetic3A_2329 : i32 to vector<16xi32>
      %shift_right_arithmetic3A_2331 = arith.shrsi %add3A_2328, %shift_right_arithmetic3A_2330 : vector<16xi32>
      %and3A_2332 = arith.constant 7 : i32
      %and3A_2333 = vector.broadcast %and3A_2332 : i32 to vector<16xi32>
      %and3A_2334 = arith.andi %add3A_2328, %and3A_2333 : vector<16xi32>
      %gather3A_2335 = arith.constant 3 : i32
      %gather3A_2336 = arith.constant 0 : i32
      %gather3A_2337 = arith.constant 0 : i32
      %gather3A_2338 = arith.constant 0 : i32
      %gather3A_2339 = tpu.memref_slice %arg6[%gather3A_2335, %gather3A_2336, %gather3A_2337, %gather3A_2338] : memref<4x62x8x8xf32, #tpu.memory_space<vmem>> -> memref<1x62x8x8xf32, #tpu.memory_space<vmem>>
      %gather3A_2340 = tpu.memref_squeeze %gather3A_2339 : memref<1x62x8x8xf32, #tpu.memory_space<vmem>> -> memref<62x8x8xf32, #tpu.memory_space<vmem>>
      %gather3A_2341 = tpu.vector_load_idx %gather3A_2340[%shift_right_arithmetic3A_2331, %and3A_2334, %add3A_2049] : memref<62x8x8xf32, #tpu.memory_space<vmem>>[vector<16xi32>, vector<16xi32>, vector<16xi32>], vector<16xf32>,
      tpu.vector_store_idx %arg7[%shift_right_arithmetic3A_2331, %and3A_2334, %add3A_2069], %gather3A_2341 : memref<62x8x16xf32, #tpu.memory_space<vmem>>[vector<16xi32>, vector<16xi32>, vector<16xi32>], vector<16xf32>,
      %add3A_2342 = arith.constant 272 : i32
      %add3A_2343 = vector.broadcast %add3A_2342 : i32 to vector<16xi32>
      %add3A_2344 = arith.addi %iota3A, %add3A_2343 : vector<16xi32>
      %shift_right_arithmetic3A_2345 = arith.constant 3 : i32
      %shift_right_arithmetic3A_2346 = vector.broadcast %shift_right_arithmetic3A_2345 : i32 to vector<16xi32>
      %shift_right_arithmetic3A_2347 = arith.shrsi %add3A_2344, %shift_right_arithmetic3A_2346 : vector<16xi32>
      %and3A_2348 = arith.constant 7 : i32
      %and3A_2349 = vector.broadcast %and3A_2348 : i32 to vector<16xi32>
      %and3A_2350 = arith.andi %add3A_2344, %and3A_2349 : vector<16xi32>
      %gather3A_2351 = arith.constant 3 : i32
      %gather3A_2352 = arith.constant 0 : i32
      %gather3A_2353 = arith.constant 0 : i32
      %gather3A_2354 = arith.constant 0 : i32
      %gather3A_2355 = tpu.memref_slice %arg6[%gather3A_2351, %gather3A_2352, %gather3A_2353, %gather3A_2354] : memref<4x62x8x8xf32, #tpu.memory_space<vmem>> -> memref<1x62x8x8xf32, #tpu.memory_space<vmem>>
      %gather3A_2356 = tpu.memref_squeeze %gather3A_2355 : memref<1x62x8x8xf32, #tpu.memory_space<vmem>> -> memref<62x8x8xf32, #tpu.memory_space<vmem>>
      %gather3A_2357 = tpu.vector_load_idx %gather3A_2356[%shift_right_arithmetic3A_2347, %and3A_2350, %add3A_2049] : memref<62x8x8xf32, #tpu.memory_space<vmem>>[vector<16xi32>, vector<16xi32>, vector<16xi32>], vector<16xf32>,
      tpu.vector_store_idx %arg7[%shift_right_arithmetic3A_2347, %and3A_2350, %add3A_2069], %gather3A_2357 : memref<62x8x16xf32, #tpu.memory_space<vmem>>[vector<16xi32>, vector<16xi32>, vector<16xi32>], vector<16xf32>,
      %add3A_2358 = arith.constant 288 : i32
      %add3A_2359 = vector.broadcast %add3A_2358 : i32 to vector<16xi32>
      %add3A_2360 = arith.addi %iota3A, %add3A_2359 : vector<16xi32>
      %shift_right_arithmetic3A_2361 = arith.constant 3 : i32
      %shift_right_arithmetic3A_2362 = vector.broadcast %shift_right_arithmetic3A_2361 : i32 to vector<16xi32>
      %shift_right_arithmetic3A_2363 = arith.shrsi %add3A_2360, %shift_right_arithmetic3A_2362 : vector<16xi32>
      %and3A_2364 = arith.constant 7 : i32
      %and3A_2365 = vector.broadcast %and3A_2364 : i32 to vector<16xi32>
      %and3A_2366 = arith.andi %add3A_2360, %and3A_2365 : vector<16xi32>
      %gather3A_2367 = arith.constant 3 : i32
      %gather3A_2368 = arith.constant 0 : i32
      %gather3A_2369 = arith.constant 0 : i32
      %gather3A_2370 = arith.constant 0 : i32
      %gather3A_2371 = tpu.memref_slice %arg6[%gather3A_2367, %gather3A_2368, %gather3A_2369, %gather3A_2370] : memref<4x62x8x8xf32, #tpu.memory_space<vmem>> -> memref<1x62x8x8xf32, #tpu.memory_space<vmem>>
      %gather3A_2372 = tpu.memref_squeeze %gather3A_2371 : memref<1x62x8x8xf32, #tpu.memory_space<vmem>> -> memref<62x8x8xf32, #tpu.memory_space<vmem>>
      %gather3A_2373 = tpu.vector_load_idx %gather3A_2372[%shift_right_arithmetic3A_2363, %and3A_2366, %add3A_2049] : memref<62x8x8xf32, #tpu.memory_space<vmem>>[vector<16xi32>, vector<16xi32>, vector<16xi32>], vector<16xf32>,
      tpu.vector_store_idx %arg7[%shift_right_arithmetic3A_2363, %and3A_2366, %add3A_2069], %gather3A_2373 : memref<62x8x16xf32, #tpu.memory_space<vmem>>[vector<16xi32>, vector<16xi32>, vector<16xi32>], vector<16xf32>,
      %add3A_2374 = arith.constant 304 : i32
      %add3A_2375 = vector.broadcast %add3A_2374 : i32 to vector<16xi32>
      %add3A_2376 = arith.addi %iota3A, %add3A_2375 : vector<16xi32>
      %shift_right_arithmetic3A_2377 = arith.constant 3 : i32
      %shift_right_arithmetic3A_2378 = vector.broadcast %shift_right_arithmetic3A_2377 : i32 to vector<16xi32>
      %shift_right_arithmetic3A_2379 = arith.shrsi %add3A_2376, %shift_right_arithmetic3A_2378 : vector<16xi32>
      %and3A_2380 = arith.constant 7 : i32
      %and3A_2381 = vector.broadcast %and3A_2380 : i32 to vector<16xi32>
      %and3A_2382 = arith.andi %add3A_2376, %and3A_2381 : vector<16xi32>
      %gather3A_2383 = arith.constant 3 : i32
      %gather3A_2384 = arith.constant 0 : i32
      %gather3A_2385 = arith.constant 0 : i32
      %gather3A_2386 = arith.constant 0 : i32
      %gather3A_2387 = tpu.memref_slice %arg6[%gather3A_2383, %gather3A_2384, %gather3A_2385, %gather3A_2386] : memref<4x62x8x8xf32, #tpu.memory_space<vmem>> -> memref<1x62x8x8xf32, #tpu.memory_space<vmem>>
      %gather3A_2388 = tpu.memref_squeeze %gather3A_2387 : memref<1x62x8x8xf32, #tpu.memory_space<vmem>> -> memref<62x8x8xf32, #tpu.memory_space<vmem>>
      %gather3A_2389 = tpu.vector_load_idx %gather3A_2388[%shift_right_arithmetic3A_2379, %and3A_2382, %add3A_2049] : memref<62x8x8xf32, #tpu.memory_space<vmem>>[vector<16xi32>, vector<16xi32>, vector<16xi32>], vector<16xf32>,
      tpu.vector_store_idx %arg7[%shift_right_arithmetic3A_2379, %and3A_2382, %add3A_2069], %gather3A_2389 : memref<62x8x16xf32, #tpu.memory_space<vmem>>[vector<16xi32>, vector<16xi32>, vector<16xi32>], vector<16xf32>,
      %add3A_2390 = arith.constant 320 : i32
      %add3A_2391 = vector.broadcast %add3A_2390 : i32 to vector<16xi32>
      %add3A_2392 = arith.addi %iota3A, %add3A_2391 : vector<16xi32>
      %shift_right_arithmetic3A_2393 = arith.constant 3 : i32
      %shift_right_arithmetic3A_2394 = vector.broadcast %shift_right_arithmetic3A_2393 : i32 to vector<16xi32>
      %shift_right_arithmetic3A_2395 = arith.shrsi %add3A_2392, %shift_right_arithmetic3A_2394 : vector<16xi32>
      %and3A_2396 = arith.constant 7 : i32
      %and3A_2397 = vector.broadcast %and3A_2396 : i32 to vector<16xi32>
      %and3A_2398 = arith.andi %add3A_2392, %and3A_2397 : vector<16xi32>
      %gather3A_2399 = arith.constant 3 : i32
      %gather3A_2400 = arith.constant 0 : i32
      %gather3A_2401 = arith.constant 0 : i32
      %gather3A_2402 = arith.constant 0 : i32
      %gather3A_2403 = tpu.memref_slice %arg6[%gather3A_2399, %gather3A_2400, %gather3A_2401, %gather3A_2402] : memref<4x62x8x8xf32, #tpu.memory_space<vmem>> -> memref<1x62x8x8xf32, #tpu.memory_space<vmem>>
      %gather3A_2404 = tpu.memref_squeeze %gather3A_2403 : memref<1x62x8x8xf32, #tpu.memory_space<vmem>> -> memref<62x8x8xf32, #tpu.memory_space<vmem>>
      %gather3A_2405 = tpu.vector_load_idx %gather3A_2404[%shift_right_arithmetic3A_2395, %and3A_2398, %add3A_2049] : memref<62x8x8xf32, #tpu.memory_space<vmem>>[vector<16xi32>, vector<16xi32>, vector<16xi32>], vector<16xf32>,
      tpu.vector_store_idx %arg7[%shift_right_arithmetic3A_2395, %and3A_2398, %add3A_2069], %gather3A_2405 : memref<62x8x16xf32, #tpu.memory_space<vmem>>[vector<16xi32>, vector<16xi32>, vector<16xi32>], vector<16xf32>,
      %add3A_2406 = arith.constant 336 : i32
      %add3A_2407 = vector.broadcast %add3A_2406 : i32 to vector<16xi32>
      %add3A_2408 = arith.addi %iota3A, %add3A_2407 : vector<16xi32>
      %shift_right_arithmetic3A_2409 = arith.constant 3 : i32
      %shift_right_arithmetic3A_2410 = vector.broadcast %shift_right_arithmetic3A_2409 : i32 to vector<16xi32>
      %shift_right_arithmetic3A_2411 = arith.shrsi %add3A_2408, %shift_right_arithmetic3A_2410 : vector<16xi32>
      %and3A_2412 = arith.constant 7 : i32
      %and3A_2413 = vector.broadcast %and3A_2412 : i32 to vector<16xi32>
      %and3A_2414 = arith.andi %add3A_2408, %and3A_2413 : vector<16xi32>
      %gather3A_2415 = arith.constant 3 : i32
      %gather3A_2416 = arith.constant 0 : i32
      %gather3A_2417 = arith.constant 0 : i32
      %gather3A_2418 = arith.constant 0 : i32
      %gather3A_2419 = tpu.memref_slice %arg6[%gather3A_2415, %gather3A_2416, %gather3A_2417, %gather3A_2418] : memref<4x62x8x8xf32, #tpu.memory_space<vmem>> -> memref<1x62x8x8xf32, #tpu.memory_space<vmem>>
      %gather3A_2420 = tpu.memref_squeeze %gather3A_2419 : memref<1x62x8x8xf32, #tpu.memory_space<vmem>> -> memref<62x8x8xf32, #tpu.memory_space<vmem>>
      %gather3A_2421 = tpu.vector_load_idx %gather3A_2420[%shift_right_arithmetic3A_2411, %and3A_2414, %add3A_2049] : memref<62x8x8xf32, #tpu.memory_space<vmem>>[vector<16xi32>, vector<16xi32>, vector<16xi32>], vector<16xf32>,
      tpu.vector_store_idx %arg7[%shift_right_arithmetic3A_2411, %and3A_2414, %add3A_2069], %gather3A_2421 : memref<62x8x16xf32, #tpu.memory_space<vmem>>[vector<16xi32>, vector<16xi32>, vector<16xi32>], vector<16xf32>,
      %add3A_2422 = arith.constant 352 : i32
      %add3A_2423 = vector.broadcast %add3A_2422 : i32 to vector<16xi32>
      %add3A_2424 = arith.addi %iota3A, %add3A_2423 : vector<16xi32>
      %shift_right_arithmetic3A_2425 = arith.constant 3 : i32
      %shift_right_arithmetic3A_2426 = vector.broadcast %shift_right_arithmetic3A_2425 : i32 to vector<16xi32>
      %shift_right_arithmetic3A_2427 = arith.shrsi %add3A_2424, %shift_right_arithmetic3A_2426 : vector<16xi32>
      %and3A_2428 = arith.constant 7 : i32
      %and3A_2429 = vector.broadcast %and3A_2428 : i32 to vector<16xi32>
      %and3A_2430 = arith.andi %add3A_2424, %and3A_2429 : vector<16xi32>
      %gather3A_2431 = arith.constant 3 : i32
      %gather3A_2432 = arith.constant 0 : i32
      %gather3A_2433 = arith.constant 0 : i32
      %gather3A_2434 = arith.constant 0 : i32
      %gather3A_2435 = tpu.memref_slice %arg6[%gather3A_2431, %gather3A_2432, %gather3A_2433, %gather3A_2434] : memref<4x62x8x8xf32, #tpu.memory_space<vmem>> -> memref<1x62x8x8xf32, #tpu.memory_space<vmem>>
      %gather3A_2436 = tpu.memref_squeeze %gather3A_2435 : memref<1x62x8x8xf32, #tpu.memory_space<vmem>> -> memref<62x8x8xf32, #tpu.memory_space<vmem>>
      %gather3A_2437 = tpu.vector_load_idx %gather3A_2436[%shift_right_arithmetic3A_2427, %and3A_2430, %add3A_2049] : memref<62x8x8xf32, #tpu.memory_space<vmem>>[vector<16xi32>, vector<16xi32>, vector<16xi32>], vector<16xf32>,
      tpu.vector_store_idx %arg7[%shift_right_arithmetic3A_2427, %and3A_2430, %add3A_2069], %gather3A_2437 : memref<62x8x16xf32, #tpu.memory_space<vmem>>[vector<16xi32>, vector<16xi32>, vector<16xi32>], vector<16xf32>,
      %add3A_2438 = arith.constant 368 : i32
      %add3A_2439 = vector.broadcast %add3A_2438 : i32 to vector<16xi32>
      %add3A_2440 = arith.addi %iota3A, %add3A_2439 : vector<16xi32>
      %shift_right_arithmetic3A_2441 = arith.constant 3 : i32
      %shift_right_arithmetic3A_2442 = vector.broadcast %shift_right_arithmetic3A_2441 : i32 to vector<16xi32>
      %shift_right_arithmetic3A_2443 = arith.shrsi %add3A_2440, %shift_right_arithmetic3A_2442 : vector<16xi32>
      %and3A_2444 = arith.constant 7 : i32
      %and3A_2445 = vector.broadcast %and3A_2444 : i32 to vector<16xi32>
      %and3A_2446 = arith.andi %add3A_2440, %and3A_2445 : vector<16xi32>
      %gather3A_2447 = arith.constant 3 : i32
      %gather3A_2448 = arith.constant 0 : i32
      %gather3A_2449 = arith.constant 0 : i32
      %gather3A_2450 = arith.constant 0 : i32
      %gather3A_2451 = tpu.memref_slice %arg6[%gather3A_2447, %gather3A_2448, %gather3A_2449, %gather3A_2450] : memref<4x62x8x8xf32, #tpu.memory_space<vmem>> -> memref<1x62x8x8xf32, #tpu.memory_space<vmem>>
      %gather3A_2452 = tpu.memref_squeeze %gather3A_2451 : memref<1x62x8x8xf32, #tpu.memory_space<vmem>> -> memref<62x8x8xf32, #tpu.memory_space<vmem>>
      %gather3A_2453 = tpu.vector_load_idx %gather3A_2452[%shift_right_arithmetic3A_2443, %and3A_2446, %add3A_2049] : memref<62x8x8xf32, #tpu.memory_space<vmem>>[vector<16xi32>, vector<16xi32>, vector<16xi32>], vector<16xf32>,
      tpu.vector_store_idx %arg7[%shift_right_arithmetic3A_2443, %and3A_2446, %add3A_2069], %gather3A_2453 : memref<62x8x16xf32, #tpu.memory_space<vmem>>[vector<16xi32>, vector<16xi32>, vector<16xi32>], vector<16xf32>,
      %add3A_2454 = arith.constant 384 : i32
      %add3A_2455 = vector.broadcast %add3A_2454 : i32 to vector<16xi32>
      %add3A_2456 = arith.addi %iota3A, %add3A_2455 : vector<16xi32>
      %shift_right_arithmetic3A_2457 = arith.constant 3 : i32
      %shift_right_arithmetic3A_2458 = vector.broadcast %shift_right_arithmetic3A_2457 : i32 to vector<16xi32>
      %shift_right_arithmetic3A_2459 = arith.shrsi %add3A_2456, %shift_right_arithmetic3A_2458 : vector<16xi32>
      %and3A_2460 = arith.constant 7 : i32
      %and3A_2461 = vector.broadcast %and3A_2460 : i32 to vector<16xi32>
      %and3A_2462 = arith.andi %add3A_2456, %and3A_2461 : vector<16xi32>
      %gather3A_2463 = arith.constant 3 : i32
      %gather3A_2464 = arith.constant 0 : i32
      %gather3A_2465 = arith.constant 0 : i32
      %gather3A_2466 = arith.constant 0 : i32
      %gather3A_2467 = tpu.memref_slice %arg6[%gather3A_2463, %gather3A_2464, %gather3A_2465, %gather3A_2466] : memref<4x62x8x8xf32, #tpu.memory_space<vmem>> -> memref<1x62x8x8xf32, #tpu.memory_space<vmem>>
      %gather3A_2468 = tpu.memref_squeeze %gather3A_2467 : memref<1x62x8x8xf32, #tpu.memory_space<vmem>> -> memref<62x8x8xf32, #tpu.memory_space<vmem>>
      %gather3A_2469 = tpu.vector_load_idx %gather3A_2468[%shift_right_arithmetic3A_2459, %and3A_2462, %add3A_2049] : memref<62x8x8xf32, #tpu.memory_space<vmem>>[vector<16xi32>, vector<16xi32>, vector<16xi32>], vector<16xf32>,
      tpu.vector_store_idx %arg7[%shift_right_arithmetic3A_2459, %and3A_2462, %add3A_2069], %gather3A_2469 : memref<62x8x16xf32, #tpu.memory_space<vmem>>[vector<16xi32>, vector<16xi32>, vector<16xi32>], vector<16xf32>,
      %add3A_2470 = arith.constant 400 : i32
      %add3A_2471 = vector.broadcast %add3A_2470 : i32 to vector<16xi32>
      %add3A_2472 = arith.addi %iota3A, %add3A_2471 : vector<16xi32>
      %shift_right_arithmetic3A_2473 = arith.constant 3 : i32
      %shift_right_arithmetic3A_2474 = vector.broadcast %shift_right_arithmetic3A_2473 : i32 to vector<16xi32>
      %shift_right_arithmetic3A_2475 = arith.shrsi %add3A_2472, %shift_right_arithmetic3A_2474 : vector<16xi32>
      %and3A_2476 = arith.constant 7 : i32
      %and3A_2477 = vector.broadcast %and3A_2476 : i32 to vector<16xi32>
      %and3A_2478 = arith.andi %add3A_2472, %and3A_2477 : vector<16xi32>
      %gather3A_2479 = arith.constant 3 : i32
      %gather3A_2480 = arith.constant 0 : i32
      %gather3A_2481 = arith.constant 0 : i32
      %gather3A_2482 = arith.constant 0 : i32
      %gather3A_2483 = tpu.memref_slice %arg6[%gather3A_2479, %gather3A_2480, %gather3A_2481, %gather3A_2482] : memref<4x62x8x8xf32, #tpu.memory_space<vmem>> -> memref<1x62x8x8xf32, #tpu.memory_space<vmem>>
      %gather3A_2484 = tpu.memref_squeeze %gather3A_2483 : memref<1x62x8x8xf32, #tpu.memory_space<vmem>> -> memref<62x8x8xf32, #tpu.memory_space<vmem>>
      %gather3A_2485 = tpu.vector_load_idx %gather3A_2484[%shift_right_arithmetic3A_2475, %and3A_2478, %add3A_2049] : memref<62x8x8xf32, #tpu.memory_space<vmem>>[vector<16xi32>, vector<16xi32>, vector<16xi32>], vector<16xf32>,
      tpu.vector_store_idx %arg7[%shift_right_arithmetic3A_2475, %and3A_2478, %add3A_2069], %gather3A_2485 : memref<62x8x16xf32, #tpu.memory_space<vmem>>[vector<16xi32>, vector<16xi32>, vector<16xi32>], vector<16xf32>,
      %add3A_2486 = arith.constant 416 : i32
      %add3A_2487 = vector.broadcast %add3A_2486 : i32 to vector<16xi32>
      %add3A_2488 = arith.addi %iota3A, %add3A_2487 : vector<16xi32>
      %shift_right_arithmetic3A_2489 = arith.constant 3 : i32
      %shift_right_arithmetic3A_2490 = vector.broadcast %shift_right_arithmetic3A_2489 : i32 to vector<16xi32>
      %shift_right_arithmetic3A_2491 = arith.shrsi %add3A_2488, %shift_right_arithmetic3A_2490 : vector<16xi32>
      %and3A_2492 = arith.constant 7 : i32
      %and3A_2493 = vector.broadcast %and3A_2492 : i32 to vector<16xi32>
      %and3A_2494 = arith.andi %add3A_2488, %and3A_2493 : vector<16xi32>
      %gather3A_2495 = arith.constant 3 : i32
      %gather3A_2496 = arith.constant 0 : i32
      %gather3A_2497 = arith.constant 0 : i32
      %gather3A_2498 = arith.constant 0 : i32
      %gather3A_2499 = tpu.memref_slice %arg6[%gather3A_2495, %gather3A_2496, %gather3A_2497, %gather3A_2498] : memref<4x62x8x8xf32, #tpu.memory_space<vmem>> -> memref<1x62x8x8xf32, #tpu.memory_space<vmem>>
      %gather3A_2500 = tpu.memref_squeeze %gather3A_2499 : memref<1x62x8x8xf32, #tpu.memory_space<vmem>> -> memref<62x8x8xf32, #tpu.memory_space<vmem>>
      %gather3A_2501 = tpu.vector_load_idx %gather3A_2500[%shift_right_arithmetic3A_2491, %and3A_2494, %add3A_2049] : memref<62x8x8xf32, #tpu.memory_space<vmem>>[vector<16xi32>, vector<16xi32>, vector<16xi32>], vector<16xf32>,
      tpu.vector_store_idx %arg7[%shift_right_arithmetic3A_2491, %and3A_2494, %add3A_2069], %gather3A_2501 : memref<62x8x16xf32, #tpu.memory_space<vmem>>[vector<16xi32>, vector<16xi32>, vector<16xi32>], vector<16xf32>,
      %add3A_2502 = arith.constant 432 : i32
      %add3A_2503 = vector.broadcast %add3A_2502 : i32 to vector<16xi32>
      %add3A_2504 = arith.addi %iota3A, %add3A_2503 : vector<16xi32>
      %shift_right_arithmetic3A_2505 = arith.constant 3 : i32
      %shift_right_arithmetic3A_2506 = vector.broadcast %shift_right_arithmetic3A_2505 : i32 to vector<16xi32>
      %shift_right_arithmetic3A_2507 = arith.shrsi %add3A_2504, %shift_right_arithmetic3A_2506 : vector<16xi32>
      %and3A_2508 = arith.constant 7 : i32
      %and3A_2509 = vector.broadcast %and3A_2508 : i32 to vector<16xi32>
      %and3A_2510 = arith.andi %add3A_2504, %and3A_2509 : vector<16xi32>
      %gather3A_2511 = arith.constant 3 : i32
      %gather3A_2512 = arith.constant 0 : i32
      %gather3A_2513 = arith.constant 0 : i32
      %gather3A_2514 = arith.constant 0 : i32
      %gather3A_2515 = tpu.memref_slice %arg6[%gather3A_2511, %gather3A_2512, %gather3A_2513, %gather3A_2514] : memref<4x62x8x8xf32, #tpu.memory_space<vmem>> -> memref<1x62x8x8xf32, #tpu.memory_space<vmem>>
      %gather3A_2516 = tpu.memref_squeeze %gather3A_2515 : memref<1x62x8x8xf32, #tpu.memory_space<vmem>> -> memref<62x8x8xf32, #tpu.memory_space<vmem>>
      %gather3A_2517 = tpu.vector_load_idx %gather3A_2516[%shift_right_arithmetic3A_2507, %and3A_2510, %add3A_2049] : memref<62x8x8xf32, #tpu.memory_space<vmem>>[vector<16xi32>, vector<16xi32>, vector<16xi32>], vector<16xf32>,
      tpu.vector_store_idx %arg7[%shift_right_arithmetic3A_2507, %and3A_2510, %add3A_2069], %gather3A_2517 : memref<62x8x16xf32, #tpu.memory_space<vmem>>[vector<16xi32>, vector<16xi32>, vector<16xi32>], vector<16xf32>,
      %add3A_2518 = arith.constant 448 : i32
      %add3A_2519 = vector.broadcast %add3A_2518 : i32 to vector<16xi32>
      %add3A_2520 = arith.addi %iota3A, %add3A_2519 : vector<16xi32>
      %shift_right_arithmetic3A_2521 = arith.constant 3 : i32
      %shift_right_arithmetic3A_2522 = vector.broadcast %shift_right_arithmetic3A_2521 : i32 to vector<16xi32>
      %shift_right_arithmetic3A_2523 = arith.shrsi %add3A_2520, %shift_right_arithmetic3A_2522 : vector<16xi32>
      %and3A_2524 = arith.constant 7 : i32
      %and3A_2525 = vector.broadcast %and3A_2524 : i32 to vector<16xi32>
      %and3A_2526 = arith.andi %add3A_2520, %and3A_2525 : vector<16xi32>
      %gather3A_2527 = arith.constant 3 : i32
      %gather3A_2528 = arith.constant 0 : i32
      %gather3A_2529 = arith.constant 0 : i32
      %gather3A_2530 = arith.constant 0 : i32
      %gather3A_2531 = tpu.memref_slice %arg6[%gather3A_2527, %gather3A_2528, %gather3A_2529, %gather3A_2530] : memref<4x62x8x8xf32, #tpu.memory_space<vmem>> -> memref<1x62x8x8xf32, #tpu.memory_space<vmem>>
      %gather3A_2532 = tpu.memref_squeeze %gather3A_2531 : memref<1x62x8x8xf32, #tpu.memory_space<vmem>> -> memref<62x8x8xf32, #tpu.memory_space<vmem>>
      %gather3A_2533 = tpu.vector_load_idx %gather3A_2532[%shift_right_arithmetic3A_2523, %and3A_2526, %add3A_2049] : memref<62x8x8xf32, #tpu.memory_space<vmem>>[vector<16xi32>, vector<16xi32>, vector<16xi32>], vector<16xf32>,
      tpu.vector_store_idx %arg7[%shift_right_arithmetic3A_2523, %and3A_2526, %add3A_2069], %gather3A_2533 : memref<62x8x16xf32, #tpu.memory_space<vmem>>[vector<16xi32>, vector<16xi32>, vector<16xi32>], vector<16xf32>,
      %add3A_2534 = arith.constant 464 : i32
      %add3A_2535 = vector.broadcast %add3A_2534 : i32 to vector<16xi32>
      %add3A_2536 = arith.addi %iota3A, %add3A_2535 : vector<16xi32>
      %shift_right_arithmetic3A_2537 = arith.constant 3 : i32
      %shift_right_arithmetic3A_2538 = vector.broadcast %shift_right_arithmetic3A_2537 : i32 to vector<16xi32>
      %shift_right_arithmetic3A_2539 = arith.shrsi %add3A_2536, %shift_right_arithmetic3A_2538 : vector<16xi32>
      %and3A_2540 = arith.constant 7 : i32
      %and3A_2541 = vector.broadcast %and3A_2540 : i32 to vector<16xi32>
      %and3A_2542 = arith.andi %add3A_2536, %and3A_2541 : vector<16xi32>
      %gather3A_2543 = arith.constant 3 : i32
      %gather3A_2544 = arith.constant 0 : i32
      %gather3A_2545 = arith.constant 0 : i32
      %gather3A_2546 = arith.constant 0 : i32
      %gather3A_2547 = tpu.memref_slice %arg6[%gather3A_2543, %gather3A_2544, %gather3A_2545, %gather3A_2546] : memref<4x62x8x8xf32, #tpu.memory_space<vmem>> -> memref<1x62x8x8xf32, #tpu.memory_space<vmem>>
      %gather3A_2548 = tpu.memref_squeeze %gather3A_2547 : memref<1x62x8x8xf32, #tpu.memory_space<vmem>> -> memref<62x8x8xf32, #tpu.memory_space<vmem>>
      %gather3A_2549 = tpu.vector_load_idx %gather3A_2548[%shift_right_arithmetic3A_2539, %and3A_2542, %add3A_2049] : memref<62x8x8xf32, #tpu.memory_space<vmem>>[vector<16xi32>, vector<16xi32>, vector<16xi32>], vector<16xf32>,
      tpu.vector_store_idx %arg7[%shift_right_arithmetic3A_2539, %and3A_2542, %add3A_2069], %gather3A_2549 : memref<62x8x16xf32, #tpu.memory_space<vmem>>[vector<16xi32>, vector<16xi32>, vector<16xi32>], vector<16xf32>,
      %add3A_2550 = arith.constant 480 : i32
      %add3A_2551 = vector.broadcast %add3A_2550 : i32 to vector<16xi32>
      %add3A_2552 = arith.addi %iota3A, %add3A_2551 : vector<16xi32>
      %shift_right_arithmetic3A_2553 = arith.constant 3 : i32
      %shift_right_arithmetic3A_2554 = vector.broadcast %shift_right_arithmetic3A_2553 : i32 to vector<16xi32>
      %shift_right_arithmetic3A_2555 = arith.shrsi %add3A_2552, %shift_right_arithmetic3A_2554 : vector<16xi32>
      %and3A_2556 = arith.constant 7 : i32
      %and3A_2557 = vector.broadcast %and3A_2556 : i32 to vector<16xi32>
      %and3A_2558 = arith.andi %add3A_2552, %and3A_2557 : vector<16xi32>
      %gather3A_2559 = arith.constant 3 : i32
      %gather3A_2560 = arith.constant 0 : i32
      %gather3A_2561 = arith.constant 0 : i32
      %gather3A_2562 = arith.constant 0 : i32
      %gather3A_2563 = tpu.memref_slice %arg6[%gather3A_2559, %gather3A_2560, %gather3A_2561, %gather3A_2562] : memref<4x62x8x8xf32, #tpu.memory_space<vmem>> -> memref<1x62x8x8xf32, #tpu.memory_space<vmem>>
      %gather3A_2564 = tpu.memref_squeeze %gather3A_2563 : memref<1x62x8x8xf32, #tpu.memory_space<vmem>> -> memref<62x8x8xf32, #tpu.memory_space<vmem>>
      %gather3A_2565 = tpu.vector_load_idx %gather3A_2564[%shift_right_arithmetic3A_2555, %and3A_2558, %add3A_2049] : memref<62x8x8xf32, #tpu.memory_space<vmem>>[vector<16xi32>, vector<16xi32>, vector<16xi32>], vector<16xf32>,
      tpu.vector_store_idx %arg7[%shift_right_arithmetic3A_2555, %and3A_2558, %add3A_2069], %gather3A_2565 : memref<62x8x16xf32, #tpu.memory_space<vmem>>[vector<16xi32>, vector<16xi32>, vector<16xi32>], vector<16xf32>,
      %add3A_2566 = arith.constant 3 : i32
      %add3A_2567 = arith.addi %mul3A_152, %add3A_2566 : i32
      %add3A_2568 = arith.constant 4 : i32
      %add3A_2569 = arith.addi %add3A_2567, %add3A_2568 : i32
      %lt3A_2570 = arith.constant 256 : i32
      %lt3A_2571 = arith.cmpi slt, %add3A_2569, %lt3A_2570 : i32
      %convert_element_type3A_2572 = arith.extui %lt3A_2571 : i1 to i32
      %cond3A_2573 = arith.constant 0 : i32
      %cond3A_2574 = arith.cmpi ne, %convert_element_type3A_2572, %cond3A_2573 : i32
      scf.if %cond3A_2574 {
        %add3A_2598 = arith.constant 3 : i32
        %add3A_2599 = arith.addi %mul3A_152, %add3A_2598 : i32
        %add3A_2600 = arith.constant 4 : i32
        %add3A_2601 = arith.addi %add3A_2599, %add3A_2600 : i32
        %jit3A_2602 = arith.constant 16 : i32
        %div3A_2603 = arith.divsi %add3A_2601, %jit3A_2602 : i32
        %sign3A_2604 = arith.constant 0 : i32
        %sign3A_2605 = arith.cmpi sgt, %add3A_2601, %sign3A_2604 : i32
        %sign3A_2606 = arith.extui %sign3A_2605 : i1 to i32
        %sign3A_2607 = arith.constant 0 : i32
        %sign3A_2608 = arith.cmpi slt, %add3A_2601, %sign3A_2607 : i32
        %sign3A_2609 = arith.extui %sign3A_2608 : i1 to i32
        %sign3A_2610 = arith.subi %sign3A_2606, %sign3A_2609 : i32
        %sign3A_2611 = arith.constant 0 : i32
        %sign3A_2612 = arith.cmpi sgt, %jit3A_2602, %sign3A_2611 : i32
        %sign3A_2613 = arith.extui %sign3A_2612 : i1 to i32
        %sign3A_2614 = arith.constant 0 : i32
        %sign3A_2615 = arith.cmpi slt, %jit3A_2602, %sign3A_2614 : i32
        %sign3A_2616 = arith.extui %sign3A_2615 : i1 to i32
        %sign3A_2617 = arith.subi %sign3A_2613, %sign3A_2616 : i32
        %ne3A_2618 = arith.cmpi ne, %sign3A_2610, %sign3A_2617 : i32
        %rem3A_2619 = arith.remsi %add3A_2601, %jit3A_2602 : i32
        %ne3A_2620 = arith.constant 0 : i32
        %ne3A_2621 = arith.cmpi ne, %rem3A_2619, %ne3A_2620 : i32
        %and3A_2622 = arith.andi %ne3A_2618, %ne3A_2621 : i1
        %sub3A_2623 = arith.constant 1 : i32
        %sub3A_2624 = arith.subi %div3A_2603, %sub3A_2623 : i32
        %select_n3A_2625 = arith.select %and3A_2622, %sub3A_2624, %div3A_2603 : i32
        %mul3A_2626 = arith.constant 16 : i32
        %mul3A_2627 = arith.muli %select_n3A_2625, %mul3A_2626 : i32
        %get3A_2628 = arith.index_cast %mul3A_2627 : i32 to index
        %get3A_2629 = tpu.vector_load %arg5[%get3A_2628] {strides = array<i32>} : memref<256xi32, #tpu.memory_space<vmem>>, vector<16xi32>,
        %jit3A_2630 = arith.constant 16 : i32
        %eq3A_2631 = arith.constant 0 : i32
        %eq3A_2632 = arith.cmpi eq, %jit3A_2630, %eq3A_2631 : i32
        %jit3A_2633 = arith.constant 1 : i32
        %select_n3A_2634 = arith.select %eq3A_2632, %jit3A_2633, %jit3A_2630 : i32
        %rem3A_2635 = arith.remsi %add3A_2601, %select_n3A_2634 : i32
        %ne3A_2636 = arith.constant 0 : i32
        %ne3A_2637 = arith.cmpi ne, %rem3A_2635, %ne3A_2636 : i32
        %lt3A_2638 = arith.constant 0 : i32
        %lt3A_2639 = arith.cmpi slt, %rem3A_2635, %lt3A_2638 : i32
        %lt3A_2640 = arith.constant 0 : i32
        %lt3A_2641 = arith.cmpi slt, %select_n3A_2634, %lt3A_2640 : i32
        %ne3A_2642 = arith.xori %lt3A_2639, %lt3A_2641 : i1
        %and3A_2643 = arith.andi %ne3A_2642, %ne3A_2637 : i1
        %add3A_2644 = arith.addi %rem3A_2635, %select_n3A_2634 : i32
        %select_n3A_2645 = arith.select %and3A_2643, %add3A_2644, %rem3A_2635 : i32
        %eq3A_2646 = vector.broadcast %select_n3A_2645 : i32 to vector<16xi32>
        %eq3A_2647 = arith.cmpi eq, %iota3A, %eq3A_2646 : vector<16xi32>
        %jit3A_2648 = arith.constant 0 : i32
        %broadcast_in_dim3A_2649 = vector.broadcast %jit3A_2648 : i32 to vector<16xi32>
        %select_n3A_2650 = arith.select %eq3A_2647, %get3A_2629, %broadcast_in_dim3A_2649 : vector<16xi1>, vector<16xi32>
        %reduce_sum3A_2651 = arith.constant true
        %reduce_sum3A_2652 = vector.broadcast %reduce_sum3A_2651 : i1 to vector<16xi1>
        %reduce_sum3A_2653 = tpu.scan <sum>, %select_n3A_2650 masked %reduce_sum3A_2652 : vector<16xi32>, vector<16xi1> -> vector<16xi32>
        %reduce_sum3A_2654 = vector.extract %reduce_sum3A_2653[15] : i32 from vector<16xi32>
        %shift_right_arithmetic3A_2655 = arith.constant 7 : i32
        %shift_right_arithmetic3A_2656 = arith.shrsi %reduce_sum3A_2654, %shift_right_arithmetic3A_2655 : i32
        %and3A_2657 = arith.constant 127 : i32
        %and3A_2658 = arith.andi %reduce_sum3A_2654, %and3A_2657 : i32
        %and3A_2659 = arith.constant -8 : i32
        %and3A_2660 = arith.andi %and3A_2658, %and3A_2659 : i32
        %multiple_of3A_2661 = tpu.assume_multiple %and3A_2660, 8 : i32
        %dma_start3A_2662 = arith.constant 3 : i32
        %dma_start3A_2663 = arith.constant 0 : i32
        %dma_start3A_2664 = arith.constant 0 : i32
        %dma_start3A_2665 = arith.constant 0 : i32
        %dma_start3A_2666 = tpu.memref_slice %arg6[%dma_start3A_2662, %dma_start3A_2663, %dma_start3A_2664, %dma_start3A_2665] : memref<4x62x8x8xf32, #tpu.memory_space<vmem>> -> memref<1x62x8x8xf32, #tpu.memory_space<vmem>>
        %dma_start3A_2667 = tpu.memref_squeeze %dma_start3A_2666 : memref<1x62x8x8xf32, #tpu.memory_space<vmem>> -> memref<62x8x8xf32, #tpu.memory_space<vmem>>
        %dma_start3A_2668 = arith.constant 0 : i32
        %dma_start3A_2669 = arith.constant 0 : i32
        %dma_start3A_2670 = tpu.memref_slice %arg3[%dma_start3A_2668, %shift_right_arithmetic3A_2656, %dma_start3A_2669, %multiple_of3A_2661] : memref<62x1002x8x128xf32, #tpu.memory_space<hbm>> -> memref<62x1x8x8xf32, #tpu.memory_space<hbm>>
        %dma_start3A_2671 = tpu.memref_squeeze %dma_start3A_2670 : memref<62x1x8x8xf32, #tpu.memory_space<hbm>> -> memref<62x8x8xf32, #tpu.memory_space<hbm>>
        %dma_start3A_2672 = arith.constant 0 : i32
        %dma_start3A_2673 = arith.constant 0 : i32
        %dma_start3A_2674 = arith.constant 0 : i32
        %dma_start3A_2675 = tpu.memref_slice %arg6[%dma_start3A_2662, %dma_start3A_2672, %dma_start3A_2673, %dma_start3A_2674] : memref<4x62x8x8xf32, #tpu.memory_space<vmem>> -> memref<1x62x8x8xf32, #tpu.memory_space<vmem>>
        %dma_start3A_2676 = tpu.memref_squeeze %dma_start3A_2675 : memref<1x62x8x8xf32, #tpu.memory_space<vmem>> -> memref<62x8x8xf32, #tpu.memory_space<vmem>>
        %dma_start3A_2677 = arith.constant 0 : i32
        %dma_start3A_2678 = arith.constant 0 : i32
        %dma_start3A_2679 = tpu.memref_slice %arg3[%dma_start3A_2677, %shift_right_arithmetic3A_2656, %dma_start3A_2678, %multiple_of3A_2661] : memref<62x1002x8x128xf32, #tpu.memory_space<hbm>> -> memref<62x1x8x8xf32, #tpu.memory_space<hbm>>
        %dma_start3A_2680 = tpu.memref_squeeze %dma_start3A_2679 : memref<62x1x8x8xf32, #tpu.memory_space<hbm>> -> memref<62x8x8xf32, #tpu.memory_space<hbm>>
        tpu.enqueue_dma source(%dma_start3A_2680 : memref<62x8x8xf32, #tpu.memory_space<hbm>>) target(%dma_start3A_2676 : memref<62x8x8xf32, #tpu.memory_space<vmem>>) target_semaphore(%arg11 : memref<!tpu.dma_semaphore, #tpu.memory_space<semaphore_mem>>)
      } else {
      }
      %add3A_2575 = arith.constant 4 : i32
      %add3A_2576 = arith.addi %mul3A_152, %add3A_2575 : i32
      %jit3A_2577 = arith.constant 16 : i32
      %eq3A_2578 = arith.constant 0 : i32
      %eq3A_2579 = arith.cmpi eq, %jit3A_2577, %eq3A_2578 : i32
      %jit3A_2580 = arith.constant 1 : i32
      %select_n3A_2581 = arith.select %eq3A_2579, %jit3A_2580, %jit3A_2577 : i32
      %rem3A_2582 = arith.remsi %add3A_2576, %select_n3A_2581 : i32
      %ne3A_2583 = arith.constant 0 : i32
      %ne3A_2584 = arith.cmpi ne, %rem3A_2582, %ne3A_2583 : i32
      %lt3A_2585 = arith.constant 0 : i32
      %lt3A_2586 = arith.cmpi slt, %rem3A_2582, %lt3A_2585 : i32
      %lt3A_2587 = arith.constant 0 : i32
      %lt3A_2588 = arith.cmpi slt, %select_n3A_2581, %lt3A_2587 : i32
      %ne3A_2589 = arith.xori %lt3A_2586, %lt3A_2588 : i1
      %and3A_2590 = arith.andi %ne3A_2589, %ne3A_2584 : i1
      %add3A_2591 = arith.addi %rem3A_2582, %select_n3A_2581 : i32
      %select_n3A_2592 = arith.select %and3A_2590, %add3A_2591, %rem3A_2582 : i32
      %eq3A_2593 = arith.constant 0 : i32
      %eq3A_2594 = arith.cmpi eq, %select_n3A_2592, %eq3A_2593 : i32
      %convert_element_type3A_2595 = arith.extui %eq3A_2594 : i1 to i32
      %cond3A_2596 = arith.constant 0 : i32
      %cond3A_2597 = arith.cmpi ne, %convert_element_type3A_2595, %cond3A_2596 : i32
      scf.if %cond3A_2597 {
        %jit3A_2598 = arith.constant 16 : i32
        %div3A_2599 = arith.divsi %mul3A_152, %jit3A_2598 : i32
        %sign3A_2600 = arith.constant 0 : i32
        %sign3A_2601 = arith.cmpi sgt, %mul3A_152, %sign3A_2600 : i32
        %sign3A_2602 = arith.extui %sign3A_2601 : i1 to i32
        %sign3A_2603 = arith.constant 0 : i32
        %sign3A_2604 = arith.cmpi slt, %mul3A_152, %sign3A_2603 : i32
        %sign3A_2605 = arith.extui %sign3A_2604 : i1 to i32
        %sign3A_2606 = arith.subi %sign3A_2602, %sign3A_2605 : i32
        %sign3A_2607 = arith.constant 0 : i32
        %sign3A_2608 = arith.cmpi sgt, %jit3A_2598, %sign3A_2607 : i32
        %sign3A_2609 = arith.extui %sign3A_2608 : i1 to i32
        %sign3A_2610 = arith.constant 0 : i32
        %sign3A_2611 = arith.cmpi slt, %jit3A_2598, %sign3A_2610 : i32
        %sign3A_2612 = arith.extui %sign3A_2611 : i1 to i32
        %sign3A_2613 = arith.subi %sign3A_2609, %sign3A_2612 : i32
        %ne3A_2614 = arith.cmpi ne, %sign3A_2606, %sign3A_2613 : i32
        %rem3A_2615 = arith.remsi %mul3A_152, %jit3A_2598 : i32
        %ne3A_2616 = arith.constant 0 : i32
        %ne3A_2617 = arith.cmpi ne, %rem3A_2615, %ne3A_2616 : i32
        %and3A_2618 = arith.andi %ne3A_2614, %ne3A_2617 : i1
        %sub3A_2619 = arith.constant 1 : i32
        %sub3A_2620 = arith.subi %div3A_2599, %sub3A_2619 : i32
        %select_n3A_2621 = arith.select %and3A_2618, %sub3A_2620, %div3A_2599 : i32
        %mul3A_2622 = arith.constant 16 : i32
        %mul3A_2623 = arith.muli %select_n3A_2621, %mul3A_2622 : i32
        %add3A_2624 = arith.addi %mul3A_2, %mul3A_2623 : i32
        %jit3A_2625 = arith.constant 128 : i32
        %eq3A_2626 = arith.constant 0 : i32
        %eq3A_2627 = arith.cmpi eq, %jit3A_2625, %eq3A_2626 : i32
        %jit3A_2628 = arith.constant 1 : i32
        %select_n3A_2629 = arith.select %eq3A_2627, %jit3A_2628, %jit3A_2625 : i32
        %rem3A_2630 = arith.remsi %add3A_2624, %select_n3A_2629 : i32
        %ne3A_2631 = arith.constant 0 : i32
        %ne3A_2632 = arith.cmpi ne, %rem3A_2630, %ne3A_2631 : i32
        %lt3A_2633 = arith.constant 0 : i32
        %lt3A_2634 = arith.cmpi slt, %rem3A_2630, %lt3A_2633 : i32
        %lt3A_2635 = arith.constant 0 : i32
        %lt3A_2636 = arith.cmpi slt, %select_n3A_2629, %lt3A_2635 : i32
        %ne3A_2637 = arith.xori %lt3A_2634, %lt3A_2636 : i1
        %and3A_2638 = arith.andi %ne3A_2637, %ne3A_2632 : i1
        %add3A_2639 = arith.addi %rem3A_2630, %select_n3A_2629 : i32
        %select_n3A_2640 = arith.select %and3A_2638, %add3A_2639, %rem3A_2630 : i32
        %multiple_of3A_2641 = tpu.assume_multiple %select_n3A_2640, 16 : i32
        %jit3A_2642 = arith.constant 128 : i32
        %div3A_2643 = arith.divsi %add3A_2624, %jit3A_2642 : i32
        %sign3A_2644 = arith.constant 0 : i32
        %sign3A_2645 = arith.cmpi sgt, %add3A_2624, %sign3A_2644 : i32
        %sign3A_2646 = arith.extui %sign3A_2645 : i1 to i32
        %sign3A_2647 = arith.constant 0 : i32
        %sign3A_2648 = arith.cmpi slt, %add3A_2624, %sign3A_2647 : i32
        %sign3A_2649 = arith.extui %sign3A_2648 : i1 to i32
        %sign3A_2650 = arith.subi %sign3A_2646, %sign3A_2649 : i32
        %sign3A_2651 = arith.constant 0 : i32
        %sign3A_2652 = arith.cmpi sgt, %jit3A_2642, %sign3A_2651 : i32
        %sign3A_2653 = arith.extui %sign3A_2652 : i1 to i32
        %sign3A_2654 = arith.constant 0 : i32
        %sign3A_2655 = arith.cmpi slt, %jit3A_2642, %sign3A_2654 : i32
        %sign3A_2656 = arith.extui %sign3A_2655 : i1 to i32
        %sign3A_2657 = arith.subi %sign3A_2653, %sign3A_2656 : i32
        %ne3A_2658 = arith.cmpi ne, %sign3A_2650, %sign3A_2657 : i32
        %rem3A_2659 = arith.remsi %add3A_2624, %jit3A_2642 : i32
        %ne3A_2660 = arith.constant 0 : i32
        %ne3A_2661 = arith.cmpi ne, %rem3A_2659, %ne3A_2660 : i32
        %and3A_2662 = arith.andi %ne3A_2658, %ne3A_2661 : i1
        %sub3A_2663 = arith.constant 1 : i32
        %sub3A_2664 = arith.subi %div3A_2643, %sub3A_2663 : i32
        %select_n3A_2665 = arith.select %and3A_2662, %sub3A_2664, %div3A_2643 : i32
        "tpu.region"() ({
          %run_scoped3A = tpu.sem_alloc : memref<!tpu.dma_semaphore, #tpu.memory_space<semaphore_mem>>
          %dma_start3A_2666 = arith.constant 0 : i32
          %dma_start3A_2667 = arith.constant 0 : i32
          %dma_start3A_2668 = tpu.memref_slice %arg4[%dma_start3A_2666, %select_n3A_2665, %dma_start3A_2667, %multiple_of3A_2641] : memref<62x64x8x128xf32, #tpu.memory_space<hbm>> -> memref<62x1x8x16xf32, #tpu.memory_space<hbm>>
          %dma_start3A_2669 = tpu.memref_squeeze %dma_start3A_2668 : memref<62x1x8x16xf32, #tpu.memory_space<hbm>> -> memref<62x8x16xf32, #tpu.memory_space<hbm>>
          %dma_start3A_2670 = arith.constant 0 : i32
          %dma_start3A_2671 = arith.constant 0 : i32
          %dma_start3A_2672 = tpu.memref_slice %arg4[%dma_start3A_2670, %select_n3A_2665, %dma_start3A_2671, %multiple_of3A_2641] : memref<62x64x8x128xf32, #tpu.memory_space<hbm>> -> memref<62x1x8x16xf32, #tpu.memory_space<hbm>>
          %dma_start3A_2673 = tpu.memref_squeeze %dma_start3A_2672 : memref<62x1x8x16xf32, #tpu.memory_space<hbm>> -> memref<62x8x16xf32, #tpu.memory_space<hbm>>
          tpu.enqueue_dma source(%arg7 : memref<62x8x16xf32, #tpu.memory_space<vmem>>) target(%dma_start3A_2673 : memref<62x8x16xf32, #tpu.memory_space<hbm>>) target_semaphore(%run_scoped3A : memref<!tpu.dma_semaphore, #tpu.memory_space<semaphore_mem>>)
          %dma_wait3A_2674 = arith.constant 0 : i32
          %dma_wait3A_2675 = arith.constant 0 : i32
          %dma_wait3A_2676 = tpu.memref_slice %arg4[%dma_wait3A_2674, %select_n3A_2665, %dma_wait3A_2675, %multiple_of3A_2641] : memref<62x64x8x128xf32, #tpu.memory_space<hbm>> -> memref<62x1x8x16xf32, #tpu.memory_space<hbm>>
          %dma_wait3A_2677 = tpu.memref_squeeze %dma_wait3A_2676 : memref<62x1x8x16xf32, #tpu.memory_space<hbm>> -> memref<62x8x16xf32, #tpu.memory_space<hbm>>
          %dma_wait3A_2678 = arith.constant 0 : i32
          %dma_wait3A_2679 = arith.constant 0 : i32
          %dma_wait3A_2680 = tpu.memref_slice %arg4[%dma_wait3A_2678, %select_n3A_2665, %dma_wait3A_2679, %multiple_of3A_2641] : memref<62x64x8x128xf32, #tpu.memory_space<hbm>> -> memref<62x1x8x16xf32, #tpu.memory_space<hbm>>
          %dma_wait3A_2681 = tpu.memref_squeeze %dma_wait3A_2680 : memref<62x1x8x16xf32, #tpu.memory_space<hbm>> -> memref<62x8x16xf32, #tpu.memory_space<hbm>>
          tpu.wait_dma2 semaphore(%run_scoped3A : memref<!tpu.dma_semaphore, #tpu.memory_space<semaphore_mem>>) src(%arg7 : memref<62x8x16xf32, #tpu.memory_space<vmem>>) dst(%dma_wait3A_2681 : memref<62x8x16xf32, #tpu.memory_space<hbm>>)
          tpu.yield
        }) : () -> ()
      } else {
      }
    }
    %scan3A_149 = arith.constant 64 : i32
    return
  }
}

module attributes {stable_mosaic.version = 14 : i64} {
  func.func @body(%arg0: i32, %arg1: memref<496x496xf32, #tpu.memory_space<vmem>>, %arg2: memref<496x512xf32, #tpu.memory_space<vmem>>, %arg3: memref<8x496xf32, #tpu.memory_space<vmem>>, %arg4: memref<2x496xf32, #tpu.memory_space<vmem>>, %arg5: memref<1xf32, #tpu.memory_space<smem>>, %arg6: memref<1xf32, #tpu.memory_space<smem>>, %arg7: memref<10x496x512xf32, #tpu.memory_space<vmem>>) attributes {dimension_semantics = [#tpu.dimension_semantics<arbitrary>], iteration_bounds = array<i64: 16>, scalar_prefetch = 0 : i64, scratch_operands = 0 : i64, tpu.core_type = #tpu.core_type<tc>, window_params = [{pipeline_mode = #tpu.pipeline_mode<synchronous>, transform_indices = @transform_0, window_bounds = array<i64: 496, 496>}, {transform_indices = @transform_1, window_bounds = array<i64: 496, 512>}, {pipeline_mode = #tpu.pipeline_mode<synchronous>, transform_indices = @transform_2, window_bounds = array<i64: 8, 496>}, {pipeline_mode = #tpu.pipeline_mode<synchronous>, transform_indices = @transform_3, window_bounds = array<i64: 2, 496>}, {transform_indices = @transform_4, window_bounds = array<i64: 1>}, {transform_indices = @transform_5, window_bounds = array<i64: 1>}, {transform_indices = @transform_6, window_bounds = array<i64: 10, 496, 512>}]} {
    %get3A = arith.constant 0 : index
    %get3A_0 = arith.constant 0 : index
    %get3A_1 = vector.load %arg1[%get3A, %get3A_0] : memref<496x496xf32, #tpu.memory_space<vmem>>, vector<496x496xf32>
    %get3A_2 = arith.constant 0 : index
    %get3A_3 = arith.constant 0 : index
    %get3A_4 = vector.load %arg2[%get3A_2, %get3A_3] : memref<496x512xf32, #tpu.memory_space<vmem>>, vector<496x512xf32>
    %dot_general3A = arith.constant dense<0.000000e+00> : vector<496x512xf32>
    %dot_general3A_5 = tpu.matmul %get3A_1, %get3A_4, %dot_general3A {dimension_numbers = #tpu.dot_dimension_numbers<[1], [0], [0], [1], [0, 0, 1, 1], [], []>, transpose_lhs_hint = false} : vector<496x496xf32>, vector<496x512xf32>, vector<496x512xf32> -> vector<496x512xf32>
    %get3A_6 = arith.constant 0 : index
    %get3A_7 = arith.constant 0 : index
    %get3A_8 = vector.load %arg3[%get3A_6, %get3A_7] : memref<8x496xf32, #tpu.memory_space<vmem>>, vector<8x496xf32>
    %logistic3A = arith.negf %get3A_8 : vector<8x496xf32>
    %logistic3A_9 = math.exp %logistic3A : vector<8x496xf32>
    %logistic3A_10 = arith.constant 1.000000e+00 : f32
    %logistic3A_11 = vector.broadcast %logistic3A_10 : f32 to vector<8x496xf32>
    %logistic3A_12 = arith.addf %logistic3A_11, %logistic3A_9 : vector<8x496xf32>
    %logistic3A_13 = arith.divf %logistic3A_11, %logistic3A_12 : vector<8x496xf32>
    %get3A_14 = arith.constant 0 : index
    %get3A_15 = memref.load %arg5[%get3A_14] : memref<1xf32, #tpu.memory_space<smem>>
    %mul3A = vector.broadcast %get3A_15 : f32 to vector<8x496xf32>
    %mul3A_16 = arith.mulf %logistic3A_13, %mul3A : vector<8x496xf32>
    %get3A_17 = arith.constant 0 : index
    %get3A_18 = arith.constant 0 : index
    %get3A_19 = vector.load %arg4[%get3A_17, %get3A_18] : memref<2x496xf32, #tpu.memory_space<vmem>>, vector<2x496xf32>
    %logistic3A_20 = arith.negf %get3A_19 : vector<2x496xf32>
    %logistic3A_21 = math.exp %logistic3A_20 : vector<2x496xf32>
    %logistic3A_22 = arith.constant 1.000000e+00 : f32
    %logistic3A_23 = vector.broadcast %logistic3A_22 : f32 to vector<2x496xf32>
    %logistic3A_24 = arith.addf %logistic3A_23, %logistic3A_21 : vector<2x496xf32>
    %logistic3A_25 = arith.divf %logistic3A_23, %logistic3A_24 : vector<2x496xf32>
    %get3A_26 = arith.constant 0 : index
    %get3A_27 = memref.load %arg6[%get3A_26] : memref<1xf32, #tpu.memory_space<smem>>
    %mul3A_28 = vector.broadcast %get3A_27 : f32 to vector<2x496xf32>
    %mul3A_29 = arith.mulf %logistic3A_25, %mul3A_28 : vector<2x496xf32>
    %concatenate3A = tpu.concatenate %mul3A_16, %mul3A_29 in 0 : vector<8x496xf32>, vector<2x496xf32> -> vector<10x496xf32>
    %broadcast_in_dim3A = vector.shape_cast %concatenate3A : vector<10x496xf32> to vector<10x496x1xf32>
    %broadcast_in_dim3A_30 = vector.shape_cast %dot_general3A_5 : vector<496x512xf32> to vector<1x496x512xf32>
    %mul3A_31 = vector.broadcast %broadcast_in_dim3A : vector<10x496x1xf32> to vector<10x496x512xf32>
    %mul3A_32 = vector.broadcast %broadcast_in_dim3A_30 : vector<1x496x512xf32> to vector<10x496x512xf32>
    %mul3A_33 = arith.mulf %mul3A_31, %mul3A_32 : vector<10x496x512xf32>
    %swap3A = arith.constant 0 : index
    %swap3A_34 = arith.constant 0 : index
    %swap3A_35 = arith.constant 0 : index
    %swap3A_36 = vector.load %arg7[%swap3A, %swap3A_34, %swap3A_35] : memref<10x496x512xf32, #tpu.memory_space<vmem>>, vector<10x496x512xf32>
    tpu.vector_store %arg7[%swap3A, %swap3A_34, %swap3A_35], %mul3A_33 {strides = array<i32>} : memref<10x496x512xf32, #tpu.memory_space<vmem>>, vector<10x496x512xf32>,
    return
  }
  func.func @transform_0(%arg0: i32) -> (i32, i32) {
    %c0_i32 = arith.constant 0 : i32
    %c0_i32_0 = arith.constant 0 : i32
    %c0_i32_1 = arith.constant 0 : i32
    return %c0_i32, %c0_i32_0 : i32, i32
  }
  func.func @transform_1(%arg0: i32) -> (i32, i32) {
    %c0_i32 = arith.constant 0 : i32
    %c0_i32_0 = arith.constant 0 : i32
    return %c0_i32, %arg0 : i32, i32
  }
  func.func @transform_2(%arg0: i32) -> (i32, i32) {
    %c0_i32 = arith.constant 0 : i32
    %c0_i32_0 = arith.constant 0 : i32
    %c0_i32_1 = arith.constant 0 : i32
    return %c0_i32, %c0_i32_0 : i32, i32
  }
  func.func @transform_3(%arg0: i32) -> (i32, i32) {
    %c0_i32 = arith.constant 0 : i32
    %c0_i32_0 = arith.constant 0 : i32
    %c0_i32_1 = arith.constant 0 : i32
    return %c0_i32, %c0_i32_0 : i32, i32
  }
  func.func @transform_4(%arg0: i32) -> i32 {
    %c0_i32 = arith.constant 0 : i32
    %c0_i32_0 = arith.constant 0 : i32
    return %c0_i32 : i32
  }
  func.func @transform_5(%arg0: i32) -> i32 {
    %c0_i32 = arith.constant 0 : i32
    %c0_i32_0 = arith.constant 0 : i32
    return %c0_i32 : i32
  }
  func.func @transform_6(%arg0: i32) -> (i32, i32, i32) {
    %add3A = arith.constant 0 : i32
    %add3A_0 = arith.addi %arg0, %add3A : i32
    %c0_i32 = arith.constant 0 : i32
    %c0_i32_1 = arith.constant 0 : i32
    %c0_i32_2 = arith.constant 0 : i32
    return %c0_i32, %c0_i32_1, %add3A_0 : i32, i32, i32
  }
}

</mosaic_0001>

<sc_bundles>
// kernel: kernel.4.cloned.1.call-start
scs
__scs_entry_jumppad:
0x0: {  	(pc) =	sbr.rel $0x88, $3  }
0x1: {  	(tag) =	ssettag $0x0;
	lr =	simm.s32 $0x1  }
0x2: {  	[smem:$0x3F9A] =	sst lr;
	_ =	strace $0xD0000000  }
0x3: {  	_ = 	snop  }
0x4: {  	_ = 	snop  }
0x5: {  	_ = 	snop  }
0x6: {  	_ = 	snop  }
0x7: {  	_ = 	snop  }
__scs_overlays_trampoline_lowered:
0x8: {  	[smem:$0x3FA9] =	sst s0  }
0x9: {  	[smem:$0x3FAA] =	sst s1  }
0xa: {  	[smem:$0x3FAB] =	sst s2  }
0xb: {  	[smem:$0x3FAC] =	sst s3  }
0xc: {  	[smem:$0x3FAD] =	sst s4  }
0xd: {  	[smem:$0x3FAE] =	sst s5  }
0xe: {  	[smem:$0x3FAF] =	sst s6  }
0xf: {  	[smem:$0x3FB0] =	sst s7  }
0x10: {  	[smem:$0x3FB1] =	sst s8  }
0x11: {  	[smem:$0x3FB2] =	sst s9;
	s0 =	simm.s32 @!p0 $0x0  }
0x12: {  	s1 =	sld [smem:$0x3F98];
	s0 =	simm.s32 @p0 $0x1  }
0x13: {  	[smem:$0x3FB3] =	sst s0;
	s0 =	simm.s32 @!p1 $0x0  }
0x14: {  	s2 =	sld [smem:$0x3F97];
	s0 =	simm.s32 @p1 $0x1  }
0x15: {  	[smem:$0x3FB4] =	sst s0;
	s0 =	simm.s32 @!p2 $0x0  }
0x16: {  	s3 =	sld [smem:$0x3FDB];
	s0 =	simm.s32 @p2 $0x1  }
0x17: {  	s4 =	simm.s32 $0x1BF5;
	[smem:$0x3FB6] =	sst s0  }
0x18: {  	s0 =	sld [smem:$0x3F99];
	_ =	swait.ge [sflag:s4], $0x0  }
0x19: {  	s7 =	sld [smem:$0x3F9A]  }
0x1a: {  	s8 =	sadd.s32 $0xFFFFE003, lr  }
0x1b: {  	s9 =	sadd.s32 $0xFFFFFEF7, lr;
	s5 =	simm.s32 $0xFFFFFFFF;
	p2 =	slt.u32 s8, $0xFFFFF086  }
0x1c: {  	p1 =	slt.u32 s9, $0xF7A;
	s5 =	simm.s32 @!p2 $0x0  }
0x1d: {  	s5 =	simm.s32 @p1 $0x1;
	p0 =	seq.s32 s7, s2  }
0x1e: {  	s7 =	smul.u32 @!p0 $0xF7A, s2;
	p2 =	seq.s32 @!p0 s5, $0x0  }
0x1f: {  	s9 =	smul.u32 $0xF7A, s1;
	s8 =	simm.s32 @!p0 $0x1BF5;
	p2 =	por !p2, p0  }
0x20: {  	[sflag:s8] =	ssyncset.s32 @!p0 $0xFFFFF086;
	s6 =	sadd.s32 @!p0 s3, s7;
	s7 =	simm.s32 @!p0 $0x108  }
0x21: {  	s3 =	sadd.s32 s3, s9;
	s6 =	sadd.s32 @!p0 $0x88, s6;
	s7 =	simm.s32 @p2 $0x1082  }
0x22: {  	[simem:s7], [sflag:s8] =	dma.local @!p0 [hbm:s6], $0xF7A  }
0x23: {  	s9 =	sor.u32 $0xD0000000, s2;
	s6 =	simm.s32 $0x108;
	_ =	swait.ge @!p0 [sflag:s8], $0x0  }
0x24: {  	s3 =	sadd.s32 $0x88, s3;
	s6 =	simm.s32 @!p1 $0x1082;
	[sflag:s4] =	ssyncset.s32 $0xFFFFF086  }
0x25: {  	[simem:s6], [sflag:s4] =	dma.local [hbm:s3], $0xF7A  }
0x26: {  	[smem:$0x3F9A] =	sst s1;
	(tag) =	ssettag s2;
	_ =	strace s9  }
0x27: {  	s1 =	sld [smem:$0x3FAA]  }
0x28: {  	s2 =	sld [smem:$0x3FAB]  }
0x29: {  	s4 =	sld [smem:$0x3FAD]  }
0x2a: {  	p0 =	seq.s32 s5, $0x0;
	s5 =	sld [smem:$0x3FAE]  }
0x2b: {  	s6 =	sld [smem:$0x3FAF]  }
0x2c: {  	s7 =	sld [smem:$0x3FB0]  }
0x2d: {  	s3 =	simm.s32 $0x108;
	s8 =	sld [smem:$0x3FB1]  }
0x2e: {  	s3 =	simm.s32 @!p0 $0x1082;
	s9 =	sld [smem:$0x3FB2]  }
0x2f: {  	lr =	sadd.s32 s0, s3;
	s0 =	sld [smem:$0x3FA9]  }
0x30: {  	s3 =	sld [smem:$0x3FAC]  }
0x31: {  	[smem:$0x3FB5] =	sst s10  }
0x32: {  	s10 =	sld [smem:$0x3FB3];
	_ =	sdelay $0x3  }
0x33: {  	p0 =	seq.s32 s10, $0x1;
	s10 =	sld [smem:$0x3FB5];
	_ =	sdelay $0x3  }
0x34: {  	[smem:$0x3FB5] =	sst s10  }
0x35: {  	s10 =	sld [smem:$0x3FB4];
	_ =	sdelay $0x3  }
0x36: {  	p1 =	seq.s32 s10, $0x1;
	s10 =	sld [smem:$0x3FB5];
	_ =	sdelay $0x3  }
0x37: {  	[smem:$0x3FB5] =	sst s10  }
0x38: {  	s10 =	sld [smem:$0x3FB6]  }
0x39: {  	_ = 	snop;
	(pc) =	sbr.ind lr, $3  }
0x3a: {  	_ = 	snop  }
0x3b: {  	_ = 	snop  }
0x3c: {  	p2 =	seq.s32 s10, $0x1;
	s10 =	sld [smem:$0x3FB5]  }
0x3d: {  	_ =	shalt  }
0x3e: {  	_ =	shalt  }
0x3f: {  	_ =	shalt  }
0x40: {  	_ =	shalt  }
0x41: {  	_ =	shalt  }
0x42: {  	_ =	shalt  }
0x43: {  	_ =	shalt  }
0x44: {  	_ =	shalt  }
0x45: {  	_ =	shalt  }
0x46: {  	_ =	shalt  }
0x47: {  	_ =	shalt  }
0x48: {  	_ =	shalt  }
0x49: {  	_ =	shalt  }
0x4a: {  	_ =	shalt  }
0x4b: {  	_ =	shalt  }
0x4c: {  	_ =	shalt  }
0x4d: {  	_ =	shalt  }
0x4e: {  	_ =	shalt  }
0x4f: {  	_ =	shalt  }
0x50: {  	_ =	shalt  }
0x51: {  	_ =	shalt  }
0x52: {  	_ =	shalt  }
0x53: {  	_ =	shalt  }
0x54: {  	_ =	shalt  }
0x55: {  	_ =	shalt  }
0x56: {  	_ =	shalt  }
0x57: {  	_ =	shalt  }
0x58: {  	_ =	shalt  }
0x59: {  	_ =	shalt  }
0x5a: {  	_ =	shalt  }
0x5b: {  	_ =	shalt  }
0x5c: {  	_ =	shalt  }
0x5d: {  	_ =	shalt  }
0x5e: {  	_ =	shalt  }
0x5f: {  	_ =	shalt  }
0x60: {  	_ =	shalt  }
0x61: {  	_ =	shalt  }
0x62: {  	_ =	shalt  }
0x63: {  	_ =	shalt  }
0x64: {  	_ =	shalt  }
0x65: {  	_ =	shalt  }
0x66: {  	_ =	shalt  }
0x67: {  	_ =	shalt  }
0x68: {  	_ =	shalt  }
0x69: {  	_ =	shalt  }
0x6a: {  	_ =	shalt  }
0x6b: {  	_ =	shalt  }
0x6c: {  	_ =	shalt  }
0x6d: {  	_ =	shalt  }
0x6e: {  	_ =	shalt  }
0x6f: {  	_ =	shalt  }
0x70: {  	_ =	shalt  }
0x71: {  	_ =	shalt  }
0x72: {  	_ =	shalt  }
0x73: {  	_ =	shalt  }
0x74: {  	_ =	shalt  }
0x75: {  	_ =	shalt  }
0x76: {  	_ =	shalt  }
0x77: {  	_ =	shalt  }
0x78: {  	_ =	shalt  }
0x79: {  	_ =	shalt  }
0x7a: {  	_ =	shalt  }
0x7b: {  	_ =	shalt  }
0x7c: {  	_ =	shalt  }
0x7d: {  	_ =	shalt  }
0x7e: {  	_ =	shalt  }
0x7f: {  	_ =	shalt  }
0x80: {  	_ =	shalt  }
0x81: {  	_ =	shalt  }
0x82: {  	_ =	shalt  }
0x83: {  	_ =	shalt  }
0x84: {  	_ =	shalt  }
0x85: {  	_ =	shalt  }
0x86: {  	_ =	shalt  }
0x87: {  	_ =	shalt  }
.Lfunc_end0:
.L_simem_size_0:
called_computation_lowered:
.L_overlay_start_0:
0x88: {  	s2 =	sld [smem:$0x3FD9]  }
0x89: {  	s3 =	sld [smem:$0x3FFE];
	_ =	sdelay $0x1  }
0x8a: {  	s1 =	srdreg.scid  }
0x8b: {  	s0 =	sand.u32 $0x1, s1  }
0x8c: {  	s17 =	sshll.u32 s0, $0xA;
	s2 =	sadd.s32 s3, s2  }
0x8d: {  	s2 =	sadd.s32 s2, s17  }
0x8e: {  	[smem:$0x3FC1] =	sst s2  }
0x8f: {  	_ = 	snop  }
0x90: {  	s2 =	sld [smem:$0x3FC8]  }
0x91: {  	s18 =	sld [smem:$0x3FD0];
	(tm) =	ssettm $0x1  }
0x92: {  	s4 =	sld [smem:$0x3FFB];
	_ =	sdelay $0x3  }
0x93: {  	_ =	strace s4  }
0x94: {  	s4 =	sld [smem:$0x3FFC];
	_ =	sdelay $0x3  }
0x95: {  	_ =	strace s4  }
0x96: {  	s4 =	sld [smem:$0x3FFD];
	_ =	sdelay $0x3  }
0x97: {  	_ =	strace s4  }
0x98: {  	_ =	strace $0x8FFFFFFF  }
0x99: {  	s19 =	sld [smem:$0x3FDB];
	_ =	sdelay $0x1  }
0x9a: {  	s5 =	simm.s32 $_scs_section_size  }
0x9b: {  	s6 =	simm.s32 $_size__tile_overlayer_lowered;
	s7 =	simm.s32 $_tile_overlayer_lowered  }
0x9c: {  	s22 =	simm.s32 $0x1BFF;
	s21 =	sshll.u32 s7, $0x1;
	s4 =	sadd.s32 s5, s19  }
0x9d: {  	s8 =	simm.s32 $0x0;
	s20 =	sshll.u32 s6, $0x1;
	s6 =	sadd.s32 s21, s4  }
0x9e: {  	[timem:s8], [sflag:s22] =	dma.local [hbm:s6], s20  }
0x9f: {  	_ =	swait.ge [sflag:s22], s20  }
0xa0: {  	s5 =	ssub.s32 $0x0, s20;
	[sflag:s22] =	ssyncset.done $0x0  }
0xa1: {  	[sflag:s22] =	ssyncadd.s32 s5;
	_ =	sdelay $0x1  }
0xa2: {  	s23 =	simm.s32 $0x1B8B  }
0xa3: {  	_ =	swait.ge [sflag:s23], $0x1  }
0xa4: {  	[sflag:s23] =	ssyncset.done $0x0  }
0xa5: {  	s25 =	simm.s32 $0x1B8E;
	s24 =	sld [smem:$0x3FFE];
	[sflag:s23] =	ssyncadd.s32 $0xFFFFFFFF  }
0xa6: {  	s26 =	simm.s32 $execute0_lowered;
	[smem:$0x3FD2] =	sst s25  }
0xa7: {  	s6 =	sshll.u32 s26, $0x1;
	_ =	strace $0x80000046;
	[dreg:$0x1] =	wrdreg $0xFFFFFFFF  }
0xa8: {  	s28 =	simm.s32 $_size_execute0_lowered;
	s4 =	sadd.s32 s4, s6;
	[dreg:$0x0] =	wrdreg $0x0  }
0xa9: {  	s6 =	sshll.u32 s28, $0x1;
	[dreg:$0x2] =	wrdreg s4  }
0xaa: {  	[dreg:$0x3] =	wrdreg s6  }
0xab: {  	[dreg:$0x4] =	wrdreg $0xC0  }
0xac: {  	_ =	task [dreg:s8], $0x5FFFF  }
0xad: {  	[dreg:$0x1] =	wrdreg $0xFFFFFFFF  }
0xae: {  	[dreg:$0x0] =	wrdreg $0x60  }
0xaf: {  	[dreg:$0x2] =	wrdreg s24  }
0xb0: {  	[dreg:$0x3] =	wrdreg s2  }
0xb1: {  	[dreg:$0x4] =	wrdreg s18  }
0xb2: {  	[dreg:$0x5] =	wrdreg $0x9  }
0xb3: {  	_ =	task.clear_ibuf [dreg:s8], $0x6FFFF;
	_ =	strace $0x90000046  }
0xb4: {  	s29 =	simm.s32 $0x9;
	_ =	strace $0x80000048  }
0xb5: {  	_ =	swait.ge [sflag:s29], $0x1  }
0xb6: {  	[sflag:s29] =	ssyncadd.s32 $0xFFFFFFFF  }
0xb7: {  	_ =	strace $0x90000048  }
0xb8: {  	_ =	sfence  }
0xb9: {  	s30 =	sld [smem:$0x0];
	_ =	sdelay $0x2  }
0xba: {  	s31 =	sshll.u32 s1, $0xD;
	s1 =	sshrl.u32 s1, $0x2  }
0xbb: {  	s3 =	sand.u32 $0x4000, s31;
	s1 =	sadd.s32 s1, s30  }
0xbc: {  	s0 =	sor.u32 s3, s0;
	s1 =	sshll.u32 s1, $0x11  }
0xbd: {  	s0 =	sor.u32 s1, s0  }
0xbe: {  	s0 =	sadd.s32 $0x8F2B, s0  }
0xbf: {  	[sflag:s0] =	ssyncadd.remote.s32 $0x1  }
0xc0: {  	_ =	sfence.sel $0xFFFF  }
0xc1: {  	[dreg:$0x0] =	wrdreg $0xFFFFFFFF;
	(pc) =	sbr.abs _section_cstart, $3  }
0xc2: {  	[dreg:$0x1] =	wrdreg $0xFFFFFFFF  }
0xc3: {  	_ =	task.clear_ibuf [dreg:s8], $0x2FFFF;
	_ =	strace $0x9FFFFFFF  }
0xc4: {  	(tm) =	ssettm $0x7FFFFFFF  }
0xc5: {  	_ =	shalt  }
tec
execute0_lowered:
.L_overlay_start_1:
0x0: {  	(tag) =	ssettag $0x1  }
0x1: {  	v3 =	vlaneseq.u32  }
0x2: {  	vm0 =	vmmov $0x1;
	v1 =	vmul.u32 $0x8, v3;
	v2 =	vmul.u32 $0x10, v3  }
0x3: {  	vm1 =	vcmask $0x308;
	vm2 =	vcmask $0x70C;
	vm3 =	vcmask $0xB10  }
0x4: {  	v6 =	vor.u32 $0x80, v1;
	v0 =	vor.u32 $0x100, v2;
	v7 =	vor.u32 $0x180, v1  }
0x5: {  	v8 =	vor.u32 $0x300, v2;
	v9 =	vor.u32 $0x200, v1;
	v10 =	vor.u32 $0x400, v2  }
0x6: {  	v11 =	vor.u32 $0x280, v1;
	v12 =	vor.u32 $0x500, v2;
	v13 =	vor.u32 $0x300, v1  }
0x7: {  	v14 =	vor.u32 $0x600, v2;
	v15 =	vor.u32 $0x380, v1;
	v16 =	vor.u32 $0x700, v2  }
0x8: {  	v17 =	vor.u32 $0x400, v1;
	v18 =	vor.u32 $0x800, v2;
	v19 =	vor.u32 $0x480, v1  }
0x9: {  	v20 =	vor.u32 $0x900, v2;
	v21 =	vor.u32 $0x500, v1;
	v22 =	vor.u32 $0xA00, v2  }
0xa: {  	s6 =	rddreg [dreg:$0x0];
	v23 =	vor.u32 $0x580, v1;
	v24 =	vor.u32 $0xB00, v2;
	v25 =	vor.u32 $0x600, v1  }
0xb: {  	s2 =	srdreg.scid;
	s1 =	rddreg [dreg:$0x1];
	v26 =	vor.u32 $0xC00, v2;
	v27 =	vor.u32 $0x680, v1;
	v28 =	vor.u32 $0xD00, v2  }
0xc: {  	s0 =	stileid.u32;
	s3 =	rddreg [dreg:$0x2];
	v29 =	vor.u32 $0x700, v1;
	v30 =	vor.u32 $0xE00, v2;
	v31 =	vor.u32 $0x780, v1  }
0xd: {  	s9 =	simm.s32 $0x8;
	s10 =	simm.s32 $0x80;
	s11 =	simm.s32 $0x1;
	v32 =	vor.u32 $0xF00, v2;
	v33 =	vor.u32 $0x800, v1;
	v34 =	vor.u32 $0x1000, v2  }
0xe: {  	s12 =	simm.s32 $0x100;
	s13 =	simm.s32 $0x3F00;
	s14 =	simm.s32 $0x2;
	v35 =	vor.u32 $0x880, v1;
	v36 =	vor.u32 $0x1100, v2;
	v37 =	vor.u32 $0x900, v1  }
0xf: {  	s15 =	simm.s32 $0x1080;
	s16 =	simm.s32 $0x3;
	s17 =	simm.s32 $0x2000;
	v38 =	vor.u32 $0x1200, v2;
	v39 =	vor.u32 $0x980, v1;
	v40 =	vor.u32 $0x1300, v2  }
0x10: {  	s18 =	simm.s32 $0x4;
	s19 =	simm.s32 $0x2F80;
	s20 =	simm.s32 $0x10;
	v41 =	vor.u32 $0xA00, v1;
	v42 =	vor.u32 $0x1400, v2;
	v43 =	vor.u32 $0xA80, v1  }
0x11: {  	s21 =	simm.s32 $0x0;
	s7 =	sand.u32 $0x1, s2;
	s4 =	sshll.u32 s0, $0x9;
	v44 =	vor.u32 $0x1500, v2;
	v45 =	vor.u32 $0xB00, v1;
	v46 =	vor.u32 $0x1600, v2  }
.Ltmp0:
0x12: {  	s5 =	sshll.u32 s7, $0x8;
	s7 =	ssub.s32 $0x2, s7;
	v47 =	vor.u32 $0xB80, v1;
	v48 =	vor.u32 $0x1700, v2;
	v49 =	vor.u32 $0xC00, v1;
	(pc) =	sbr.rel .LBB2_1-.Ltmp0, $4  }
0x13: {  	s2 =	rddreg [dreg:$0x3];
	s4 =	sor.u32 s5, s4;
	s31 =	sshrl.u32 s7, $0x1;
	v50 =	vor.u32 $0x1800, v2;
	v51 =	vor.u32 $0xC80, v1;
	[tilespmem:$0x1FFD0] =	vst v0;
	v0 =	vor.u32 $0x100, v1  }
0x14: {  	s5 =	simm.s32 $0x0;
	v52 =	vor.u32 $0x1900, v2;
	v53 =	vor.u32 $0xD00, v1;
	s8 =	sshrl.u32 s4, $0x3;
	s7 =	ssub.s32 s7, s31;
	[tilespmem:$0x1FFE0] =	vst v0;
	v0 =	vor.u32 $0x200, v2  }
0x15: {  	v54 =	vor.u32 $0x1A00, v2;
	v55 =	vor.u32 $0xD80, v1;
	v56 =	vor.u32 $0x1B00, v2;
	[smem:$0x7FF] =	sst s5;
	s6 =	sadd.s32 s8, s6;
	s7 =	smax.u32 s7, $0x1;
	[tilespmem:$0x1FFF0] =	vst v0  }
0x16: {  	v57 =	vor.u32 $0xE00, v1;
	v58 =	vor.u32 $0x1C00, v2;
	v59 =	vor.u32 $0xE80, v1;
	s8 =	simm.s32 $0x5;
	s6 =	sadd.s32 $0xC00, s6;
	_ =	strace $0x80000047  }
.LBB2_28:
0x17: {  	s21 =	sadd.s32 $0x1, s21  }
0x18: {  	p0 =	sne.s32 s21, s7  }
.Ltmp1:
0x19: {  	_ = 	snop;
	(pc) =	sbr.rel @!p0 .LBB2_29-.Ltmp1, $1  }
0x1a: {  	_ =	sdelay $0x3  }
.LBB2_1:
0x1b: {  	[tilespmem:s5], [sflag:$0x5] =	stream.linear.gather [hbm4b:s6+s5], $0x100, $0x38;
	[tilespmem:$0x5E00] =	vst v63  }
0x1c: {  	_ =	swait.ge [sflag:s8], $0x100  }
0x1d: {  	[sflag:s8] =	ssyncset.done $0x0  }
0x1e: {  	[sflag:s8] =	ssyncadd.s32 $0xFFFFFF00  }
0x1f: {  	v60 =	vld [tilespmem:$0x0];
	_ =	sdelay $0x4  }
0x20: {  	v60 =	vnsel vm0, $0x0, v60  }
0x21: {  	(xrf0) =	vadd.scan.msk.s32 $0xffff, v60;
	_ =	sdelay $0x5  }
0x22: {  	v60, _, _ =	vpop (xrf0)  }
0x23: {  	(v2sf) =	vpush v60, $0xF;
	_ =	sdelay $0xe  }
0x24: {  	s22 =	spop (v2sf)  }
0x25: {  	s23 =	sshll.u32 s22, $0x3  }
0x26: {  	s22 =	sand.u32 $0x78, s22;
	s23 =	sand.u32 $0xFFFFFC00, s23  }
0x27: {  	s22 =	sor.u32 s22, s23  }
0x28: {  	s22 =	sshrl.u32 s22, $0x3  }
0x29: {  	s31 =	simm.s32 $0x100;
	s23 =	simm.s32 $0x100;
	s22 =	sadd.s32 s1, s22  }
0x2a: {  	[tilespmem:s31], [sflag:$0x1] =	stream.strided.gather [hbm4b:s22+s9], $0x40, s10, s9, $0x38;
	[tilespmem:$0x5E00] =	vst v63  }
.LBB2_2:
0x2b: {  	p0 =	sne.s32 s23, $0x3D00  }
.Ltmp2:
0x2c: {  	_ = 	snop;
	(pc) =	sbr.rel @p0 .LBB2_2-.Ltmp2, $4  }
0x2d: {  	_ = 	snop  }
0x2e: {  	s24 =	sshra.s32 s23, $0x2;
	s23 =	sadd.s32 $0x100, s23  }
0x2f: {  	s22 =	sadd.s32 $0x1F500, s22;
	s24 =	sadd.s32 $0x100, s24  }
0x30: {  	[tilespmem:s24], [sflag:$0x1] =	stream.strided.gather [hbm4b:s22+s9], $0x40, s10, s9, $0x38;
	[tilespmem:$0x5E00] =	vst v63  }
0x31: {  	v60 =	vld [tilespmem:$0x0];
	_ =	sdelay $0x4  }
0x32: {  	v60 =	vsel vm1, $0x0, v60  }
0x33: {  	(xrf0) =	vadd.scan.msk.s32 $0xffff, v60;
	_ =	sdelay $0x5  }
0x34: {  	v60, _, _ =	vpop (xrf0)  }
0x35: {  	(v2sf) =	vpush v60, $0xF;
	_ =	sdelay $0xe  }
0x36: {  	s22 =	spop (v2sf)  }
0x37: {  	s23 =	sshll.u32 s22, $0x3  }
0x38: {  	s22 =	sand.u32 $0x78, s22;
	s23 =	sand.u32 $0xFFFFFC00, s23  }
0x39: {  	s22 =	sor.u32 s22, s23  }
0x3a: {  	s22 =	sshrl.u32 s22, $0x3  }
0x3b: {  	s31 =	simm.s32 $0x1080;
	s23 =	simm.s32 $0x100;
	s22 =	sadd.s32 s1, s22  }
0x3c: {  	[tilespmem:s31], [sflag:$0x2] =	stream.strided.gather [hbm4b:s22+s9], $0x40, s10, s9, $0x38;
	[tilespmem:$0x5E00] =	vst v63  }
.LBB2_4:
0x3d: {  	p0 =	sne.s32 s23, $0x3D00  }
.Ltmp3:
0x3e: {  	_ = 	snop;
	(pc) =	sbr.rel @p0 .LBB2_4-.Ltmp3, $4  }
0x3f: {  	_ = 	snop  }
0x40: {  	s24 =	sshra.s32 s23, $0x2;
	s23 =	sadd.s32 $0x100, s23  }
0x41: {  	s22 =	sadd.s32 $0x1F500, s22;
	s24 =	sadd.s32 $0x1080, s24  }
0x42: {  	[tilespmem:s24], [sflag:$0x2] =	stream.strided.gather [hbm4b:s22+s9], $0x40, s10, s9, $0x38;
	[tilespmem:$0x5E00] =	vst v63  }
0x43: {  	v60 =	vld [tilespmem:$0x0];
	_ =	sdelay $0x4  }
0x44: {  	v60 =	vsel vm2, $0x0, v60  }
0x45: {  	(xrf0) =	vadd.scan.msk.s32 $0xffff, v60;
	_ =	sdelay $0x5  }
0x46: {  	v60, _, _ =	vpop (xrf0)  }
0x47: {  	(v2sf) =	vpush v60, $0xF;
	_ =	sdelay $0xe  }
0x48: {  	s22 =	spop (v2sf)  }
0x49: {  	s23 =	sshll.u32 s22, $0x3  }
0x4a: {  	s22 =	sand.u32 $0x78, s22;
	s23 =	sand.u32 $0xFFFFFC00, s23  }
0x4b: {  	s22 =	sor.u32 s22, s23  }
0x4c: {  	s22 =	sshrl.u32 s22, $0x3  }
0x4d: {  	s31 =	simm.s32 $0x2000;
	s23 =	simm.s32 $0x100;
	s22 =	sadd.s32 s1, s22  }
0x4e: {  	[tilespmem:s31], [sflag:$0x3] =	stream.strided.gather [hbm4b:s22+s9], $0x40, s10, s9, $0x38;
	[tilespmem:$0x5E00] =	vst v63  }
.LBB2_6:
0x4f: {  	p0 =	sne.s32 s23, $0x3D00  }
.Ltmp4:
0x50: {  	_ = 	snop;
	(pc) =	sbr.rel @p0 .LBB2_6-.Ltmp4, $4  }
0x51: {  	_ = 	snop  }
0x52: {  	s24 =	sshra.s32 s23, $0x2;
	s23 =	sadd.s32 $0x100, s23  }
0x53: {  	s22 =	sadd.s32 $0x1F500, s22;
	s24 =	sadd.s32 $0x2000, s24  }
0x54: {  	[tilespmem:s24], [sflag:$0x3] =	stream.strided.gather [hbm4b:s22+s9], $0x40, s10, s9, $0x38;
	[tilespmem:$0x5E00] =	vst v63  }
0x55: {  	v60 =	vld [tilespmem:$0x0];
	_ =	sdelay $0x4  }
0x56: {  	v60 =	vsel vm3, $0x0, v60  }
0x57: {  	(xrf0) =	vadd.scan.msk.s32 $0xffff, v60;
	_ =	sdelay $0x5  }
0x58: {  	v60, _, _ =	vpop (xrf0)  }
0x59: {  	(v2sf) =	vpush v60, $0xF;
	_ =	sdelay $0xe  }
0x5a: {  	s22 =	spop (v2sf)  }
0x5b: {  	s23 =	sshll.u32 s22, $0x3  }
0x5c: {  	s22 =	sand.u32 $0x78, s22;
	s23 =	sand.u32 $0xFFFFFC00, s23  }
0x5d: {  	s22 =	sor.u32 s22, s23  }
0x5e: {  	s31 =	simm.s32 $0x2F80;
	s22 =	sshrl.u32 s22, $0x3  }
0x5f: {  	s24 =	simm.s32 $0x100;
	s23 =	sadd.s32 s1, s22;
	s22 =	simm.s32 $0x0  }
0x60: {  	[tilespmem:s31], [sflag:$0x4] =	stream.strided.gather [hbm4b:s23+s9], $0x40, s10, s9, $0x38;
	[tilespmem:$0x5E00] =	vst v63  }
.LBB2_8:
0x61: {  	p0 =	sne.s32 s24, $0x3D00  }
.Ltmp5:
0x62: {  	_ = 	snop;
	(pc) =	sbr.rel @p0 .LBB2_8-.Ltmp5, $4  }
0x63: {  	_ = 	snop  }
0x64: {  	s25 =	sshra.s32 s24, $0x2;
	s24 =	sadd.s32 $0x100, s24  }
0x65: {  	s23 =	sadd.s32 $0x1F500, s23;
	s25 =	sadd.s32 $0x2F80, s25  }
0x66: {  	[tilespmem:s25], [sflag:$0x4] =	stream.strided.gather [hbm4b:s23+s9], $0x40, s10, s9, $0x38;
	[tilespmem:$0x5E00] =	vst v63  }
.Ltmp6:
0x67: {  	_ = 	snop;
	(pc) =	sbr.rel .LBB2_9-.Ltmp6, $1  }
0x68: {  	_ =	sdelay $0x3  }
.LBB2_23:
0x69: {  	s25 =	sand.u32 $0xC, s25  }
0x6a: {  	p0 =	sne.s32 s25, $0x0  }
.Ltmp7:
0x6b: {  	_ = 	snop;
	(pc) =	sbr.rel @!p0 .LBB2_24-.Ltmp7, $2  }
0x6c: {  	_ =	sdelay $0x2  }
0x6d: {  	v3 =	vlaneseq.u32;
	v6 =	vmov v5  }
.LBB2_27:
0x6e: {  	s22 =	sadd.s32 $0x1, s22  }
0x6f: {  	p0 =	sne.s32 s22, $0x40  }
.Ltmp8:
0x70: {  	_ = 	snop;
	(pc) =	sbr.rel @!p0 .LBB2_28-.Ltmp8, $1  }
0x71: {  	_ =	sdelay $0x3  }
.LBB2_9:
0x72: {  	_ =	swait.ge [sflag:s11], $0xF80  }
0x73: {  	s23 =	sshll.u32 s22, $0x2;
	[sflag:s11] =	ssyncset.done $0x0  }
0x74: {  	s24 =	sand.u32 $0xF0, s23;
	[sflag:s11] =	ssyncadd.s32 $0xFFFFF080  }
0x75: {  	v60 =	vld [tilespmem:s24+$0x0];
	_ =	sdelay $0x1  }
0x76: {  	s26 =	sand.u32 $0xC, s23  }
0x77: {  	v61 =	vmov s26  }
0x78: {  	vm4 =	veq.s32 v61, v3  }
0x79: {  	v60 =	vnsel vm4, $0x0, v60  }
0x7a: {  	(xrf0) =	vadd.scan.msk.s32 $0xffff, v60;
	_ =	sdelay $0x5  }
0x7b: {  	v60, _, _ =	vpop (xrf0)  }
0x7c: {  	(v2sf) =	vpush v60, $0xF;
	_ =	sdelay $0xe  }
0x7d: {  	s25 =	spop (v2sf)  }
0x7e: {  	s25 =	sand.u32 $0x7, s25  }
0x7f: {  	v60 =	vor.u32 s25, v1;
	_ =	sdelay $0x3  }
0x80: {  	v0 =	vld [tilespmem:$0x1FFD0]  }
0x81: {  	v61 =	vor.u32 s26, v2;
	v60 =	vld.idx.msk [tilespmem:v60+s12+$0x0], $0xffff;
	_ =	sdelay $0x3  }
0x82: {  	v62 =	vor.u32 s25, v6  }
0x83: {  	[tilespmem:v61+s13+$0x0] =	vst.idx.msk $0xffff, v60;
	v61 =	vor.u32 s26, v0;
	v0 =	vld [tilespmem:$0x1FFE0];
	_ =	sdelay $0x3  }
0x84: {  	v60 =	vld.idx.msk [tilespmem:v62+s12+$0x0], $0xffff  }
0x85: {  	v62 =	vor.u32 s25, v0;
	v0 =	vld [tilespmem:$0x1FFF0];
	_ =	sdelay $0x3  }
0x86: {  	[tilespmem:v61+s13+$0x0] =	vst.idx.msk $0xffff, v60  }
0x87: {  	v60 =	vld.idx.msk [tilespmem:v62+s12+$0x0], $0xffff;
	v61 =	vor.u32 s26, v0  }
0x88: {  	v62 =	vor.u32 s25, v7;
	_ =	sdelay $0x3  }
0x89: {  	[tilespmem:v61+s13+$0x0] =	vst.idx.msk $0xffff, v60  }
0x8a: {  	v61 =	vor.u32 s26, v8;
	v60 =	vld.idx.msk [tilespmem:v62+s12+$0x0], $0xffff  }
0x8b: {  	v62 =	vor.u32 s25, v9;
	_ =	sdelay $0x3  }
0x8c: {  	[tilespmem:v61+s13+$0x0] =	vst.idx.msk $0xffff, v60  }
0x8d: {  	v61 =	vor.u32 s26, v10;
	v60 =	vld.idx.msk [tilespmem:v62+s12+$0x0], $0xffff  }
0x8e: {  	v62 =	vor.u32 s25, v11;
	_ =	sdelay $0x3  }
0x8f: {  	[tilespmem:v61+s13+$0x0] =	vst.idx.msk $0xffff, v60  }
0x90: {  	v61 =	vor.u32 s26, v12;
	v60 =	vld.idx.msk [tilespmem:v62+s12+$0x0], $0xffff  }
0x91: {  	v62 =	vor.u32 s25, v13;
	_ =	sdelay $0x3  }
0x92: {  	[tilespmem:v61+s13+$0x0] =	vst.idx.msk $0xffff, v60  }
0x93: {  	v61 =	vor.u32 s26, v14;
	v60 =	vld.idx.msk [tilespmem:v62+s12+$0x0], $0xffff  }
0x94: {  	v62 =	vor.u32 s25, v15;
	_ =	sdelay $0x3  }
0x95: {  	[tilespmem:v61+s13+$0x0] =	vst.idx.msk $0xffff, v60  }
0x96: {  	v61 =	vor.u32 s26, v16;
	v60 =	vld.idx.msk [tilespmem:v62+s12+$0x0], $0xffff  }
0x97: {  	v62 =	vor.u32 s25, v17;
	_ =	sdelay $0x3  }
0x98: {  	[tilespmem:v61+s13+$0x0] =	vst.idx.msk $0xffff, v60  }
0x99: {  	v61 =	vor.u32 s26, v18;
	v60 =	vld.idx.msk [tilespmem:v62+s12+$0x0], $0xffff  }
0x9a: {  	v62 =	vor.u32 s25, v19;
	_ =	sdelay $0x3  }
0x9b: {  	[tilespmem:v61+s13+$0x0] =	vst.idx.msk $0xffff, v60  }
0x9c: {  	v61 =	vor.u32 s26, v20;
	v60 =	vld.idx.msk [tilespmem:v62+s12+$0x0], $0xffff  }
0x9d: {  	v62 =	vor.u32 s25, v21;
	_ =	sdelay $0x3  }
0x9e: {  	[tilespmem:v61+s13+$0x0] =	vst.idx.msk $0xffff, v60  }
0x9f: {  	v61 =	vor.u32 s26, v22;
	v60 =	vld.idx.msk [tilespmem:v62+s12+$0x0], $0xffff  }
0xa0: {  	v62 =	vor.u32 s25, v23;
	_ =	sdelay $0x3  }
0xa1: {  	[tilespmem:v61+s13+$0x0] =	vst.idx.msk $0xffff, v60  }
0xa2: {  	v61 =	vor.u32 s26, v24;
	v60 =	vld.idx.msk [tilespmem:v62+s12+$0x0], $0xffff  }
0xa3: {  	v62 =	vor.u32 s25, v25;
	_ =	sdelay $0x3  }
0xa4: {  	[tilespmem:v61+s13+$0x0] =	vst.idx.msk $0xffff, v60  }
0xa5: {  	v61 =	vor.u32 s26, v26;
	v60 =	vld.idx.msk [tilespmem:v62+s12+$0x0], $0xffff  }
0xa6: {  	v62 =	vor.u32 s25, v27;
	_ =	sdelay $0x3  }
0xa7: {  	[tilespmem:v61+s13+$0x0] =	vst.idx.msk $0xffff, v60  }
0xa8: {  	v61 =	vor.u32 s26, v28;
	v60 =	vld.idx.msk [tilespmem:v62+s12+$0x0], $0xffff  }
0xa9: {  	v62 =	vor.u32 s25, v29;
	_ =	sdelay $0x3  }
0xaa: {  	[tilespmem:v61+s13+$0x0] =	vst.idx.msk $0xffff, v60  }
0xab: {  	v61 =	vor.u32 s26, v30;
	v60 =	vld.idx.msk [tilespmem:v62+s12+$0x0], $0xffff  }
0xac: {  	v62 =	vor.u32 s25, v31;
	_ =	sdelay $0x3  }
0xad: {  	[tilespmem:v61+s13+$0x0] =	vst.idx.msk $0xffff, v60  }
0xae: {  	v61 =	vor.u32 s26, v32;
	v60 =	vld.idx.msk [tilespmem:v62+s12+$0x0], $0xffff  }
0xaf: {  	v62 =	vor.u32 s25, v33;
	_ =	sdelay $0x3  }
0xb0: {  	[tilespmem:v61+s13+$0x0] =	vst.idx.msk $0xffff, v60  }
0xb1: {  	v61 =	vor.u32 s26, v34;
	v60 =	vld.idx.msk [tilespmem:v62+s12+$0x0], $0xffff  }
0xb2: {  	v62 =	vor.u32 s25, v35;
	_ =	sdelay $0x3  }
0xb3: {  	[tilespmem:v61+s13+$0x0] =	vst.idx.msk $0xffff, v60  }
0xb4: {  	v61 =	vor.u32 s26, v36;
	v60 =	vld.idx.msk [tilespmem:v62+s12+$0x0], $0xffff  }
0xb5: {  	v62 =	vor.u32 s25, v37;
	_ =	sdelay $0x3  }
0xb6: {  	[tilespmem:v61+s13+$0x0] =	vst.idx.msk $0xffff, v60  }
0xb7: {  	v61 =	vor.u32 s26, v38;
	v60 =	vld.idx.msk [tilespmem:v62+s12+$0x0], $0xffff  }
0xb8: {  	v62 =	vor.u32 s25, v39;
	_ =	sdelay $0x3  }
0xb9: {  	[tilespmem:v61+s13+$0x0] =	vst.idx.msk $0xffff, v60  }
0xba: {  	v61 =	vor.u32 s26, v40;
	v60 =	vld.idx.msk [tilespmem:v62+s12+$0x0], $0xffff  }
0xbb: {  	v62 =	vor.u32 s25, v41;
	_ =	sdelay $0x3  }
0xbc: {  	[tilespmem:v61+s13+$0x0] =	vst.idx.msk $0xffff, v60  }
0xbd: {  	v61 =	vor.u32 s26, v42;
	v60 =	vld.idx.msk [tilespmem:v62+s12+$0x0], $0xffff  }
0xbe: {  	v62 =	vor.u32 s25, v43;
	_ =	sdelay $0x3  }
0xbf: {  	[tilespmem:v61+s13+$0x0] =	vst.idx.msk $0xffff, v60  }
0xc0: {  	v61 =	vor.u32 s26, v44;
	v60 =	vld.idx.msk [tilespmem:v62+s12+$0x0], $0xffff  }
0xc1: {  	v62 =	vor.u32 s25, v45;
	_ =	sdelay $0x3  }
0xc2: {  	[tilespmem:v61+s13+$0x0] =	vst.idx.msk $0xffff, v60  }
0xc3: {  	v61 =	vor.u32 s26, v46;
	v60 =	vld.idx.msk [tilespmem:v62+s12+$0x0], $0xffff  }
0xc4: {  	v62 =	vor.u32 s25, v47;
	_ =	sdelay $0x3  }
0xc5: {  	[tilespmem:v61+s13+$0x0] =	vst.idx.msk $0xffff, v60  }
0xc6: {  	v61 =	vor.u32 s26, v48;
	v60 =	vld.idx.msk [tilespmem:v62+s12+$0x0], $0xffff  }
0xc7: {  	v62 =	vor.u32 s25, v49;
	_ =	sdelay $0x3  }
0xc8: {  	[tilespmem:v61+s13+$0x0] =	vst.idx.msk $0xffff, v60  }
0xc9: {  	v61 =	vor.u32 s26, v50;
	v60 =	vld.idx.msk [tilespmem:v62+s12+$0x0], $0xffff  }
0xca: {  	v62 =	vor.u32 s25, v51;
	_ =	sdelay $0x3  }
0xcb: {  	[tilespmem:v61+s13+$0x0] =	vst.idx.msk $0xffff, v60  }
0xcc: {  	v61 =	vor.u32 s26, v52;
	v60 =	vld.idx.msk [tilespmem:v62+s12+$0x0], $0xffff  }
0xcd: {  	v62 =	vor.u32 s25, v53;
	_ =	sdelay $0x3  }
0xce: {  	[tilespmem:v61+s13+$0x0] =	vst.idx.msk $0xffff, v60  }
0xcf: {  	v61 =	vor.u32 s26, v54;
	v60 =	vld.idx.msk [tilespmem:v62+s12+$0x0], $0xffff  }
0xd0: {  	v62 =	vor.u32 s25, v55;
	_ =	sdelay $0x3  }
0xd1: {  	[tilespmem:v61+s13+$0x0] =	vst.idx.msk $0xffff, v60  }
0xd2: {  	v61 =	vor.u32 s26, v56;
	v60 =	vld.idx.msk [tilespmem:v62+s12+$0x0], $0xffff  }
0xd3: {  	v62 =	vor.u32 s25, v57;
	_ =	sdelay $0x3  }
0xd4: {  	[tilespmem:v61+s13+$0x0] =	vst.idx.msk $0xffff, v60  }
0xd5: {  	v61 =	vor.u32 s26, v58;
	v60 =	vld.idx.msk [tilespmem:v62+s12+$0x0], $0xffff  }
0xd6: {  	v62 =	vor.u32 s25, v59;
	_ =	sdelay $0x3  }
0xd7: {  	[tilespmem:v61+s13+$0x0] =	vst.idx.msk $0xffff, v60;
	v60 =	vor.u32 $0x1D00, v2  }
0xd8: {  	v61 =	vor.u32 $0xF00, v1;
	v62 =	vld.idx.msk [tilespmem:v62+s12+$0x0], $0xffff;
	v63 =	vor.u32 s26, v60  }
0xd9: {  	v0 =	vor.u32 s25, v61;
	_ =	sdelay $0x3  }
0xda: {  	[tilespmem:v63+s13+$0x0] =	vst.idx.msk $0xffff, v62;
	v62 =	vor.u32 $0x1E00, v2  }
0xdb: {  	p0 =	seq.s32 s22, $0x3F;
	v0 =	vld.idx.msk [tilespmem:v0+s12+$0x0], $0xffff;
	v63 =	vor.u32 s26, v62  }
.Ltmp9:
0xdc: {  	_ = 	snop;
	(pc) =	sbr.rel @p0 .LBB2_12-.Ltmp9, $2  }
0xdd: {  	_ =	sdelay $0x2  }
0xde: {  	s25 =	sadd.s32 $0x4, s23;
	[tilespmem:v63+s13+$0x0] =	vst.idx.msk $0xffff, v0  }
0xdf: {  	s28 =	sand.u32 $0x1F0, s25  }
0xe0: {  	v0 =	vld [tilespmem:s28+$0x0];
	_ =	sdelay $0x1  }
0xe1: {  	s28 =	sand.u32 $0xC, s25  }
0xe2: {  	v63 =	vmov s28  }
0xe3: {  	vm4 =	veq.s32 v63, v3  }
0xe4: {  	v0 =	vnsel vm4, $0x0, v0  }
0xe5: {  	(xrf0) =	vadd.scan.msk.s32 $0xffff, v0;
	_ =	sdelay $0x5  }
0xe6: {  	v0, _, _ =	vpop (xrf0)  }
0xe7: {  	(v2sf) =	vpush v0, $0xF;
	_ =	sdelay $0xe  }
0xe8: {  	s28 =	spop (v2sf)  }
0xe9: {  	s29 =	sshll.u32 s28, $0x3  }
0xea: {  	s28 =	sand.u32 $0x78, s28;
	s29 =	sand.u32 $0xFFFFFC00, s29  }
0xeb: {  	s28 =	sor.u32 s28, s29  }
0xec: {  	s28 =	sshrl.u32 s28, $0x3  }
0xed: {  	s29 =	simm.s32 $0x100;
	s28 =	sadd.s32 s1, s28  }
0xee: {  	[tilespmem:s29], [sflag:$0x1] =	stream.strided.gather [hbm4b:s28+s9], $0x40, s10, s9, $0x38;
	[tilespmem:$0x5E00] =	vst v63  }
0xef: {  	s29 =	simm.s32 $0x100  }
.LBB2_11:
0xf0: {  	p1 =	sne.s32 s29, $0x3D00  }
.Ltmp10:
0xf1: {  	_ = 	snop;
	(pc) =	sbr.rel @p1 .LBB2_11-.Ltmp10, $4  }
0xf2: {  	_ = 	snop  }
0xf3: {  	s30 =	sshra.s32 s29, $0x2;
	s29 =	sadd.s32 $0x100, s29  }
0xf4: {  	s28 =	sadd.s32 $0x1F500, s28;
	s30 =	sadd.s32 $0x100, s30  }
0xf5: {  	[tilespmem:s30], [sflag:$0x1] =	stream.strided.gather [hbm4b:s28+s9], $0x40, s10, s9, $0x38;
	[tilespmem:$0x5E00] =	vst v63  }
.LBB2_12:
0xf6: {  	_ =	swait.ge [sflag:s14], $0xF80;
	s28 =	sshll.u32 s22, $0x4  }
0xf7: {  	[sflag:s14] =	ssyncset.done $0x0;
	s28 =	sand.u32 $0x3C0, s28  }
0xf8: {  	[sflag:s14] =	ssyncadd.s32 $0xFFFFF080;
	s28 =	sshrl.u32 s28, $0x2  }
0xf9: {  	v0 =	vld [tilespmem:s28+$0x0];
	_ =	sdelay $0x1  }
0xfa: {  	s29 =	sor.u32 $0x1, s26  }
0xfb: {  	v63 =	vmov s29  }
0xfc: {  	vm4 =	veq.s32 v63, v3  }
0xfd: {  	v0 =	vnsel vm4, $0x0, v0  }
0xfe: {  	(xrf0) =	vadd.scan.msk.s32 $0xffff, v0;
	_ =	sdelay $0x5  }
0xff: {  	v0, _, _ =	vpop (xrf0)  }
0x100: {  	(v2sf) =	vpush v0, $0xF;
	_ =	sdelay $0xe  }
0x101: {  	s30 =	spop (v2sf)  }
0x102: {  	s30 =	sand.u32 $0x7, s30  }
0x103: {  	v0 =	vor.u32 s30, v1;
	_ =	sdelay $0x4  }
0x104: {  	v63 =	vor.u32 s29, v2;
	v0 =	vld.idx.msk [tilespmem:v0+s15+$0x0], $0xffff  }
0x105: {  	v3 =	vor.u32 s30, v6;
	_ =	sdelay $0x3  }
0x106: {  	[tilespmem:v63+s13+$0x0] =	vst.idx.msk $0xffff, v0  }
0x107: {  	v0 =	vld.idx.msk [tilespmem:v3+s15+$0x0], $0xffff  }
0x108: {  	v3 =	vld [tilespmem:$0x1FFD0];
	_ =	sdelay $0x4  }
0x109: {  	v5 =	vld [tilespmem:$0x1FFE0];
	v3 =	vor.u32 s29, v3;
	_ =	sdelay $0x4  }
0x10a: {  	v63 =	vor.u32 s30, v5;
	[tilespmem:v3+s13+$0x0] =	vst.idx.msk $0xffff, v0;
	v3 =	vld [tilespmem:$0x1FFF0];
	_ =	sdelay $0x4  }
0x10b: {  	v0 =	vld.idx.msk [tilespmem:v63+s15+$0x0], $0xffff;
	v3 =	vor.u32 s29, v3  }
0x10c: {  	v63 =	vor.u32 s30, v7;
	_ =	sdelay $0x3  }
0x10d: {  	[tilespmem:v3+s13+$0x0] =	vst.idx.msk $0xffff, v0  }
0x10e: {  	v3 =	vor.u32 s29, v8;
	v0 =	vld.idx.msk [tilespmem:v63+s15+$0x0], $0xffff  }
0x10f: {  	v63 =	vor.u32 s30, v9;
	_ =	sdelay $0x3  }
0x110: {  	[tilespmem:v3+s13+$0x0] =	vst.idx.msk $0xffff, v0  }
0x111: {  	v3 =	vor.u32 s29, v10;
	v0 =	vld.idx.msk [tilespmem:v63+s15+$0x0], $0xffff  }
0x112: {  	v63 =	vor.u32 s30, v11;
	_ =	sdelay $0x3  }
0x113: {  	[tilespmem:v3+s13+$0x0] =	vst.idx.msk $0xffff, v0  }
0x114: {  	v3 =	vor.u32 s29, v12;
	v0 =	vld.idx.msk [tilespmem:v63+s15+$0x0], $0xffff  }
0x115: {  	v63 =	vor.u32 s30, v13;
	_ =	sdelay $0x3  }
0x116: {  	[tilespmem:v3+s13+$0x0] =	vst.idx.msk $0xffff, v0  }
0x117: {  	v3 =	vor.u32 s29, v14;
	v0 =	vld.idx.msk [tilespmem:v63+s15+$0x0], $0xffff  }
0x118: {  	v63 =	vor.u32 s30, v15;
	_ =	sdelay $0x3  }
0x119: {  	[tilespmem:v3+s13+$0x0] =	vst.idx.msk $0xffff, v0  }
0x11a: {  	v3 =	vor.u32 s29, v16;
	v0 =	vld.idx.msk [tilespmem:v63+s15+$0x0], $0xffff  }
0x11b: {  	v63 =	vor.u32 s30, v17;
	_ =	sdelay $0x3  }
0x11c: {  	[tilespmem:v3+s13+$0x0] =	vst.idx.msk $0xffff, v0  }
0x11d: {  	v3 =	vor.u32 s29, v18;
	v0 =	vld.idx.msk [tilespmem:v63+s15+$0x0], $0xffff  }
0x11e: {  	v63 =	vor.u32 s30, v19;
	_ =	sdelay $0x3  }
0x11f: {  	[tilespmem:v3+s13+$0x0] =	vst.idx.msk $0xffff, v0  }
0x120: {  	v3 =	vor.u32 s29, v20;
	v0 =	vld.idx.msk [tilespmem:v63+s15+$0x0], $0xffff  }
0x121: {  	v63 =	vor.u32 s30, v21;
	_ =	sdelay $0x3  }
0x122: {  	[tilespmem:v3+s13+$0x0] =	vst.idx.msk $0xffff, v0  }
0x123: {  	v3 =	vor.u32 s29, v22;
	v0 =	vld.idx.msk [tilespmem:v63+s15+$0x0], $0xffff  }
0x124: {  	v63 =	vor.u32 s30, v23;
	_ =	sdelay $0x3  }
0x125: {  	[tilespmem:v3+s13+$0x0] =	vst.idx.msk $0xffff, v0  }
0x126: {  	v3 =	vor.u32 s29, v24;
	v0 =	vld.idx.msk [tilespmem:v63+s15+$0x0], $0xffff  }
0x127: {  	v63 =	vor.u32 s30, v25;
	_ =	sdelay $0x3  }
0x128: {  	[tilespmem:v3+s13+$0x0] =	vst.idx.msk $0xffff, v0  }
0x129: {  	v3 =	vor.u32 s29, v26;
	v0 =	vld.idx.msk [tilespmem:v63+s15+$0x0], $0xffff  }
0x12a: {  	v63 =	vor.u32 s30, v27;
	_ =	sdelay $0x3  }
0x12b: {  	[tilespmem:v3+s13+$0x0] =	vst.idx.msk $0xffff, v0  }
0x12c: {  	v3 =	vor.u32 s29, v28;
	v0 =	vld.idx.msk [tilespmem:v63+s15+$0x0], $0xffff  }
0x12d: {  	v63 =	vor.u32 s30, v29;
	_ =	sdelay $0x3  }
0x12e: {  	[tilespmem:v3+s13+$0x0] =	vst.idx.msk $0xffff, v0  }
0x12f: {  	v3 =	vor.u32 s29, v30;
	v0 =	vld.idx.msk [tilespmem:v63+s15+$0x0], $0xffff  }
0x130: {  	v63 =	vor.u32 s30, v31;
	_ =	sdelay $0x3  }
0x131: {  	[tilespmem:v3+s13+$0x0] =	vst.idx.msk $0xffff, v0  }
0x132: {  	v3 =	vor.u32 s29, v32;
	v0 =	vld.idx.msk [tilespmem:v63+s15+$0x0], $0xffff  }
0x133: {  	v63 =	vor.u32 s30, v33;
	_ =	sdelay $0x3  }
0x134: {  	[tilespmem:v3+s13+$0x0] =	vst.idx.msk $0xffff, v0  }
0x135: {  	v3 =	vor.u32 s29, v34;
	v0 =	vld.idx.msk [tilespmem:v63+s15+$0x0], $0xffff  }
0x136: {  	v63 =	vor.u32 s30, v35;
	_ =	sdelay $0x3  }
0x137: {  	[tilespmem:v3+s13+$0x0] =	vst.idx.msk $0xffff, v0  }
0x138: {  	v3 =	vor.u32 s29, v36;
	v0 =	vld.idx.msk [tilespmem:v63+s15+$0x0], $0xffff  }
0x139: {  	v63 =	vor.u32 s30, v37;
	_ =	sdelay $0x3  }
0x13a: {  	[tilespmem:v3+s13+$0x0] =	vst.idx.msk $0xffff, v0  }
0x13b: {  	v3 =	vor.u32 s29, v38;
	v0 =	vld.idx.msk [tilespmem:v63+s15+$0x0], $0xffff  }
0x13c: {  	v63 =	vor.u32 s30, v39;
	_ =	sdelay $0x3  }
0x13d: {  	[tilespmem:v3+s13+$0x0] =	vst.idx.msk $0xffff, v0  }
0x13e: {  	v3 =	vor.u32 s29, v40;
	v0 =	vld.idx.msk [tilespmem:v63+s15+$0x0], $0xffff  }
0x13f: {  	v63 =	vor.u32 s30, v41;
	_ =	sdelay $0x3  }
0x140: {  	[tilespmem:v3+s13+$0x0] =	vst.idx.msk $0xffff, v0  }
0x141: {  	v3 =	vor.u32 s29, v42;
	v0 =	vld.idx.msk [tilespmem:v63+s15+$0x0], $0xffff  }
0x142: {  	v63 =	vor.u32 s30, v43;
	_ =	sdelay $0x3  }
0x143: {  	[tilespmem:v3+s13+$0x0] =	vst.idx.msk $0xffff, v0  }
0x144: {  	v3 =	vor.u32 s29, v44;
	v0 =	vld.idx.msk [tilespmem:v63+s15+$0x0], $0xffff  }
0x145: {  	v63 =	vor.u32 s30, v45;
	_ =	sdelay $0x3  }
0x146: {  	[tilespmem:v3+s13+$0x0] =	vst.idx.msk $0xffff, v0  }
0x147: {  	v3 =	vor.u32 s29, v46;
	v0 =	vld.idx.msk [tilespmem:v63+s15+$0x0], $0xffff  }
0x148: {  	v63 =	vor.u32 s30, v47;
	_ =	sdelay $0x3  }
0x149: {  	[tilespmem:v3+s13+$0x0] =	vst.idx.msk $0xffff, v0  }
0x14a: {  	v3 =	vor.u32 s29, v48;
	v0 =	vld.idx.msk [tilespmem:v63+s15+$0x0], $0xffff  }
0x14b: {  	v63 =	vor.u32 s30, v49;
	_ =	sdelay $0x3  }
0x14c: {  	[tilespmem:v3+s13+$0x0] =	vst.idx.msk $0xffff, v0  }
0x14d: {  	v3 =	vor.u32 s29, v50;
	v0 =	vld.idx.msk [tilespmem:v63+s15+$0x0], $0xffff  }
0x14e: {  	v63 =	vor.u32 s30, v51;
	_ =	sdelay $0x3  }
0x14f: {  	[tilespmem:v3+s13+$0x0] =	vst.idx.msk $0xffff, v0  }
0x150: {  	v3 =	vor.u32 s29, v52;
	v0 =	vld.idx.msk [tilespmem:v63+s15+$0x0], $0xffff  }
0x151: {  	v63 =	vor.u32 s30, v53;
	_ =	sdelay $0x3  }
0x152: {  	[tilespmem:v3+s13+$0x0] =	vst.idx.msk $0xffff, v0  }
0x153: {  	v3 =	vor.u32 s29, v54;
	v0 =	vld.idx.msk [tilespmem:v63+s15+$0x0], $0xffff  }
0x154: {  	v63 =	vor.u32 s30, v55;
	_ =	sdelay $0x3  }
0x155: {  	[tilespmem:v3+s13+$0x0] =	vst.idx.msk $0xffff, v0  }
0x156: {  	v3 =	vor.u32 s29, v56;
	v0 =	vld.idx.msk [tilespmem:v63+s15+$0x0], $0xffff  }
0x157: {  	v63 =	vor.u32 s30, v57;
	_ =	sdelay $0x3  }
0x158: {  	[tilespmem:v3+s13+$0x0] =	vst.idx.msk $0xffff, v0  }
0x159: {  	v3 =	vor.u32 s29, v58;
	v0 =	vld.idx.msk [tilespmem:v63+s15+$0x0], $0xffff  }
0x15a: {  	v63 =	vor.u32 s30, v59;
	_ =	sdelay $0x3  }
0x15b: {  	[tilespmem:v3+s13+$0x0] =	vst.idx.msk $0xffff, v0  }
0x15c: {  	v3 =	vor.u32 s29, v60;
	v0 =	vld.idx.msk [tilespmem:v63+s15+$0x0], $0xffff  }
0x15d: {  	v63 =	vor.u32 s30, v61;
	_ =	sdelay $0x3  }
0x15e: {  	[tilespmem:v3+s13+$0x0] =	vst.idx.msk $0xffff, v0  }
0x15f: {  	v3 =	vor.u32 s29, v62;
	v0 =	vld.idx.msk [tilespmem:v63+s15+$0x0], $0xffff  }
.Ltmp11:
0x160: {  	_ = 	snop;
	(pc) =	sbr.rel @p0 .LBB2_16-.Ltmp11, $2  }
0x161: {  	_ =	sdelay $0x2  }
0x162: {  	v4 =	vlaneseq.u32;
	[tilespmem:v3+s13+$0x0] =	vst.idx.msk $0xffff, v0  }
0x163: {  	s29 =	sadd.s32 $0x5, s23  }
0x164: {  	s30 =	sand.u32 $0x1F0, s29  }
0x165: {  	v0 =	vld [tilespmem:s30+$0x0];
	_ =	sdelay $0x1  }
0x166: {  	s29 =	sand.u32 $0xD, s29  }
0x167: {  	v3 =	vmov s29  }
0x168: {  	vm4 =	veq.s32 v3, v4  }
0x169: {  	v0 =	vnsel vm4, $0x0, v0  }
0x16a: {  	(xrf0) =	vadd.scan.msk.s32 $0xffff, v0;
	_ =	sdelay $0x5  }
0x16b: {  	v0, _, _ =	vpop (xrf0)  }
0x16c: {  	(v2sf) =	vpush v0, $0xF;
	_ =	sdelay $0xe  }
0x16d: {  	s29 =	spop (v2sf)  }
0x16e: {  	s30 =	sshll.u32 s29, $0x3  }
0x16f: {  	s29 =	sand.u32 $0x78, s29;
	s30 =	sand.u32 $0xFFFFFC00, s30  }
0x170: {  	s29 =	sor.u32 s29, s30  }
0x171: {  	s29 =	sshrl.u32 s29, $0x3  }
0x172: {  	s30 =	simm.s32 $0x1080;
	s29 =	sadd.s32 s1, s29  }
0x173: {  	[tilespmem:s30], [sflag:$0x2] =	stream.strided.gather [hbm4b:s29+s9], $0x40, s10, s9, $0x38;
	[tilespmem:$0x5E00] =	vst v63  }
0x174: {  	s30 =	simm.s32 $0x100  }
.LBB2_14:
0x175: {  	p1 =	sne.s32 s30, $0x3D00  }
.Ltmp12:
0x176: {  	_ = 	snop;
	(pc) =	sbr.rel @p1 .LBB2_14-.Ltmp12, $4  }
0x177: {  	_ = 	snop  }
0x178: {  	s31 =	sshra.s32 s30, $0x2;
	s30 =	sadd.s32 $0x100, s30  }
0x179: {  	s29 =	sadd.s32 $0x1F500, s29;
	s31 =	sadd.s32 $0x1080, s31  }
0x17a: {  	[tilespmem:s31], [sflag:$0x2] =	stream.strided.gather [hbm4b:s29+s9], $0x40, s10, s9, $0x38;
	[tilespmem:$0x5E00] =	vst v63  }
0x17b: {  	v4 =	vlaneseq.u32  }
.LBB2_16:
0x17c: {  	_ =	swait.ge [sflag:s16], $0xF80  }
0x17d: {  	[sflag:s16] =	ssyncset.done $0x0  }
0x17e: {  	[sflag:s16] =	ssyncadd.s32 $0xFFFFF080  }
0x17f: {  	v0 =	vld [tilespmem:s28+$0x0];
	_ =	sdelay $0x1  }
0x180: {  	s29 =	sor.u32 $0x2, s26  }
0x181: {  	v3 =	vmov s29  }
0x182: {  	vm4 =	veq.s32 v3, v4  }
0x183: {  	v0 =	vnsel vm4, $0x0, v0  }
0x184: {  	(xrf0) =	vadd.scan.msk.s32 $0xffff, v0;
	_ =	sdelay $0x5  }
0x185: {  	v0, _, _ =	vpop (xrf0)  }
0x186: {  	(v2sf) =	vpush v0, $0xF;
	_ =	sdelay $0xe  }
0x187: {  	s30 =	spop (v2sf)  }
0x188: {  	s30 =	sand.u32 $0x7, s30  }
0x189: {  	v0 =	vor.u32 s30, v1;
	_ =	sdelay $0x4  }
0x18a: {  	v3 =	vor.u32 s29, v2;
	v0 =	vld.idx.msk [tilespmem:v0+s17+$0x0], $0xffff;
	_ =	sdelay $0x4  }
0x18b: {  	v63 =	vor.u32 s30, v6;
	[tilespmem:v3+s13+$0x0] =	vst.idx.msk $0xffff, v0;
	v3 =	vld [tilespmem:$0x1FFD0];
	_ =	sdelay $0x3  }
0x18c: {  	v5 =	vmov v6;
	v6 =	vld [tilespmem:$0x1FFE0]  }
0x18d: {  	v0 =	vld.idx.msk [tilespmem:v63+s17+$0x0], $0xffff;
	v3 =	vor.u32 s29, v3;
	_ =	sdelay $0x4  }
0x18e: {  	v63 =	vor.u32 s30, v6;
	[tilespmem:v3+s13+$0x0] =	vst.idx.msk $0xffff, v0;
	v3 =	vld [tilespmem:$0x1FFF0];
	_ =	sdelay $0x4  }
0x18f: {  	v0 =	vld.idx.msk [tilespmem:v63+s17+$0x0], $0xffff;
	v3 =	vor.u32 s29, v3  }
0x190: {  	v63 =	vor.u32 s30, v7;
	_ =	sdelay $0x3  }
0x191: {  	[tilespmem:v3+s13+$0x0] =	vst.idx.msk $0xffff, v0  }
0x192: {  	v3 =	vor.u32 s29, v8;
	v0 =	vld.idx.msk [tilespmem:v63+s17+$0x0], $0xffff  }
0x193: {  	v63 =	vor.u32 s30, v9;
	_ =	sdelay $0x3  }
0x194: {  	[tilespmem:v3+s13+$0x0] =	vst.idx.msk $0xffff, v0  }
0x195: {  	v3 =	vor.u32 s29, v10;
	v0 =	vld.idx.msk [tilespmem:v63+s17+$0x0], $0xffff  }
0x196: {  	v63 =	vor.u32 s30, v11;
	_ =	sdelay $0x3  }
0x197: {  	[tilespmem:v3+s13+$0x0] =	vst.idx.msk $0xffff, v0  }
0x198: {  	v3 =	vor.u32 s29, v12;
	v0 =	vld.idx.msk [tilespmem:v63+s17+$0x0], $0xffff  }
0x199: {  	v63 =	vor.u32 s30, v13;
	_ =	sdelay $0x3  }
0x19a: {  	[tilespmem:v3+s13+$0x0] =	vst.idx.msk $0xffff, v0  }
0x19b: {  	v3 =	vor.u32 s29, v14;
	v0 =	vld.idx.msk [tilespmem:v63+s17+$0x0], $0xffff  }
0x19c: {  	v63 =	vor.u32 s30, v15;
	_ =	sdelay $0x3  }
0x19d: {  	[tilespmem:v3+s13+$0x0] =	vst.idx.msk $0xffff, v0  }
0x19e: {  	v3 =	vor.u32 s29, v16;
	v0 =	vld.idx.msk [tilespmem:v63+s17+$0x0], $0xffff  }
0x19f: {  	v63 =	vor.u32 s30, v17;
	_ =	sdelay $0x3  }
0x1a0: {  	[tilespmem:v3+s13+$0x0] =	vst.idx.msk $0xffff, v0  }
0x1a1: {  	v3 =	vor.u32 s29, v18;
	v0 =	vld.idx.msk [tilespmem:v63+s17+$0x0], $0xffff  }
0x1a2: {  	v63 =	vor.u32 s30, v19;
	_ =	sdelay $0x3  }
0x1a3: {  	[tilespmem:v3+s13+$0x0] =	vst.idx.msk $0xffff, v0  }
0x1a4: {  	v3 =	vor.u32 s29, v20;
	v0 =	vld.idx.msk [tilespmem:v63+s17+$0x0], $0xffff  }
0x1a5: {  	v63 =	vor.u32 s30, v21;
	_ =	sdelay $0x3  }
0x1a6: {  	[tilespmem:v3+s13+$0x0] =	vst.idx.msk $0xffff, v0  }
0x1a7: {  	v3 =	vor.u32 s29, v22;
	v0 =	vld.idx.msk [tilespmem:v63+s17+$0x0], $0xffff  }
0x1a8: {  	v63 =	vor.u32 s30, v23;
	_ =	sdelay $0x3  }
0x1a9: {  	[tilespmem:v3+s13+$0x0] =	vst.idx.msk $0xffff, v0  }
0x1aa: {  	v3 =	vor.u32 s29, v24;
	v0 =	vld.idx.msk [tilespmem:v63+s17+$0x0], $0xffff  }
0x1ab: {  	v63 =	vor.u32 s30, v25;
	_ =	sdelay $0x3  }
0x1ac: {  	[tilespmem:v3+s13+$0x0] =	vst.idx.msk $0xffff, v0  }
0x1ad: {  	v3 =	vor.u32 s29, v26;
	v0 =	vld.idx.msk [tilespmem:v63+s17+$0x0], $0xffff  }
0x1ae: {  	v63 =	vor.u32 s30, v27;
	_ =	sdelay $0x3  }
0x1af: {  	[tilespmem:v3+s13+$0x0] =	vst.idx.msk $0xffff, v0  }
0x1b0: {  	v3 =	vor.u32 s29, v28;
	v0 =	vld.idx.msk [tilespmem:v63+s17+$0x0], $0xffff  }
0x1b1: {  	v63 =	vor.u32 s30, v29;
	_ =	sdelay $0x3  }
0x1b2: {  	[tilespmem:v3+s13+$0x0] =	vst.idx.msk $0xffff, v0  }
0x1b3: {  	v3 =	vor.u32 s29, v30;
	v0 =	vld.idx.msk [tilespmem:v63+s17+$0x0], $0xffff  }
0x1b4: {  	v63 =	vor.u32 s30, v31;
	_ =	sdelay $0x3  }
0x1b5: {  	[tilespmem:v3+s13+$0x0] =	vst.idx.msk $0xffff, v0  }
0x1b6: {  	v3 =	vor.u32 s29, v32;
	v0 =	vld.idx.msk [tilespmem:v63+s17+$0x0], $0xffff  }
0x1b7: {  	v63 =	vor.u32 s30, v33;
	_ =	sdelay $0x3  }
0x1b8: {  	[tilespmem:v3+s13+$0x0] =	vst.idx.msk $0xffff, v0  }
0x1b9: {  	v3 =	vor.u32 s29, v34;
	v0 =	vld.idx.msk [tilespmem:v63+s17+$0x0], $0xffff  }
0x1ba: {  	v63 =	vor.u32 s30, v35;
	_ =	sdelay $0x3  }
0x1bb: {  	[tilespmem:v3+s13+$0x0] =	vst.idx.msk $0xffff, v0  }
0x1bc: {  	v3 =	vor.u32 s29, v36;
	v0 =	vld.idx.msk [tilespmem:v63+s17+$0x0], $0xffff  }
0x1bd: {  	v63 =	vor.u32 s30, v37;
	_ =	sdelay $0x3  }
0x1be: {  	[tilespmem:v3+s13+$0x0] =	vst.idx.msk $0xffff, v0  }
0x1bf: {  	v3 =	vor.u32 s29, v38;
	v0 =	vld.idx.msk [tilespmem:v63+s17+$0x0], $0xffff  }
0x1c0: {  	v63 =	vor.u32 s30, v39;
	_ =	sdelay $0x3  }
0x1c1: {  	[tilespmem:v3+s13+$0x0] =	vst.idx.msk $0xffff, v0  }
0x1c2: {  	v3 =	vor.u32 s29, v40;
	v0 =	vld.idx.msk [tilespmem:v63+s17+$0x0], $0xffff  }
0x1c3: {  	v63 =	vor.u32 s30, v41;
	_ =	sdelay $0x3  }
0x1c4: {  	[tilespmem:v3+s13+$0x0] =	vst.idx.msk $0xffff, v0  }
0x1c5: {  	v3 =	vor.u32 s29, v42;
	v0 =	vld.idx.msk [tilespmem:v63+s17+$0x0], $0xffff  }
0x1c6: {  	v63 =	vor.u32 s30, v43;
	_ =	sdelay $0x3  }
0x1c7: {  	[tilespmem:v3+s13+$0x0] =	vst.idx.msk $0xffff, v0  }
0x1c8: {  	v3 =	vor.u32 s29, v44;
	v0 =	vld.idx.msk [tilespmem:v63+s17+$0x0], $0xffff  }
0x1c9: {  	v63 =	vor.u32 s30, v45;
	_ =	sdelay $0x3  }
0x1ca: {  	[tilespmem:v3+s13+$0x0] =	vst.idx.msk $0xffff, v0  }
0x1cb: {  	v3 =	vor.u32 s29, v46;
	v0 =	vld.idx.msk [tilespmem:v63+s17+$0x0], $0xffff  }
0x1cc: {  	v63 =	vor.u32 s30, v47;
	_ =	sdelay $0x3  }
0x1cd: {  	[tilespmem:v3+s13+$0x0] =	vst.idx.msk $0xffff, v0  }
0x1ce: {  	v3 =	vor.u32 s29, v48;
	v0 =	vld.idx.msk [tilespmem:v63+s17+$0x0], $0xffff  }
0x1cf: {  	v63 =	vor.u32 s30, v49;
	_ =	sdelay $0x3  }
0x1d0: {  	[tilespmem:v3+s13+$0x0] =	vst.idx.msk $0xffff, v0  }
0x1d1: {  	v3 =	vor.u32 s29, v50;
	v0 =	vld.idx.msk [tilespmem:v63+s17+$0x0], $0xffff  }
0x1d2: {  	v63 =	vor.u32 s30, v51;
	_ =	sdelay $0x3  }
0x1d3: {  	[tilespmem:v3+s13+$0x0] =	vst.idx.msk $0xffff, v0  }
0x1d4: {  	v3 =	vor.u32 s29, v52;
	v0 =	vld.idx.msk [tilespmem:v63+s17+$0x0], $0xffff  }
0x1d5: {  	v63 =	vor.u32 s30, v53;
	_ =	sdelay $0x3  }
0x1d6: {  	[tilespmem:v3+s13+$0x0] =	vst.idx.msk $0xffff, v0  }
0x1d7: {  	v3 =	vor.u32 s29, v54;
	v0 =	vld.idx.msk [tilespmem:v63+s17+$0x0], $0xffff  }
0x1d8: {  	v63 =	vor.u32 s30, v55;
	_ =	sdelay $0x3  }
0x1d9: {  	[tilespmem:v3+s13+$0x0] =	vst.idx.msk $0xffff, v0  }
0x1da: {  	v3 =	vor.u32 s29, v56;
	v0 =	vld.idx.msk [tilespmem:v63+s17+$0x0], $0xffff  }
0x1db: {  	v63 =	vor.u32 s30, v57;
	_ =	sdelay $0x3  }
0x1dc: {  	[tilespmem:v3+s13+$0x0] =	vst.idx.msk $0xffff, v0  }
0x1dd: {  	v3 =	vor.u32 s29, v58;
	v0 =	vld.idx.msk [tilespmem:v63+s17+$0x0], $0xffff  }
0x1de: {  	v63 =	vor.u32 s30, v59;
	_ =	sdelay $0x3  }
0x1df: {  	[tilespmem:v3+s13+$0x0] =	vst.idx.msk $0xffff, v0  }
0x1e0: {  	v3 =	vor.u32 s29, v60;
	v0 =	vld.idx.msk [tilespmem:v63+s17+$0x0], $0xffff  }
0x1e1: {  	v63 =	vor.u32 s30, v61;
	_ =	sdelay $0x3  }
0x1e2: {  	[tilespmem:v3+s13+$0x0] =	vst.idx.msk $0xffff, v0  }
0x1e3: {  	v3 =	vor.u32 s29, v62;
	v0 =	vld.idx.msk [tilespmem:v63+s17+$0x0], $0xffff  }
.Ltmp13:
0x1e4: {  	_ = 	snop;
	(pc) =	sbr.rel @p0 .LBB2_20-.Ltmp13, $2  }
0x1e5: {  	_ =	sdelay $0x2  }
0x1e6: {  	[tilespmem:v3+s13+$0x0] =	vst.idx.msk $0xffff, v0  }
0x1e7: {  	s29 =	sadd.s32 $0x6, s23  }
0x1e8: {  	s30 =	sand.u32 $0x1F0, s29  }
0x1e9: {  	v0 =	vld [tilespmem:s30+$0x0];
	_ =	sdelay $0x1  }
0x1ea: {  	s29 =	sand.u32 $0xE, s29  }
0x1eb: {  	v3 =	vmov s29  }
0x1ec: {  	vm4 =	veq.s32 v3, v4  }
0x1ed: {  	v0 =	vnsel vm4, $0x0, v0  }
0x1ee: {  	(xrf0) =	vadd.scan.msk.s32 $0xffff, v0;
	_ =	sdelay $0x5  }
0x1ef: {  	v0, _, _ =	vpop (xrf0)  }
0x1f0: {  	(v2sf) =	vpush v0, $0xF;
	_ =	sdelay $0xe  }
0x1f1: {  	s29 =	spop (v2sf)  }
0x1f2: {  	s30 =	sshll.u32 s29, $0x3  }
0x1f3: {  	s29 =	sand.u32 $0x78, s29;
	s30 =	sand.u32 $0xFFFFFC00, s30  }
0x1f4: {  	s29 =	sor.u32 s29, s30  }
0x1f5: {  	s29 =	sshrl.u32 s29, $0x3  }
0x1f6: {  	s30 =	simm.s32 $0x2000;
	s29 =	sadd.s32 s1, s29  }
0x1f7: {  	[tilespmem:s30], [sflag:$0x3] =	stream.strided.gather [hbm4b:s29+s9], $0x40, s10, s9, $0x38;
	[tilespmem:$0x5E00] =	vst v63  }
0x1f8: {  	s30 =	simm.s32 $0x100  }
.LBB2_18:
0x1f9: {  	p1 =	sne.s32 s30, $0x3D00  }
.Ltmp14:
0x1fa: {  	_ = 	snop;
	(pc) =	sbr.rel @p1 .LBB2_18-.Ltmp14, $4  }
0x1fb: {  	_ = 	snop  }
0x1fc: {  	s31 =	sshra.s32 s30, $0x2;
	s30 =	sadd.s32 $0x100, s30  }
0x1fd: {  	s29 =	sadd.s32 $0x1F500, s29;
	s31 =	sadd.s32 $0x2000, s31  }
0x1fe: {  	[tilespmem:s31], [sflag:$0x3] =	stream.strided.gather [hbm4b:s29+s9], $0x40, s10, s9, $0x38;
	[tilespmem:$0x5E00] =	vst v63  }
0x1ff: {  	v4 =	vlaneseq.u32  }
.LBB2_20:
0x200: {  	_ =	swait.ge [sflag:s18], $0xF80  }
0x201: {  	[sflag:s18] =	ssyncset.done $0x0  }
0x202: {  	[sflag:s18] =	ssyncadd.s32 $0xFFFFF080  }
0x203: {  	v0 =	vld [tilespmem:s28+$0x0];
	_ =	sdelay $0x1  }
0x204: {  	s26 =	sor.u32 $0x3, s26  }
0x205: {  	v3 =	vmov s26  }
0x206: {  	vm4 =	veq.s32 v3, v4  }
0x207: {  	v0 =	vnsel vm4, $0x0, v0  }
0x208: {  	(xrf0) =	vadd.scan.msk.s32 $0xffff, v0;
	_ =	sdelay $0x5  }
0x209: {  	v0, _, _ =	vpop (xrf0)  }
0x20a: {  	(v2sf) =	vpush v0, $0xF;
	_ =	sdelay $0xe  }
0x20b: {  	s31 =	spop (v2sf)  }
0x20c: {  	s28 =	sand.u32 $0x7, s31  }
0x20d: {  	v0 =	vor.u32 s28, v1;
	_ =	sdelay $0x4  }
0x20e: {  	v3 =	vor.u32 s26, v2;
	v0 =	vld.idx.msk [tilespmem:v0+s19+$0x0], $0xffff;
	_ =	sdelay $0x4  }
0x20f: {  	v63 =	vor.u32 s28, v5;
	[tilespmem:v3+s13+$0x0] =	vst.idx.msk $0xffff, v0;
	v3 =	vld [tilespmem:$0x1FFD0];
	_ =	sdelay $0x3  }
0x210: {  	v4 =	vld [tilespmem:$0x1FFE0]  }
0x211: {  	v0 =	vld.idx.msk [tilespmem:v63+s19+$0x0], $0xffff;
	v3 =	vor.u32 s26, v3;
	_ =	sdelay $0x4  }
0x212: {  	v63 =	vor.u32 s28, v4;
	[tilespmem:v3+s13+$0x0] =	vst.idx.msk $0xffff, v0;
	v3 =	vld [tilespmem:$0x1FFF0];
	_ =	sdelay $0x4  }
0x213: {  	v0 =	vld.idx.msk [tilespmem:v63+s19+$0x0], $0xffff;
	v3 =	vor.u32 s26, v3  }
0x214: {  	v63 =	vor.u32 s28, v7;
	_ =	sdelay $0x3  }
0x215: {  	[tilespmem:v3+s13+$0x0] =	vst.idx.msk $0xffff, v0  }
0x216: {  	v3 =	vor.u32 s26, v8;
	v0 =	vld.idx.msk [tilespmem:v63+s19+$0x0], $0xffff  }
0x217: {  	v63 =	vor.u32 s28, v9;
	_ =	sdelay $0x3  }
0x218: {  	[tilespmem:v3+s13+$0x0] =	vst.idx.msk $0xffff, v0  }
0x219: {  	v3 =	vor.u32 s26, v10;
	v0 =	vld.idx.msk [tilespmem:v63+s19+$0x0], $0xffff  }
0x21a: {  	v63 =	vor.u32 s28, v11;
	_ =	sdelay $0x3  }
0x21b: {  	[tilespmem:v3+s13+$0x0] =	vst.idx.msk $0xffff, v0  }
0x21c: {  	v3 =	vor.u32 s26, v12;
	v0 =	vld.idx.msk [tilespmem:v63+s19+$0x0], $0xffff  }
0x21d: {  	v63 =	vor.u32 s28, v13;
	_ =	sdelay $0x3  }
0x21e: {  	[tilespmem:v3+s13+$0x0] =	vst.idx.msk $0xffff, v0  }
0x21f: {  	v3 =	vor.u32 s26, v14;
	v0 =	vld.idx.msk [tilespmem:v63+s19+$0x0], $0xffff  }
0x220: {  	v63 =	vor.u32 s28, v15;
	_ =	sdelay $0x3  }
0x221: {  	[tilespmem:v3+s13+$0x0] =	vst.idx.msk $0xffff, v0  }
0x222: {  	v3 =	vor.u32 s26, v16;
	v0 =	vld.idx.msk [tilespmem:v63+s19+$0x0], $0xffff  }
0x223: {  	v63 =	vor.u32 s28, v17;
	_ =	sdelay $0x3  }
0x224: {  	[tilespmem:v3+s13+$0x0] =	vst.idx.msk $0xffff, v0  }
0x225: {  	v3 =	vor.u32 s26, v18;
	v0 =	vld.idx.msk [tilespmem:v63+s19+$0x0], $0xffff  }
0x226: {  	v63 =	vor.u32 s28, v19;
	_ =	sdelay $0x3  }
0x227: {  	[tilespmem:v3+s13+$0x0] =	vst.idx.msk $0xffff, v0  }
0x228: {  	v3 =	vor.u32 s26, v20;
	v0 =	vld.idx.msk [tilespmem:v63+s19+$0x0], $0xffff  }
0x229: {  	v63 =	vor.u32 s28, v21;
	_ =	sdelay $0x3  }
0x22a: {  	[tilespmem:v3+s13+$0x0] =	vst.idx.msk $0xffff, v0  }
0x22b: {  	v3 =	vor.u32 s26, v22;
	v0 =	vld.idx.msk [tilespmem:v63+s19+$0x0], $0xffff  }
0x22c: {  	v63 =	vor.u32 s28, v23;
	_ =	sdelay $0x3  }
0x22d: {  	[tilespmem:v3+s13+$0x0] =	vst.idx.msk $0xffff, v0  }
0x22e: {  	v3 =	vor.u32 s26, v24;
	v0 =	vld.idx.msk [tilespmem:v63+s19+$0x0], $0xffff  }
0x22f: {  	v63 =	vor.u32 s28, v25;
	_ =	sdelay $0x3  }
0x230: {  	[tilespmem:v3+s13+$0x0] =	vst.idx.msk $0xffff, v0  }
0x231: {  	v3 =	vor.u32 s26, v26;
	v0 =	vld.idx.msk [tilespmem:v63+s19+$0x0], $0xffff  }
0x232: {  	v63 =	vor.u32 s28, v27;
	_ =	sdelay $0x3  }
0x233: {  	[tilespmem:v3+s13+$0x0] =	vst.idx.msk $0xffff, v0  }
0x234: {  	v3 =	vor.u32 s26, v28;
	v0 =	vld.idx.msk [tilespmem:v63+s19+$0x0], $0xffff  }
0x235: {  	v63 =	vor.u32 s28, v29;
	_ =	sdelay $0x3  }
0x236: {  	[tilespmem:v3+s13+$0x0] =	vst.idx.msk $0xffff, v0  }
0x237: {  	v3 =	vor.u32 s26, v30;
	v0 =	vld.idx.msk [tilespmem:v63+s19+$0x0], $0xffff  }
0x238: {  	v63 =	vor.u32 s28, v31;
	_ =	sdelay $0x3  }
0x239: {  	[tilespmem:v3+s13+$0x0] =	vst.idx.msk $0xffff, v0  }
0x23a: {  	v3 =	vor.u32 s26, v32;
	v0 =	vld.idx.msk [tilespmem:v63+s19+$0x0], $0xffff  }
0x23b: {  	v63 =	vor.u32 s28, v33;
	_ =	sdelay $0x3  }
0x23c: {  	[tilespmem:v3+s13+$0x0] =	vst.idx.msk $0xffff, v0  }
0x23d: {  	v3 =	vor.u32 s26, v34;
	v0 =	vld.idx.msk [tilespmem:v63+s19+$0x0], $0xffff  }
0x23e: {  	v63 =	vor.u32 s28, v35;
	_ =	sdelay $0x3  }
0x23f: {  	[tilespmem:v3+s13+$0x0] =	vst.idx.msk $0xffff, v0  }
0x240: {  	v3 =	vor.u32 s26, v36;
	v0 =	vld.idx.msk [tilespmem:v63+s19+$0x0], $0xffff  }
0x241: {  	v63 =	vor.u32 s28, v37;
	_ =	sdelay $0x3  }
0x242: {  	[tilespmem:v3+s13+$0x0] =	vst.idx.msk $0xffff, v0  }
0x243: {  	v3 =	vor.u32 s26, v38;
	v0 =	vld.idx.msk [tilespmem:v63+s19+$0x0], $0xffff  }
0x244: {  	v63 =	vor.u32 s28, v39;
	_ =	sdelay $0x3  }
0x245: {  	[tilespmem:v3+s13+$0x0] =	vst.idx.msk $0xffff, v0  }
0x246: {  	v3 =	vor.u32 s26, v40;
	v0 =	vld.idx.msk [tilespmem:v63+s19+$0x0], $0xffff  }
0x247: {  	v63 =	vor.u32 s28, v41;
	_ =	sdelay $0x3  }
0x248: {  	[tilespmem:v3+s13+$0x0] =	vst.idx.msk $0xffff, v0  }
0x249: {  	v3 =	vor.u32 s26, v42;
	v0 =	vld.idx.msk [tilespmem:v63+s19+$0x0], $0xffff  }
0x24a: {  	v63 =	vor.u32 s28, v43;
	_ =	sdelay $0x3  }
0x24b: {  	[tilespmem:v3+s13+$0x0] =	vst.idx.msk $0xffff, v0  }
0x24c: {  	v3 =	vor.u32 s26, v44;
	v0 =	vld.idx.msk [tilespmem:v63+s19+$0x0], $0xffff  }
0x24d: {  	v63 =	vor.u32 s28, v45;
	_ =	sdelay $0x3  }
0x24e: {  	[tilespmem:v3+s13+$0x0] =	vst.idx.msk $0xffff, v0  }
0x24f: {  	v3 =	vor.u32 s26, v46;
	v0 =	vld.idx.msk [tilespmem:v63+s19+$0x0], $0xffff  }
0x250: {  	v63 =	vor.u32 s28, v47;
	_ =	sdelay $0x3  }
0x251: {  	[tilespmem:v3+s13+$0x0] =	vst.idx.msk $0xffff, v0  }
0x252: {  	v3 =	vor.u32 s26, v48;
	v0 =	vld.idx.msk [tilespmem:v63+s19+$0x0], $0xffff  }
0x253: {  	v63 =	vor.u32 s28, v49;
	_ =	sdelay $0x3  }
0x254: {  	[tilespmem:v3+s13+$0x0] =	vst.idx.msk $0xffff, v0  }
0x255: {  	v3 =	vor.u32 s26, v50;
	v0 =	vld.idx.msk [tilespmem:v63+s19+$0x0], $0xffff  }
0x256: {  	v63 =	vor.u32 s28, v51;
	_ =	sdelay $0x3  }
0x257: {  	[tilespmem:v3+s13+$0x0] =	vst.idx.msk $0xffff, v0  }
0x258: {  	v3 =	vor.u32 s26, v52;
	v0 =	vld.idx.msk [tilespmem:v63+s19+$0x0], $0xffff  }
0x259: {  	v63 =	vor.u32 s28, v53;
	_ =	sdelay $0x3  }
0x25a: {  	[tilespmem:v3+s13+$0x0] =	vst.idx.msk $0xffff, v0  }
0x25b: {  	v3 =	vor.u32 s26, v54;
	v0 =	vld.idx.msk [tilespmem:v63+s19+$0x0], $0xffff  }
0x25c: {  	v63 =	vor.u32 s28, v55;
	_ =	sdelay $0x3  }
0x25d: {  	[tilespmem:v3+s13+$0x0] =	vst.idx.msk $0xffff, v0  }
0x25e: {  	v3 =	vor.u32 s26, v56;
	v0 =	vld.idx.msk [tilespmem:v63+s19+$0x0], $0xffff  }
0x25f: {  	v63 =	vor.u32 s28, v57;
	_ =	sdelay $0x3  }
0x260: {  	[tilespmem:v3+s13+$0x0] =	vst.idx.msk $0xffff, v0  }
0x261: {  	v3 =	vor.u32 s26, v58;
	v0 =	vld.idx.msk [tilespmem:v63+s19+$0x0], $0xffff  }
0x262: {  	v63 =	vor.u32 s28, v59;
	_ =	sdelay $0x3  }
0x263: {  	[tilespmem:v3+s13+$0x0] =	vst.idx.msk $0xffff, v0  }
0x264: {  	v3 =	vor.u32 s26, v60;
	v0 =	vld.idx.msk [tilespmem:v63+s19+$0x0], $0xffff  }
0x265: {  	v60 =	vor.u32 s28, v61;
	_ =	sdelay $0x3  }
0x266: {  	[tilespmem:v3+s13+$0x0] =	vst.idx.msk $0xffff, v0  }
0x267: {  	v3 =	vor.u32 s26, v62;
	v0 =	vld.idx.msk [tilespmem:v60+s19+$0x0], $0xffff  }
.Ltmp15:
0x268: {  	_ = 	snop;
	(pc) =	sbr.rel @p0 .LBB2_23-.Ltmp15, $2  }
0x269: {  	_ =	sdelay $0x2  }
0x26a: {  	v6 =	vlaneseq.u32;
	[tilespmem:v3+s13+$0x0] =	vst.idx.msk $0xffff, v0  }
0x26b: {  	s26 =	sadd.s32 $0x7, s23  }
0x26c: {  	s28 =	sand.u32 $0x1F0, s26  }
0x26d: {  	v0 =	vld [tilespmem:s28+$0x0];
	_ =	sdelay $0x1  }
0x26e: {  	s26 =	sand.u32 $0xF, s26  }
0x26f: {  	v3 =	vmov s26  }
0x270: {  	vm4 =	veq.s32 v3, v6  }
0x271: {  	v0 =	vnsel vm4, $0x0, v0  }
0x272: {  	(xrf0) =	vadd.scan.msk.s32 $0xffff, v0;
	_ =	sdelay $0x5  }
0x273: {  	v0, _, _ =	vpop (xrf0)  }
0x274: {  	(v2sf) =	vpush v0, $0xF;
	_ =	sdelay $0xe  }
0x275: {  	s31 =	spop (v2sf)  }
0x276: {  	s28 =	sshll.u32 s31, $0x3  }
0x277: {  	s26 =	sand.u32 $0x78, s31;
	s28 =	sand.u32 $0xFFFFFC00, s28  }
0x278: {  	s26 =	sor.u32 s26, s28  }
0x279: {  	s26 =	sshrl.u32 s26, $0x3  }
0x27a: {  	s28 =	simm.s32 $0x2F80;
	s26 =	sadd.s32 s1, s26  }
0x27b: {  	[tilespmem:s28], [sflag:$0x4] =	stream.strided.gather [hbm4b:s26+s9], $0x40, s10, s9, $0x38;
	[tilespmem:$0x5E00] =	vst v63  }
0x27c: {  	s28 =	simm.s32 $0x100  }
.LBB2_22:
0x27d: {  	p0 =	sne.s32 s28, $0x3D00  }
.Ltmp16:
0x27e: {  	_ = 	snop;
	(pc) =	sbr.rel @p0 .LBB2_22-.Ltmp16, $4  }
0x27f: {  	_ = 	snop  }
0x280: {  	s29 =	sshra.s32 s28, $0x2;
	s28 =	sadd.s32 $0x100, s28  }
0x281: {  	s26 =	sadd.s32 $0x1F500, s26;
	s29 =	sadd.s32 $0x2F80, s29  }
0x282: {  	[tilespmem:s29], [sflag:$0x4] =	stream.strided.gather [hbm4b:s26+s9], $0x40, s10, s9, $0x38;
	[tilespmem:$0x5E00] =	vst v63  }
.Ltmp17:
0x283: {  	_ = 	snop;
	(pc) =	sbr.rel .LBB2_23-.Ltmp17, $1  }
0x284: {  	_ =	sdelay $0x3  }
.LBB2_24:
0x285: {  	s24 =	sor.u32 s4, s24;
	s23 =	sand.u32 $0x70, s23  }
0x286: {  	p0 =	seq.s32 s24, $0x0;
	p1 =	sne.s32 s23, $0x0  }
0x287: {  	p0 =	por !p1, !p0  }
0x288: {  	s25 =	simm.s32 $0x1;
	p0 =	por !p0, !p0  }
0x289: {  	s24 =	sshrl.u32 s24, $0x7;
	s25 =	simm.s32 @!p0 $0x0  }
0x28a: {  	s24 =	ssub.s32 s24, s25  }
0x28b: {  	s24 =	sshll.u32 s24, $0xA  }
0x28c: {  	s23 =	sor.u32 s23, s24  }
0x28d: {  	s23 =	sshrl.u32 s23, $0x3  }
0x28e: {  	s31 =	simm.s32 $0x3F00;
	s24 =	simm.s32 $0x200;
	s23 =	sadd.s32 s3, s23  }
0x28f: {  	[hbm4b:s23+s20] =	stream.strided.scatter [tilespmem:s31], [sflag:$0x5], $0x80, s10, s20, $0x38;
	[tilespmem:$0x5E00] =	vst v63  }
.LBB2_25:
0x290: {  	p0 =	sne.s32 s24, $0x7A00  }
.Ltmp18:
0x291: {  	_ = 	snop;
	(pc) =	sbr.rel @p0 .LBB2_25-.Ltmp18, $4  }
0x292: {  	_ = 	snop  }
0x293: {  	s25 =	sshra.s32 s24, $0x2;
	s24 =	sadd.s32 $0x200, s24  }
0x294: {  	s23 =	sadd.s32 $0x2000, s23;
	s25 =	sadd.s32 $0x3F00, s25  }
0x295: {  	[hbm4b:s23+s20] =	stream.strided.scatter [tilespmem:s25], [sflag:$0x5], $0x80, s10, s20, $0x38;
	[tilespmem:$0x5E00] =	vst v63  }
.Ltmp19:
0x296: {  	(pc) =	sbr.rel .LBB2_27-.Ltmp19, $4  }
0x297: {  	_ = 	snop  }
0x298: {  	_ =	swait.ge [sflag:s8], $0x1F00  }
0x299: {  	[sflag:s8] =	ssyncset.done $0x0  }
0x29a: {  	[sflag:s8] =	ssyncadd.s32 $0xFFFFE100  }
.LBB2_29:
0x29b: {  	_ =	sfence.sel $0x180000  }
0x29c: {  	[bflag:$0x0] =	sbarrier.arrive $0xFFFF  }
0x29d: {  	p0 =	sne.s32 s0, $0x0;
	_ =	strace $0x90000047  }
0x29e: {  	s0 =	sadd.s32 @!p0 $0x100000, s2;
	[bflag:$0x2] =	sbarrier.arrive $0xFFFF  }
0x29f: {  	[sflag:s0] =	ssyncadd.tile.s32 @!p0 $0x1;
	_ =	shalt  }
.Lfunc_end2:
_tile_overlayer_lowered:
.L_overlay_start_2:
0x2a0: {  	(tag) =	ssettag $0x2  }
0x2a1: {  	s0 =	rddreg [dreg:$0x0];
	s2 =	stileid.u32  }
0x2a2: {  	s1 =	rddreg [dreg:$0x1];
	p0 =	sne.s32 s2, $0x0  }
0x2a3: {  	s3 =	rddreg [dreg:$0x2];
	[bflag:$0x3] =	sbarrier.arrive $0xFFFF;
	s2 =	simm.s32 @!p0 $0x1C05  }
0x2a4: {  	[timem:s3], [sflag:s2] =	dma.local @!p0 [hbm:s0], s1  }
0x2a5: {  	s0 =	simm.s32 @!p0 $0x5  }
0x2a6: {  	_ =	swait.ge @!p0 [sflag:s0], s1  }
0x2a7: {  	s1 =	ssub.s32 @!p0 $0x0, s1;
	[sflag:s0] =	ssyncset.done @!p0 $0x0  }
0x2a8: {  	[sflag:s0] =	ssyncadd.s32 @!p0 s1  }
0x2a9: {  	[bflag:$0x3] =	sbarrier.arrive $0xFFFF  }
0x2aa: {  	_ =	shalt  }

</sc_bundles>
